<compile_context>
chip_gen: v7x
topology: tpu7x:2x2x1
jax: 0.10.2.dev20260603
libtpu: 0.0.44.dev20260713+nightly
codegen_flags: <defaults>
</compile_context>

<pallas_src>
import functools

import jax
import jax.numpy as jnp
from jax import lax
from jax.experimental import pallas as pl
from jax.experimental.pallas import tpu as pltpu
from jax.experimental.pallas import tpu_sc as plsc

_N = 10000
_D = 128
_E = 320000
_NC = 2
_NS = 16
_NW = _NC * _NS
_EPW = _E // _NW
_CHUNK = 80
_NCHUNK = _EPW // _CHUNK
_NPAD = 10240
_RPT = _NPAD // _NS
_RB = 4
_IB = 8


@functools.partial(
    pl.kernel,
    out_type=(
        jax.ShapeDtypeStruct((_NC, _NPAD, _D), jnp.float32),
        jax.ShapeDtypeStruct((_NC, _NPAD), jnp.float32),
    ),
    mesh=plsc.VectorSubcoreMesh(
        core_axis_name="c", subcore_axis_name="s",
        num_cores=_NC, num_subcores=_NS,
    ),
    scratch_types=[
        pltpu.VMEM((_IB, _CHUNK), jnp.int32),
        pltpu.VMEM((_IB, _CHUNK), jnp.int32),
        pltpu.VMEM((_RB, _CHUNK, _D), jnp.float32),
        pltpu.VMEM((_CHUNK,), jnp.float32),
        pltpu.VMEM((_RPT,), jnp.float32),
        pltpu.SemaphoreType.DMA((_IB,)),
        pltpu.SemaphoreType.DMA((_IB,)),
        pltpu.SemaphoreType.DMA((_RB,)),
        pltpu.SemaphoreType.DMA((_RB,)),
        pltpu.VMEM_SHARED((_NPAD, _D), jnp.float32),
        pltpu.VMEM_SHARED((_NPAD,), jnp.float32),
    ],
)
def _sc_aggregate(x_hbm, e_hbm, agg_hbm, deg_hbm,
                  s_idx, d_idx, rows, ones_v, zde,
                  sem_si, sem_di, sem_g, sem_s, agg_sh, deg_sh):
    cid = lax.axis_index("c")
    sid = lax.axis_index("s")
    wid = sid * _NC + cid
    e0 = wid * _EPW

    def start_idx(j, m):
        off = e0 + j * _CHUNK
        pltpu.async_copy(e_hbm.at[pl.ds(off, _CHUNK)], s_idx.at[m],
                         sem_si.at[m])
        pltpu.async_copy(e_hbm.at[pl.ds(_E + off, _CHUNK)], d_idx.at[m],
                         sem_di.at[m])

    def wait_src_idx(m):
        pltpu.make_async_copy(e_hbm.at[pl.ds(e0, _CHUNK)], s_idx.at[m],
                              sem_si.at[m]).wait()

    def wait_dst_idx(m):
        pltpu.make_async_copy(e_hbm.at[pl.ds(e0, _CHUNK)], d_idx.at[m],
                              sem_di.at[m]).wait()

    def start_gather(br, m):
        pltpu.async_copy(x_hbm.at[s_idx.at[m]], rows.at[br], sem_g.at[br])

    def wait_gather(br):
        pltpu.make_async_copy(x_hbm.at[s_idx.at[0]], rows.at[br],
                              sem_g.at[br]).wait()

    def start_scatter(br, m):
        pltpu.async_copy(rows.at[br], agg_sh.at[d_idx.at[m]], sem_s.at[br],
                         add=True)
        pltpu.async_copy(ones_v, deg_sh.at[d_idx.at[m]], sem_s.at[br],
                         add=True)

    def wait_scatter(br):
        pltpu.make_async_copy(rows.at[br], agg_sh.at[d_idx.at[0]],
                              sem_s.at[br]).wait()
        pltpu.make_async_copy(ones_v, deg_sh.at[d_idx.at[0]],
                              sem_s.at[br]).wait()

    for j in range(_IB - 1):
        start_idx(j, j)

    zeros16 = jnp.zeros((16,), jnp.float32)
    ones16 = jnp.ones((16,), jnp.float32)

    def _fill_rows(k, carry):
        r = k // (_D // 16)
        c = (k % (_D // 16)) * 16
        rows[0, r, pl.ds(c, 16)] = zeros16
        return carry
    lax.fori_loop(0, _CHUNK * _D // 16, _fill_rows, None)

    def _fill_zde(k, carry):
        zde[pl.ds(k * 16, 16)] = zeros16
        return carry
    lax.fori_loop(0, _RPT // 16, _fill_zde, None)

    def _fill_ones(k, carry):
        ones_v[pl.ds(k * 16, 16)] = ones16
        return carry
    lax.fori_loop(0, _CHUNK // 16, _fill_ones, None)

    r0 = sid * _RPT
    for b in range(_RPT // _CHUNK):
        pltpu.sync_copy(rows.at[0], agg_sh.at[pl.ds(r0 + b * _CHUNK, _CHUNK)])
    pltpu.sync_copy(zde, deg_sh.at[pl.ds(r0, _RPT)])
    plsc.subcore_barrier()

    for j in range(_RB - 1):
        wait_src_idx(j)
        start_gather(j, j)

    def _slot(j, br, m):
        @pl.when(j >= 1)
        def _():
            wait_scatter((br + _RB - 1) % _RB)

        @pl.when(j + _IB - 1 < _NCHUNK)
        def _():
            start_idx(j + _IB - 1, (m + _IB - 1) % _IB)

        @pl.when(j + _RB - 1 < _NCHUNK)
        def _():
            wait_src_idx((m + _RB - 1) % _IB)
            start_gather((br + _RB - 1) % _RB, (m + _RB - 1) % _IB)

        wait_gather(br)
        wait_dst_idx(m)
        start_scatter(br, m)

    def _main(i, carry):
        j0 = i * _IB
        for b in range(_IB):
            _slot(j0 + b, b % _RB, b)
        return carry

    _full = (_NCHUNK // _IB) * _IB
    lax.fori_loop(0, _NCHUNK // _IB, _main, None)
    for j in range(_full, _NCHUNK):
        _slot(j, j % _RB, j % _IB)
    wait_scatter((_NCHUNK - 1) % _RB)
    plsc.subcore_barrier()

    pltpu.sync_copy(agg_sh.at[pl.ds(r0, _RPT)], agg_hbm.at[cid, pl.ds(r0, _RPT)])
    pltpu.sync_copy(deg_sh.at[pl.ds(r0, _RPT)], deg_hbm.at[cid, pl.ds(r0, _RPT)])


_BLK = 5000


def _tc_head_body(x_ref, wh_ref, o_ref):
    dn = (((1,), (1,)), ((), ()))
    o_ref[...] = lax.dot_general(x_ref[...], wh_ref[...], dn,
                                 preferred_element_type=jnp.float32)


def _tc_head(x, W_head):
    return pl.pallas_call(
        _tc_head_body,
        grid=(_N // _BLK,),
        in_specs=[
            pl.BlockSpec((_BLK, _D), lambda i: (i, 0)),
            pl.BlockSpec((_D, _D), lambda i: (0, 0)),
        ],
        out_specs=pl.BlockSpec((_BLK, _D), lambda i: (i, 0)),
        out_shape=jax.ShapeDtypeStruct((_N, _D), jnp.float32),
    )(x, W_head)


def _tc_body(h1_ref, agg_ref, deg_ref, wt_ref, g_ref, b_ref, o_ref):
    a = agg_ref[0] + agg_ref[1]
    d = deg_ref[:, 0:1] + deg_ref[:, 1:2]
    a = a * (1.0 / jnp.maximum(d, 1.0))
    dn = (((1,), (1,)), ((), ()))
    h = h1_ref[...] + lax.dot_general(a, wt_ref[...], dn,
                                      preferred_element_type=jnp.float32)
    mu = jnp.mean(h, axis=-1, keepdims=True)
    c = h - mu
    var = jnp.mean(c * c, axis=-1, keepdims=True)
    o_ref[...] = c * lax.rsqrt(var + 1e-5) * g_ref[...] + b_ref[...]


def _tc_combine(h1, agg2, degT, W_tail, gamma2, beta2):
    return pl.pallas_call(
        _tc_body,
        grid=(_N // _BLK,),
        in_specs=[
            pl.BlockSpec((_BLK, _D), lambda i: (i, 0)),
            pl.BlockSpec((_NC, _BLK, _D), lambda i: (0, i, 0)),
            pl.BlockSpec((_BLK, _NC), lambda i: (i, 0)),
            pl.BlockSpec((_D, _D), lambda i: (0, 0)),
            pl.BlockSpec((1, _D), lambda i: (0, 0)),
            pl.BlockSpec((1, _D), lambda i: (0, 0)),
        ],
        out_specs=pl.BlockSpec((_BLK, _D), lambda i: (i, 0)),
        out_shape=jax.ShapeDtypeStruct((_N, _D), jnp.float32),
    )(h1, agg2, degT, W_tail, gamma2, beta2)


def kernel(x, edge_index, W_head, W_tail, gamma, beta):
    agg2, deg2 = _sc_aggregate(x, edge_index.reshape(2 * _E))
    h1 = _tc_head(x, W_head)
    return _tc_combine(h1, agg2, deg2.T, W_tail,
                       gamma.reshape(1, _D), beta.reshape(1, _D))

# --- scband reference (transcript-rebuilt; emitter-appended) ---
"""Pipeline reference for scband-sagan-47957604827566 (READ-ONLY COPY).

The authoritative reference and input builder live on the scoring server;
editing this copy changes nothing except your own understanding.
"""

import jax, jax.numpy as jnp
import numpy as np

N = 10000
E = 320000
D = 128

def setup_inputs(seed: int = 0) -> dict:
    key = jax.random.key(seed)
    k1, k2, k3, k4 = jax.random.split(key, 4)
    x = jax.random.normal(k1, (N, D), dtype=jnp.float32)
    edge_index = jax.random.randint(k2, (2, E), 0, N, dtype=jnp.int32)
    scale = 1.0 / np.sqrt(D)
    W_head = jax.random.normal(k3, (D, D), dtype=jnp.float32) * scale
    W_tail = jax.random.normal(k4, (D, D), dtype=jnp.float32) * scale
    gamma = jnp.ones((D,), dtype=jnp.float32)
    beta = jnp.zeros((D,), dtype=jnp.float32)
    return {"x": x, "edge_index": edge_index, "W_head": W_head, "W_tail": W_tail, "gamma": gamma, "beta": beta}

def reference(x, edge_index, W_head, W_tail, gamma, beta):
    src = edge_index[0]
    dst = edge_index[1]
    # gather source-node features (message construction)
    msgs = jnp.take(x, src, axis=0)
    # scatter-add aggregation by destination node, then mean-normalize by degree
    agg = jax.ops.segment_sum(msgs, dst, num_segments=x.shape[0])
    deg = jax.ops.segment_sum(jnp.ones((dst.shape[0],), dtype=x.dtype), dst, num_segments=x.shape[0])
    agg = agg / jnp.clip(deg, 1.0, None)[:, None]
    # head transform on self features, tail transform on aggregated neighbor embedding
    h = x @ W_head.T + agg @ W_tail.T
    # layer norm
    mean = jnp.mean(h, axis=-1, keepdims=True)
    var = jnp.var(h, axis=-1, keepdims=True)
    out = (h - mean) / jnp.sqrt(var + 1e-5) * gamma + beta
    return out

if __name__ == "__main__":
    import jax
    _d = setup_inputs()
    print(jax.jit(kernel)(*tuple(_d.values())))

</pallas_src>

<mosaic_0001>
#map = affine_map<(d0, d1) -> (0, 0)>
#map1 = affine_map<(d0, d1) -> (0)>
#map2 = affine_map<(d0, d1) -> (0, 0, 0)>
module attributes {stable_mosaic.version = 14 : i64} {
  func.func @_sc_aggregate(%arg0: i32, %arg1: i32, %arg2: memref<10000x128xf32, #tpu.memory_space<hbm>>, %arg3: memref<640000xi32, #tpu.memory_space<hbm>>, %arg4: memref<2x10240x128xf32, #tpu.memory_space<hbm>>, %arg5: memref<2x10240xf32, #tpu.memory_space<hbm>>, %arg6: memref<8x80xi32, #tpu.memory_space<vmem>>, %arg7: memref<8x80xi32, #tpu.memory_space<vmem>>, %arg8: memref<4x80x128xf32, #tpu.memory_space<vmem>>, %arg9: memref<80xf32, #tpu.memory_space<vmem>>, %arg10: memref<640xf32, #tpu.memory_space<vmem>>, %arg11: memref<8x!tpu.dma_semaphore, #tpu.memory_space<semaphore_mem>>, %arg12: memref<8x!tpu.dma_semaphore, #tpu.memory_space<semaphore_mem>>, %arg13: memref<4x!tpu.dma_semaphore, #tpu.memory_space<semaphore_mem>>, %arg14: memref<4x!tpu.dma_semaphore, #tpu.memory_space<semaphore_mem>>, %arg15: memref<10240x128xf32, #tpu.memory_space<vmem_shared>>, %arg16: memref<10240xf32, #tpu.memory_space<vmem_shared>>) attributes {dimension_semantics = [#tpu.dimension_semantics<core_parallel>, #tpu.dimension_semantics<subcore_parallel>], iteration_bounds = array<i64: 2, 16>, scalar_prefetch = 0 : i64, scratch_operands = 11 : i64, tpu.core_type = #tpu.core_type<sc_vector_subcore>, window_params = [{transform_indices = #map}, {transform_indices = #map1}, {transform_indices = #map2}, {transform_indices = #map}]} {
    %mul3A = arith.constant 2 : i32
    %mul3A_0 = arith.muli %arg1, %mul3A : i32
    %add3A = arith.addi %mul3A_0, %arg0 : i32
    %mul3A_1 = arith.constant 10000 : i32
    %mul3A_2 = arith.muli %add3A, %mul3A_1 : i32
    %add3A_3 = arith.constant 0 : i32
    %add3A_4 = arith.addi %mul3A_2, %add3A_3 : i32
    %dma_start3A = arith.constant 0 : i32
    %dma_start3A_5 = arith.constant 0 : i32
    %dma_start3A_6 = arith.constant 0 : i32
    %dma_start3A_7 = tpu.memref_slice %arg6[%dma_start3A, %dma_start3A_6] : memref<8x80xi32, #tpu.memory_space<vmem>> -> memref<1x80xi32, #tpu.memory_space<vmem>>
    %dma_start3A_8 = tpu.memref_squeeze %dma_start3A_7 : memref<1x80xi32, #tpu.memory_space<vmem>> -> memref<80xi32, #tpu.memory_space<vmem>>
    %dma_start3A_9 = tpu.memref_slice %arg3[%add3A_4] : memref<640000xi32, #tpu.memory_space<hbm>> -> memref<80xi32, #tpu.memory_space<hbm>>
    %dma_start3A_10 = tpu.memref_slice %arg11[%dma_start3A_5] : memref<8x!tpu.dma_semaphore, #tpu.memory_space<semaphore_mem>> -> memref<1x!tpu.dma_semaphore, #tpu.memory_space<semaphore_mem>>
    %dma_start3A_11 = tpu.memref_squeeze %dma_start3A_10 : memref<1x!tpu.dma_semaphore, #tpu.memory_space<semaphore_mem>> -> memref<!tpu.dma_semaphore, #tpu.memory_space<semaphore_mem>>
    %dma_start3A_12 = arith.constant 0 : i32
    %dma_start3A_13 = tpu.memref_slice %arg6[%dma_start3A, %dma_start3A_12] : memref<8x80xi32, #tpu.memory_space<vmem>> -> memref<1x80xi32, #tpu.memory_space<vmem>>
    %dma_start3A_14 = tpu.memref_squeeze %dma_start3A_13 : memref<1x80xi32, #tpu.memory_space<vmem>> -> memref<80xi32, #tpu.memory_space<vmem>>
    %dma_start3A_15 = tpu.memref_slice %arg3[%add3A_4] : memref<640000xi32, #tpu.memory_space<hbm>> -> memref<80xi32, #tpu.memory_space<hbm>>
    tpu.enqueue_dma source(%dma_start3A_15 : memref<80xi32, #tpu.memory_space<hbm>>) target(%dma_start3A_14 : memref<80xi32, #tpu.memory_space<vmem>>) target_semaphore(%dma_start3A_11 : memref<!tpu.dma_semaphore, #tpu.memory_space<semaphore_mem>>)
    %add3A_16 = arith.constant 320000 : i32
    %add3A_17 = arith.addi %add3A_16, %add3A_4 : i32
    %dma_start3A_18 = arith.constant 0 : i32
    %dma_start3A_19 = arith.constant 0 : i32
    %dma_start3A_20 = arith.constant 0 : i32
    %dma_start3A_21 = tpu.memref_slice %arg7[%dma_start3A_18, %dma_start3A_20] : memref<8x80xi32, #tpu.memory_space<vmem>> -> memref<1x80xi32, #tpu.memory_space<vmem>>
    %dma_start3A_22 = tpu.memref_squeeze %dma_start3A_21 : memref<1x80xi32, #tpu.memory_space<vmem>> -> memref<80xi32, #tpu.memory_space<vmem>>
    %dma_start3A_23 = tpu.memref_slice %arg3[%add3A_17] : memref<640000xi32, #tpu.memory_space<hbm>> -> memref<80xi32, #tpu.memory_space<hbm>>
    %dma_start3A_24 = tpu.memref_slice %arg12[%dma_start3A_19] : memref<8x!tpu.dma_semaphore, #tpu.memory_space<semaphore_mem>> -> memref<1x!tpu.dma_semaphore, #tpu.memory_space<semaphore_mem>>
    %dma_start3A_25 = tpu.memref_squeeze %dma_start3A_24 : memref<1x!tpu.dma_semaphore, #tpu.memory_space<semaphore_mem>> -> memref<!tpu.dma_semaphore, #tpu.memory_space<semaphore_mem>>
    %dma_start3A_26 = arith.constant 0 : i32
    %dma_start3A_27 = tpu.memref_slice %arg7[%dma_start3A_18, %dma_start3A_26] : memref<8x80xi32, #tpu.memory_space<vmem>> -> memref<1x80xi32, #tpu.memory_space<vmem>>
    %dma_start3A_28 = tpu.memref_squeeze %dma_start3A_27 : memref<1x80xi32, #tpu.memory_space<vmem>> -> memref<80xi32, #tpu.memory_space<vmem>>
    %dma_start3A_29 = tpu.memref_slice %arg3[%add3A_17] : memref<640000xi32, #tpu.memory_space<hbm>> -> memref<80xi32, #tpu.memory_space<hbm>>
    tpu.enqueue_dma source(%dma_start3A_29 : memref<80xi32, #tpu.memory_space<hbm>>) target(%dma_start3A_28 : memref<80xi32, #tpu.memory_space<vmem>>) target_semaphore(%dma_start3A_25 : memref<!tpu.dma_semaphore, #tpu.memory_space<semaphore_mem>>)
    %add3A_30 = arith.constant 80 : i32
    %add3A_31 = arith.addi %mul3A_2, %add3A_30 : i32
    %dma_start3A_32 = arith.constant 1 : i32
    %dma_start3A_33 = arith.constant 1 : i32
    %dma_start3A_34 = arith.constant 0 : i32
    %dma_start3A_35 = tpu.memref_slice %arg6[%dma_start3A_32, %dma_start3A_34] : memref<8x80xi32, #tpu.memory_space<vmem>> -> memref<1x80xi32, #tpu.memory_space<vmem>>
    %dma_start3A_36 = tpu.memref_squeeze %dma_start3A_35 : memref<1x80xi32, #tpu.memory_space<vmem>> -> memref<80xi32, #tpu.memory_space<vmem>>
    %dma_start3A_37 = tpu.memref_slice %arg3[%add3A_31] : memref<640000xi32, #tpu.memory_space<hbm>> -> memref<80xi32, #tpu.memory_space<hbm>>
    %dma_start3A_38 = tpu.memref_slice %arg11[%dma_start3A_33] : memref<8x!tpu.dma_semaphore, #tpu.memory_space<semaphore_mem>> -> memref<1x!tpu.dma_semaphore, #tpu.memory_space<semaphore_mem>>
    %dma_start3A_39 = tpu.memref_squeeze %dma_start3A_38 : memref<1x!tpu.dma_semaphore, #tpu.memory_space<semaphore_mem>> -> memref<!tpu.dma_semaphore, #tpu.memory_space<semaphore_mem>>
    %dma_start3A_40 = arith.constant 0 : i32
    %dma_start3A_41 = tpu.memref_slice %arg6[%dma_start3A_32, %dma_start3A_40] : memref<8x80xi32, #tpu.memory_space<vmem>> -> memref<1x80xi32, #tpu.memory_space<vmem>>
    %dma_start3A_42 = tpu.memref_squeeze %dma_start3A_41 : memref<1x80xi32, #tpu.memory_space<vmem>> -> memref<80xi32, #tpu.memory_space<vmem>>
    %dma_start3A_43 = tpu.memref_slice %arg3[%add3A_31] : memref<640000xi32, #tpu.memory_space<hbm>> -> memref<80xi32, #tpu.memory_space<hbm>>
    tpu.enqueue_dma source(%dma_start3A_43 : memref<80xi32, #tpu.memory_space<hbm>>) target(%dma_start3A_42 : memref<80xi32, #tpu.memory_space<vmem>>) target_semaphore(%dma_start3A_39 : memref<!tpu.dma_semaphore, #tpu.memory_space<semaphore_mem>>)
    %add3A_44 = arith.constant 320000 : i32
    %add3A_45 = arith.addi %add3A_44, %add3A_31 : i32
    %dma_start3A_46 = arith.constant 1 : i32
    %dma_start3A_47 = arith.constant 1 : i32
    %dma_start3A_48 = arith.constant 0 : i32
    %dma_start3A_49 = tpu.memref_slice %arg7[%dma_start3A_46, %dma_start3A_48] : memref<8x80xi32, #tpu.memory_space<vmem>> -> memref<1x80xi32, #tpu.memory_space<vmem>>
    %dma_start3A_50 = tpu.memref_squeeze %dma_start3A_49 : memref<1x80xi32, #tpu.memory_space<vmem>> -> memref<80xi32, #tpu.memory_space<vmem>>
    %dma_start3A_51 = tpu.memref_slice %arg3[%add3A_45] : memref<640000xi32, #tpu.memory_space<hbm>> -> memref<80xi32, #tpu.memory_space<hbm>>
    %dma_start3A_52 = tpu.memref_slice %arg12[%dma_start3A_47] : memref<8x!tpu.dma_semaphore, #tpu.memory_space<semaphore_mem>> -> memref<1x!tpu.dma_semaphore, #tpu.memory_space<semaphore_mem>>
    %dma_start3A_53 = tpu.memref_squeeze %dma_start3A_52 : memref<1x!tpu.dma_semaphore, #tpu.memory_space<semaphore_mem>> -> memref<!tpu.dma_semaphore, #tpu.memory_space<semaphore_mem>>
    %dma_start3A_54 = arith.constant 0 : i32
    %dma_start3A_55 = tpu.memref_slice %arg7[%dma_start3A_46, %dma_start3A_54] : memref<8x80xi32, #tpu.memory_space<vmem>> -> memref<1x80xi32, #tpu.memory_space<vmem>>
    %dma_start3A_56 = tpu.memref_squeeze %dma_start3A_55 : memref<1x80xi32, #tpu.memory_space<vmem>> -> memref<80xi32, #tpu.memory_space<vmem>>
    %dma_start3A_57 = tpu.memref_slice %arg3[%add3A_45] : memref<640000xi32, #tpu.memory_space<hbm>> -> memref<80xi32, #tpu.memory_space<hbm>>
    tpu.enqueue_dma source(%dma_start3A_57 : memref<80xi32, #tpu.memory_space<hbm>>) target(%dma_start3A_56 : memref<80xi32, #tpu.memory_space<vmem>>) target_semaphore(%dma_start3A_53 : memref<!tpu.dma_semaphore, #tpu.memory_space<semaphore_mem>>)
    %add3A_58 = arith.constant 160 : i32
    %add3A_59 = arith.addi %mul3A_2, %add3A_58 : i32
    %dma_start3A_60 = arith.constant 2 : i32
    %dma_start3A_61 = arith.constant 2 : i32
    %dma_start3A_62 = arith.constant 0 : i32
    %dma_start3A_63 = tpu.memref_slice %arg6[%dma_start3A_60, %dma_start3A_62] : memref<8x80xi32, #tpu.memory_space<vmem>> -> memref<1x80xi32, #tpu.memory_space<vmem>>
    %dma_start3A_64 = tpu.memref_squeeze %dma_start3A_63 : memref<1x80xi32, #tpu.memory_space<vmem>> -> memref<80xi32, #tpu.memory_space<vmem>>
    %dma_start3A_65 = tpu.memref_slice %arg3[%add3A_59] : memref<640000xi32, #tpu.memory_space<hbm>> -> memref<80xi32, #tpu.memory_space<hbm>>
    %dma_start3A_66 = tpu.memref_slice %arg11[%dma_start3A_61] : memref<8x!tpu.dma_semaphore, #tpu.memory_space<semaphore_mem>> -> memref<1x!tpu.dma_semaphore, #tpu.memory_space<semaphore_mem>>
    %dma_start3A_67 = tpu.memref_squeeze %dma_start3A_66 : memref<1x!tpu.dma_semaphore, #tpu.memory_space<semaphore_mem>> -> memref<!tpu.dma_semaphore, #tpu.memory_space<semaphore_mem>>
    %dma_start3A_68 = arith.constant 0 : i32
    %dma_start3A_69 = tpu.memref_slice %arg6[%dma_start3A_60, %dma_start3A_68] : memref<8x80xi32, #tpu.memory_space<vmem>> -> memref<1x80xi32, #tpu.memory_space<vmem>>
    %dma_start3A_70 = tpu.memref_squeeze %dma_start3A_69 : memref<1x80xi32, #tpu.memory_space<vmem>> -> memref<80xi32, #tpu.memory_space<vmem>>
    %dma_start3A_71 = tpu.memref_slice %arg3[%add3A_59] : memref<640000xi32, #tpu.memory_space<hbm>> -> memref<80xi32, #tpu.memory_space<hbm>>
    tpu.enqueue_dma source(%dma_start3A_71 : memref<80xi32, #tpu.memory_space<hbm>>) target(%dma_start3A_70 : memref<80xi32, #tpu.memory_space<vmem>>) target_semaphore(%dma_start3A_67 : memref<!tpu.dma_semaphore, #tpu.memory_space<semaphore_mem>>)
    %add3A_72 = arith.constant 320000 : i32
    %add3A_73 = arith.addi %add3A_72, %add3A_59 : i32
    %dma_start3A_74 = arith.constant 2 : i32
    %dma_start3A_75 = arith.constant 2 : i32
    %dma_start3A_76 = arith.constant 0 : i32
    %dma_start3A_77 = tpu.memref_slice %arg7[%dma_start3A_74, %dma_start3A_76] : memref<8x80xi32, #tpu.memory_space<vmem>> -> memref<1x80xi32, #tpu.memory_space<vmem>>
    %dma_start3A_78 = tpu.memref_squeeze %dma_start3A_77 : memref<1x80xi32, #tpu.memory_space<vmem>> -> memref<80xi32, #tpu.memory_space<vmem>>
    %dma_start3A_79 = tpu.memref_slice %arg3[%add3A_73] : memref<640000xi32, #tpu.memory_space<hbm>> -> memref<80xi32, #tpu.memory_space<hbm>>
    %dma_start3A_80 = tpu.memref_slice %arg12[%dma_start3A_75] : memref<8x!tpu.dma_semaphore, #tpu.memory_space<semaphore_mem>> -> memref<1x!tpu.dma_semaphore, #tpu.memory_space<semaphore_mem>>
    %dma_start3A_81 = tpu.memref_squeeze %dma_start3A_80 : memref<1x!tpu.dma_semaphore, #tpu.memory_space<semaphore_mem>> -> memref<!tpu.dma_semaphore, #tpu.memory_space<semaphore_mem>>
    %dma_start3A_82 = arith.constant 0 : i32
    %dma_start3A_83 = tpu.memref_slice %arg7[%dma_start3A_74, %dma_start3A_82] : memref<8x80xi32, #tpu.memory_space<vmem>> -> memref<1x80xi32, #tpu.memory_space<vmem>>
    %dma_start3A_84 = tpu.memref_squeeze %dma_start3A_83 : memref<1x80xi32, #tpu.memory_space<vmem>> -> memref<80xi32, #tpu.memory_space<vmem>>
    %dma_start3A_85 = tpu.memref_slice %arg3[%add3A_73] : memref<640000xi32, #tpu.memory_space<hbm>> -> memref<80xi32, #tpu.memory_space<hbm>>
    tpu.enqueue_dma source(%dma_start3A_85 : memref<80xi32, #tpu.memory_space<hbm>>) target(%dma_start3A_84 : memref<80xi32, #tpu.memory_space<vmem>>) target_semaphore(%dma_start3A_81 : memref<!tpu.dma_semaphore, #tpu.memory_space<semaphore_mem>>)
    %add3A_86 = arith.constant 240 : i32
    %add3A_87 = arith.addi %mul3A_2, %add3A_86 : i32
    %dma_start3A_88 = arith.constant 3 : i32
    %dma_start3A_89 = arith.constant 3 : i32
    %dma_start3A_90 = arith.constant 0 : i32
    %dma_start3A_91 = tpu.memref_slice %arg6[%dma_start3A_88, %dma_start3A_90] : memref<8x80xi32, #tpu.memory_space<vmem>> -> memref<1x80xi32, #tpu.memory_space<vmem>>
    %dma_start3A_92 = tpu.memref_squeeze %dma_start3A_91 : memref<1x80xi32, #tpu.memory_space<vmem>> -> memref<80xi32, #tpu.memory_space<vmem>>
    %dma_start3A_93 = tpu.memref_slice %arg3[%add3A_87] : memref<640000xi32, #tpu.memory_space<hbm>> -> memref<80xi32, #tpu.memory_space<hbm>>
    %dma_start3A_94 = tpu.memref_slice %arg11[%dma_start3A_89] : memref<8x!tpu.dma_semaphore, #tpu.memory_space<semaphore_mem>> -> memref<1x!tpu.dma_semaphore, #tpu.memory_space<semaphore_mem>>
    %dma_start3A_95 = tpu.memref_squeeze %dma_start3A_94 : memref<1x!tpu.dma_semaphore, #tpu.memory_space<semaphore_mem>> -> memref<!tpu.dma_semaphore, #tpu.memory_space<semaphore_mem>>
    %dma_start3A_96 = arith.constant 0 : i32
    %dma_start3A_97 = tpu.memref_slice %arg6[%dma_start3A_88, %dma_start3A_96] : memref<8x80xi32, #tpu.memory_space<vmem>> -> memref<1x80xi32, #tpu.memory_space<vmem>>
    %dma_start3A_98 = tpu.memref_squeeze %dma_start3A_97 : memref<1x80xi32, #tpu.memory_space<vmem>> -> memref<80xi32, #tpu.memory_space<vmem>>
    %dma_start3A_99 = tpu.memref_slice %arg3[%add3A_87] : memref<640000xi32, #tpu.memory_space<hbm>> -> memref<80xi32, #tpu.memory_space<hbm>>
    tpu.enqueue_dma source(%dma_start3A_99 : memref<80xi32, #tpu.memory_space<hbm>>) target(%dma_start3A_98 : memref<80xi32, #tpu.memory_space<vmem>>) target_semaphore(%dma_start3A_95 : memref<!tpu.dma_semaphore, #tpu.memory_space<semaphore_mem>>)
    %add3A_100 = arith.constant 320000 : i32
    %add3A_101 = arith.addi %add3A_100, %add3A_87 : i32
    %dma_start3A_102 = arith.constant 3 : i32
    %dma_start3A_103 = arith.constant 3 : i32
    %dma_start3A_104 = arith.constant 0 : i32
    %dma_start3A_105 = tpu.memref_slice %arg7[%dma_start3A_102, %dma_start3A_104] : memref<8x80xi32, #tpu.memory_space<vmem>> -> memref<1x80xi32, #tpu.memory_space<vmem>>
    %dma_start3A_106 = tpu.memref_squeeze %dma_start3A_105 : memref<1x80xi32, #tpu.memory_space<vmem>> -> memref<80xi32, #tpu.memory_space<vmem>>
    %dma_start3A_107 = tpu.memref_slice %arg3[%add3A_101] : memref<640000xi32, #tpu.memory_space<hbm>> -> memref<80xi32, #tpu.memory_space<hbm>>
    %dma_start3A_108 = tpu.memref_slice %arg12[%dma_start3A_103] : memref<8x!tpu.dma_semaphore, #tpu.memory_space<semaphore_mem>> -> memref<1x!tpu.dma_semaphore, #tpu.memory_space<semaphore_mem>>
    %dma_start3A_109 = tpu.memref_squeeze %dma_start3A_108 : memref<1x!tpu.dma_semaphore, #tpu.memory_space<semaphore_mem>> -> memref<!tpu.dma_semaphore, #tpu.memory_space<semaphore_mem>>
    %dma_start3A_110 = arith.constant 0 : i32
    %dma_start3A_111 = tpu.memref_slice %arg7[%dma_start3A_102, %dma_start3A_110] : memref<8x80xi32, #tpu.memory_space<vmem>> -> memref<1x80xi32, #tpu.memory_space<vmem>>
    %dma_start3A_112 = tpu.memref_squeeze %dma_start3A_111 : memref<1x80xi32, #tpu.memory_space<vmem>> -> memref<80xi32, #tpu.memory_space<vmem>>
    %dma_start3A_113 = tpu.memref_slice %arg3[%add3A_101] : memref<640000xi32, #tpu.memory_space<hbm>> -> memref<80xi32, #tpu.memory_space<hbm>>
    tpu.enqueue_dma source(%dma_start3A_113 : memref<80xi32, #tpu.memory_space<hbm>>) target(%dma_start3A_112 : memref<80xi32, #tpu.memory_space<vmem>>) target_semaphore(%dma_start3A_109 : memref<!tpu.dma_semaphore, #tpu.memory_space<semaphore_mem>>)
    %add3A_114 = arith.constant 320 : i32
    %add3A_115 = arith.addi %mul3A_2, %add3A_114 : i32
    %dma_start3A_116 = arith.constant 4 : i32
    %dma_start3A_117 = arith.constant 4 : i32
    %dma_start3A_118 = arith.constant 0 : i32
    %dma_start3A_119 = tpu.memref_slice %arg6[%dma_start3A_116, %dma_start3A_118] : memref<8x80xi32, #tpu.memory_space<vmem>> -> memref<1x80xi32, #tpu.memory_space<vmem>>
    %dma_start3A_120 = tpu.memref_squeeze %dma_start3A_119 : memref<1x80xi32, #tpu.memory_space<vmem>> -> memref<80xi32, #tpu.memory_space<vmem>>
    %dma_start3A_121 = tpu.memref_slice %arg3[%add3A_115] : memref<640000xi32, #tpu.memory_space<hbm>> -> memref<80xi32, #tpu.memory_space<hbm>>
    %dma_start3A_122 = tpu.memref_slice %arg11[%dma_start3A_117] : memref<8x!tpu.dma_semaphore, #tpu.memory_space<semaphore_mem>> -> memref<1x!tpu.dma_semaphore, #tpu.memory_space<semaphore_mem>>
    %dma_start3A_123 = tpu.memref_squeeze %dma_start3A_122 : memref<1x!tpu.dma_semaphore, #tpu.memory_space<semaphore_mem>> -> memref<!tpu.dma_semaphore, #tpu.memory_space<semaphore_mem>>
    %dma_start3A_124 = arith.constant 0 : i32
    %dma_start3A_125 = tpu.memref_slice %arg6[%dma_start3A_116, %dma_start3A_124] : memref<8x80xi32, #tpu.memory_space<vmem>> -> memref<1x80xi32, #tpu.memory_space<vmem>>
    %dma_start3A_126 = tpu.memref_squeeze %dma_start3A_125 : memref<1x80xi32, #tpu.memory_space<vmem>> -> memref<80xi32, #tpu.memory_space<vmem>>
    %dma_start3A_127 = tpu.memref_slice %arg3[%add3A_115] : memref<640000xi32, #tpu.memory_space<hbm>> -> memref<80xi32, #tpu.memory_space<hbm>>
    tpu.enqueue_dma source(%dma_start3A_127 : memref<80xi32, #tpu.memory_space<hbm>>) target(%dma_start3A_126 : memref<80xi32, #tpu.memory_space<vmem>>) target_semaphore(%dma_start3A_123 : memref<!tpu.dma_semaphore, #tpu.memory_space<semaphore_mem>>)
    %add3A_128 = arith.constant 320000 : i32
    %add3A_129 = arith.addi %add3A_128, %add3A_115 : i32
    %dma_start3A_130 = arith.constant 4 : i32
    %dma_start3A_131 = arith.constant 4 : i32
    %dma_start3A_132 = arith.constant 0 : i32
    %dma_start3A_133 = tpu.memref_slice %arg7[%dma_start3A_130, %dma_start3A_132] : memref<8x80xi32, #tpu.memory_space<vmem>> -> memref<1x80xi32, #tpu.memory_space<vmem>>
    %dma_start3A_134 = tpu.memref_squeeze %dma_start3A_133 : memref<1x80xi32, #tpu.memory_space<vmem>> -> memref<80xi32, #tpu.memory_space<vmem>>
    %dma_start3A_135 = tpu.memref_slice %arg3[%add3A_129] : memref<640000xi32, #tpu.memory_space<hbm>> -> memref<80xi32, #tpu.memory_space<hbm>>
    %dma_start3A_136 = tpu.memref_slice %arg12[%dma_start3A_131] : memref<8x!tpu.dma_semaphore, #tpu.memory_space<semaphore_mem>> -> memref<1x!tpu.dma_semaphore, #tpu.memory_space<semaphore_mem>>
    %dma_start3A_137 = tpu.memref_squeeze %dma_start3A_136 : memref<1x!tpu.dma_semaphore, #tpu.memory_space<semaphore_mem>> -> memref<!tpu.dma_semaphore, #tpu.memory_space<semaphore_mem>>
    %dma_start3A_138 = arith.constant 0 : i32
    %dma_start3A_139 = tpu.memref_slice %arg7[%dma_start3A_130, %dma_start3A_138] : memref<8x80xi32, #tpu.memory_space<vmem>> -> memref<1x80xi32, #tpu.memory_space<vmem>>
    %dma_start3A_140 = tpu.memref_squeeze %dma_start3A_139 : memref<1x80xi32, #tpu.memory_space<vmem>> -> memref<80xi32, #tpu.memory_space<vmem>>
    %dma_start3A_141 = tpu.memref_slice %arg3[%add3A_129] : memref<640000xi32, #tpu.memory_space<hbm>> -> memref<80xi32, #tpu.memory_space<hbm>>
    tpu.enqueue_dma source(%dma_start3A_141 : memref<80xi32, #tpu.memory_space<hbm>>) target(%dma_start3A_140 : memref<80xi32, #tpu.memory_space<vmem>>) target_semaphore(%dma_start3A_137 : memref<!tpu.dma_semaphore, #tpu.memory_space<semaphore_mem>>)
    %add3A_142 = arith.constant 400 : i32
    %add3A_143 = arith.addi %mul3A_2, %add3A_142 : i32
    %dma_start3A_144 = arith.constant 5 : i32
    %dma_start3A_145 = arith.constant 5 : i32
    %dma_start3A_146 = arith.constant 0 : i32
    %dma_start3A_147 = tpu.memref_slice %arg6[%dma_start3A_144, %dma_start3A_146] : memref<8x80xi32, #tpu.memory_space<vmem>> -> memref<1x80xi32, #tpu.memory_space<vmem>>
    %dma_start3A_148 = tpu.memref_squeeze %dma_start3A_147 : memref<1x80xi32, #tpu.memory_space<vmem>> -> memref<80xi32, #tpu.memory_space<vmem>>
    %dma_start3A_149 = tpu.memref_slice %arg3[%add3A_143] : memref<640000xi32, #tpu.memory_space<hbm>> -> memref<80xi32, #tpu.memory_space<hbm>>
    %dma_start3A_150 = tpu.memref_slice %arg11[%dma_start3A_145] : memref<8x!tpu.dma_semaphore, #tpu.memory_space<semaphore_mem>> -> memref<1x!tpu.dma_semaphore, #tpu.memory_space<semaphore_mem>>
    %dma_start3A_151 = tpu.memref_squeeze %dma_start3A_150 : memref<1x!tpu.dma_semaphore, #tpu.memory_space<semaphore_mem>> -> memref<!tpu.dma_semaphore, #tpu.memory_space<semaphore_mem>>
    %dma_start3A_152 = arith.constant 0 : i32
    %dma_start3A_153 = tpu.memref_slice %arg6[%dma_start3A_144, %dma_start3A_152] : memref<8x80xi32, #tpu.memory_space<vmem>> -> memref<1x80xi32, #tpu.memory_space<vmem>>
    %dma_start3A_154 = tpu.memref_squeeze %dma_start3A_153 : memref<1x80xi32, #tpu.memory_space<vmem>> -> memref<80xi32, #tpu.memory_space<vmem>>
    %dma_start3A_155 = tpu.memref_slice %arg3[%add3A_143] : memref<640000xi32, #tpu.memory_space<hbm>> -> memref<80xi32, #tpu.memory_space<hbm>>
    tpu.enqueue_dma source(%dma_start3A_155 : memref<80xi32, #tpu.memory_space<hbm>>) target(%dma_start3A_154 : memref<80xi32, #tpu.memory_space<vmem>>) target_semaphore(%dma_start3A_151 : memref<!tpu.dma_semaphore, #tpu.memory_space<semaphore_mem>>)
    %add3A_156 = arith.constant 320000 : i32
    %add3A_157 = arith.addi %add3A_156, %add3A_143 : i32
    %dma_start3A_158 = arith.constant 5 : i32
    %dma_start3A_159 = arith.constant 5 : i32
    %dma_start3A_160 = arith.constant 0 : i32
    %dma_start3A_161 = tpu.memref_slice %arg7[%dma_start3A_158, %dma_start3A_160] : memref<8x80xi32, #tpu.memory_space<vmem>> -> memref<1x80xi32, #tpu.memory_space<vmem>>
    %dma_start3A_162 = tpu.memref_squeeze %dma_start3A_161 : memref<1x80xi32, #tpu.memory_space<vmem>> -> memref<80xi32, #tpu.memory_space<vmem>>
    %dma_start3A_163 = tpu.memref_slice %arg3[%add3A_157] : memref<640000xi32, #tpu.memory_space<hbm>> -> memref<80xi32, #tpu.memory_space<hbm>>
    %dma_start3A_164 = tpu.memref_slice %arg12[%dma_start3A_159] : memref<8x!tpu.dma_semaphore, #tpu.memory_space<semaphore_mem>> -> memref<1x!tpu.dma_semaphore, #tpu.memory_space<semaphore_mem>>
    %dma_start3A_165 = tpu.memref_squeeze %dma_start3A_164 : memref<1x!tpu.dma_semaphore, #tpu.memory_space<semaphore_mem>> -> memref<!tpu.dma_semaphore, #tpu.memory_space<semaphore_mem>>
    %dma_start3A_166 = arith.constant 0 : i32
    %dma_start3A_167 = tpu.memref_slice %arg7[%dma_start3A_158, %dma_start3A_166] : memref<8x80xi32, #tpu.memory_space<vmem>> -> memref<1x80xi32, #tpu.memory_space<vmem>>
    %dma_start3A_168 = tpu.memref_squeeze %dma_start3A_167 : memref<1x80xi32, #tpu.memory_space<vmem>> -> memref<80xi32, #tpu.memory_space<vmem>>
    %dma_start3A_169 = tpu.memref_slice %arg3[%add3A_157] : memref<640000xi32, #tpu.memory_space<hbm>> -> memref<80xi32, #tpu.memory_space<hbm>>
    tpu.enqueue_dma source(%dma_start3A_169 : memref<80xi32, #tpu.memory_space<hbm>>) target(%dma_start3A_168 : memref<80xi32, #tpu.memory_space<vmem>>) target_semaphore(%dma_start3A_165 : memref<!tpu.dma_semaphore, #tpu.memory_space<semaphore_mem>>)
    %add3A_170 = arith.constant 480 : i32
    %add3A_171 = arith.addi %mul3A_2, %add3A_170 : i32
    %dma_start3A_172 = arith.constant 6 : i32
    %dma_start3A_173 = arith.constant 6 : i32
    %dma_start3A_174 = arith.constant 0 : i32
    %dma_start3A_175 = tpu.memref_slice %arg6[%dma_start3A_172, %dma_start3A_174] : memref<8x80xi32, #tpu.memory_space<vmem>> -> memref<1x80xi32, #tpu.memory_space<vmem>>
    %dma_start3A_176 = tpu.memref_squeeze %dma_start3A_175 : memref<1x80xi32, #tpu.memory_space<vmem>> -> memref<80xi32, #tpu.memory_space<vmem>>
    %dma_start3A_177 = tpu.memref_slice %arg3[%add3A_171] : memref<640000xi32, #tpu.memory_space<hbm>> -> memref<80xi32, #tpu.memory_space<hbm>>
    %dma_start3A_178 = tpu.memref_slice %arg11[%dma_start3A_173] : memref<8x!tpu.dma_semaphore, #tpu.memory_space<semaphore_mem>> -> memref<1x!tpu.dma_semaphore, #tpu.memory_space<semaphore_mem>>
    %dma_start3A_179 = tpu.memref_squeeze %dma_start3A_178 : memref<1x!tpu.dma_semaphore, #tpu.memory_space<semaphore_mem>> -> memref<!tpu.dma_semaphore, #tpu.memory_space<semaphore_mem>>
    %dma_start3A_180 = arith.constant 0 : i32
    %dma_start3A_181 = tpu.memref_slice %arg6[%dma_start3A_172, %dma_start3A_180] : memref<8x80xi32, #tpu.memory_space<vmem>> -> memref<1x80xi32, #tpu.memory_space<vmem>>
    %dma_start3A_182 = tpu.memref_squeeze %dma_start3A_181 : memref<1x80xi32, #tpu.memory_space<vmem>> -> memref<80xi32, #tpu.memory_space<vmem>>
    %dma_start3A_183 = tpu.memref_slice %arg3[%add3A_171] : memref<640000xi32, #tpu.memory_space<hbm>> -> memref<80xi32, #tpu.memory_space<hbm>>
    tpu.enqueue_dma source(%dma_start3A_183 : memref<80xi32, #tpu.memory_space<hbm>>) target(%dma_start3A_182 : memref<80xi32, #tpu.memory_space<vmem>>) target_semaphore(%dma_start3A_179 : memref<!tpu.dma_semaphore, #tpu.memory_space<semaphore_mem>>)
    %add3A_184 = arith.constant 320000 : i32
    %add3A_185 = arith.addi %add3A_184, %add3A_171 : i32
    %dma_start3A_186 = arith.constant 6 : i32
    %dma_start3A_187 = arith.constant 6 : i32
    %dma_start3A_188 = arith.constant 0 : i32
    %dma_start3A_189 = tpu.memref_slice %arg7[%dma_start3A_186, %dma_start3A_188] : memref<8x80xi32, #tpu.memory_space<vmem>> -> memref<1x80xi32, #tpu.memory_space<vmem>>
    %dma_start3A_190 = tpu.memref_squeeze %dma_start3A_189 : memref<1x80xi32, #tpu.memory_space<vmem>> -> memref<80xi32, #tpu.memory_space<vmem>>
    %dma_start3A_191 = tpu.memref_slice %arg3[%add3A_185] : memref<640000xi32, #tpu.memory_space<hbm>> -> memref<80xi32, #tpu.memory_space<hbm>>
    %dma_start3A_192 = tpu.memref_slice %arg12[%dma_start3A_187] : memref<8x!tpu.dma_semaphore, #tpu.memory_space<semaphore_mem>> -> memref<1x!tpu.dma_semaphore, #tpu.memory_space<semaphore_mem>>
    %dma_start3A_193 = tpu.memref_squeeze %dma_start3A_192 : memref<1x!tpu.dma_semaphore, #tpu.memory_space<semaphore_mem>> -> memref<!tpu.dma_semaphore, #tpu.memory_space<semaphore_mem>>
    %dma_start3A_194 = arith.constant 0 : i32
    %dma_start3A_195 = tpu.memref_slice %arg7[%dma_start3A_186, %dma_start3A_194] : memref<8x80xi32, #tpu.memory_space<vmem>> -> memref<1x80xi32, #tpu.memory_space<vmem>>
    %dma_start3A_196 = tpu.memref_squeeze %dma_start3A_195 : memref<1x80xi32, #tpu.memory_space<vmem>> -> memref<80xi32, #tpu.memory_space<vmem>>
    %dma_start3A_197 = tpu.memref_slice %arg3[%add3A_185] : memref<640000xi32, #tpu.memory_space<hbm>> -> memref<80xi32, #tpu.memory_space<hbm>>
    tpu.enqueue_dma source(%dma_start3A_197 : memref<80xi32, #tpu.memory_space<hbm>>) target(%dma_start3A_196 : memref<80xi32, #tpu.memory_space<vmem>>) target_semaphore(%dma_start3A_193 : memref<!tpu.dma_semaphore, #tpu.memory_space<semaphore_mem>>)
    %broadcast_in_dim3A = arith.constant 0.000000e+00 : f32
    %broadcast_in_dim3A_198 = vector.broadcast %broadcast_in_dim3A : f32 to vector<16xf32>
    %broadcast_in_dim3A_199 = arith.constant 1.000000e+00 : f32
    %broadcast_in_dim3A_200 = vector.broadcast %broadcast_in_dim3A_199 : f32 to vector<16xf32>
    %scan3A = arith.constant 0 : i32
    %scan3A_201 = arith.constant 640 : i32
    %scan3A_202 = arith.addi %scan3A, %scan3A_201 : i32
    %scan3A_203 = arith.constant 1 : i32
    scf.for %scan3A_779 = %scan3A to %scan3A_202 step %scan3A_203  : i32 {
      %jit3A = arith.constant 8 : i32
      %div3A = arith.divsi %scan3A_779, %jit3A : i32
      %sign3A = arith.constant 0 : i32
      %sign3A_780 = arith.cmpi sgt, %scan3A_779, %sign3A : i32
      %sign3A_781 = arith.extui %sign3A_780 : i1 to i32
      %sign3A_782 = arith.constant 0 : i32
      %sign3A_783 = arith.cmpi slt, %scan3A_779, %sign3A_782 : i32
      %sign3A_784 = arith.extui %sign3A_783 : i1 to i32
      %sign3A_785 = arith.subi %sign3A_781, %sign3A_784 : i32
      %sign3A_786 = arith.constant 0 : i32
      %sign3A_787 = arith.cmpi sgt, %jit3A, %sign3A_786 : i32
      %sign3A_788 = arith.extui %sign3A_787 : i1 to i32
      %sign3A_789 = arith.constant 0 : i32
      %sign3A_790 = arith.cmpi slt, %jit3A, %sign3A_789 : i32
      %sign3A_791 = arith.extui %sign3A_790 : i1 to i32
      %sign3A_792 = arith.subi %sign3A_788, %sign3A_791 : i32
      %ne3A = arith.cmpi ne, %sign3A_785, %sign3A_792 : i32
      %rem3A = arith.remsi %scan3A_779, %jit3A : i32
      %ne3A_793 = arith.constant 0 : i32
      %ne3A_794 = arith.cmpi ne, %rem3A, %ne3A_793 : i32
      %and3A = arith.andi %ne3A, %ne3A_794 : i1
      %sub3A = arith.constant 1 : i32
      %sub3A_795 = arith.subi %div3A, %sub3A : i32
      %select_n3A = arith.select %and3A, %sub3A_795, %div3A : i32
      %jit3A_796 = arith.constant 8 : i32
      %eq3A = arith.constant 0 : i32
      %eq3A_797 = arith.cmpi eq, %jit3A_796, %eq3A : i32
      %jit3A_798 = arith.constant 1 : i32
      %select_n3A_799 = arith.select %eq3A_797, %jit3A_798, %jit3A_796 : i32
      %rem3A_800 = arith.remsi %scan3A_779, %select_n3A_799 : i32
      %ne3A_801 = arith.constant 0 : i32
      %ne3A_802 = arith.cmpi ne, %rem3A_800, %ne3A_801 : i32
      %lt3A = arith.constant 0 : i32
      %lt3A_803 = arith.cmpi slt, %rem3A_800, %lt3A : i32
      %lt3A_804 = arith.constant 0 : i32
      %lt3A_805 = arith.cmpi slt, %select_n3A_799, %lt3A_804 : i32
      %ne3A_806 = arith.xori %lt3A_803, %lt3A_805 : i1
      %and3A_807 = arith.andi %ne3A_806, %ne3A_802 : i1
      %add3A_808 = arith.addi %rem3A_800, %select_n3A_799 : i32
      %select_n3A_809 = arith.select %and3A_807, %add3A_808, %rem3A_800 : i32
      %mul3A_810 = arith.constant 16 : i32
      %mul3A_811 = arith.muli %select_n3A_809, %mul3A_810 : i32
      %swap3A = arith.constant 0 : i32
      %swap3A_812 = arith.index_cast %swap3A : i32 to index
      %swap3A_813 = arith.index_cast %select_n3A : i32 to index
      %swap3A_814 = arith.index_cast %mul3A_811 : i32 to index
      %swap3A_815 = tpu.vector_load %arg8[%swap3A_812, %swap3A_813, %swap3A_814] {strides = array<i32>} : memref<4x80x128xf32, #tpu.memory_space<vmem>>, vector<1x1x16xf32>,
      %swap3A_816 = vector.shape_cast %swap3A_815 : vector<1x1x16xf32> to vector<16xf32>
      %swap3A_817 = vector.shape_cast %broadcast_in_dim3A_198 : vector<16xf32> to vector<1x1x16xf32>
      tpu.vector_store %arg8[%swap3A_812, %swap3A_813, %swap3A_814], %swap3A_817 {strides = array<i32>} : memref<4x80x128xf32, #tpu.memory_space<vmem>>, vector<1x1x16xf32>,
    }
    %scan3A_204 = arith.constant 640 : i32
    %scan3A_205 = arith.constant 0 : i32
    %scan3A_206 = arith.constant 40 : i32
    %scan3A_207 = arith.addi %scan3A_205, %scan3A_206 : i32
    %scan3A_208 = arith.constant 1 : i32
    scf.for %scan3A_779 = %scan3A_205 to %scan3A_207 step %scan3A_208  : i32 {
      %mul3A_780 = arith.constant 16 : i32
      %mul3A_781 = arith.muli %scan3A_779, %mul3A_780 : i32
      %swap3A = arith.index_cast %mul3A_781 : i32 to index
      %swap3A_782 = tpu.vector_load %arg10[%swap3A] {strides = array<i32>} : memref<640xf32, #tpu.memory_space<vmem>>, vector<16xf32>,
      %swap3A_783 = vector.shape_cast %swap3A_782 : vector<16xf32> to vector<16xf32>
      %swap3A_784 = vector.shape_cast %broadcast_in_dim3A_198 : vector<16xf32> to vector<16xf32>
      tpu.vector_store %arg10[%swap3A], %swap3A_784 {strides = array<i32>} : memref<640xf32, #tpu.memory_space<vmem>>, vector<16xf32>,
    }
    %scan3A_209 = arith.constant 40 : i32
    %scan3A_210 = arith.constant 0 : i32
    %scan3A_211 = arith.constant 5 : i32
    %scan3A_212 = arith.addi %scan3A_210, %scan3A_211 : i32
    %scan3A_213 = arith.constant 1 : i32
    scf.for %scan3A_779 = %scan3A_210 to %scan3A_212 step %scan3A_213  : i32 {
      %mul3A_780 = arith.constant 16 : i32
      %mul3A_781 = arith.muli %scan3A_779, %mul3A_780 : i32
      %swap3A = arith.index_cast %mul3A_781 : i32 to index
      %swap3A_782 = tpu.vector_load %arg9[%swap3A] {strides = array<i32>} : memref<80xf32, #tpu.memory_space<vmem>>, vector<16xf32>,
      %swap3A_783 = vector.shape_cast %swap3A_782 : vector<16xf32> to vector<16xf32>
      %swap3A_784 = vector.shape_cast %broadcast_in_dim3A_200 : vector<16xf32> to vector<16xf32>
      tpu.vector_store %arg9[%swap3A], %swap3A_784 {strides = array<i32>} : memref<80xf32, #tpu.memory_space<vmem>>, vector<16xf32>,
    }
    %scan3A_214 = arith.constant 5 : i32
    %mul3A_215 = arith.constant 640 : i32
    %mul3A_216 = arith.muli %arg1, %mul3A_215 : i32
    %add3A_217 = arith.constant 0 : i32
    %add3A_218 = arith.addi %mul3A_216, %add3A_217 : i32
    %run_scoped3A = arith.constant 0 : i32
    "tpu.region"() ({
      %run_scoped3A_779 = tpu.sem_alloc : memref<!tpu.dma_semaphore, #tpu.memory_space<semaphore_mem>>
      %dma_start3A_780 = arith.constant 0 : i32
      %dma_start3A_781 = arith.constant 0 : i32
      %dma_start3A_782 = tpu.memref_slice %arg8[%run_scoped3A, %dma_start3A_780, %dma_start3A_781] : memref<4x80x128xf32, #tpu.memory_space<vmem>> -> memref<1x80x128xf32, #tpu.memory_space<vmem>>
      %dma_start3A_783 = tpu.memref_squeeze %dma_start3A_782 : memref<1x80x128xf32, #tpu.memory_space<vmem>> -> memref<80x128xf32, #tpu.memory_space<vmem>>
      %dma_start3A_784 = arith.constant 0 : i32
      %dma_start3A_785 = tpu.memref_slice %arg15[%add3A_218, %dma_start3A_784] : memref<10240x128xf32, #tpu.memory_space<vmem_shared>> -> memref<80x128xf32, #tpu.memory_space<vmem_shared>>
      %dma_start3A_786 = arith.constant 0 : i32
      %dma_start3A_787 = tpu.memref_slice %arg15[%add3A_218, %dma_start3A_786] : memref<10240x128xf32, #tpu.memory_space<vmem_shared>> -> memref<80x128xf32, #tpu.memory_space<vmem_shared>>
      %dma_start3A_788 = arith.constant 0 : i32
      %dma_start3A_789 = arith.constant 0 : i32
      %dma_start3A_790 = tpu.memref_slice %arg8[%run_scoped3A, %dma_start3A_788, %dma_start3A_789] : memref<4x80x128xf32, #tpu.memory_space<vmem>> -> memref<1x80x128xf32, #tpu.memory_space<vmem>>
      %dma_start3A_791 = tpu.memref_squeeze %dma_start3A_790 : memref<1x80x128xf32, #tpu.memory_space<vmem>> -> memref<80x128xf32, #tpu.memory_space<vmem>>
      tpu.enqueue_dma source(%dma_start3A_791 : memref<80x128xf32, #tpu.memory_space<vmem>>) target(%dma_start3A_787 : memref<80x128xf32, #tpu.memory_space<vmem_shared>>) target_semaphore(%run_scoped3A_779 : memref<!tpu.dma_semaphore, #tpu.memory_space<semaphore_mem>>)
      %dma_wait3A_792 = arith.constant 0 : i32
      %dma_wait3A_793 = arith.constant 0 : i32
      %dma_wait3A_794 = tpu.memref_slice %arg8[%run_scoped3A, %dma_wait3A_792, %dma_wait3A_793] : memref<4x80x128xf32, #tpu.memory_space<vmem>> -> memref<1x80x128xf32, #tpu.memory_space<vmem>>
      %dma_wait3A_795 = tpu.memref_squeeze %dma_wait3A_794 : memref<1x80x128xf32, #tpu.memory_space<vmem>> -> memref<80x128xf32, #tpu.memory_space<vmem>>
      %dma_wait3A_796 = arith.constant 0 : i32
      %dma_wait3A_797 = tpu.memref_slice %arg15[%add3A_218, %dma_wait3A_796] : memref<10240x128xf32, #tpu.memory_space<vmem_shared>> -> memref<80x128xf32, #tpu.memory_space<vmem_shared>>
      %dma_wait3A_798 = arith.constant 0 : i32
      %dma_wait3A_799 = tpu.memref_slice %arg15[%add3A_218, %dma_wait3A_798] : memref<10240x128xf32, #tpu.memory_space<vmem_shared>> -> memref<80x128xf32, #tpu.memory_space<vmem_shared>>
      %dma_wait3A_800 = arith.constant 0 : i32
      %dma_wait3A_801 = arith.constant 0 : i32
      %dma_wait3A_802 = tpu.memref_slice %arg8[%run_scoped3A, %dma_wait3A_800, %dma_wait3A_801] : memref<4x80x128xf32, #tpu.memory_space<vmem>> -> memref<1x80x128xf32, #tpu.memory_space<vmem>>
      %dma_wait3A_803 = tpu.memref_squeeze %dma_wait3A_802 : memref<1x80x128xf32, #tpu.memory_space<vmem>> -> memref<80x128xf32, #tpu.memory_space<vmem>>
      tpu.wait_dma2 semaphore(%run_scoped3A_779 : memref<!tpu.dma_semaphore, #tpu.memory_space<semaphore_mem>>) src(%dma_wait3A_803 : memref<80x128xf32, #tpu.memory_space<vmem>>) dst(%dma_wait3A_799 : memref<80x128xf32, #tpu.memory_space<vmem_shared>>)
      tpu.yield
    }) : () -> ()
    %add3A_219 = arith.constant 80 : i32
    %add3A_220 = arith.addi %mul3A_216, %add3A_219 : i32
    %run_scoped3A_221 = arith.constant 0 : i32
    "tpu.region"() ({
      %run_scoped3A_779 = tpu.sem_alloc : memref<!tpu.dma_semaphore, #tpu.memory_space<semaphore_mem>>
      %dma_start3A_780 = arith.constant 0 : i32
      %dma_start3A_781 = arith.constant 0 : i32
      %dma_start3A_782 = tpu.memref_slice %arg8[%run_scoped3A_221, %dma_start3A_780, %dma_start3A_781] : memref<4x80x128xf32, #tpu.memory_space<vmem>> -> memref<1x80x128xf32, #tpu.memory_space<vmem>>
      %dma_start3A_783 = tpu.memref_squeeze %dma_start3A_782 : memref<1x80x128xf32, #tpu.memory_space<vmem>> -> memref<80x128xf32, #tpu.memory_space<vmem>>
      %dma_start3A_784 = arith.constant 0 : i32
      %dma_start3A_785 = tpu.memref_slice %arg15[%add3A_220, %dma_start3A_784] : memref<10240x128xf32, #tpu.memory_space<vmem_shared>> -> memref<80x128xf32, #tpu.memory_space<vmem_shared>>
      %dma_start3A_786 = arith.constant 0 : i32
      %dma_start3A_787 = tpu.memref_slice %arg15[%add3A_220, %dma_start3A_786] : memref<10240x128xf32, #tpu.memory_space<vmem_shared>> -> memref<80x128xf32, #tpu.memory_space<vmem_shared>>
      %dma_start3A_788 = arith.constant 0 : i32
      %dma_start3A_789 = arith.constant 0 : i32
      %dma_start3A_790 = tpu.memref_slice %arg8[%run_scoped3A_221, %dma_start3A_788, %dma_start3A_789] : memref<4x80x128xf32, #tpu.memory_space<vmem>> -> memref<1x80x128xf32, #tpu.memory_space<vmem>>
      %dma_start3A_791 = tpu.memref_squeeze %dma_start3A_790 : memref<1x80x128xf32, #tpu.memory_space<vmem>> -> memref<80x128xf32, #tpu.memory_space<vmem>>
      tpu.enqueue_dma source(%dma_start3A_791 : memref<80x128xf32, #tpu.memory_space<vmem>>) target(%dma_start3A_787 : memref<80x128xf32, #tpu.memory_space<vmem_shared>>) target_semaphore(%run_scoped3A_779 : memref<!tpu.dma_semaphore, #tpu.memory_space<semaphore_mem>>)
      %dma_wait3A_792 = arith.constant 0 : i32
      %dma_wait3A_793 = arith.constant 0 : i32
      %dma_wait3A_794 = tpu.memref_slice %arg8[%run_scoped3A_221, %dma_wait3A_792, %dma_wait3A_793] : memref<4x80x128xf32, #tpu.memory_space<vmem>> -> memref<1x80x128xf32, #tpu.memory_space<vmem>>
      %dma_wait3A_795 = tpu.memref_squeeze %dma_wait3A_794 : memref<1x80x128xf32, #tpu.memory_space<vmem>> -> memref<80x128xf32, #tpu.memory_space<vmem>>
      %dma_wait3A_796 = arith.constant 0 : i32
      %dma_wait3A_797 = tpu.memref_slice %arg15[%add3A_220, %dma_wait3A_796] : memref<10240x128xf32, #tpu.memory_space<vmem_shared>> -> memref<80x128xf32, #tpu.memory_space<vmem_shared>>
      %dma_wait3A_798 = arith.constant 0 : i32
      %dma_wait3A_799 = tpu.memref_slice %arg15[%add3A_220, %dma_wait3A_798] : memref<10240x128xf32, #tpu.memory_space<vmem_shared>> -> memref<80x128xf32, #tpu.memory_space<vmem_shared>>
      %dma_wait3A_800 = arith.constant 0 : i32
      %dma_wait3A_801 = arith.constant 0 : i32
      %dma_wait3A_802 = tpu.memref_slice %arg8[%run_scoped3A_221, %dma_wait3A_800, %dma_wait3A_801] : memref<4x80x128xf32, #tpu.memory_space<vmem>> -> memref<1x80x128xf32, #tpu.memory_space<vmem>>
      %dma_wait3A_803 = tpu.memref_squeeze %dma_wait3A_802 : memref<1x80x128xf32, #tpu.memory_space<vmem>> -> memref<80x128xf32, #tpu.memory_space<vmem>>
      tpu.wait_dma2 semaphore(%run_scoped3A_779 : memref<!tpu.dma_semaphore, #tpu.memory_space<semaphore_mem>>) src(%dma_wait3A_803 : memref<80x128xf32, #tpu.memory_space<vmem>>) dst(%dma_wait3A_799 : memref<80x128xf32, #tpu.memory_space<vmem_shared>>)
      tpu.yield
    }) : () -> ()
    %add3A_222 = arith.constant 160 : i32
    %add3A_223 = arith.addi %mul3A_216, %add3A_222 : i32
    %run_scoped3A_224 = arith.constant 0 : i32
    "tpu.region"() ({
      %run_scoped3A_779 = tpu.sem_alloc : memref<!tpu.dma_semaphore, #tpu.memory_space<semaphore_mem>>
      %dma_start3A_780 = arith.constant 0 : i32
      %dma_start3A_781 = arith.constant 0 : i32
      %dma_start3A_782 = tpu.memref_slice %arg8[%run_scoped3A_224, %dma_start3A_780, %dma_start3A_781] : memref<4x80x128xf32, #tpu.memory_space<vmem>> -> memref<1x80x128xf32, #tpu.memory_space<vmem>>
      %dma_start3A_783 = tpu.memref_squeeze %dma_start3A_782 : memref<1x80x128xf32, #tpu.memory_space<vmem>> -> memref<80x128xf32, #tpu.memory_space<vmem>>
      %dma_start3A_784 = arith.constant 0 : i32
      %dma_start3A_785 = tpu.memref_slice %arg15[%add3A_223, %dma_start3A_784] : memref<10240x128xf32, #tpu.memory_space<vmem_shared>> -> memref<80x128xf32, #tpu.memory_space<vmem_shared>>
      %dma_start3A_786 = arith.constant 0 : i32
      %dma_start3A_787 = tpu.memref_slice %arg15[%add3A_223, %dma_start3A_786] : memref<10240x128xf32, #tpu.memory_space<vmem_shared>> -> memref<80x128xf32, #tpu.memory_space<vmem_shared>>
      %dma_start3A_788 = arith.constant 0 : i32
      %dma_start3A_789 = arith.constant 0 : i32
      %dma_start3A_790 = tpu.memref_slice %arg8[%run_scoped3A_224, %dma_start3A_788, %dma_start3A_789] : memref<4x80x128xf32, #tpu.memory_space<vmem>> -> memref<1x80x128xf32, #tpu.memory_space<vmem>>
      %dma_start3A_791 = tpu.memref_squeeze %dma_start3A_790 : memref<1x80x128xf32, #tpu.memory_space<vmem>> -> memref<80x128xf32, #tpu.memory_space<vmem>>
      tpu.enqueue_dma source(%dma_start3A_791 : memref<80x128xf32, #tpu.memory_space<vmem>>) target(%dma_start3A_787 : memref<80x128xf32, #tpu.memory_space<vmem_shared>>) target_semaphore(%run_scoped3A_779 : memref<!tpu.dma_semaphore, #tpu.memory_space<semaphore_mem>>)
      %dma_wait3A_792 = arith.constant 0 : i32
      %dma_wait3A_793 = arith.constant 0 : i32
      %dma_wait3A_794 = tpu.memref_slice %arg8[%run_scoped3A_224, %dma_wait3A_792, %dma_wait3A_793] : memref<4x80x128xf32, #tpu.memory_space<vmem>> -> memref<1x80x128xf32, #tpu.memory_space<vmem>>
      %dma_wait3A_795 = tpu.memref_squeeze %dma_wait3A_794 : memref<1x80x128xf32, #tpu.memory_space<vmem>> -> memref<80x128xf32, #tpu.memory_space<vmem>>
      %dma_wait3A_796 = arith.constant 0 : i32
      %dma_wait3A_797 = tpu.memref_slice %arg15[%add3A_223, %dma_wait3A_796] : memref<10240x128xf32, #tpu.memory_space<vmem_shared>> -> memref<80x128xf32, #tpu.memory_space<vmem_shared>>
      %dma_wait3A_798 = arith.constant 0 : i32
      %dma_wait3A_799 = tpu.memref_slice %arg15[%add3A_223, %dma_wait3A_798] : memref<10240x128xf32, #tpu.memory_space<vmem_shared>> -> memref<80x128xf32, #tpu.memory_space<vmem_shared>>
      %dma_wait3A_800 = arith.constant 0 : i32
      %dma_wait3A_801 = arith.constant 0 : i32
      %dma_wait3A_802 = tpu.memref_slice %arg8[%run_scoped3A_224, %dma_wait3A_800, %dma_wait3A_801] : memref<4x80x128xf32, #tpu.memory_space<vmem>> -> memref<1x80x128xf32, #tpu.memory_space<vmem>>
      %dma_wait3A_803 = tpu.memref_squeeze %dma_wait3A_802 : memref<1x80x128xf32, #tpu.memory_space<vmem>> -> memref<80x128xf32, #tpu.memory_space<vmem>>
      tpu.wait_dma2 semaphore(%run_scoped3A_779 : memref<!tpu.dma_semaphore, #tpu.memory_space<semaphore_mem>>) src(%dma_wait3A_803 : memref<80x128xf32, #tpu.memory_space<vmem>>) dst(%dma_wait3A_799 : memref<80x128xf32, #tpu.memory_space<vmem_shared>>)
      tpu.yield
    }) : () -> ()
    %add3A_225 = arith.constant 240 : i32
    %add3A_226 = arith.addi %mul3A_216, %add3A_225 : i32
    %run_scoped3A_227 = arith.constant 0 : i32
    "tpu.region"() ({
      %run_scoped3A_779 = tpu.sem_alloc : memref<!tpu.dma_semaphore, #tpu.memory_space<semaphore_mem>>
      %dma_start3A_780 = arith.constant 0 : i32
      %dma_start3A_781 = arith.constant 0 : i32
      %dma_start3A_782 = tpu.memref_slice %arg8[%run_scoped3A_227, %dma_start3A_780, %dma_start3A_781] : memref<4x80x128xf32, #tpu.memory_space<vmem>> -> memref<1x80x128xf32, #tpu.memory_space<vmem>>
      %dma_start3A_783 = tpu.memref_squeeze %dma_start3A_782 : memref<1x80x128xf32, #tpu.memory_space<vmem>> -> memref<80x128xf32, #tpu.memory_space<vmem>>
      %dma_start3A_784 = arith.constant 0 : i32
      %dma_start3A_785 = tpu.memref_slice %arg15[%add3A_226, %dma_start3A_784] : memref<10240x128xf32, #tpu.memory_space<vmem_shared>> -> memref<80x128xf32, #tpu.memory_space<vmem_shared>>
      %dma_start3A_786 = arith.constant 0 : i32
      %dma_start3A_787 = tpu.memref_slice %arg15[%add3A_226, %dma_start3A_786] : memref<10240x128xf32, #tpu.memory_space<vmem_shared>> -> memref<80x128xf32, #tpu.memory_space<vmem_shared>>
      %dma_start3A_788 = arith.constant 0 : i32
      %dma_start3A_789 = arith.constant 0 : i32
      %dma_start3A_790 = tpu.memref_slice %arg8[%run_scoped3A_227, %dma_start3A_788, %dma_start3A_789] : memref<4x80x128xf32, #tpu.memory_space<vmem>> -> memref<1x80x128xf32, #tpu.memory_space<vmem>>
      %dma_start3A_791 = tpu.memref_squeeze %dma_start3A_790 : memref<1x80x128xf32, #tpu.memory_space<vmem>> -> memref<80x128xf32, #tpu.memory_space<vmem>>
      tpu.enqueue_dma source(%dma_start3A_791 : memref<80x128xf32, #tpu.memory_space<vmem>>) target(%dma_start3A_787 : memref<80x128xf32, #tpu.memory_space<vmem_shared>>) target_semaphore(%run_scoped3A_779 : memref<!tpu.dma_semaphore, #tpu.memory_space<semaphore_mem>>)
      %dma_wait3A_792 = arith.constant 0 : i32
      %dma_wait3A_793 = arith.constant 0 : i32
      %dma_wait3A_794 = tpu.memref_slice %arg8[%run_scoped3A_227, %dma_wait3A_792, %dma_wait3A_793] : memref<4x80x128xf32, #tpu.memory_space<vmem>> -> memref<1x80x128xf32, #tpu.memory_space<vmem>>
      %dma_wait3A_795 = tpu.memref_squeeze %dma_wait3A_794 : memref<1x80x128xf32, #tpu.memory_space<vmem>> -> memref<80x128xf32, #tpu.memory_space<vmem>>
      %dma_wait3A_796 = arith.constant 0 : i32
      %dma_wait3A_797 = tpu.memref_slice %arg15[%add3A_226, %dma_wait3A_796] : memref<10240x128xf32, #tpu.memory_space<vmem_shared>> -> memref<80x128xf32, #tpu.memory_space<vmem_shared>>
      %dma_wait3A_798 = arith.constant 0 : i32
      %dma_wait3A_799 = tpu.memref_slice %arg15[%add3A_226, %dma_wait3A_798] : memref<10240x128xf32, #tpu.memory_space<vmem_shared>> -> memref<80x128xf32, #tpu.memory_space<vmem_shared>>
      %dma_wait3A_800 = arith.constant 0 : i32
      %dma_wait3A_801 = arith.constant 0 : i32
      %dma_wait3A_802 = tpu.memref_slice %arg8[%run_scoped3A_227, %dma_wait3A_800, %dma_wait3A_801] : memref<4x80x128xf32, #tpu.memory_space<vmem>> -> memref<1x80x128xf32, #tpu.memory_space<vmem>>
      %dma_wait3A_803 = tpu.memref_squeeze %dma_wait3A_802 : memref<1x80x128xf32, #tpu.memory_space<vmem>> -> memref<80x128xf32, #tpu.memory_space<vmem>>
      tpu.wait_dma2 semaphore(%run_scoped3A_779 : memref<!tpu.dma_semaphore, #tpu.memory_space<semaphore_mem>>) src(%dma_wait3A_803 : memref<80x128xf32, #tpu.memory_space<vmem>>) dst(%dma_wait3A_799 : memref<80x128xf32, #tpu.memory_space<vmem_shared>>)
      tpu.yield
    }) : () -> ()
    %add3A_228 = arith.constant 320 : i32
    %add3A_229 = arith.addi %mul3A_216, %add3A_228 : i32
    %run_scoped3A_230 = arith.constant 0 : i32
    "tpu.region"() ({
      %run_scoped3A_779 = tpu.sem_alloc : memref<!tpu.dma_semaphore, #tpu.memory_space<semaphore_mem>>
      %dma_start3A_780 = arith.constant 0 : i32
      %dma_start3A_781 = arith.constant 0 : i32
      %dma_start3A_782 = tpu.memref_slice %arg8[%run_scoped3A_230, %dma_start3A_780, %dma_start3A_781] : memref<4x80x128xf32, #tpu.memory_space<vmem>> -> memref<1x80x128xf32, #tpu.memory_space<vmem>>
      %dma_start3A_783 = tpu.memref_squeeze %dma_start3A_782 : memref<1x80x128xf32, #tpu.memory_space<vmem>> -> memref<80x128xf32, #tpu.memory_space<vmem>>
      %dma_start3A_784 = arith.constant 0 : i32
      %dma_start3A_785 = tpu.memref_slice %arg15[%add3A_229, %dma_start3A_784] : memref<10240x128xf32, #tpu.memory_space<vmem_shared>> -> memref<80x128xf32, #tpu.memory_space<vmem_shared>>
      %dma_start3A_786 = arith.constant 0 : i32
      %dma_start3A_787 = tpu.memref_slice %arg15[%add3A_229, %dma_start3A_786] : memref<10240x128xf32, #tpu.memory_space<vmem_shared>> -> memref<80x128xf32, #tpu.memory_space<vmem_shared>>
      %dma_start3A_788 = arith.constant 0 : i32
      %dma_start3A_789 = arith.constant 0 : i32
      %dma_start3A_790 = tpu.memref_slice %arg8[%run_scoped3A_230, %dma_start3A_788, %dma_start3A_789] : memref<4x80x128xf32, #tpu.memory_space<vmem>> -> memref<1x80x128xf32, #tpu.memory_space<vmem>>
      %dma_start3A_791 = tpu.memref_squeeze %dma_start3A_790 : memref<1x80x128xf32, #tpu.memory_space<vmem>> -> memref<80x128xf32, #tpu.memory_space<vmem>>
      tpu.enqueue_dma source(%dma_start3A_791 : memref<80x128xf32, #tpu.memory_space<vmem>>) target(%dma_start3A_787 : memref<80x128xf32, #tpu.memory_space<vmem_shared>>) target_semaphore(%run_scoped3A_779 : memref<!tpu.dma_semaphore, #tpu.memory_space<semaphore_mem>>)
      %dma_wait3A_792 = arith.constant 0 : i32
      %dma_wait3A_793 = arith.constant 0 : i32
      %dma_wait3A_794 = tpu.memref_slice %arg8[%run_scoped3A_230, %dma_wait3A_792, %dma_wait3A_793] : memref<4x80x128xf32, #tpu.memory_space<vmem>> -> memref<1x80x128xf32, #tpu.memory_space<vmem>>
      %dma_wait3A_795 = tpu.memref_squeeze %dma_wait3A_794 : memref<1x80x128xf32, #tpu.memory_space<vmem>> -> memref<80x128xf32, #tpu.memory_space<vmem>>
      %dma_wait3A_796 = arith.constant 0 : i32
      %dma_wait3A_797 = tpu.memref_slice %arg15[%add3A_229, %dma_wait3A_796] : memref<10240x128xf32, #tpu.memory_space<vmem_shared>> -> memref<80x128xf32, #tpu.memory_space<vmem_shared>>
      %dma_wait3A_798 = arith.constant 0 : i32
      %dma_wait3A_799 = tpu.memref_slice %arg15[%add3A_229, %dma_wait3A_798] : memref<10240x128xf32, #tpu.memory_space<vmem_shared>> -> memref<80x128xf32, #tpu.memory_space<vmem_shared>>
      %dma_wait3A_800 = arith.constant 0 : i32
      %dma_wait3A_801 = arith.constant 0 : i32
      %dma_wait3A_802 = tpu.memref_slice %arg8[%run_scoped3A_230, %dma_wait3A_800, %dma_wait3A_801] : memref<4x80x128xf32, #tpu.memory_space<vmem>> -> memref<1x80x128xf32, #tpu.memory_space<vmem>>
      %dma_wait3A_803 = tpu.memref_squeeze %dma_wait3A_802 : memref<1x80x128xf32, #tpu.memory_space<vmem>> -> memref<80x128xf32, #tpu.memory_space<vmem>>
      tpu.wait_dma2 semaphore(%run_scoped3A_779 : memref<!tpu.dma_semaphore, #tpu.memory_space<semaphore_mem>>) src(%dma_wait3A_803 : memref<80x128xf32, #tpu.memory_space<vmem>>) dst(%dma_wait3A_799 : memref<80x128xf32, #tpu.memory_space<vmem_shared>>)
      tpu.yield
    }) : () -> ()
    %add3A_231 = arith.constant 400 : i32
    %add3A_232 = arith.addi %mul3A_216, %add3A_231 : i32
    %run_scoped3A_233 = arith.constant 0 : i32
    "tpu.region"() ({
      %run_scoped3A_779 = tpu.sem_alloc : memref<!tpu.dma_semaphore, #tpu.memory_space<semaphore_mem>>
      %dma_start3A_780 = arith.constant 0 : i32
      %dma_start3A_781 = arith.constant 0 : i32
      %dma_start3A_782 = tpu.memref_slice %arg8[%run_scoped3A_233, %dma_start3A_780, %dma_start3A_781] : memref<4x80x128xf32, #tpu.memory_space<vmem>> -> memref<1x80x128xf32, #tpu.memory_space<vmem>>
      %dma_start3A_783 = tpu.memref_squeeze %dma_start3A_782 : memref<1x80x128xf32, #tpu.memory_space<vmem>> -> memref<80x128xf32, #tpu.memory_space<vmem>>
      %dma_start3A_784 = arith.constant 0 : i32
      %dma_start3A_785 = tpu.memref_slice %arg15[%add3A_232, %dma_start3A_784] : memref<10240x128xf32, #tpu.memory_space<vmem_shared>> -> memref<80x128xf32, #tpu.memory_space<vmem_shared>>
      %dma_start3A_786 = arith.constant 0 : i32
      %dma_start3A_787 = tpu.memref_slice %arg15[%add3A_232, %dma_start3A_786] : memref<10240x128xf32, #tpu.memory_space<vmem_shared>> -> memref<80x128xf32, #tpu.memory_space<vmem_shared>>
      %dma_start3A_788 = arith.constant 0 : i32
      %dma_start3A_789 = arith.constant 0 : i32
      %dma_start3A_790 = tpu.memref_slice %arg8[%run_scoped3A_233, %dma_start3A_788, %dma_start3A_789] : memref<4x80x128xf32, #tpu.memory_space<vmem>> -> memref<1x80x128xf32, #tpu.memory_space<vmem>>
      %dma_start3A_791 = tpu.memref_squeeze %dma_start3A_790 : memref<1x80x128xf32, #tpu.memory_space<vmem>> -> memref<80x128xf32, #tpu.memory_space<vmem>>
      tpu.enqueue_dma source(%dma_start3A_791 : memref<80x128xf32, #tpu.memory_space<vmem>>) target(%dma_start3A_787 : memref<80x128xf32, #tpu.memory_space<vmem_shared>>) target_semaphore(%run_scoped3A_779 : memref<!tpu.dma_semaphore, #tpu.memory_space<semaphore_mem>>)
      %dma_wait3A_792 = arith.constant 0 : i32
      %dma_wait3A_793 = arith.constant 0 : i32
      %dma_wait3A_794 = tpu.memref_slice %arg8[%run_scoped3A_233, %dma_wait3A_792, %dma_wait3A_793] : memref<4x80x128xf32, #tpu.memory_space<vmem>> -> memref<1x80x128xf32, #tpu.memory_space<vmem>>
      %dma_wait3A_795 = tpu.memref_squeeze %dma_wait3A_794 : memref<1x80x128xf32, #tpu.memory_space<vmem>> -> memref<80x128xf32, #tpu.memory_space<vmem>>
      %dma_wait3A_796 = arith.constant 0 : i32
      %dma_wait3A_797 = tpu.memref_slice %arg15[%add3A_232, %dma_wait3A_796] : memref<10240x128xf32, #tpu.memory_space<vmem_shared>> -> memref<80x128xf32, #tpu.memory_space<vmem_shared>>
      %dma_wait3A_798 = arith.constant 0 : i32
      %dma_wait3A_799 = tpu.memref_slice %arg15[%add3A_232, %dma_wait3A_798] : memref<10240x128xf32, #tpu.memory_space<vmem_shared>> -> memref<80x128xf32, #tpu.memory_space<vmem_shared>>
      %dma_wait3A_800 = arith.constant 0 : i32
      %dma_wait3A_801 = arith.constant 0 : i32
      %dma_wait3A_802 = tpu.memref_slice %arg8[%run_scoped3A_233, %dma_wait3A_800, %dma_wait3A_801] : memref<4x80x128xf32, #tpu.memory_space<vmem>> -> memref<1x80x128xf32, #tpu.memory_space<vmem>>
      %dma_wait3A_803 = tpu.memref_squeeze %dma_wait3A_802 : memref<1x80x128xf32, #tpu.memory_space<vmem>> -> memref<80x128xf32, #tpu.memory_space<vmem>>
      tpu.wait_dma2 semaphore(%run_scoped3A_779 : memref<!tpu.dma_semaphore, #tpu.memory_space<semaphore_mem>>) src(%dma_wait3A_803 : memref<80x128xf32, #tpu.memory_space<vmem>>) dst(%dma_wait3A_799 : memref<80x128xf32, #tpu.memory_space<vmem_shared>>)
      tpu.yield
    }) : () -> ()
    %add3A_234 = arith.constant 480 : i32
    %add3A_235 = arith.addi %mul3A_216, %add3A_234 : i32
    %run_scoped3A_236 = arith.constant 0 : i32
    "tpu.region"() ({
      %run_scoped3A_779 = tpu.sem_alloc : memref<!tpu.dma_semaphore, #tpu.memory_space<semaphore_mem>>
      %dma_start3A_780 = arith.constant 0 : i32
      %dma_start3A_781 = arith.constant 0 : i32
      %dma_start3A_782 = tpu.memref_slice %arg8[%run_scoped3A_236, %dma_start3A_780, %dma_start3A_781] : memref<4x80x128xf32, #tpu.memory_space<vmem>> -> memref<1x80x128xf32, #tpu.memory_space<vmem>>
      %dma_start3A_783 = tpu.memref_squeeze %dma_start3A_782 : memref<1x80x128xf32, #tpu.memory_space<vmem>> -> memref<80x128xf32, #tpu.memory_space<vmem>>
      %dma_start3A_784 = arith.constant 0 : i32
      %dma_start3A_785 = tpu.memref_slice %arg15[%add3A_235, %dma_start3A_784] : memref<10240x128xf32, #tpu.memory_space<vmem_shared>> -> memref<80x128xf32, #tpu.memory_space<vmem_shared>>
      %dma_start3A_786 = arith.constant 0 : i32
      %dma_start3A_787 = tpu.memref_slice %arg15[%add3A_235, %dma_start3A_786] : memref<10240x128xf32, #tpu.memory_space<vmem_shared>> -> memref<80x128xf32, #tpu.memory_space<vmem_shared>>
      %dma_start3A_788 = arith.constant 0 : i32
      %dma_start3A_789 = arith.constant 0 : i32
      %dma_start3A_790 = tpu.memref_slice %arg8[%run_scoped3A_236, %dma_start3A_788, %dma_start3A_789] : memref<4x80x128xf32, #tpu.memory_space<vmem>> -> memref<1x80x128xf32, #tpu.memory_space<vmem>>
      %dma_start3A_791 = tpu.memref_squeeze %dma_start3A_790 : memref<1x80x128xf32, #tpu.memory_space<vmem>> -> memref<80x128xf32, #tpu.memory_space<vmem>>
      tpu.enqueue_dma source(%dma_start3A_791 : memref<80x128xf32, #tpu.memory_space<vmem>>) target(%dma_start3A_787 : memref<80x128xf32, #tpu.memory_space<vmem_shared>>) target_semaphore(%run_scoped3A_779 : memref<!tpu.dma_semaphore, #tpu.memory_space<semaphore_mem>>)
      %dma_wait3A_792 = arith.constant 0 : i32
      %dma_wait3A_793 = arith.constant 0 : i32
      %dma_wait3A_794 = tpu.memref_slice %arg8[%run_scoped3A_236, %dma_wait3A_792, %dma_wait3A_793] : memref<4x80x128xf32, #tpu.memory_space<vmem>> -> memref<1x80x128xf32, #tpu.memory_space<vmem>>
      %dma_wait3A_795 = tpu.memref_squeeze %dma_wait3A_794 : memref<1x80x128xf32, #tpu.memory_space<vmem>> -> memref<80x128xf32, #tpu.memory_space<vmem>>
      %dma_wait3A_796 = arith.constant 0 : i32
      %dma_wait3A_797 = tpu.memref_slice %arg15[%add3A_235, %dma_wait3A_796] : memref<10240x128xf32, #tpu.memory_space<vmem_shared>> -> memref<80x128xf32, #tpu.memory_space<vmem_shared>>
      %dma_wait3A_798 = arith.constant 0 : i32
      %dma_wait3A_799 = tpu.memref_slice %arg15[%add3A_235, %dma_wait3A_798] : memref<10240x128xf32, #tpu.memory_space<vmem_shared>> -> memref<80x128xf32, #tpu.memory_space<vmem_shared>>
      %dma_wait3A_800 = arith.constant 0 : i32
      %dma_wait3A_801 = arith.constant 0 : i32
      %dma_wait3A_802 = tpu.memref_slice %arg8[%run_scoped3A_236, %dma_wait3A_800, %dma_wait3A_801] : memref<4x80x128xf32, #tpu.memory_space<vmem>> -> memref<1x80x128xf32, #tpu.memory_space<vmem>>
      %dma_wait3A_803 = tpu.memref_squeeze %dma_wait3A_802 : memref<1x80x128xf32, #tpu.memory_space<vmem>> -> memref<80x128xf32, #tpu.memory_space<vmem>>
      tpu.wait_dma2 semaphore(%run_scoped3A_779 : memref<!tpu.dma_semaphore, #tpu.memory_space<semaphore_mem>>) src(%dma_wait3A_803 : memref<80x128xf32, #tpu.memory_space<vmem>>) dst(%dma_wait3A_799 : memref<80x128xf32, #tpu.memory_space<vmem_shared>>)
      tpu.yield
    }) : () -> ()
    %add3A_237 = arith.constant 560 : i32
    %add3A_238 = arith.addi %mul3A_216, %add3A_237 : i32
    %run_scoped3A_239 = arith.constant 0 : i32
    "tpu.region"() ({
      %run_scoped3A_779 = tpu.sem_alloc : memref<!tpu.dma_semaphore, #tpu.memory_space<semaphore_mem>>
      %dma_start3A_780 = arith.constant 0 : i32
      %dma_start3A_781 = arith.constant 0 : i32
      %dma_start3A_782 = tpu.memref_slice %arg8[%run_scoped3A_239, %dma_start3A_780, %dma_start3A_781] : memref<4x80x128xf32, #tpu.memory_space<vmem>> -> memref<1x80x128xf32, #tpu.memory_space<vmem>>
      %dma_start3A_783 = tpu.memref_squeeze %dma_start3A_782 : memref<1x80x128xf32, #tpu.memory_space<vmem>> -> memref<80x128xf32, #tpu.memory_space<vmem>>
      %dma_start3A_784 = arith.constant 0 : i32
      %dma_start3A_785 = tpu.memref_slice %arg15[%add3A_238, %dma_start3A_784] : memref<10240x128xf32, #tpu.memory_space<vmem_shared>> -> memref<80x128xf32, #tpu.memory_space<vmem_shared>>
      %dma_start3A_786 = arith.constant 0 : i32
      %dma_start3A_787 = tpu.memref_slice %arg15[%add3A_238, %dma_start3A_786] : memref<10240x128xf32, #tpu.memory_space<vmem_shared>> -> memref<80x128xf32, #tpu.memory_space<vmem_shared>>
      %dma_start3A_788 = arith.constant 0 : i32
      %dma_start3A_789 = arith.constant 0 : i32
      %dma_start3A_790 = tpu.memref_slice %arg8[%run_scoped3A_239, %dma_start3A_788, %dma_start3A_789] : memref<4x80x128xf32, #tpu.memory_space<vmem>> -> memref<1x80x128xf32, #tpu.memory_space<vmem>>
      %dma_start3A_791 = tpu.memref_squeeze %dma_start3A_790 : memref<1x80x128xf32, #tpu.memory_space<vmem>> -> memref<80x128xf32, #tpu.memory_space<vmem>>
      tpu.enqueue_dma source(%dma_start3A_791 : memref<80x128xf32, #tpu.memory_space<vmem>>) target(%dma_start3A_787 : memref<80x128xf32, #tpu.memory_space<vmem_shared>>) target_semaphore(%run_scoped3A_779 : memref<!tpu.dma_semaphore, #tpu.memory_space<semaphore_mem>>)
      %dma_wait3A_792 = arith.constant 0 : i32
      %dma_wait3A_793 = arith.constant 0 : i32
      %dma_wait3A_794 = tpu.memref_slice %arg8[%run_scoped3A_239, %dma_wait3A_792, %dma_wait3A_793] : memref<4x80x128xf32, #tpu.memory_space<vmem>> -> memref<1x80x128xf32, #tpu.memory_space<vmem>>
      %dma_wait3A_795 = tpu.memref_squeeze %dma_wait3A_794 : memref<1x80x128xf32, #tpu.memory_space<vmem>> -> memref<80x128xf32, #tpu.memory_space<vmem>>
      %dma_wait3A_796 = arith.constant 0 : i32
      %dma_wait3A_797 = tpu.memref_slice %arg15[%add3A_238, %dma_wait3A_796] : memref<10240x128xf32, #tpu.memory_space<vmem_shared>> -> memref<80x128xf32, #tpu.memory_space<vmem_shared>>
      %dma_wait3A_798 = arith.constant 0 : i32
      %dma_wait3A_799 = tpu.memref_slice %arg15[%add3A_238, %dma_wait3A_798] : memref<10240x128xf32, #tpu.memory_space<vmem_shared>> -> memref<80x128xf32, #tpu.memory_space<vmem_shared>>
      %dma_wait3A_800 = arith.constant 0 : i32
      %dma_wait3A_801 = arith.constant 0 : i32
      %dma_wait3A_802 = tpu.memref_slice %arg8[%run_scoped3A_239, %dma_wait3A_800, %dma_wait3A_801] : memref<4x80x128xf32, #tpu.memory_space<vmem>> -> memref<1x80x128xf32, #tpu.memory_space<vmem>>
      %dma_wait3A_803 = tpu.memref_squeeze %dma_wait3A_802 : memref<1x80x128xf32, #tpu.memory_space<vmem>> -> memref<80x128xf32, #tpu.memory_space<vmem>>
      tpu.wait_dma2 semaphore(%run_scoped3A_779 : memref<!tpu.dma_semaphore, #tpu.memory_space<semaphore_mem>>) src(%dma_wait3A_803 : memref<80x128xf32, #tpu.memory_space<vmem>>) dst(%dma_wait3A_799 : memref<80x128xf32, #tpu.memory_space<vmem_shared>>)
      tpu.yield
    }) : () -> ()
    "tpu.region"() ({
      %run_scoped3A_779 = tpu.sem_alloc : memref<!tpu.dma_semaphore, #tpu.memory_space<semaphore_mem>>
      %dma_start3A_780 = tpu.memref_slice %arg16[%mul3A_216] : memref<10240xf32, #tpu.memory_space<vmem_shared>> -> memref<640xf32, #tpu.memory_space<vmem_shared>>
      %dma_start3A_781 = tpu.memref_slice %arg16[%mul3A_216] : memref<10240xf32, #tpu.memory_space<vmem_shared>> -> memref<640xf32, #tpu.memory_space<vmem_shared>>
      tpu.enqueue_dma source(%arg10 : memref<640xf32, #tpu.memory_space<vmem>>) target(%dma_start3A_781 : memref<640xf32, #tpu.memory_space<vmem_shared>>) target_semaphore(%run_scoped3A_779 : memref<!tpu.dma_semaphore, #tpu.memory_space<semaphore_mem>>)
      %dma_wait3A_782 = tpu.memref_slice %arg16[%mul3A_216] : memref<10240xf32, #tpu.memory_space<vmem_shared>> -> memref<640xf32, #tpu.memory_space<vmem_shared>>
      %dma_wait3A_783 = tpu.memref_slice %arg16[%mul3A_216] : memref<10240xf32, #tpu.memory_space<vmem_shared>> -> memref<640xf32, #tpu.memory_space<vmem_shared>>
      tpu.wait_dma2 semaphore(%run_scoped3A_779 : memref<!tpu.dma_semaphore, #tpu.memory_space<semaphore_mem>>) src(%arg10 : memref<640xf32, #tpu.memory_space<vmem>>) dst(%dma_wait3A_783 : memref<640xf32, #tpu.memory_space<vmem_shared>>)
      tpu.yield
    }) : () -> ()
    %barrier3A = arith.constant 0 : index
    tpu.barrier barrier_id(%barrier3A)
    %dma_wait3A = arith.constant 0 : i32
    %dma_wait3A_240 = arith.constant 0 : i32
    %dma_wait3A_241 = arith.constant 0 : i32
    %dma_wait3A_242 = tpu.memref_slice %arg6[%dma_wait3A, %dma_wait3A_241] : memref<8x80xi32, #tpu.memory_space<vmem>> -> memref<1x80xi32, #tpu.memory_space<vmem>>
    %dma_wait3A_243 = tpu.memref_squeeze %dma_wait3A_242 : memref<1x80xi32, #tpu.memory_space<vmem>> -> memref<80xi32, #tpu.memory_space<vmem>>
    %dma_wait3A_244 = tpu.memref_slice %arg3[%mul3A_2] : memref<640000xi32, #tpu.memory_space<hbm>> -> memref<80xi32, #tpu.memory_space<hbm>>
    %dma_wait3A_245 = tpu.memref_slice %arg11[%dma_wait3A_240] : memref<8x!tpu.dma_semaphore, #tpu.memory_space<semaphore_mem>> -> memref<1x!tpu.dma_semaphore, #tpu.memory_space<semaphore_mem>>
    %dma_wait3A_246 = tpu.memref_squeeze %dma_wait3A_245 : memref<1x!tpu.dma_semaphore, #tpu.memory_space<semaphore_mem>> -> memref<!tpu.dma_semaphore, #tpu.memory_space<semaphore_mem>>
    %dma_wait3A_247 = arith.constant 0 : i32
    %dma_wait3A_248 = tpu.memref_slice %arg6[%dma_wait3A, %dma_wait3A_247] : memref<8x80xi32, #tpu.memory_space<vmem>> -> memref<1x80xi32, #tpu.memory_space<vmem>>
    %dma_wait3A_249 = tpu.memref_squeeze %dma_wait3A_248 : memref<1x80xi32, #tpu.memory_space<vmem>> -> memref<80xi32, #tpu.memory_space<vmem>>
    %dma_wait3A_250 = tpu.memref_slice %arg3[%mul3A_2] : memref<640000xi32, #tpu.memory_space<hbm>> -> memref<80xi32, #tpu.memory_space<hbm>>
    tpu.wait_dma2 semaphore(%dma_wait3A_246 : memref<!tpu.dma_semaphore, #tpu.memory_space<semaphore_mem>>) src(%dma_wait3A_250 : memref<80xi32, #tpu.memory_space<hbm>>) dst(%dma_wait3A_249 : memref<80xi32, #tpu.memory_space<vmem>>)
    %dma_start3A_251 = arith.constant 0 : i32
    %dma_start3A_252 = arith.constant 0 : i32
    %dma_start3A_253 = arith.constant 0 : i32
    %dma_start3A_254 = arith.constant 0 : i32
    %dma_start3A_255 = arith.constant 0 : i32
    %dma_start3A_256 = tpu.memref_slice %arg8[%dma_start3A_252, %dma_start3A_254, %dma_start3A_255] : memref<4x80x128xf32, #tpu.memory_space<vmem>> -> memref<1x80x128xf32, #tpu.memory_space<vmem>>
    %dma_start3A_257 = tpu.memref_squeeze %dma_start3A_256 : memref<1x80x128xf32, #tpu.memory_space<vmem>> -> memref<80x128xf32, #tpu.memory_space<vmem>>
    %dma_start3A_258 = arith.constant 0 : i32
    %dma_start3A_259 = tpu.memref_slice %arg6[%dma_start3A_251, %dma_start3A_258] : memref<8x80xi32, #tpu.memory_space<vmem>> -> memref<1x80xi32, #tpu.memory_space<vmem>>
    %dma_start3A_260 = tpu.memref_squeeze %dma_start3A_259 : memref<1x80xi32, #tpu.memory_space<vmem>> -> memref<80xi32, #tpu.memory_space<vmem>>
    %dma_start3A_261 = arith.constant 0 : i32
    %dma_start3A_262 = arith.constant 0 : i32
    %dma_start3A_263 = tpu.memref_slice %arg2[%dma_start3A_261, %dma_start3A_262] : memref<10000x128xf32, #tpu.memory_space<hbm>> -> memref<10000x128xf32, #tpu.memory_space<hbm>>
    %dma_start3A_264 = tpu.memref_slice %arg13[%dma_start3A_253] : memref<4x!tpu.dma_semaphore, #tpu.memory_space<semaphore_mem>> -> memref<1x!tpu.dma_semaphore, #tpu.memory_space<semaphore_mem>>
    %dma_start3A_265 = tpu.memref_squeeze %dma_start3A_264 : memref<1x!tpu.dma_semaphore, #tpu.memory_space<semaphore_mem>> -> memref<!tpu.dma_semaphore, #tpu.memory_space<semaphore_mem>>
    tpu.enqueue_indirect_dma source(%dma_start3A_263 : memref<10000x128xf32, #tpu.memory_space<hbm>>) target(%dma_start3A_257 : memref<80x128xf32, #tpu.memory_space<vmem>>) offsets(%dma_start3A_260 : memref<80xi32, #tpu.memory_space<vmem>>) semaphore(%dma_start3A_265 : memref<!tpu.dma_semaphore, #tpu.memory_space<semaphore_mem>>)
    %dma_wait3A_266 = arith.constant 1 : i32
    %dma_wait3A_267 = arith.constant 1 : i32
    %dma_wait3A_268 = arith.constant 0 : i32
    %dma_wait3A_269 = tpu.memref_slice %arg6[%dma_wait3A_266, %dma_wait3A_268] : memref<8x80xi32, #tpu.memory_space<vmem>> -> memref<1x80xi32, #tpu.memory_space<vmem>>
    %dma_wait3A_270 = tpu.memref_squeeze %dma_wait3A_269 : memref<1x80xi32, #tpu.memory_space<vmem>> -> memref<80xi32, #tpu.memory_space<vmem>>
    %dma_wait3A_271 = tpu.memref_slice %arg3[%mul3A_2] : memref<640000xi32, #tpu.memory_space<hbm>> -> memref<80xi32, #tpu.memory_space<hbm>>
    %dma_wait3A_272 = tpu.memref_slice %arg11[%dma_wait3A_267] : memref<8x!tpu.dma_semaphore, #tpu.memory_space<semaphore_mem>> -> memref<1x!tpu.dma_semaphore, #tpu.memory_space<semaphore_mem>>
    %dma_wait3A_273 = tpu.memref_squeeze %dma_wait3A_272 : memref<1x!tpu.dma_semaphore, #tpu.memory_space<semaphore_mem>> -> memref<!tpu.dma_semaphore, #tpu.memory_space<semaphore_mem>>
    %dma_wait3A_274 = arith.constant 0 : i32
    %dma_wait3A_275 = tpu.memref_slice %arg6[%dma_wait3A_266, %dma_wait3A_274] : memref<8x80xi32, #tpu.memory_space<vmem>> -> memref<1x80xi32, #tpu.memory_space<vmem>>
    %dma_wait3A_276 = tpu.memref_squeeze %dma_wait3A_275 : memref<1x80xi32, #tpu.memory_space<vmem>> -> memref<80xi32, #tpu.memory_space<vmem>>
    %dma_wait3A_277 = tpu.memref_slice %arg3[%mul3A_2] : memref<640000xi32, #tpu.memory_space<hbm>> -> memref<80xi32, #tpu.memory_space<hbm>>
    tpu.wait_dma2 semaphore(%dma_wait3A_273 : memref<!tpu.dma_semaphore, #tpu.memory_space<semaphore_mem>>) src(%dma_wait3A_277 : memref<80xi32, #tpu.memory_space<hbm>>) dst(%dma_wait3A_276 : memref<80xi32, #tpu.memory_space<vmem>>)
    %dma_start3A_278 = arith.constant 1 : i32
    %dma_start3A_279 = arith.constant 1 : i32
    %dma_start3A_280 = arith.constant 1 : i32
    %dma_start3A_281 = arith.constant 0 : i32
    %dma_start3A_282 = arith.constant 0 : i32
    %dma_start3A_283 = tpu.memref_slice %arg8[%dma_start3A_279, %dma_start3A_281, %dma_start3A_282] : memref<4x80x128xf32, #tpu.memory_space<vmem>> -> memref<1x80x128xf32, #tpu.memory_space<vmem>>
    %dma_start3A_284 = tpu.memref_squeeze %dma_start3A_283 : memref<1x80x128xf32, #tpu.memory_space<vmem>> -> memref<80x128xf32, #tpu.memory_space<vmem>>
    %dma_start3A_285 = arith.constant 0 : i32
    %dma_start3A_286 = tpu.memref_slice %arg6[%dma_start3A_278, %dma_start3A_285] : memref<8x80xi32, #tpu.memory_space<vmem>> -> memref<1x80xi32, #tpu.memory_space<vmem>>
    %dma_start3A_287 = tpu.memref_squeeze %dma_start3A_286 : memref<1x80xi32, #tpu.memory_space<vmem>> -> memref<80xi32, #tpu.memory_space<vmem>>
    %dma_start3A_288 = arith.constant 0 : i32
    %dma_start3A_289 = arith.constant 0 : i32
    %dma_start3A_290 = tpu.memref_slice %arg2[%dma_start3A_288, %dma_start3A_289] : memref<10000x128xf32, #tpu.memory_space<hbm>> -> memref<10000x128xf32, #tpu.memory_space<hbm>>
    %dma_start3A_291 = tpu.memref_slice %arg13[%dma_start3A_280] : memref<4x!tpu.dma_semaphore, #tpu.memory_space<semaphore_mem>> -> memref<1x!tpu.dma_semaphore, #tpu.memory_space<semaphore_mem>>
    %dma_start3A_292 = tpu.memref_squeeze %dma_start3A_291 : memref<1x!tpu.dma_semaphore, #tpu.memory_space<semaphore_mem>> -> memref<!tpu.dma_semaphore, #tpu.memory_space<semaphore_mem>>
    tpu.enqueue_indirect_dma source(%dma_start3A_290 : memref<10000x128xf32, #tpu.memory_space<hbm>>) target(%dma_start3A_284 : memref<80x128xf32, #tpu.memory_space<vmem>>) offsets(%dma_start3A_287 : memref<80xi32, #tpu.memory_space<vmem>>) semaphore(%dma_start3A_292 : memref<!tpu.dma_semaphore, #tpu.memory_space<semaphore_mem>>)
    %dma_wait3A_293 = arith.constant 2 : i32
    %dma_wait3A_294 = arith.constant 2 : i32
    %dma_wait3A_295 = arith.constant 0 : i32
    %dma_wait3A_296 = tpu.memref_slice %arg6[%dma_wait3A_293, %dma_wait3A_295] : memref<8x80xi32, #tpu.memory_space<vmem>> -> memref<1x80xi32, #tpu.memory_space<vmem>>
    %dma_wait3A_297 = tpu.memref_squeeze %dma_wait3A_296 : memref<1x80xi32, #tpu.memory_space<vmem>> -> memref<80xi32, #tpu.memory_space<vmem>>
    %dma_wait3A_298 = tpu.memref_slice %arg3[%mul3A_2] : memref<640000xi32, #tpu.memory_space<hbm>> -> memref<80xi32, #tpu.memory_space<hbm>>
    %dma_wait3A_299 = tpu.memref_slice %arg11[%dma_wait3A_294] : memref<8x!tpu.dma_semaphore, #tpu.memory_space<semaphore_mem>> -> memref<1x!tpu.dma_semaphore, #tpu.memory_space<semaphore_mem>>
    %dma_wait3A_300 = tpu.memref_squeeze %dma_wait3A_299 : memref<1x!tpu.dma_semaphore, #tpu.memory_space<semaphore_mem>> -> memref<!tpu.dma_semaphore, #tpu.memory_space<semaphore_mem>>
    %dma_wait3A_301 = arith.constant 0 : i32
    %dma_wait3A_302 = tpu.memref_slice %arg6[%dma_wait3A_293, %dma_wait3A_301] : memref<8x80xi32, #tpu.memory_space<vmem>> -> memref<1x80xi32, #tpu.memory_space<vmem>>
    %dma_wait3A_303 = tpu.memref_squeeze %dma_wait3A_302 : memref<1x80xi32, #tpu.memory_space<vmem>> -> memref<80xi32, #tpu.memory_space<vmem>>
    %dma_wait3A_304 = tpu.memref_slice %arg3[%mul3A_2] : memref<640000xi32, #tpu.memory_space<hbm>> -> memref<80xi32, #tpu.memory_space<hbm>>
    tpu.wait_dma2 semaphore(%dma_wait3A_300 : memref<!tpu.dma_semaphore, #tpu.memory_space<semaphore_mem>>) src(%dma_wait3A_304 : memref<80xi32, #tpu.memory_space<hbm>>) dst(%dma_wait3A_303 : memref<80xi32, #tpu.memory_space<vmem>>)
    %dma_start3A_305 = arith.constant 2 : i32
    %dma_start3A_306 = arith.constant 2 : i32
    %dma_start3A_307 = arith.constant 2 : i32
    %dma_start3A_308 = arith.constant 0 : i32
    %dma_start3A_309 = arith.constant 0 : i32
    %dma_start3A_310 = tpu.memref_slice %arg8[%dma_start3A_306, %dma_start3A_308, %dma_start3A_309] : memref<4x80x128xf32, #tpu.memory_space<vmem>> -> memref<1x80x128xf32, #tpu.memory_space<vmem>>
    %dma_start3A_311 = tpu.memref_squeeze %dma_start3A_310 : memref<1x80x128xf32, #tpu.memory_space<vmem>> -> memref<80x128xf32, #tpu.memory_space<vmem>>
    %dma_start3A_312 = arith.constant 0 : i32
    %dma_start3A_313 = tpu.memref_slice %arg6[%dma_start3A_305, %dma_start3A_312] : memref<8x80xi32, #tpu.memory_space<vmem>> -> memref<1x80xi32, #tpu.memory_space<vmem>>
    %dma_start3A_314 = tpu.memref_squeeze %dma_start3A_313 : memref<1x80xi32, #tpu.memory_space<vmem>> -> memref<80xi32, #tpu.memory_space<vmem>>
    %dma_start3A_315 = arith.constant 0 : i32
    %dma_start3A_316 = arith.constant 0 : i32
    %dma_start3A_317 = tpu.memref_slice %arg2[%dma_start3A_315, %dma_start3A_316] : memref<10000x128xf32, #tpu.memory_space<hbm>> -> memref<10000x128xf32, #tpu.memory_space<hbm>>
    %dma_start3A_318 = tpu.memref_slice %arg13[%dma_start3A_307] : memref<4x!tpu.dma_semaphore, #tpu.memory_space<semaphore_mem>> -> memref<1x!tpu.dma_semaphore, #tpu.memory_space<semaphore_mem>>
    %dma_start3A_319 = tpu.memref_squeeze %dma_start3A_318 : memref<1x!tpu.dma_semaphore, #tpu.memory_space<semaphore_mem>> -> memref<!tpu.dma_semaphore, #tpu.memory_space<semaphore_mem>>
    tpu.enqueue_indirect_dma source(%dma_start3A_317 : memref<10000x128xf32, #tpu.memory_space<hbm>>) target(%dma_start3A_311 : memref<80x128xf32, #tpu.memory_space<vmem>>) offsets(%dma_start3A_314 : memref<80xi32, #tpu.memory_space<vmem>>) semaphore(%dma_start3A_319 : memref<!tpu.dma_semaphore, #tpu.memory_space<semaphore_mem>>)
    %scan3A_320 = arith.constant 0 : i32
    %scan3A_321 = arith.constant 15 : i32
    %scan3A_322 = arith.addi %scan3A_320, %scan3A_321 : i32
    %scan3A_323 = arith.constant 1 : i32
    scf.for %scan3A_779 = %scan3A_320 to %scan3A_322 step %scan3A_323  : i32 {
      %mul3A_780 = arith.constant 8 : i32
      %mul3A_781 = arith.muli %scan3A_779, %mul3A_780 : i32
      %add3A_782 = arith.constant 0 : i32
      %add3A_783 = arith.addi %mul3A_781, %add3A_782 : i32
      %ge3A = arith.constant 1 : i32
      %ge3A_784 = arith.cmpi sge, %add3A_783, %ge3A : i32
      %convert_element_type3A = arith.extui %ge3A_784 : i1 to i32
      %cond3A = arith.constant 0 : i32
      %cond3A_785 = arith.cmpi ne, %convert_element_type3A, %cond3A : i32
      scf.if %cond3A_785 {
        %dma_wait3A_1385 = arith.constant 3 : i32
        %dma_wait3A_1386 = arith.constant 0 : i32
        %dma_wait3A_1387 = arith.constant 3 : i32
        %dma_wait3A_1388 = arith.constant 0 : i32
        %dma_wait3A_1389 = arith.constant 0 : i32
        %dma_wait3A_1390 = tpu.memref_slice %arg8[%dma_wait3A_1385, %dma_wait3A_1388, %dma_wait3A_1389] : memref<4x80x128xf32, #tpu.memory_space<vmem>> -> memref<1x80x128xf32, #tpu.memory_space<vmem>>
        %dma_wait3A_1391 = tpu.memref_squeeze %dma_wait3A_1390 : memref<1x80x128xf32, #tpu.memory_space<vmem>> -> memref<80x128xf32, #tpu.memory_space<vmem>>
        %dma_wait3A_1392 = arith.constant 0 : i32
        %dma_wait3A_1393 = tpu.memref_slice %arg7[%dma_wait3A_1386, %dma_wait3A_1392] : memref<8x80xi32, #tpu.memory_space<vmem>> -> memref<1x80xi32, #tpu.memory_space<vmem>>
        %dma_wait3A_1394 = tpu.memref_squeeze %dma_wait3A_1393 : memref<1x80xi32, #tpu.memory_space<vmem>> -> memref<80xi32, #tpu.memory_space<vmem>>
        %dma_wait3A_1395 = arith.constant 0 : i32
        %dma_wait3A_1396 = arith.constant 0 : i32
        %dma_wait3A_1397 = tpu.memref_slice %arg15[%dma_wait3A_1395, %dma_wait3A_1396] : memref<10240x128xf32, #tpu.memory_space<vmem_shared>> -> memref<10240x128xf32, #tpu.memory_space<vmem_shared>>
        %dma_wait3A_1398 = tpu.memref_slice %arg14[%dma_wait3A_1387] : memref<4x!tpu.dma_semaphore, #tpu.memory_space<semaphore_mem>> -> memref<1x!tpu.dma_semaphore, #tpu.memory_space<semaphore_mem>>
        %dma_wait3A_1399 = tpu.memref_squeeze %dma_wait3A_1398 : memref<1x!tpu.dma_semaphore, #tpu.memory_space<semaphore_mem>> -> memref<!tpu.dma_semaphore, #tpu.memory_space<semaphore_mem>>
        tpu.wait_indirect_dma semaphore(%dma_wait3A_1399 : memref<!tpu.dma_semaphore, #tpu.memory_space<semaphore_mem>>) src(%dma_wait3A_1391 : memref<80x128xf32, #tpu.memory_space<vmem>>) dst(%dma_wait3A_1397 : memref<10240x128xf32, #tpu.memory_space<vmem_shared>>)
        %dma_wait3A_1400 = arith.constant 0 : i32
        %dma_wait3A_1401 = arith.constant 3 : i32
        %dma_wait3A_1402 = arith.constant 0 : i32
        %dma_wait3A_1403 = tpu.memref_slice %arg7[%dma_wait3A_1400, %dma_wait3A_1402] : memref<8x80xi32, #tpu.memory_space<vmem>> -> memref<1x80xi32, #tpu.memory_space<vmem>>
        %dma_wait3A_1404 = tpu.memref_squeeze %dma_wait3A_1403 : memref<1x80xi32, #tpu.memory_space<vmem>> -> memref<80xi32, #tpu.memory_space<vmem>>
        %dma_wait3A_1405 = arith.constant 0 : i32
        %dma_wait3A_1406 = tpu.memref_slice %arg16[%dma_wait3A_1405] : memref<10240xf32, #tpu.memory_space<vmem_shared>> -> memref<10240xf32, #tpu.memory_space<vmem_shared>>
        %dma_wait3A_1407 = tpu.memref_slice %arg14[%dma_wait3A_1401] : memref<4x!tpu.dma_semaphore, #tpu.memory_space<semaphore_mem>> -> memref<1x!tpu.dma_semaphore, #tpu.memory_space<semaphore_mem>>
        %dma_wait3A_1408 = tpu.memref_squeeze %dma_wait3A_1407 : memref<1x!tpu.dma_semaphore, #tpu.memory_space<semaphore_mem>> -> memref<!tpu.dma_semaphore, #tpu.memory_space<semaphore_mem>>
        tpu.wait_indirect_dma semaphore(%dma_wait3A_1408 : memref<!tpu.dma_semaphore, #tpu.memory_space<semaphore_mem>>) src(%arg9 : memref<80xf32, #tpu.memory_space<vmem>>) dst(%dma_wait3A_1406 : memref<10240xf32, #tpu.memory_space<vmem_shared>>)
      } else {
      }
      %add3A_786 = arith.constant 8 : i32
      %add3A_787 = arith.addi %add3A_783, %add3A_786 : i32
      %sub3A = arith.constant 1 : i32
      %sub3A_788 = arith.subi %add3A_787, %sub3A : i32
      %lt3A = arith.constant 125 : i32
      %lt3A_789 = arith.cmpi slt, %sub3A_788, %lt3A : i32
      %convert_element_type3A_790 = arith.extui %lt3A_789 : i1 to i32
      %cond3A_791 = arith.constant 0 : i32
      %cond3A_792 = arith.cmpi ne, %convert_element_type3A_790, %cond3A_791 : i32
      scf.if %cond3A_792 {
        %add3A_1385 = arith.constant 8 : i32
        %add3A_1386 = arith.addi %add3A_783, %add3A_1385 : i32
        %sub3A_1387 = arith.constant 1 : i32
        %sub3A_1388 = arith.subi %add3A_1386, %sub3A_1387 : i32
        %mul3A_1389 = arith.constant 80 : i32
        %mul3A_1390 = arith.muli %sub3A_1388, %mul3A_1389 : i32
        %add3A_1391 = arith.addi %mul3A_2, %mul3A_1390 : i32
        %dma_start3A_1392 = arith.constant 7 : i32
        %dma_start3A_1393 = arith.constant 7 : i32
        %dma_start3A_1394 = arith.constant 0 : i32
        %dma_start3A_1395 = tpu.memref_slice %arg6[%dma_start3A_1392, %dma_start3A_1394] : memref<8x80xi32, #tpu.memory_space<vmem>> -> memref<1x80xi32, #tpu.memory_space<vmem>>
        %dma_start3A_1396 = tpu.memref_squeeze %dma_start3A_1395 : memref<1x80xi32, #tpu.memory_space<vmem>> -> memref<80xi32, #tpu.memory_space<vmem>>
        %dma_start3A_1397 = tpu.memref_slice %arg3[%add3A_1391] : memref<640000xi32, #tpu.memory_space<hbm>> -> memref<80xi32, #tpu.memory_space<hbm>>
        %dma_start3A_1398 = tpu.memref_slice %arg11[%dma_start3A_1393] : memref<8x!tpu.dma_semaphore, #tpu.memory_space<semaphore_mem>> -> memref<1x!tpu.dma_semaphore, #tpu.memory_space<semaphore_mem>>
        %dma_start3A_1399 = tpu.memref_squeeze %dma_start3A_1398 : memref<1x!tpu.dma_semaphore, #tpu.memory_space<semaphore_mem>> -> memref<!tpu.dma_semaphore, #tpu.memory_space<semaphore_mem>>
        %dma_start3A_1400 = arith.constant 0 : i32
        %dma_start3A_1401 = tpu.memref_slice %arg6[%dma_start3A_1392, %dma_start3A_1400] : memref<8x80xi32, #tpu.memory_space<vmem>> -> memref<1x80xi32, #tpu.memory_space<vmem>>
        %dma_start3A_1402 = tpu.memref_squeeze %dma_start3A_1401 : memref<1x80xi32, #tpu.memory_space<vmem>> -> memref<80xi32, #tpu.memory_space<vmem>>
        %dma_start3A_1403 = tpu.memref_slice %arg3[%add3A_1391] : memref<640000xi32, #tpu.memory_space<hbm>> -> memref<80xi32, #tpu.memory_space<hbm>>
        tpu.enqueue_dma source(%dma_start3A_1403 : memref<80xi32, #tpu.memory_space<hbm>>) target(%dma_start3A_1402 : memref<80xi32, #tpu.memory_space<vmem>>) target_semaphore(%dma_start3A_1399 : memref<!tpu.dma_semaphore, #tpu.memory_space<semaphore_mem>>)
        %add3A_1404 = arith.constant 320000 : i32
        %add3A_1405 = arith.addi %add3A_1404, %add3A_1391 : i32
        %dma_start3A_1406 = arith.constant 7 : i32
        %dma_start3A_1407 = arith.constant 7 : i32
        %dma_start3A_1408 = arith.constant 0 : i32
        %dma_start3A_1409 = tpu.memref_slice %arg7[%dma_start3A_1406, %dma_start3A_1408] : memref<8x80xi32, #tpu.memory_space<vmem>> -> memref<1x80xi32, #tpu.memory_space<vmem>>
        %dma_start3A_1410 = tpu.memref_squeeze %dma_start3A_1409 : memref<1x80xi32, #tpu.memory_space<vmem>> -> memref<80xi32, #tpu.memory_space<vmem>>
        %dma_start3A_1411 = tpu.memref_slice %arg3[%add3A_1405] : memref<640000xi32, #tpu.memory_space<hbm>> -> memref<80xi32, #tpu.memory_space<hbm>>
        %dma_start3A_1412 = tpu.memref_slice %arg12[%dma_start3A_1407] : memref<8x!tpu.dma_semaphore, #tpu.memory_space<semaphore_mem>> -> memref<1x!tpu.dma_semaphore, #tpu.memory_space<semaphore_mem>>
        %dma_start3A_1413 = tpu.memref_squeeze %dma_start3A_1412 : memref<1x!tpu.dma_semaphore, #tpu.memory_space<semaphore_mem>> -> memref<!tpu.dma_semaphore, #tpu.memory_space<semaphore_mem>>
        %dma_start3A_1414 = arith.constant 0 : i32
        %dma_start3A_1415 = tpu.memref_slice %arg7[%dma_start3A_1406, %dma_start3A_1414] : memref<8x80xi32, #tpu.memory_space<vmem>> -> memref<1x80xi32, #tpu.memory_space<vmem>>
        %dma_start3A_1416 = tpu.memref_squeeze %dma_start3A_1415 : memref<1x80xi32, #tpu.memory_space<vmem>> -> memref<80xi32, #tpu.memory_space<vmem>>
        %dma_start3A_1417 = tpu.memref_slice %arg3[%add3A_1405] : memref<640000xi32, #tpu.memory_space<hbm>> -> memref<80xi32, #tpu.memory_space<hbm>>
        tpu.enqueue_dma source(%dma_start3A_1417 : memref<80xi32, #tpu.memory_space<hbm>>) target(%dma_start3A_1416 : memref<80xi32, #tpu.memory_space<vmem>>) target_semaphore(%dma_start3A_1413 : memref<!tpu.dma_semaphore, #tpu.memory_space<semaphore_mem>>)
      } else {
      }
      %add3A_793 = arith.constant 4 : i32
      %add3A_794 = arith.addi %add3A_783, %add3A_793 : i32
      %sub3A_795 = arith.constant 1 : i32
      %sub3A_796 = arith.subi %add3A_794, %sub3A_795 : i32
      %lt3A_797 = arith.constant 125 : i32
      %lt3A_798 = arith.cmpi slt, %sub3A_796, %lt3A_797 : i32
      %convert_element_type3A_799 = arith.extui %lt3A_798 : i1 to i32
      %cond3A_800 = arith.constant 0 : i32
      %cond3A_801 = arith.cmpi ne, %convert_element_type3A_799, %cond3A_800 : i32
      scf.if %cond3A_801 {
        %dma_wait3A_1385 = arith.constant 3 : i32
        %dma_wait3A_1386 = arith.constant 3 : i32
        %dma_wait3A_1387 = arith.constant 0 : i32
        %dma_wait3A_1388 = tpu.memref_slice %arg6[%dma_wait3A_1385, %dma_wait3A_1387] : memref<8x80xi32, #tpu.memory_space<vmem>> -> memref<1x80xi32, #tpu.memory_space<vmem>>
        %dma_wait3A_1389 = tpu.memref_squeeze %dma_wait3A_1388 : memref<1x80xi32, #tpu.memory_space<vmem>> -> memref<80xi32, #tpu.memory_space<vmem>>
        %dma_wait3A_1390 = tpu.memref_slice %arg3[%mul3A_2] : memref<640000xi32, #tpu.memory_space<hbm>> -> memref<80xi32, #tpu.memory_space<hbm>>
        %dma_wait3A_1391 = tpu.memref_slice %arg11[%dma_wait3A_1386] : memref<8x!tpu.dma_semaphore, #tpu.memory_space<semaphore_mem>> -> memref<1x!tpu.dma_semaphore, #tpu.memory_space<semaphore_mem>>
        %dma_wait3A_1392 = tpu.memref_squeeze %dma_wait3A_1391 : memref<1x!tpu.dma_semaphore, #tpu.memory_space<semaphore_mem>> -> memref<!tpu.dma_semaphore, #tpu.memory_space<semaphore_mem>>
        %dma_wait3A_1393 = arith.constant 0 : i32
        %dma_wait3A_1394 = tpu.memref_slice %arg6[%dma_wait3A_1385, %dma_wait3A_1393] : memref<8x80xi32, #tpu.memory_space<vmem>> -> memref<1x80xi32, #tpu.memory_space<vmem>>
        %dma_wait3A_1395 = tpu.memref_squeeze %dma_wait3A_1394 : memref<1x80xi32, #tpu.memory_space<vmem>> -> memref<80xi32, #tpu.memory_space<vmem>>
        %dma_wait3A_1396 = tpu.memref_slice %arg3[%mul3A_2] : memref<640000xi32, #tpu.memory_space<hbm>> -> memref<80xi32, #tpu.memory_space<hbm>>
        tpu.wait_dma2 semaphore(%dma_wait3A_1392 : memref<!tpu.dma_semaphore, #tpu.memory_space<semaphore_mem>>) src(%dma_wait3A_1396 : memref<80xi32, #tpu.memory_space<hbm>>) dst(%dma_wait3A_1395 : memref<80xi32, #tpu.memory_space<vmem>>)
        %dma_start3A_1397 = arith.constant 3 : i32
        %dma_start3A_1398 = arith.constant 3 : i32
        %dma_start3A_1399 = arith.constant 3 : i32
        %dma_start3A_1400 = arith.constant 0 : i32
        %dma_start3A_1401 = arith.constant 0 : i32
        %dma_start3A_1402 = tpu.memref_slice %arg8[%dma_start3A_1398, %dma_start3A_1400, %dma_start3A_1401] : memref<4x80x128xf32, #tpu.memory_space<vmem>> -> memref<1x80x128xf32, #tpu.memory_space<vmem>>
        %dma_start3A_1403 = tpu.memref_squeeze %dma_start3A_1402 : memref<1x80x128xf32, #tpu.memory_space<vmem>> -> memref<80x128xf32, #tpu.memory_space<vmem>>
        %dma_start3A_1404 = arith.constant 0 : i32
        %dma_start3A_1405 = tpu.memref_slice %arg6[%dma_start3A_1397, %dma_start3A_1404] : memref<8x80xi32, #tpu.memory_space<vmem>> -> memref<1x80xi32, #tpu.memory_space<vmem>>
        %dma_start3A_1406 = tpu.memref_squeeze %dma_start3A_1405 : memref<1x80xi32, #tpu.memory_space<vmem>> -> memref<80xi32, #tpu.memory_space<vmem>>
        %dma_start3A_1407 = arith.constant 0 : i32
        %dma_start3A_1408 = arith.constant 0 : i32
        %dma_start3A_1409 = tpu.memref_slice %arg2[%dma_start3A_1407, %dma_start3A_1408] : memref<10000x128xf32, #tpu.memory_space<hbm>> -> memref<10000x128xf32, #tpu.memory_space<hbm>>
        %dma_start3A_1410 = tpu.memref_slice %arg13[%dma_start3A_1399] : memref<4x!tpu.dma_semaphore, #tpu.memory_space<semaphore_mem>> -> memref<1x!tpu.dma_semaphore, #tpu.memory_space<semaphore_mem>>
        %dma_start3A_1411 = tpu.memref_squeeze %dma_start3A_1410 : memref<1x!tpu.dma_semaphore, #tpu.memory_space<semaphore_mem>> -> memref<!tpu.dma_semaphore, #tpu.memory_space<semaphore_mem>>
        tpu.enqueue_indirect_dma source(%dma_start3A_1409 : memref<10000x128xf32, #tpu.memory_space<hbm>>) target(%dma_start3A_1403 : memref<80x128xf32, #tpu.memory_space<vmem>>) offsets(%dma_start3A_1406 : memref<80xi32, #tpu.memory_space<vmem>>) semaphore(%dma_start3A_1411 : memref<!tpu.dma_semaphore, #tpu.memory_space<semaphore_mem>>)
      } else {
      }
      %dma_wait3A_802 = arith.constant 0 : i32
      %dma_wait3A_803 = arith.constant 0 : i32
      %dma_wait3A_804 = arith.constant 0 : i32
      %dma_wait3A_805 = arith.constant 0 : i32
      %dma_wait3A_806 = arith.constant 0 : i32
      %dma_wait3A_807 = tpu.memref_slice %arg8[%dma_wait3A_803, %dma_wait3A_805, %dma_wait3A_806] : memref<4x80x128xf32, #tpu.memory_space<vmem>> -> memref<1x80x128xf32, #tpu.memory_space<vmem>>
      %dma_wait3A_808 = tpu.memref_squeeze %dma_wait3A_807 : memref<1x80x128xf32, #tpu.memory_space<vmem>> -> memref<80x128xf32, #tpu.memory_space<vmem>>
      %dma_wait3A_809 = arith.constant 0 : i32
      %dma_wait3A_810 = tpu.memref_slice %arg6[%dma_wait3A_802, %dma_wait3A_809] : memref<8x80xi32, #tpu.memory_space<vmem>> -> memref<1x80xi32, #tpu.memory_space<vmem>>
      %dma_wait3A_811 = tpu.memref_squeeze %dma_wait3A_810 : memref<1x80xi32, #tpu.memory_space<vmem>> -> memref<80xi32, #tpu.memory_space<vmem>>
      %dma_wait3A_812 = arith.constant 0 : i32
      %dma_wait3A_813 = arith.constant 0 : i32
      %dma_wait3A_814 = tpu.memref_slice %arg2[%dma_wait3A_812, %dma_wait3A_813] : memref<10000x128xf32, #tpu.memory_space<hbm>> -> memref<10000x128xf32, #tpu.memory_space<hbm>>
      %dma_wait3A_815 = tpu.memref_slice %arg13[%dma_wait3A_804] : memref<4x!tpu.dma_semaphore, #tpu.memory_space<semaphore_mem>> -> memref<1x!tpu.dma_semaphore, #tpu.memory_space<semaphore_mem>>
      %dma_wait3A_816 = tpu.memref_squeeze %dma_wait3A_815 : memref<1x!tpu.dma_semaphore, #tpu.memory_space<semaphore_mem>> -> memref<!tpu.dma_semaphore, #tpu.memory_space<semaphore_mem>>
      tpu.wait_indirect_dma semaphore(%dma_wait3A_816 : memref<!tpu.dma_semaphore, #tpu.memory_space<semaphore_mem>>) src(%dma_wait3A_814 : memref<10000x128xf32, #tpu.memory_space<hbm>>) dst(%dma_wait3A_808 : memref<80x128xf32, #tpu.memory_space<vmem>>)
      %dma_wait3A_817 = arith.constant 0 : i32
      %dma_wait3A_818 = arith.constant 0 : i32
      %dma_wait3A_819 = arith.constant 0 : i32
      %dma_wait3A_820 = tpu.memref_slice %arg7[%dma_wait3A_817, %dma_wait3A_819] : memref<8x80xi32, #tpu.memory_space<vmem>> -> memref<1x80xi32, #tpu.memory_space<vmem>>
      %dma_wait3A_821 = tpu.memref_squeeze %dma_wait3A_820 : memref<1x80xi32, #tpu.memory_space<vmem>> -> memref<80xi32, #tpu.memory_space<vmem>>
      %dma_wait3A_822 = tpu.memref_slice %arg3[%mul3A_2] : memref<640000xi32, #tpu.memory_space<hbm>> -> memref<80xi32, #tpu.memory_space<hbm>>
      %dma_wait3A_823 = tpu.memref_slice %arg12[%dma_wait3A_818] : memref<8x!tpu.dma_semaphore, #tpu.memory_space<semaphore_mem>> -> memref<1x!tpu.dma_semaphore, #tpu.memory_space<semaphore_mem>>
      %dma_wait3A_824 = tpu.memref_squeeze %dma_wait3A_823 : memref<1x!tpu.dma_semaphore, #tpu.memory_space<semaphore_mem>> -> memref<!tpu.dma_semaphore, #tpu.memory_space<semaphore_mem>>
      %dma_wait3A_825 = arith.constant 0 : i32
      %dma_wait3A_826 = tpu.memref_slice %arg7[%dma_wait3A_817, %dma_wait3A_825] : memref<8x80xi32, #tpu.memory_space<vmem>> -> memref<1x80xi32, #tpu.memory_space<vmem>>
      %dma_wait3A_827 = tpu.memref_squeeze %dma_wait3A_826 : memref<1x80xi32, #tpu.memory_space<vmem>> -> memref<80xi32, #tpu.memory_space<vmem>>
      %dma_wait3A_828 = tpu.memref_slice %arg3[%mul3A_2] : memref<640000xi32, #tpu.memory_space<hbm>> -> memref<80xi32, #tpu.memory_space<hbm>>
      tpu.wait_dma2 semaphore(%dma_wait3A_824 : memref<!tpu.dma_semaphore, #tpu.memory_space<semaphore_mem>>) src(%dma_wait3A_828 : memref<80xi32, #tpu.memory_space<hbm>>) dst(%dma_wait3A_827 : memref<80xi32, #tpu.memory_space<vmem>>)
      %dma_start3A_829 = arith.constant 0 : i32
      %dma_start3A_830 = arith.constant 0 : i32
      %dma_start3A_831 = arith.constant 0 : i32
      %dma_start3A_832 = arith.constant 0 : i32
      %dma_start3A_833 = arith.constant 0 : i32
      %dma_start3A_834 = tpu.memref_slice %arg8[%dma_start3A_829, %dma_start3A_832, %dma_start3A_833] : memref<4x80x128xf32, #tpu.memory_space<vmem>> -> memref<1x80x128xf32, #tpu.memory_space<vmem>>
      %dma_start3A_835 = tpu.memref_squeeze %dma_start3A_834 : memref<1x80x128xf32, #tpu.memory_space<vmem>> -> memref<80x128xf32, #tpu.memory_space<vmem>>
      %dma_start3A_836 = arith.constant 0 : i32
      %dma_start3A_837 = tpu.memref_slice %arg7[%dma_start3A_830, %dma_start3A_836] : memref<8x80xi32, #tpu.memory_space<vmem>> -> memref<1x80xi32, #tpu.memory_space<vmem>>
      %dma_start3A_838 = tpu.memref_squeeze %dma_start3A_837 : memref<1x80xi32, #tpu.memory_space<vmem>> -> memref<80xi32, #tpu.memory_space<vmem>>
      %dma_start3A_839 = arith.constant 0 : i32
      %dma_start3A_840 = arith.constant 0 : i32
      %dma_start3A_841 = tpu.memref_slice %arg15[%dma_start3A_839, %dma_start3A_840] : memref<10240x128xf32, #tpu.memory_space<vmem_shared>> -> memref<10240x128xf32, #tpu.memory_space<vmem_shared>>
      %dma_start3A_842 = tpu.memref_slice %arg14[%dma_start3A_831] : memref<4x!tpu.dma_semaphore, #tpu.memory_space<semaphore_mem>> -> memref<1x!tpu.dma_semaphore, #tpu.memory_space<semaphore_mem>>
      %dma_start3A_843 = tpu.memref_squeeze %dma_start3A_842 : memref<1x!tpu.dma_semaphore, #tpu.memory_space<semaphore_mem>> -> memref<!tpu.dma_semaphore, #tpu.memory_space<semaphore_mem>>
      tpu.enqueue_indirect_dma source(%dma_start3A_835 : memref<80x128xf32, #tpu.memory_space<vmem>>) target(%dma_start3A_841 : memref<10240x128xf32, #tpu.memory_space<vmem_shared>>) offsets(%dma_start3A_838 : memref<80xi32, #tpu.memory_space<vmem>>) semaphore(%dma_start3A_843 : memref<!tpu.dma_semaphore, #tpu.memory_space<semaphore_mem>>) {add = true}
      %dma_start3A_844 = arith.constant 0 : i32
      %dma_start3A_845 = arith.constant 0 : i32
      %dma_start3A_846 = arith.constant 0 : i32
      %dma_start3A_847 = tpu.memref_slice %arg7[%dma_start3A_844, %dma_start3A_846] : memref<8x80xi32, #tpu.memory_space<vmem>> -> memref<1x80xi32, #tpu.memory_space<vmem>>
      %dma_start3A_848 = tpu.memref_squeeze %dma_start3A_847 : memref<1x80xi32, #tpu.memory_space<vmem>> -> memref<80xi32, #tpu.memory_space<vmem>>
      %dma_start3A_849 = arith.constant 0 : i32
      %dma_start3A_850 = tpu.memref_slice %arg16[%dma_start3A_849] : memref<10240xf32, #tpu.memory_space<vmem_shared>> -> memref<10240xf32, #tpu.memory_space<vmem_shared>>
      %dma_start3A_851 = tpu.memref_slice %arg14[%dma_start3A_845] : memref<4x!tpu.dma_semaphore, #tpu.memory_space<semaphore_mem>> -> memref<1x!tpu.dma_semaphore, #tpu.memory_space<semaphore_mem>>
      %dma_start3A_852 = tpu.memref_squeeze %dma_start3A_851 : memref<1x!tpu.dma_semaphore, #tpu.memory_space<semaphore_mem>> -> memref<!tpu.dma_semaphore, #tpu.memory_space<semaphore_mem>>
      tpu.enqueue_indirect_dma source(%arg9 : memref<80xf32, #tpu.memory_space<vmem>>) target(%dma_start3A_850 : memref<10240xf32, #tpu.memory_space<vmem_shared>>) offsets(%dma_start3A_848 : memref<80xi32, #tpu.memory_space<vmem>>) semaphore(%dma_start3A_852 : memref<!tpu.dma_semaphore, #tpu.memory_space<semaphore_mem>>) {add = true}
      %add3A_853 = arith.constant 1 : i32
      %add3A_854 = arith.addi %mul3A_781, %add3A_853 : i32
      %ge3A_855 = arith.constant 1 : i32
      %ge3A_856 = arith.cmpi sge, %add3A_854, %ge3A_855 : i32
      %convert_element_type3A_857 = arith.extui %ge3A_856 : i1 to i32
      %cond3A_858 = arith.constant 0 : i32
      %cond3A_859 = arith.cmpi ne, %convert_element_type3A_857, %cond3A_858 : i32
      scf.if %cond3A_859 {
        %dma_wait3A_1385 = arith.constant 0 : i32
        %dma_wait3A_1386 = arith.constant 0 : i32
        %dma_wait3A_1387 = arith.constant 0 : i32
        %dma_wait3A_1388 = arith.constant 0 : i32
        %dma_wait3A_1389 = arith.constant 0 : i32
        %dma_wait3A_1390 = tpu.memref_slice %arg8[%dma_wait3A_1385, %dma_wait3A_1388, %dma_wait3A_1389] : memref<4x80x128xf32, #tpu.memory_space<vmem>> -> memref<1x80x128xf32, #tpu.memory_space<vmem>>
        %dma_wait3A_1391 = tpu.memref_squeeze %dma_wait3A_1390 : memref<1x80x128xf32, #tpu.memory_space<vmem>> -> memref<80x128xf32, #tpu.memory_space<vmem>>
        %dma_wait3A_1392 = arith.constant 0 : i32
        %dma_wait3A_1393 = tpu.memref_slice %arg7[%dma_wait3A_1386, %dma_wait3A_1392] : memref<8x80xi32, #tpu.memory_space<vmem>> -> memref<1x80xi32, #tpu.memory_space<vmem>>
        %dma_wait3A_1394 = tpu.memref_squeeze %dma_wait3A_1393 : memref<1x80xi32, #tpu.memory_space<vmem>> -> memref<80xi32, #tpu.memory_space<vmem>>
        %dma_wait3A_1395 = arith.constant 0 : i32
        %dma_wait3A_1396 = arith.constant 0 : i32
        %dma_wait3A_1397 = tpu.memref_slice %arg15[%dma_wait3A_1395, %dma_wait3A_1396] : memref<10240x128xf32, #tpu.memory_space<vmem_shared>> -> memref<10240x128xf32, #tpu.memory_space<vmem_shared>>
        %dma_wait3A_1398 = tpu.memref_slice %arg14[%dma_wait3A_1387] : memref<4x!tpu.dma_semaphore, #tpu.memory_space<semaphore_mem>> -> memref<1x!tpu.dma_semaphore, #tpu.memory_space<semaphore_mem>>
        %dma_wait3A_1399 = tpu.memref_squeeze %dma_wait3A_1398 : memref<1x!tpu.dma_semaphore, #tpu.memory_space<semaphore_mem>> -> memref<!tpu.dma_semaphore, #tpu.memory_space<semaphore_mem>>
        tpu.wait_indirect_dma semaphore(%dma_wait3A_1399 : memref<!tpu.dma_semaphore, #tpu.memory_space<semaphore_mem>>) src(%dma_wait3A_1391 : memref<80x128xf32, #tpu.memory_space<vmem>>) dst(%dma_wait3A_1397 : memref<10240x128xf32, #tpu.memory_space<vmem_shared>>)
        %dma_wait3A_1400 = arith.constant 0 : i32
        %dma_wait3A_1401 = arith.constant 0 : i32
        %dma_wait3A_1402 = arith.constant 0 : i32
        %dma_wait3A_1403 = tpu.memref_slice %arg7[%dma_wait3A_1400, %dma_wait3A_1402] : memref<8x80xi32, #tpu.memory_space<vmem>> -> memref<1x80xi32, #tpu.memory_space<vmem>>
        %dma_wait3A_1404 = tpu.memref_squeeze %dma_wait3A_1403 : memref<1x80xi32, #tpu.memory_space<vmem>> -> memref<80xi32, #tpu.memory_space<vmem>>
        %dma_wait3A_1405 = arith.constant 0 : i32
        %dma_wait3A_1406 = tpu.memref_slice %arg16[%dma_wait3A_1405] : memref<10240xf32, #tpu.memory_space<vmem_shared>> -> memref<10240xf32, #tpu.memory_space<vmem_shared>>
        %dma_wait3A_1407 = tpu.memref_slice %arg14[%dma_wait3A_1401] : memref<4x!tpu.dma_semaphore, #tpu.memory_space<semaphore_mem>> -> memref<1x!tpu.dma_semaphore, #tpu.memory_space<semaphore_mem>>
        %dma_wait3A_1408 = tpu.memref_squeeze %dma_wait3A_1407 : memref<1x!tpu.dma_semaphore, #tpu.memory_space<semaphore_mem>> -> memref<!tpu.dma_semaphore, #tpu.memory_space<semaphore_mem>>
        tpu.wait_indirect_dma semaphore(%dma_wait3A_1408 : memref<!tpu.dma_semaphore, #tpu.memory_space<semaphore_mem>>) src(%arg9 : memref<80xf32, #tpu.memory_space<vmem>>) dst(%dma_wait3A_1406 : memref<10240xf32, #tpu.memory_space<vmem_shared>>)
      } else {
      }
      %add3A_860 = arith.constant 8 : i32
      %add3A_861 = arith.addi %add3A_854, %add3A_860 : i32
      %sub3A_862 = arith.constant 1 : i32
      %sub3A_863 = arith.subi %add3A_861, %sub3A_862 : i32
      %lt3A_864 = arith.constant 125 : i32
      %lt3A_865 = arith.cmpi slt, %sub3A_863, %lt3A_864 : i32
      %convert_element_type3A_866 = arith.extui %lt3A_865 : i1 to i32
      %cond3A_867 = arith.constant 0 : i32
      %cond3A_868 = arith.cmpi ne, %convert_element_type3A_866, %cond3A_867 : i32
      scf.if %cond3A_868 {
        %add3A_1385 = arith.constant 8 : i32
        %add3A_1386 = arith.addi %add3A_854, %add3A_1385 : i32
        %sub3A_1387 = arith.constant 1 : i32
        %sub3A_1388 = arith.subi %add3A_1386, %sub3A_1387 : i32
        %mul3A_1389 = arith.constant 80 : i32
        %mul3A_1390 = arith.muli %sub3A_1388, %mul3A_1389 : i32
        %add3A_1391 = arith.addi %mul3A_2, %mul3A_1390 : i32
        %dma_start3A_1392 = arith.constant 0 : i32
        %dma_start3A_1393 = arith.constant 0 : i32
        %dma_start3A_1394 = arith.constant 0 : i32
        %dma_start3A_1395 = tpu.memref_slice %arg6[%dma_start3A_1392, %dma_start3A_1394] : memref<8x80xi32, #tpu.memory_space<vmem>> -> memref<1x80xi32, #tpu.memory_space<vmem>>
        %dma_start3A_1396 = tpu.memref_squeeze %dma_start3A_1395 : memref<1x80xi32, #tpu.memory_space<vmem>> -> memref<80xi32, #tpu.memory_space<vmem>>
        %dma_start3A_1397 = tpu.memref_slice %arg3[%add3A_1391] : memref<640000xi32, #tpu.memory_space<hbm>> -> memref<80xi32, #tpu.memory_space<hbm>>
        %dma_start3A_1398 = tpu.memref_slice %arg11[%dma_start3A_1393] : memref<8x!tpu.dma_semaphore, #tpu.memory_space<semaphore_mem>> -> memref<1x!tpu.dma_semaphore, #tpu.memory_space<semaphore_mem>>
        %dma_start3A_1399 = tpu.memref_squeeze %dma_start3A_1398 : memref<1x!tpu.dma_semaphore, #tpu.memory_space<semaphore_mem>> -> memref<!tpu.dma_semaphore, #tpu.memory_space<semaphore_mem>>
        %dma_start3A_1400 = arith.constant 0 : i32
        %dma_start3A_1401 = tpu.memref_slice %arg6[%dma_start3A_1392, %dma_start3A_1400] : memref<8x80xi32, #tpu.memory_space<vmem>> -> memref<1x80xi32, #tpu.memory_space<vmem>>
        %dma_start3A_1402 = tpu.memref_squeeze %dma_start3A_1401 : memref<1x80xi32, #tpu.memory_space<vmem>> -> memref<80xi32, #tpu.memory_space<vmem>>
        %dma_start3A_1403 = tpu.memref_slice %arg3[%add3A_1391] : memref<640000xi32, #tpu.memory_space<hbm>> -> memref<80xi32, #tpu.memory_space<hbm>>
        tpu.enqueue_dma source(%dma_start3A_1403 : memref<80xi32, #tpu.memory_space<hbm>>) target(%dma_start3A_1402 : memref<80xi32, #tpu.memory_space<vmem>>) target_semaphore(%dma_start3A_1399 : memref<!tpu.dma_semaphore, #tpu.memory_space<semaphore_mem>>)
        %add3A_1404 = arith.constant 320000 : i32
        %add3A_1405 = arith.addi %add3A_1404, %add3A_1391 : i32
        %dma_start3A_1406 = arith.constant 0 : i32
        %dma_start3A_1407 = arith.constant 0 : i32
        %dma_start3A_1408 = arith.constant 0 : i32
        %dma_start3A_1409 = tpu.memref_slice %arg7[%dma_start3A_1406, %dma_start3A_1408] : memref<8x80xi32, #tpu.memory_space<vmem>> -> memref<1x80xi32, #tpu.memory_space<vmem>>
        %dma_start3A_1410 = tpu.memref_squeeze %dma_start3A_1409 : memref<1x80xi32, #tpu.memory_space<vmem>> -> memref<80xi32, #tpu.memory_space<vmem>>
        %dma_start3A_1411 = tpu.memref_slice %arg3[%add3A_1405] : memref<640000xi32, #tpu.memory_space<hbm>> -> memref<80xi32, #tpu.memory_space<hbm>>
        %dma_start3A_1412 = tpu.memref_slice %arg12[%dma_start3A_1407] : memref<8x!tpu.dma_semaphore, #tpu.memory_space<semaphore_mem>> -> memref<1x!tpu.dma_semaphore, #tpu.memory_space<semaphore_mem>>
        %dma_start3A_1413 = tpu.memref_squeeze %dma_start3A_1412 : memref<1x!tpu.dma_semaphore, #tpu.memory_space<semaphore_mem>> -> memref<!tpu.dma_semaphore, #tpu.memory_space<semaphore_mem>>
        %dma_start3A_1414 = arith.constant 0 : i32
        %dma_start3A_1415 = tpu.memref_slice %arg7[%dma_start3A_1406, %dma_start3A_1414] : memref<8x80xi32, #tpu.memory_space<vmem>> -> memref<1x80xi32, #tpu.memory_space<vmem>>
        %dma_start3A_1416 = tpu.memref_squeeze %dma_start3A_1415 : memref<1x80xi32, #tpu.memory_space<vmem>> -> memref<80xi32, #tpu.memory_space<vmem>>
        %dma_start3A_1417 = tpu.memref_slice %arg3[%add3A_1405] : memref<640000xi32, #tpu.memory_space<hbm>> -> memref<80xi32, #tpu.memory_space<hbm>>
        tpu.enqueue_dma source(%dma_start3A_1417 : memref<80xi32, #tpu.memory_space<hbm>>) target(%dma_start3A_1416 : memref<80xi32, #tpu.memory_space<vmem>>) target_semaphore(%dma_start3A_1413 : memref<!tpu.dma_semaphore, #tpu.memory_space<semaphore_mem>>)
      } else {
      }
      %add3A_869 = arith.constant 4 : i32
      %add3A_870 = arith.addi %add3A_854, %add3A_869 : i32
      %sub3A_871 = arith.constant 1 : i32
      %sub3A_872 = arith.subi %add3A_870, %sub3A_871 : i32
      %lt3A_873 = arith.constant 125 : i32
      %lt3A_874 = arith.cmpi slt, %sub3A_872, %lt3A_873 : i32
      %convert_element_type3A_875 = arith.extui %lt3A_874 : i1 to i32
      %cond3A_876 = arith.constant 0 : i32
      %cond3A_877 = arith.cmpi ne, %convert_element_type3A_875, %cond3A_876 : i32
      scf.if %cond3A_877 {
        %dma_wait3A_1385 = arith.constant 4 : i32
        %dma_wait3A_1386 = arith.constant 4 : i32
        %dma_wait3A_1387 = arith.constant 0 : i32
        %dma_wait3A_1388 = tpu.memref_slice %arg6[%dma_wait3A_1385, %dma_wait3A_1387] : memref<8x80xi32, #tpu.memory_space<vmem>> -> memref<1x80xi32, #tpu.memory_space<vmem>>
        %dma_wait3A_1389 = tpu.memref_squeeze %dma_wait3A_1388 : memref<1x80xi32, #tpu.memory_space<vmem>> -> memref<80xi32, #tpu.memory_space<vmem>>
        %dma_wait3A_1390 = tpu.memref_slice %arg3[%mul3A_2] : memref<640000xi32, #tpu.memory_space<hbm>> -> memref<80xi32, #tpu.memory_space<hbm>>
        %dma_wait3A_1391 = tpu.memref_slice %arg11[%dma_wait3A_1386] : memref<8x!tpu.dma_semaphore, #tpu.memory_space<semaphore_mem>> -> memref<1x!tpu.dma_semaphore, #tpu.memory_space<semaphore_mem>>
        %dma_wait3A_1392 = tpu.memref_squeeze %dma_wait3A_1391 : memref<1x!tpu.dma_semaphore, #tpu.memory_space<semaphore_mem>> -> memref<!tpu.dma_semaphore, #tpu.memory_space<semaphore_mem>>
        %dma_wait3A_1393 = arith.constant 0 : i32
        %dma_wait3A_1394 = tpu.memref_slice %arg6[%dma_wait3A_1385, %dma_wait3A_1393] : memref<8x80xi32, #tpu.memory_space<vmem>> -> memref<1x80xi32, #tpu.memory_space<vmem>>
        %dma_wait3A_1395 = tpu.memref_squeeze %dma_wait3A_1394 : memref<1x80xi32, #tpu.memory_space<vmem>> -> memref<80xi32, #tpu.memory_space<vmem>>
        %dma_wait3A_1396 = tpu.memref_slice %arg3[%mul3A_2] : memref<640000xi32, #tpu.memory_space<hbm>> -> memref<80xi32, #tpu.memory_space<hbm>>
        tpu.wait_dma2 semaphore(%dma_wait3A_1392 : memref<!tpu.dma_semaphore, #tpu.memory_space<semaphore_mem>>) src(%dma_wait3A_1396 : memref<80xi32, #tpu.memory_space<hbm>>) dst(%dma_wait3A_1395 : memref<80xi32, #tpu.memory_space<vmem>>)
        %dma_start3A_1397 = arith.constant 4 : i32
        %dma_start3A_1398 = arith.constant 0 : i32
        %dma_start3A_1399 = arith.constant 0 : i32
        %dma_start3A_1400 = arith.constant 0 : i32
        %dma_start3A_1401 = arith.constant 0 : i32
        %dma_start3A_1402 = tpu.memref_slice %arg8[%dma_start3A_1398, %dma_start3A_1400, %dma_start3A_1401] : memref<4x80x128xf32, #tpu.memory_space<vmem>> -> memref<1x80x128xf32, #tpu.memory_space<vmem>>
        %dma_start3A_1403 = tpu.memref_squeeze %dma_start3A_1402 : memref<1x80x128xf32, #tpu.memory_space<vmem>> -> memref<80x128xf32, #tpu.memory_space<vmem>>
        %dma_start3A_1404 = arith.constant 0 : i32
        %dma_start3A_1405 = tpu.memref_slice %arg6[%dma_start3A_1397, %dma_start3A_1404] : memref<8x80xi32, #tpu.memory_space<vmem>> -> memref<1x80xi32, #tpu.memory_space<vmem>>
        %dma_start3A_1406 = tpu.memref_squeeze %dma_start3A_1405 : memref<1x80xi32, #tpu.memory_space<vmem>> -> memref<80xi32, #tpu.memory_space<vmem>>
        %dma_start3A_1407 = arith.constant 0 : i32
        %dma_start3A_1408 = arith.constant 0 : i32
        %dma_start3A_1409 = tpu.memref_slice %arg2[%dma_start3A_1407, %dma_start3A_1408] : memref<10000x128xf32, #tpu.memory_space<hbm>> -> memref<10000x128xf32, #tpu.memory_space<hbm>>
        %dma_start3A_1410 = tpu.memref_slice %arg13[%dma_start3A_1399] : memref<4x!tpu.dma_semaphore, #tpu.memory_space<semaphore_mem>> -> memref<1x!tpu.dma_semaphore, #tpu.memory_space<semaphore_mem>>
        %dma_start3A_1411 = tpu.memref_squeeze %dma_start3A_1410 : memref<1x!tpu.dma_semaphore, #tpu.memory_space<semaphore_mem>> -> memref<!tpu.dma_semaphore, #tpu.memory_space<semaphore_mem>>
        tpu.enqueue_indirect_dma source(%dma_start3A_1409 : memref<10000x128xf32, #tpu.memory_space<hbm>>) target(%dma_start3A_1403 : memref<80x128xf32, #tpu.memory_space<vmem>>) offsets(%dma_start3A_1406 : memref<80xi32, #tpu.memory_space<vmem>>) semaphore(%dma_start3A_1411 : memref<!tpu.dma_semaphore, #tpu.memory_space<semaphore_mem>>)
      } else {
      }
      %dma_wait3A_878 = arith.constant 0 : i32
      %dma_wait3A_879 = arith.constant 1 : i32
      %dma_wait3A_880 = arith.constant 1 : i32
      %dma_wait3A_881 = arith.constant 0 : i32
      %dma_wait3A_882 = arith.constant 0 : i32
      %dma_wait3A_883 = tpu.memref_slice %arg8[%dma_wait3A_879, %dma_wait3A_881, %dma_wait3A_882] : memref<4x80x128xf32, #tpu.memory_space<vmem>> -> memref<1x80x128xf32, #tpu.memory_space<vmem>>
      %dma_wait3A_884 = tpu.memref_squeeze %dma_wait3A_883 : memref<1x80x128xf32, #tpu.memory_space<vmem>> -> memref<80x128xf32, #tpu.memory_space<vmem>>
      %dma_wait3A_885 = arith.constant 0 : i32
      %dma_wait3A_886 = tpu.memref_slice %arg6[%dma_wait3A_878, %dma_wait3A_885] : memref<8x80xi32, #tpu.memory_space<vmem>> -> memref<1x80xi32, #tpu.memory_space<vmem>>
      %dma_wait3A_887 = tpu.memref_squeeze %dma_wait3A_886 : memref<1x80xi32, #tpu.memory_space<vmem>> -> memref<80xi32, #tpu.memory_space<vmem>>
      %dma_wait3A_888 = arith.constant 0 : i32
      %dma_wait3A_889 = arith.constant 0 : i32
      %dma_wait3A_890 = tpu.memref_slice %arg2[%dma_wait3A_888, %dma_wait3A_889] : memref<10000x128xf32, #tpu.memory_space<hbm>> -> memref<10000x128xf32, #tpu.memory_space<hbm>>
      %dma_wait3A_891 = tpu.memref_slice %arg13[%dma_wait3A_880] : memref<4x!tpu.dma_semaphore, #tpu.memory_space<semaphore_mem>> -> memref<1x!tpu.dma_semaphore, #tpu.memory_space<semaphore_mem>>
      %dma_wait3A_892 = tpu.memref_squeeze %dma_wait3A_891 : memref<1x!tpu.dma_semaphore, #tpu.memory_space<semaphore_mem>> -> memref<!tpu.dma_semaphore, #tpu.memory_space<semaphore_mem>>
      tpu.wait_indirect_dma semaphore(%dma_wait3A_892 : memref<!tpu.dma_semaphore, #tpu.memory_space<semaphore_mem>>) src(%dma_wait3A_890 : memref<10000x128xf32, #tpu.memory_space<hbm>>) dst(%dma_wait3A_884 : memref<80x128xf32, #tpu.memory_space<vmem>>)
      %dma_wait3A_893 = arith.constant 1 : i32
      %dma_wait3A_894 = arith.constant 1 : i32
      %dma_wait3A_895 = arith.constant 0 : i32
      %dma_wait3A_896 = tpu.memref_slice %arg7[%dma_wait3A_893, %dma_wait3A_895] : memref<8x80xi32, #tpu.memory_space<vmem>> -> memref<1x80xi32, #tpu.memory_space<vmem>>
      %dma_wait3A_897 = tpu.memref_squeeze %dma_wait3A_896 : memref<1x80xi32, #tpu.memory_space<vmem>> -> memref<80xi32, #tpu.memory_space<vmem>>
      %dma_wait3A_898 = tpu.memref_slice %arg3[%mul3A_2] : memref<640000xi32, #tpu.memory_space<hbm>> -> memref<80xi32, #tpu.memory_space<hbm>>
      %dma_wait3A_899 = tpu.memref_slice %arg12[%dma_wait3A_894] : memref<8x!tpu.dma_semaphore, #tpu.memory_space<semaphore_mem>> -> memref<1x!tpu.dma_semaphore, #tpu.memory_space<semaphore_mem>>
      %dma_wait3A_900 = tpu.memref_squeeze %dma_wait3A_899 : memref<1x!tpu.dma_semaphore, #tpu.memory_space<semaphore_mem>> -> memref<!tpu.dma_semaphore, #tpu.memory_space<semaphore_mem>>
      %dma_wait3A_901 = arith.constant 0 : i32
      %dma_wait3A_902 = tpu.memref_slice %arg7[%dma_wait3A_893, %dma_wait3A_901] : memref<8x80xi32, #tpu.memory_space<vmem>> -> memref<1x80xi32, #tpu.memory_space<vmem>>
      %dma_wait3A_903 = tpu.memref_squeeze %dma_wait3A_902 : memref<1x80xi32, #tpu.memory_space<vmem>> -> memref<80xi32, #tpu.memory_space<vmem>>
      %dma_wait3A_904 = tpu.memref_slice %arg3[%mul3A_2] : memref<640000xi32, #tpu.memory_space<hbm>> -> memref<80xi32, #tpu.memory_space<hbm>>
      tpu.wait_dma2 semaphore(%dma_wait3A_900 : memref<!tpu.dma_semaphore, #tpu.memory_space<semaphore_mem>>) src(%dma_wait3A_904 : memref<80xi32, #tpu.memory_space<hbm>>) dst(%dma_wait3A_903 : memref<80xi32, #tpu.memory_space<vmem>>)
      %dma_start3A_905 = arith.constant 1 : i32
      %dma_start3A_906 = arith.constant 1 : i32
      %dma_start3A_907 = arith.constant 1 : i32
      %dma_start3A_908 = arith.constant 0 : i32
      %dma_start3A_909 = arith.constant 0 : i32
      %dma_start3A_910 = tpu.memref_slice %arg8[%dma_start3A_905, %dma_start3A_908, %dma_start3A_909] : memref<4x80x128xf32, #tpu.memory_space<vmem>> -> memref<1x80x128xf32, #tpu.memory_space<vmem>>
      %dma_start3A_911 = tpu.memref_squeeze %dma_start3A_910 : memref<1x80x128xf32, #tpu.memory_space<vmem>> -> memref<80x128xf32, #tpu.memory_space<vmem>>
      %dma_start3A_912 = arith.constant 0 : i32
      %dma_start3A_913 = tpu.memref_slice %arg7[%dma_start3A_906, %dma_start3A_912] : memref<8x80xi32, #tpu.memory_space<vmem>> -> memref<1x80xi32, #tpu.memory_space<vmem>>
      %dma_start3A_914 = tpu.memref_squeeze %dma_start3A_913 : memref<1x80xi32, #tpu.memory_space<vmem>> -> memref<80xi32, #tpu.memory_space<vmem>>
      %dma_start3A_915 = arith.constant 0 : i32
      %dma_start3A_916 = arith.constant 0 : i32
      %dma_start3A_917 = tpu.memref_slice %arg15[%dma_start3A_915, %dma_start3A_916] : memref<10240x128xf32, #tpu.memory_space<vmem_shared>> -> memref<10240x128xf32, #tpu.memory_space<vmem_shared>>
      %dma_start3A_918 = tpu.memref_slice %arg14[%dma_start3A_907] : memref<4x!tpu.dma_semaphore, #tpu.memory_space<semaphore_mem>> -> memref<1x!tpu.dma_semaphore, #tpu.memory_space<semaphore_mem>>
      %dma_start3A_919 = tpu.memref_squeeze %dma_start3A_918 : memref<1x!tpu.dma_semaphore, #tpu.memory_space<semaphore_mem>> -> memref<!tpu.dma_semaphore, #tpu.memory_space<semaphore_mem>>
      tpu.enqueue_indirect_dma source(%dma_start3A_911 : memref<80x128xf32, #tpu.memory_space<vmem>>) target(%dma_start3A_917 : memref<10240x128xf32, #tpu.memory_space<vmem_shared>>) offsets(%dma_start3A_914 : memref<80xi32, #tpu.memory_space<vmem>>) semaphore(%dma_start3A_919 : memref<!tpu.dma_semaphore, #tpu.memory_space<semaphore_mem>>) {add = true}
      %dma_start3A_920 = arith.constant 1 : i32
      %dma_start3A_921 = arith.constant 1 : i32
      %dma_start3A_922 = arith.constant 0 : i32
      %dma_start3A_923 = tpu.memref_slice %arg7[%dma_start3A_920, %dma_start3A_922] : memref<8x80xi32, #tpu.memory_space<vmem>> -> memref<1x80xi32, #tpu.memory_space<vmem>>
      %dma_start3A_924 = tpu.memref_squeeze %dma_start3A_923 : memref<1x80xi32, #tpu.memory_space<vmem>> -> memref<80xi32, #tpu.memory_space<vmem>>
      %dma_start3A_925 = arith.constant 0 : i32
      %dma_start3A_926 = tpu.memref_slice %arg16[%dma_start3A_925] : memref<10240xf32, #tpu.memory_space<vmem_shared>> -> memref<10240xf32, #tpu.memory_space<vmem_shared>>
      %dma_start3A_927 = tpu.memref_slice %arg14[%dma_start3A_921] : memref<4x!tpu.dma_semaphore, #tpu.memory_space<semaphore_mem>> -> memref<1x!tpu.dma_semaphore, #tpu.memory_space<semaphore_mem>>
      %dma_start3A_928 = tpu.memref_squeeze %dma_start3A_927 : memref<1x!tpu.dma_semaphore, #tpu.memory_space<semaphore_mem>> -> memref<!tpu.dma_semaphore, #tpu.memory_space<semaphore_mem>>
      tpu.enqueue_indirect_dma source(%arg9 : memref<80xf32, #tpu.memory_space<vmem>>) target(%dma_start3A_926 : memref<10240xf32, #tpu.memory_space<vmem_shared>>) offsets(%dma_start3A_924 : memref<80xi32, #tpu.memory_space<vmem>>) semaphore(%dma_start3A_928 : memref<!tpu.dma_semaphore, #tpu.memory_space<semaphore_mem>>) {add = true}
      %add3A_929 = arith.constant 2 : i32
      %add3A_930 = arith.addi %mul3A_781, %add3A_929 : i32
      %ge3A_931 = arith.constant 1 : i32
      %ge3A_932 = arith.cmpi sge, %add3A_930, %ge3A_931 : i32
      %convert_element_type3A_933 = arith.extui %ge3A_932 : i1 to i32
      %cond3A_934 = arith.constant 0 : i32
      %cond3A_935 = arith.cmpi ne, %convert_element_type3A_933, %cond3A_934 : i32
      scf.if %cond3A_935 {
        %dma_wait3A_1385 = arith.constant 1 : i32
        %dma_wait3A_1386 = arith.constant 0 : i32
        %dma_wait3A_1387 = arith.constant 1 : i32
        %dma_wait3A_1388 = arith.constant 0 : i32
        %dma_wait3A_1389 = arith.constant 0 : i32
        %dma_wait3A_1390 = tpu.memref_slice %arg8[%dma_wait3A_1385, %dma_wait3A_1388, %dma_wait3A_1389] : memref<4x80x128xf32, #tpu.memory_space<vmem>> -> memref<1x80x128xf32, #tpu.memory_space<vmem>>
        %dma_wait3A_1391 = tpu.memref_squeeze %dma_wait3A_1390 : memref<1x80x128xf32, #tpu.memory_space<vmem>> -> memref<80x128xf32, #tpu.memory_space<vmem>>
        %dma_wait3A_1392 = arith.constant 0 : i32
        %dma_wait3A_1393 = tpu.memref_slice %arg7[%dma_wait3A_1386, %dma_wait3A_1392] : memref<8x80xi32, #tpu.memory_space<vmem>> -> memref<1x80xi32, #tpu.memory_space<vmem>>
        %dma_wait3A_1394 = tpu.memref_squeeze %dma_wait3A_1393 : memref<1x80xi32, #tpu.memory_space<vmem>> -> memref<80xi32, #tpu.memory_space<vmem>>
        %dma_wait3A_1395 = arith.constant 0 : i32
        %dma_wait3A_1396 = arith.constant 0 : i32
        %dma_wait3A_1397 = tpu.memref_slice %arg15[%dma_wait3A_1395, %dma_wait3A_1396] : memref<10240x128xf32, #tpu.memory_space<vmem_shared>> -> memref<10240x128xf32, #tpu.memory_space<vmem_shared>>
        %dma_wait3A_1398 = tpu.memref_slice %arg14[%dma_wait3A_1387] : memref<4x!tpu.dma_semaphore, #tpu.memory_space<semaphore_mem>> -> memref<1x!tpu.dma_semaphore, #tpu.memory_space<semaphore_mem>>
        %dma_wait3A_1399 = tpu.memref_squeeze %dma_wait3A_1398 : memref<1x!tpu.dma_semaphore, #tpu.memory_space<semaphore_mem>> -> memref<!tpu.dma_semaphore, #tpu.memory_space<semaphore_mem>>
        tpu.wait_indirect_dma semaphore(%dma_wait3A_1399 : memref<!tpu.dma_semaphore, #tpu.memory_space<semaphore_mem>>) src(%dma_wait3A_1391 : memref<80x128xf32, #tpu.memory_space<vmem>>) dst(%dma_wait3A_1397 : memref<10240x128xf32, #tpu.memory_space<vmem_shared>>)
        %dma_wait3A_1400 = arith.constant 0 : i32
        %dma_wait3A_1401 = arith.constant 1 : i32
        %dma_wait3A_1402 = arith.constant 0 : i32
        %dma_wait3A_1403 = tpu.memref_slice %arg7[%dma_wait3A_1400, %dma_wait3A_1402] : memref<8x80xi32, #tpu.memory_space<vmem>> -> memref<1x80xi32, #tpu.memory_space<vmem>>
        %dma_wait3A_1404 = tpu.memref_squeeze %dma_wait3A_1403 : memref<1x80xi32, #tpu.memory_space<vmem>> -> memref<80xi32, #tpu.memory_space<vmem>>
        %dma_wait3A_1405 = arith.constant 0 : i32
        %dma_wait3A_1406 = tpu.memref_slice %arg16[%dma_wait3A_1405] : memref<10240xf32, #tpu.memory_space<vmem_shared>> -> memref<10240xf32, #tpu.memory_space<vmem_shared>>
        %dma_wait3A_1407 = tpu.memref_slice %arg14[%dma_wait3A_1401] : memref<4x!tpu.dma_semaphore, #tpu.memory_space<semaphore_mem>> -> memref<1x!tpu.dma_semaphore, #tpu.memory_space<semaphore_mem>>
        %dma_wait3A_1408 = tpu.memref_squeeze %dma_wait3A_1407 : memref<1x!tpu.dma_semaphore, #tpu.memory_space<semaphore_mem>> -> memref<!tpu.dma_semaphore, #tpu.memory_space<semaphore_mem>>
        tpu.wait_indirect_dma semaphore(%dma_wait3A_1408 : memref<!tpu.dma_semaphore, #tpu.memory_space<semaphore_mem>>) src(%arg9 : memref<80xf32, #tpu.memory_space<vmem>>) dst(%dma_wait3A_1406 : memref<10240xf32, #tpu.memory_space<vmem_shared>>)
      } else {
      }
      %add3A_936 = arith.constant 8 : i32
      %add3A_937 = arith.addi %add3A_930, %add3A_936 : i32
      %sub3A_938 = arith.constant 1 : i32
      %sub3A_939 = arith.subi %add3A_937, %sub3A_938 : i32
      %lt3A_940 = arith.constant 125 : i32
      %lt3A_941 = arith.cmpi slt, %sub3A_939, %lt3A_940 : i32
      %convert_element_type3A_942 = arith.extui %lt3A_941 : i1 to i32
      %cond3A_943 = arith.constant 0 : i32
      %cond3A_944 = arith.cmpi ne, %convert_element_type3A_942, %cond3A_943 : i32
      scf.if %cond3A_944 {
        %add3A_1385 = arith.constant 8 : i32
        %add3A_1386 = arith.addi %add3A_930, %add3A_1385 : i32
        %sub3A_1387 = arith.constant 1 : i32
        %sub3A_1388 = arith.subi %add3A_1386, %sub3A_1387 : i32
        %mul3A_1389 = arith.constant 80 : i32
        %mul3A_1390 = arith.muli %sub3A_1388, %mul3A_1389 : i32
        %add3A_1391 = arith.addi %mul3A_2, %mul3A_1390 : i32
        %dma_start3A_1392 = arith.constant 1 : i32
        %dma_start3A_1393 = arith.constant 1 : i32
        %dma_start3A_1394 = arith.constant 0 : i32
        %dma_start3A_1395 = tpu.memref_slice %arg6[%dma_start3A_1392, %dma_start3A_1394] : memref<8x80xi32, #tpu.memory_space<vmem>> -> memref<1x80xi32, #tpu.memory_space<vmem>>
        %dma_start3A_1396 = tpu.memref_squeeze %dma_start3A_1395 : memref<1x80xi32, #tpu.memory_space<vmem>> -> memref<80xi32, #tpu.memory_space<vmem>>
        %dma_start3A_1397 = tpu.memref_slice %arg3[%add3A_1391] : memref<640000xi32, #tpu.memory_space<hbm>> -> memref<80xi32, #tpu.memory_space<hbm>>
        %dma_start3A_1398 = tpu.memref_slice %arg11[%dma_start3A_1393] : memref<8x!tpu.dma_semaphore, #tpu.memory_space<semaphore_mem>> -> memref<1x!tpu.dma_semaphore, #tpu.memory_space<semaphore_mem>>
        %dma_start3A_1399 = tpu.memref_squeeze %dma_start3A_1398 : memref<1x!tpu.dma_semaphore, #tpu.memory_space<semaphore_mem>> -> memref<!tpu.dma_semaphore, #tpu.memory_space<semaphore_mem>>
        %dma_start3A_1400 = arith.constant 0 : i32
        %dma_start3A_1401 = tpu.memref_slice %arg6[%dma_start3A_1392, %dma_start3A_1400] : memref<8x80xi32, #tpu.memory_space<vmem>> -> memref<1x80xi32, #tpu.memory_space<vmem>>
        %dma_start3A_1402 = tpu.memref_squeeze %dma_start3A_1401 : memref<1x80xi32, #tpu.memory_space<vmem>> -> memref<80xi32, #tpu.memory_space<vmem>>
        %dma_start3A_1403 = tpu.memref_slice %arg3[%add3A_1391] : memref<640000xi32, #tpu.memory_space<hbm>> -> memref<80xi32, #tpu.memory_space<hbm>>
        tpu.enqueue_dma source(%dma_start3A_1403 : memref<80xi32, #tpu.memory_space<hbm>>) target(%dma_start3A_1402 : memref<80xi32, #tpu.memory_space<vmem>>) target_semaphore(%dma_start3A_1399 : memref<!tpu.dma_semaphore, #tpu.memory_space<semaphore_mem>>)
        %add3A_1404 = arith.constant 320000 : i32
        %add3A_1405 = arith.addi %add3A_1404, %add3A_1391 : i32
        %dma_start3A_1406 = arith.constant 1 : i32
        %dma_start3A_1407 = arith.constant 1 : i32
        %dma_start3A_1408 = arith.constant 0 : i32
        %dma_start3A_1409 = tpu.memref_slice %arg7[%dma_start3A_1406, %dma_start3A_1408] : memref<8x80xi32, #tpu.memory_space<vmem>> -> memref<1x80xi32, #tpu.memory_space<vmem>>
        %dma_start3A_1410 = tpu.memref_squeeze %dma_start3A_1409 : memref<1x80xi32, #tpu.memory_space<vmem>> -> memref<80xi32, #tpu.memory_space<vmem>>
        %dma_start3A_1411 = tpu.memref_slice %arg3[%add3A_1405] : memref<640000xi32, #tpu.memory_space<hbm>> -> memref<80xi32, #tpu.memory_space<hbm>>
        %dma_start3A_1412 = tpu.memref_slice %arg12[%dma_start3A_1407] : memref<8x!tpu.dma_semaphore, #tpu.memory_space<semaphore_mem>> -> memref<1x!tpu.dma_semaphore, #tpu.memory_space<semaphore_mem>>
        %dma_start3A_1413 = tpu.memref_squeeze %dma_start3A_1412 : memref<1x!tpu.dma_semaphore, #tpu.memory_space<semaphore_mem>> -> memref<!tpu.dma_semaphore, #tpu.memory_space<semaphore_mem>>
        %dma_start3A_1414 = arith.constant 0 : i32
        %dma_start3A_1415 = tpu.memref_slice %arg7[%dma_start3A_1406, %dma_start3A_1414] : memref<8x80xi32, #tpu.memory_space<vmem>> -> memref<1x80xi32, #tpu.memory_space<vmem>>
        %dma_start3A_1416 = tpu.memref_squeeze %dma_start3A_1415 : memref<1x80xi32, #tpu.memory_space<vmem>> -> memref<80xi32, #tpu.memory_space<vmem>>
        %dma_start3A_1417 = tpu.memref_slice %arg3[%add3A_1405] : memref<640000xi32, #tpu.memory_space<hbm>> -> memref<80xi32, #tpu.memory_space<hbm>>
        tpu.enqueue_dma source(%dma_start3A_1417 : memref<80xi32, #tpu.memory_space<hbm>>) target(%dma_start3A_1416 : memref<80xi32, #tpu.memory_space<vmem>>) target_semaphore(%dma_start3A_1413 : memref<!tpu.dma_semaphore, #tpu.memory_space<semaphore_mem>>)
      } else {
      }
      %add3A_945 = arith.constant 4 : i32
      %add3A_946 = arith.addi %add3A_930, %add3A_945 : i32
      %sub3A_947 = arith.constant 1 : i32
      %sub3A_948 = arith.subi %add3A_946, %sub3A_947 : i32
      %lt3A_949 = arith.constant 125 : i32
      %lt3A_950 = arith.cmpi slt, %sub3A_948, %lt3A_949 : i32
      %convert_element_type3A_951 = arith.extui %lt3A_950 : i1 to i32
      %cond3A_952 = arith.constant 0 : i32
      %cond3A_953 = arith.cmpi ne, %convert_element_type3A_951, %cond3A_952 : i32
      scf.if %cond3A_953 {
        %dma_wait3A_1385 = arith.constant 5 : i32
        %dma_wait3A_1386 = arith.constant 5 : i32
        %dma_wait3A_1387 = arith.constant 0 : i32
        %dma_wait3A_1388 = tpu.memref_slice %arg6[%dma_wait3A_1385, %dma_wait3A_1387] : memref<8x80xi32, #tpu.memory_space<vmem>> -> memref<1x80xi32, #tpu.memory_space<vmem>>
        %dma_wait3A_1389 = tpu.memref_squeeze %dma_wait3A_1388 : memref<1x80xi32, #tpu.memory_space<vmem>> -> memref<80xi32, #tpu.memory_space<vmem>>
        %dma_wait3A_1390 = tpu.memref_slice %arg3[%mul3A_2] : memref<640000xi32, #tpu.memory_space<hbm>> -> memref<80xi32, #tpu.memory_space<hbm>>
        %dma_wait3A_1391 = tpu.memref_slice %arg11[%dma_wait3A_1386] : memref<8x!tpu.dma_semaphore, #tpu.memory_space<semaphore_mem>> -> memref<1x!tpu.dma_semaphore, #tpu.memory_space<semaphore_mem>>
        %dma_wait3A_1392 = tpu.memref_squeeze %dma_wait3A_1391 : memref<1x!tpu.dma_semaphore, #tpu.memory_space<semaphore_mem>> -> memref<!tpu.dma_semaphore, #tpu.memory_space<semaphore_mem>>
        %dma_wait3A_1393 = arith.constant 0 : i32
        %dma_wait3A_1394 = tpu.memref_slice %arg6[%dma_wait3A_1385, %dma_wait3A_1393] : memref<8x80xi32, #tpu.memory_space<vmem>> -> memref<1x80xi32, #tpu.memory_space<vmem>>
        %dma_wait3A_1395 = tpu.memref_squeeze %dma_wait3A_1394 : memref<1x80xi32, #tpu.memory_space<vmem>> -> memref<80xi32, #tpu.memory_space<vmem>>
        %dma_wait3A_1396 = tpu.memref_slice %arg3[%mul3A_2] : memref<640000xi32, #tpu.memory_space<hbm>> -> memref<80xi32, #tpu.memory_space<hbm>>
        tpu.wait_dma2 semaphore(%dma_wait3A_1392 : memref<!tpu.dma_semaphore, #tpu.memory_space<semaphore_mem>>) src(%dma_wait3A_1396 : memref<80xi32, #tpu.memory_space<hbm>>) dst(%dma_wait3A_1395 : memref<80xi32, #tpu.memory_space<vmem>>)
        %dma_start3A_1397 = arith.constant 5 : i32
        %dma_start3A_1398 = arith.constant 1 : i32
        %dma_start3A_1399 = arith.constant 1 : i32
        %dma_start3A_1400 = arith.constant 0 : i32
        %dma_start3A_1401 = arith.constant 0 : i32
        %dma_start3A_1402 = tpu.memref_slice %arg8[%dma_start3A_1398, %dma_start3A_1400, %dma_start3A_1401] : memref<4x80x128xf32, #tpu.memory_space<vmem>> -> memref<1x80x128xf32, #tpu.memory_space<vmem>>
        %dma_start3A_1403 = tpu.memref_squeeze %dma_start3A_1402 : memref<1x80x128xf32, #tpu.memory_space<vmem>> -> memref<80x128xf32, #tpu.memory_space<vmem>>
        %dma_start3A_1404 = arith.constant 0 : i32
        %dma_start3A_1405 = tpu.memref_slice %arg6[%dma_start3A_1397, %dma_start3A_1404] : memref<8x80xi32, #tpu.memory_space<vmem>> -> memref<1x80xi32, #tpu.memory_space<vmem>>
        %dma_start3A_1406 = tpu.memref_squeeze %dma_start3A_1405 : memref<1x80xi32, #tpu.memory_space<vmem>> -> memref<80xi32, #tpu.memory_space<vmem>>
        %dma_start3A_1407 = arith.constant 0 : i32
        %dma_start3A_1408 = arith.constant 0 : i32
        %dma_start3A_1409 = tpu.memref_slice %arg2[%dma_start3A_1407, %dma_start3A_1408] : memref<10000x128xf32, #tpu.memory_space<hbm>> -> memref<10000x128xf32, #tpu.memory_space<hbm>>
        %dma_start3A_1410 = tpu.memref_slice %arg13[%dma_start3A_1399] : memref<4x!tpu.dma_semaphore, #tpu.memory_space<semaphore_mem>> -> memref<1x!tpu.dma_semaphore, #tpu.memory_space<semaphore_mem>>
        %dma_start3A_1411 = tpu.memref_squeeze %dma_start3A_1410 : memref<1x!tpu.dma_semaphore, #tpu.memory_space<semaphore_mem>> -> memref<!tpu.dma_semaphore, #tpu.memory_space<semaphore_mem>>
        tpu.enqueue_indirect_dma source(%dma_start3A_1409 : memref<10000x128xf32, #tpu.memory_space<hbm>>) target(%dma_start3A_1403 : memref<80x128xf32, #tpu.memory_space<vmem>>) offsets(%dma_start3A_1406 : memref<80xi32, #tpu.memory_space<vmem>>) semaphore(%dma_start3A_1411 : memref<!tpu.dma_semaphore, #tpu.memory_space<semaphore_mem>>)
      } else {
      }
      %dma_wait3A_954 = arith.constant 0 : i32
      %dma_wait3A_955 = arith.constant 2 : i32
      %dma_wait3A_956 = arith.constant 2 : i32
      %dma_wait3A_957 = arith.constant 0 : i32
      %dma_wait3A_958 = arith.constant 0 : i32
      %dma_wait3A_959 = tpu.memref_slice %arg8[%dma_wait3A_955, %dma_wait3A_957, %dma_wait3A_958] : memref<4x80x128xf32, #tpu.memory_space<vmem>> -> memref<1x80x128xf32, #tpu.memory_space<vmem>>
      %dma_wait3A_960 = tpu.memref_squeeze %dma_wait3A_959 : memref<1x80x128xf32, #tpu.memory_space<vmem>> -> memref<80x128xf32, #tpu.memory_space<vmem>>
      %dma_wait3A_961 = arith.constant 0 : i32
      %dma_wait3A_962 = tpu.memref_slice %arg6[%dma_wait3A_954, %dma_wait3A_961] : memref<8x80xi32, #tpu.memory_space<vmem>> -> memref<1x80xi32, #tpu.memory_space<vmem>>
      %dma_wait3A_963 = tpu.memref_squeeze %dma_wait3A_962 : memref<1x80xi32, #tpu.memory_space<vmem>> -> memref<80xi32, #tpu.memory_space<vmem>>
      %dma_wait3A_964 = arith.constant 0 : i32
      %dma_wait3A_965 = arith.constant 0 : i32
      %dma_wait3A_966 = tpu.memref_slice %arg2[%dma_wait3A_964, %dma_wait3A_965] : memref<10000x128xf32, #tpu.memory_space<hbm>> -> memref<10000x128xf32, #tpu.memory_space<hbm>>
      %dma_wait3A_967 = tpu.memref_slice %arg13[%dma_wait3A_956] : memref<4x!tpu.dma_semaphore, #tpu.memory_space<semaphore_mem>> -> memref<1x!tpu.dma_semaphore, #tpu.memory_space<semaphore_mem>>
      %dma_wait3A_968 = tpu.memref_squeeze %dma_wait3A_967 : memref<1x!tpu.dma_semaphore, #tpu.memory_space<semaphore_mem>> -> memref<!tpu.dma_semaphore, #tpu.memory_space<semaphore_mem>>
      tpu.wait_indirect_dma semaphore(%dma_wait3A_968 : memref<!tpu.dma_semaphore, #tpu.memory_space<semaphore_mem>>) src(%dma_wait3A_966 : memref<10000x128xf32, #tpu.memory_space<hbm>>) dst(%dma_wait3A_960 : memref<80x128xf32, #tpu.memory_space<vmem>>)
      %dma_wait3A_969 = arith.constant 2 : i32
      %dma_wait3A_970 = arith.constant 2 : i32
      %dma_wait3A_971 = arith.constant 0 : i32
      %dma_wait3A_972 = tpu.memref_slice %arg7[%dma_wait3A_969, %dma_wait3A_971] : memref<8x80xi32, #tpu.memory_space<vmem>> -> memref<1x80xi32, #tpu.memory_space<vmem>>
      %dma_wait3A_973 = tpu.memref_squeeze %dma_wait3A_972 : memref<1x80xi32, #tpu.memory_space<vmem>> -> memref<80xi32, #tpu.memory_space<vmem>>
      %dma_wait3A_974 = tpu.memref_slice %arg3[%mul3A_2] : memref<640000xi32, #tpu.memory_space<hbm>> -> memref<80xi32, #tpu.memory_space<hbm>>
      %dma_wait3A_975 = tpu.memref_slice %arg12[%dma_wait3A_970] : memref<8x!tpu.dma_semaphore, #tpu.memory_space<semaphore_mem>> -> memref<1x!tpu.dma_semaphore, #tpu.memory_space<semaphore_mem>>
      %dma_wait3A_976 = tpu.memref_squeeze %dma_wait3A_975 : memref<1x!tpu.dma_semaphore, #tpu.memory_space<semaphore_mem>> -> memref<!tpu.dma_semaphore, #tpu.memory_space<semaphore_mem>>
      %dma_wait3A_977 = arith.constant 0 : i32
      %dma_wait3A_978 = tpu.memref_slice %arg7[%dma_wait3A_969, %dma_wait3A_977] : memref<8x80xi32, #tpu.memory_space<vmem>> -> memref<1x80xi32, #tpu.memory_space<vmem>>
      %dma_wait3A_979 = tpu.memref_squeeze %dma_wait3A_978 : memref<1x80xi32, #tpu.memory_space<vmem>> -> memref<80xi32, #tpu.memory_space<vmem>>
      %dma_wait3A_980 = tpu.memref_slice %arg3[%mul3A_2] : memref<640000xi32, #tpu.memory_space<hbm>> -> memref<80xi32, #tpu.memory_space<hbm>>
      tpu.wait_dma2 semaphore(%dma_wait3A_976 : memref<!tpu.dma_semaphore, #tpu.memory_space<semaphore_mem>>) src(%dma_wait3A_980 : memref<80xi32, #tpu.memory_space<hbm>>) dst(%dma_wait3A_979 : memref<80xi32, #tpu.memory_space<vmem>>)
      %dma_start3A_981 = arith.constant 2 : i32
      %dma_start3A_982 = arith.constant 2 : i32
      %dma_start3A_983 = arith.constant 2 : i32
      %dma_start3A_984 = arith.constant 0 : i32
      %dma_start3A_985 = arith.constant 0 : i32
      %dma_start3A_986 = tpu.memref_slice %arg8[%dma_start3A_981, %dma_start3A_984, %dma_start3A_985] : memref<4x80x128xf32, #tpu.memory_space<vmem>> -> memref<1x80x128xf32, #tpu.memory_space<vmem>>
      %dma_start3A_987 = tpu.memref_squeeze %dma_start3A_986 : memref<1x80x128xf32, #tpu.memory_space<vmem>> -> memref<80x128xf32, #tpu.memory_space<vmem>>
      %dma_start3A_988 = arith.constant 0 : i32
      %dma_start3A_989 = tpu.memref_slice %arg7[%dma_start3A_982, %dma_start3A_988] : memref<8x80xi32, #tpu.memory_space<vmem>> -> memref<1x80xi32, #tpu.memory_space<vmem>>
      %dma_start3A_990 = tpu.memref_squeeze %dma_start3A_989 : memref<1x80xi32, #tpu.memory_space<vmem>> -> memref<80xi32, #tpu.memory_space<vmem>>
      %dma_start3A_991 = arith.constant 0 : i32
      %dma_start3A_992 = arith.constant 0 : i32
      %dma_start3A_993 = tpu.memref_slice %arg15[%dma_start3A_991, %dma_start3A_992] : memref<10240x128xf32, #tpu.memory_space<vmem_shared>> -> memref<10240x128xf32, #tpu.memory_space<vmem_shared>>
      %dma_start3A_994 = tpu.memref_slice %arg14[%dma_start3A_983] : memref<4x!tpu.dma_semaphore, #tpu.memory_space<semaphore_mem>> -> memref<1x!tpu.dma_semaphore, #tpu.memory_space<semaphore_mem>>
      %dma_start3A_995 = tpu.memref_squeeze %dma_start3A_994 : memref<1x!tpu.dma_semaphore, #tpu.memory_space<semaphore_mem>> -> memref<!tpu.dma_semaphore, #tpu.memory_space<semaphore_mem>>
      tpu.enqueue_indirect_dma source(%dma_start3A_987 : memref<80x128xf32, #tpu.memory_space<vmem>>) target(%dma_start3A_993 : memref<10240x128xf32, #tpu.memory_space<vmem_shared>>) offsets(%dma_start3A_990 : memref<80xi32, #tpu.memory_space<vmem>>) semaphore(%dma_start3A_995 : memref<!tpu.dma_semaphore, #tpu.memory_space<semaphore_mem>>) {add = true}
      %dma_start3A_996 = arith.constant 2 : i32
      %dma_start3A_997 = arith.constant 2 : i32
      %dma_start3A_998 = arith.constant 0 : i32
      %dma_start3A_999 = tpu.memref_slice %arg7[%dma_start3A_996, %dma_start3A_998] : memref<8x80xi32, #tpu.memory_space<vmem>> -> memref<1x80xi32, #tpu.memory_space<vmem>>
      %dma_start3A_1000 = tpu.memref_squeeze %dma_start3A_999 : memref<1x80xi32, #tpu.memory_space<vmem>> -> memref<80xi32, #tpu.memory_space<vmem>>
      %dma_start3A_1001 = arith.constant 0 : i32
      %dma_start3A_1002 = tpu.memref_slice %arg16[%dma_start3A_1001] : memref<10240xf32, #tpu.memory_space<vmem_shared>> -> memref<10240xf32, #tpu.memory_space<vmem_shared>>
      %dma_start3A_1003 = tpu.memref_slice %arg14[%dma_start3A_997] : memref<4x!tpu.dma_semaphore, #tpu.memory_space<semaphore_mem>> -> memref<1x!tpu.dma_semaphore, #tpu.memory_space<semaphore_mem>>
      %dma_start3A_1004 = tpu.memref_squeeze %dma_start3A_1003 : memref<1x!tpu.dma_semaphore, #tpu.memory_space<semaphore_mem>> -> memref<!tpu.dma_semaphore, #tpu.memory_space<semaphore_mem>>
      tpu.enqueue_indirect_dma source(%arg9 : memref<80xf32, #tpu.memory_space<vmem>>) target(%dma_start3A_1002 : memref<10240xf32, #tpu.memory_space<vmem_shared>>) offsets(%dma_start3A_1000 : memref<80xi32, #tpu.memory_space<vmem>>) semaphore(%dma_start3A_1004 : memref<!tpu.dma_semaphore, #tpu.memory_space<semaphore_mem>>) {add = true}
      %add3A_1005 = arith.constant 3 : i32
      %add3A_1006 = arith.addi %mul3A_781, %add3A_1005 : i32
      %ge3A_1007 = arith.constant 1 : i32
      %ge3A_1008 = arith.cmpi sge, %add3A_1006, %ge3A_1007 : i32
      %convert_element_type3A_1009 = arith.extui %ge3A_1008 : i1 to i32
      %cond3A_1010 = arith.constant 0 : i32
      %cond3A_1011 = arith.cmpi ne, %convert_element_type3A_1009, %cond3A_1010 : i32
      scf.if %cond3A_1011 {
        %dma_wait3A_1385 = arith.constant 2 : i32
        %dma_wait3A_1386 = arith.constant 0 : i32
        %dma_wait3A_1387 = arith.constant 2 : i32
        %dma_wait3A_1388 = arith.constant 0 : i32
        %dma_wait3A_1389 = arith.constant 0 : i32
        %dma_wait3A_1390 = tpu.memref_slice %arg8[%dma_wait3A_1385, %dma_wait3A_1388, %dma_wait3A_1389] : memref<4x80x128xf32, #tpu.memory_space<vmem>> -> memref<1x80x128xf32, #tpu.memory_space<vmem>>
        %dma_wait3A_1391 = tpu.memref_squeeze %dma_wait3A_1390 : memref<1x80x128xf32, #tpu.memory_space<vmem>> -> memref<80x128xf32, #tpu.memory_space<vmem>>
        %dma_wait3A_1392 = arith.constant 0 : i32
        %dma_wait3A_1393 = tpu.memref_slice %arg7[%dma_wait3A_1386, %dma_wait3A_1392] : memref<8x80xi32, #tpu.memory_space<vmem>> -> memref<1x80xi32, #tpu.memory_space<vmem>>
        %dma_wait3A_1394 = tpu.memref_squeeze %dma_wait3A_1393 : memref<1x80xi32, #tpu.memory_space<vmem>> -> memref<80xi32, #tpu.memory_space<vmem>>
        %dma_wait3A_1395 = arith.constant 0 : i32
        %dma_wait3A_1396 = arith.constant 0 : i32
        %dma_wait3A_1397 = tpu.memref_slice %arg15[%dma_wait3A_1395, %dma_wait3A_1396] : memref<10240x128xf32, #tpu.memory_space<vmem_shared>> -> memref<10240x128xf32, #tpu.memory_space<vmem_shared>>
        %dma_wait3A_1398 = tpu.memref_slice %arg14[%dma_wait3A_1387] : memref<4x!tpu.dma_semaphore, #tpu.memory_space<semaphore_mem>> -> memref<1x!tpu.dma_semaphore, #tpu.memory_space<semaphore_mem>>
        %dma_wait3A_1399 = tpu.memref_squeeze %dma_wait3A_1398 : memref<1x!tpu.dma_semaphore, #tpu.memory_space<semaphore_mem>> -> memref<!tpu.dma_semaphore, #tpu.memory_space<semaphore_mem>>
        tpu.wait_indirect_dma semaphore(%dma_wait3A_1399 : memref<!tpu.dma_semaphore, #tpu.memory_space<semaphore_mem>>) src(%dma_wait3A_1391 : memref<80x128xf32, #tpu.memory_space<vmem>>) dst(%dma_wait3A_1397 : memref<10240x128xf32, #tpu.memory_space<vmem_shared>>)
        %dma_wait3A_1400 = arith.constant 0 : i32
        %dma_wait3A_1401 = arith.constant 2 : i32
        %dma_wait3A_1402 = arith.constant 0 : i32
        %dma_wait3A_1403 = tpu.memref_slice %arg7[%dma_wait3A_1400, %dma_wait3A_1402] : memref<8x80xi32, #tpu.memory_space<vmem>> -> memref<1x80xi32, #tpu.memory_space<vmem>>
        %dma_wait3A_1404 = tpu.memref_squeeze %dma_wait3A_1403 : memref<1x80xi32, #tpu.memory_space<vmem>> -> memref<80xi32, #tpu.memory_space<vmem>>
        %dma_wait3A_1405 = arith.constant 0 : i32
        %dma_wait3A_1406 = tpu.memref_slice %arg16[%dma_wait3A_1405] : memref<10240xf32, #tpu.memory_space<vmem_shared>> -> memref<10240xf32, #tpu.memory_space<vmem_shared>>
        %dma_wait3A_1407 = tpu.memref_slice %arg14[%dma_wait3A_1401] : memref<4x!tpu.dma_semaphore, #tpu.memory_space<semaphore_mem>> -> memref<1x!tpu.dma_semaphore, #tpu.memory_space<semaphore_mem>>
        %dma_wait3A_1408 = tpu.memref_squeeze %dma_wait3A_1407 : memref<1x!tpu.dma_semaphore, #tpu.memory_space<semaphore_mem>> -> memref<!tpu.dma_semaphore, #tpu.memory_space<semaphore_mem>>
        tpu.wait_indirect_dma semaphore(%dma_wait3A_1408 : memref<!tpu.dma_semaphore, #tpu.memory_space<semaphore_mem>>) src(%arg9 : memref<80xf32, #tpu.memory_space<vmem>>) dst(%dma_wait3A_1406 : memref<10240xf32, #tpu.memory_space<vmem_shared>>)
      } else {
      }
      %add3A_1012 = arith.constant 8 : i32
      %add3A_1013 = arith.addi %add3A_1006, %add3A_1012 : i32
      %sub3A_1014 = arith.constant 1 : i32
      %sub3A_1015 = arith.subi %add3A_1013, %sub3A_1014 : i32
      %lt3A_1016 = arith.constant 125 : i32
      %lt3A_1017 = arith.cmpi slt, %sub3A_1015, %lt3A_1016 : i32
      %convert_element_type3A_1018 = arith.extui %lt3A_1017 : i1 to i32
      %cond3A_1019 = arith.constant 0 : i32
      %cond3A_1020 = arith.cmpi ne, %convert_element_type3A_1018, %cond3A_1019 : i32
      scf.if %cond3A_1020 {
        %add3A_1385 = arith.constant 8 : i32
        %add3A_1386 = arith.addi %add3A_1006, %add3A_1385 : i32
        %sub3A_1387 = arith.constant 1 : i32
        %sub3A_1388 = arith.subi %add3A_1386, %sub3A_1387 : i32
        %mul3A_1389 = arith.constant 80 : i32
        %mul3A_1390 = arith.muli %sub3A_1388, %mul3A_1389 : i32
        %add3A_1391 = arith.addi %mul3A_2, %mul3A_1390 : i32
        %dma_start3A_1392 = arith.constant 2 : i32
        %dma_start3A_1393 = arith.constant 2 : i32
        %dma_start3A_1394 = arith.constant 0 : i32
        %dma_start3A_1395 = tpu.memref_slice %arg6[%dma_start3A_1392, %dma_start3A_1394] : memref<8x80xi32, #tpu.memory_space<vmem>> -> memref<1x80xi32, #tpu.memory_space<vmem>>
        %dma_start3A_1396 = tpu.memref_squeeze %dma_start3A_1395 : memref<1x80xi32, #tpu.memory_space<vmem>> -> memref<80xi32, #tpu.memory_space<vmem>>
        %dma_start3A_1397 = tpu.memref_slice %arg3[%add3A_1391] : memref<640000xi32, #tpu.memory_space<hbm>> -> memref<80xi32, #tpu.memory_space<hbm>>
        %dma_start3A_1398 = tpu.memref_slice %arg11[%dma_start3A_1393] : memref<8x!tpu.dma_semaphore, #tpu.memory_space<semaphore_mem>> -> memref<1x!tpu.dma_semaphore, #tpu.memory_space<semaphore_mem>>
        %dma_start3A_1399 = tpu.memref_squeeze %dma_start3A_1398 : memref<1x!tpu.dma_semaphore, #tpu.memory_space<semaphore_mem>> -> memref<!tpu.dma_semaphore, #tpu.memory_space<semaphore_mem>>
        %dma_start3A_1400 = arith.constant 0 : i32
        %dma_start3A_1401 = tpu.memref_slice %arg6[%dma_start3A_1392, %dma_start3A_1400] : memref<8x80xi32, #tpu.memory_space<vmem>> -> memref<1x80xi32, #tpu.memory_space<vmem>>
        %dma_start3A_1402 = tpu.memref_squeeze %dma_start3A_1401 : memref<1x80xi32, #tpu.memory_space<vmem>> -> memref<80xi32, #tpu.memory_space<vmem>>
        %dma_start3A_1403 = tpu.memref_slice %arg3[%add3A_1391] : memref<640000xi32, #tpu.memory_space<hbm>> -> memref<80xi32, #tpu.memory_space<hbm>>
        tpu.enqueue_dma source(%dma_start3A_1403 : memref<80xi32, #tpu.memory_space<hbm>>) target(%dma_start3A_1402 : memref<80xi32, #tpu.memory_space<vmem>>) target_semaphore(%dma_start3A_1399 : memref<!tpu.dma_semaphore, #tpu.memory_space<semaphore_mem>>)
        %add3A_1404 = arith.constant 320000 : i32
        %add3A_1405 = arith.addi %add3A_1404, %add3A_1391 : i32
        %dma_start3A_1406 = arith.constant 2 : i32
        %dma_start3A_1407 = arith.constant 2 : i32
        %dma_start3A_1408 = arith.constant 0 : i32
        %dma_start3A_1409 = tpu.memref_slice %arg7[%dma_start3A_1406, %dma_start3A_1408] : memref<8x80xi32, #tpu.memory_space<vmem>> -> memref<1x80xi32, #tpu.memory_space<vmem>>
        %dma_start3A_1410 = tpu.memref_squeeze %dma_start3A_1409 : memref<1x80xi32, #tpu.memory_space<vmem>> -> memref<80xi32, #tpu.memory_space<vmem>>
        %dma_start3A_1411 = tpu.memref_slice %arg3[%add3A_1405] : memref<640000xi32, #tpu.memory_space<hbm>> -> memref<80xi32, #tpu.memory_space<hbm>>
        %dma_start3A_1412 = tpu.memref_slice %arg12[%dma_start3A_1407] : memref<8x!tpu.dma_semaphore, #tpu.memory_space<semaphore_mem>> -> memref<1x!tpu.dma_semaphore, #tpu.memory_space<semaphore_mem>>
        %dma_start3A_1413 = tpu.memref_squeeze %dma_start3A_1412 : memref<1x!tpu.dma_semaphore, #tpu.memory_space<semaphore_mem>> -> memref<!tpu.dma_semaphore, #tpu.memory_space<semaphore_mem>>
        %dma_start3A_1414 = arith.constant 0 : i32
        %dma_start3A_1415 = tpu.memref_slice %arg7[%dma_start3A_1406, %dma_start3A_1414] : memref<8x80xi32, #tpu.memory_space<vmem>> -> memref<1x80xi32, #tpu.memory_space<vmem>>
        %dma_start3A_1416 = tpu.memref_squeeze %dma_start3A_1415 : memref<1x80xi32, #tpu.memory_space<vmem>> -> memref<80xi32, #tpu.memory_space<vmem>>
        %dma_start3A_1417 = tpu.memref_slice %arg3[%add3A_1405] : memref<640000xi32, #tpu.memory_space<hbm>> -> memref<80xi32, #tpu.memory_space<hbm>>
        tpu.enqueue_dma source(%dma_start3A_1417 : memref<80xi32, #tpu.memory_space<hbm>>) target(%dma_start3A_1416 : memref<80xi32, #tpu.memory_space<vmem>>) target_semaphore(%dma_start3A_1413 : memref<!tpu.dma_semaphore, #tpu.memory_space<semaphore_mem>>)
      } else {
      }
      %add3A_1021 = arith.constant 4 : i32
      %add3A_1022 = arith.addi %add3A_1006, %add3A_1021 : i32
      %sub3A_1023 = arith.constant 1 : i32
      %sub3A_1024 = arith.subi %add3A_1022, %sub3A_1023 : i32
      %lt3A_1025 = arith.constant 125 : i32
      %lt3A_1026 = arith.cmpi slt, %sub3A_1024, %lt3A_1025 : i32
      %convert_element_type3A_1027 = arith.extui %lt3A_1026 : i1 to i32
      %cond3A_1028 = arith.constant 0 : i32
      %cond3A_1029 = arith.cmpi ne, %convert_element_type3A_1027, %cond3A_1028 : i32
      scf.if %cond3A_1029 {
        %dma_wait3A_1385 = arith.constant 6 : i32
        %dma_wait3A_1386 = arith.constant 6 : i32
        %dma_wait3A_1387 = arith.constant 0 : i32
        %dma_wait3A_1388 = tpu.memref_slice %arg6[%dma_wait3A_1385, %dma_wait3A_1387] : memref<8x80xi32, #tpu.memory_space<vmem>> -> memref<1x80xi32, #tpu.memory_space<vmem>>
        %dma_wait3A_1389 = tpu.memref_squeeze %dma_wait3A_1388 : memref<1x80xi32, #tpu.memory_space<vmem>> -> memref<80xi32, #tpu.memory_space<vmem>>
        %dma_wait3A_1390 = tpu.memref_slice %arg3[%mul3A_2] : memref<640000xi32, #tpu.memory_space<hbm>> -> memref<80xi32, #tpu.memory_space<hbm>>
        %dma_wait3A_1391 = tpu.memref_slice %arg11[%dma_wait3A_1386] : memref<8x!tpu.dma_semaphore, #tpu.memory_space<semaphore_mem>> -> memref<1x!tpu.dma_semaphore, #tpu.memory_space<semaphore_mem>>
        %dma_wait3A_1392 = tpu.memref_squeeze %dma_wait3A_1391 : memref<1x!tpu.dma_semaphore, #tpu.memory_space<semaphore_mem>> -> memref<!tpu.dma_semaphore, #tpu.memory_space<semaphore_mem>>
        %dma_wait3A_1393 = arith.constant 0 : i32
        %dma_wait3A_1394 = tpu.memref_slice %arg6[%dma_wait3A_1385, %dma_wait3A_1393] : memref<8x80xi32, #tpu.memory_space<vmem>> -> memref<1x80xi32, #tpu.memory_space<vmem>>
        %dma_wait3A_1395 = tpu.memref_squeeze %dma_wait3A_1394 : memref<1x80xi32, #tpu.memory_space<vmem>> -> memref<80xi32, #tpu.memory_space<vmem>>
        %dma_wait3A_1396 = tpu.memref_slice %arg3[%mul3A_2] : memref<640000xi32, #tpu.memory_space<hbm>> -> memref<80xi32, #tpu.memory_space<hbm>>
        tpu.wait_dma2 semaphore(%dma_wait3A_1392 : memref<!tpu.dma_semaphore, #tpu.memory_space<semaphore_mem>>) src(%dma_wait3A_1396 : memref<80xi32, #tpu.memory_space<hbm>>) dst(%dma_wait3A_1395 : memref<80xi32, #tpu.memory_space<vmem>>)
        %dma_start3A_1397 = arith.constant 6 : i32
        %dma_start3A_1398 = arith.constant 2 : i32
        %dma_start3A_1399 = arith.constant 2 : i32
        %dma_start3A_1400 = arith.constant 0 : i32
        %dma_start3A_1401 = arith.constant 0 : i32
        %dma_start3A_1402 = tpu.memref_slice %arg8[%dma_start3A_1398, %dma_start3A_1400, %dma_start3A_1401] : memref<4x80x128xf32, #tpu.memory_space<vmem>> -> memref<1x80x128xf32, #tpu.memory_space<vmem>>
        %dma_start3A_1403 = tpu.memref_squeeze %dma_start3A_1402 : memref<1x80x128xf32, #tpu.memory_space<vmem>> -> memref<80x128xf32, #tpu.memory_space<vmem>>
        %dma_start3A_1404 = arith.constant 0 : i32
        %dma_start3A_1405 = tpu.memref_slice %arg6[%dma_start3A_1397, %dma_start3A_1404] : memref<8x80xi32, #tpu.memory_space<vmem>> -> memref<1x80xi32, #tpu.memory_space<vmem>>
        %dma_start3A_1406 = tpu.memref_squeeze %dma_start3A_1405 : memref<1x80xi32, #tpu.memory_space<vmem>> -> memref<80xi32, #tpu.memory_space<vmem>>
        %dma_start3A_1407 = arith.constant 0 : i32
        %dma_start3A_1408 = arith.constant 0 : i32
        %dma_start3A_1409 = tpu.memref_slice %arg2[%dma_start3A_1407, %dma_start3A_1408] : memref<10000x128xf32, #tpu.memory_space<hbm>> -> memref<10000x128xf32, #tpu.memory_space<hbm>>
        %dma_start3A_1410 = tpu.memref_slice %arg13[%dma_start3A_1399] : memref<4x!tpu.dma_semaphore, #tpu.memory_space<semaphore_mem>> -> memref<1x!tpu.dma_semaphore, #tpu.memory_space<semaphore_mem>>
        %dma_start3A_1411 = tpu.memref_squeeze %dma_start3A_1410 : memref<1x!tpu.dma_semaphore, #tpu.memory_space<semaphore_mem>> -> memref<!tpu.dma_semaphore, #tpu.memory_space<semaphore_mem>>
        tpu.enqueue_indirect_dma source(%dma_start3A_1409 : memref<10000x128xf32, #tpu.memory_space<hbm>>) target(%dma_start3A_1403 : memref<80x128xf32, #tpu.memory_space<vmem>>) offsets(%dma_start3A_1406 : memref<80xi32, #tpu.memory_space<vmem>>) semaphore(%dma_start3A_1411 : memref<!tpu.dma_semaphore, #tpu.memory_space<semaphore_mem>>)
      } else {
      }
      %dma_wait3A_1030 = arith.constant 0 : i32
      %dma_wait3A_1031 = arith.constant 3 : i32
      %dma_wait3A_1032 = arith.constant 3 : i32
      %dma_wait3A_1033 = arith.constant 0 : i32
      %dma_wait3A_1034 = arith.constant 0 : i32
      %dma_wait3A_1035 = tpu.memref_slice %arg8[%dma_wait3A_1031, %dma_wait3A_1033, %dma_wait3A_1034] : memref<4x80x128xf32, #tpu.memory_space<vmem>> -> memref<1x80x128xf32, #tpu.memory_space<vmem>>
      %dma_wait3A_1036 = tpu.memref_squeeze %dma_wait3A_1035 : memref<1x80x128xf32, #tpu.memory_space<vmem>> -> memref<80x128xf32, #tpu.memory_space<vmem>>
      %dma_wait3A_1037 = arith.constant 0 : i32
      %dma_wait3A_1038 = tpu.memref_slice %arg6[%dma_wait3A_1030, %dma_wait3A_1037] : memref<8x80xi32, #tpu.memory_space<vmem>> -> memref<1x80xi32, #tpu.memory_space<vmem>>
      %dma_wait3A_1039 = tpu.memref_squeeze %dma_wait3A_1038 : memref<1x80xi32, #tpu.memory_space<vmem>> -> memref<80xi32, #tpu.memory_space<vmem>>
      %dma_wait3A_1040 = arith.constant 0 : i32
      %dma_wait3A_1041 = arith.constant 0 : i32
      %dma_wait3A_1042 = tpu.memref_slice %arg2[%dma_wait3A_1040, %dma_wait3A_1041] : memref<10000x128xf32, #tpu.memory_space<hbm>> -> memref<10000x128xf32, #tpu.memory_space<hbm>>
      %dma_wait3A_1043 = tpu.memref_slice %arg13[%dma_wait3A_1032] : memref<4x!tpu.dma_semaphore, #tpu.memory_space<semaphore_mem>> -> memref<1x!tpu.dma_semaphore, #tpu.memory_space<semaphore_mem>>
      %dma_wait3A_1044 = tpu.memref_squeeze %dma_wait3A_1043 : memref<1x!tpu.dma_semaphore, #tpu.memory_space<semaphore_mem>> -> memref<!tpu.dma_semaphore, #tpu.memory_space<semaphore_mem>>
      tpu.wait_indirect_dma semaphore(%dma_wait3A_1044 : memref<!tpu.dma_semaphore, #tpu.memory_space<semaphore_mem>>) src(%dma_wait3A_1042 : memref<10000x128xf32, #tpu.memory_space<hbm>>) dst(%dma_wait3A_1036 : memref<80x128xf32, #tpu.memory_space<vmem>>)
      %dma_wait3A_1045 = arith.constant 3 : i32
      %dma_wait3A_1046 = arith.constant 3 : i32
      %dma_wait3A_1047 = arith.constant 0 : i32
      %dma_wait3A_1048 = tpu.memref_slice %arg7[%dma_wait3A_1045, %dma_wait3A_1047] : memref<8x80xi32, #tpu.memory_space<vmem>> -> memref<1x80xi32, #tpu.memory_space<vmem>>
      %dma_wait3A_1049 = tpu.memref_squeeze %dma_wait3A_1048 : memref<1x80xi32, #tpu.memory_space<vmem>> -> memref<80xi32, #tpu.memory_space<vmem>>
      %dma_wait3A_1050 = tpu.memref_slice %arg3[%mul3A_2] : memref<640000xi32, #tpu.memory_space<hbm>> -> memref<80xi32, #tpu.memory_space<hbm>>
      %dma_wait3A_1051 = tpu.memref_slice %arg12[%dma_wait3A_1046] : memref<8x!tpu.dma_semaphore, #tpu.memory_space<semaphore_mem>> -> memref<1x!tpu.dma_semaphore, #tpu.memory_space<semaphore_mem>>
      %dma_wait3A_1052 = tpu.memref_squeeze %dma_wait3A_1051 : memref<1x!tpu.dma_semaphore, #tpu.memory_space<semaphore_mem>> -> memref<!tpu.dma_semaphore, #tpu.memory_space<semaphore_mem>>
      %dma_wait3A_1053 = arith.constant 0 : i32
      %dma_wait3A_1054 = tpu.memref_slice %arg7[%dma_wait3A_1045, %dma_wait3A_1053] : memref<8x80xi32, #tpu.memory_space<vmem>> -> memref<1x80xi32, #tpu.memory_space<vmem>>
      %dma_wait3A_1055 = tpu.memref_squeeze %dma_wait3A_1054 : memref<1x80xi32, #tpu.memory_space<vmem>> -> memref<80xi32, #tpu.memory_space<vmem>>
      %dma_wait3A_1056 = tpu.memref_slice %arg3[%mul3A_2] : memref<640000xi32, #tpu.memory_space<hbm>> -> memref<80xi32, #tpu.memory_space<hbm>>
      tpu.wait_dma2 semaphore(%dma_wait3A_1052 : memref<!tpu.dma_semaphore, #tpu.memory_space<semaphore_mem>>) src(%dma_wait3A_1056 : memref<80xi32, #tpu.memory_space<hbm>>) dst(%dma_wait3A_1055 : memref<80xi32, #tpu.memory_space<vmem>>)
      %dma_start3A_1057 = arith.constant 3 : i32
      %dma_start3A_1058 = arith.constant 3 : i32
      %dma_start3A_1059 = arith.constant 3 : i32
      %dma_start3A_1060 = arith.constant 0 : i32
      %dma_start3A_1061 = arith.constant 0 : i32
      %dma_start3A_1062 = tpu.memref_slice %arg8[%dma_start3A_1057, %dma_start3A_1060, %dma_start3A_1061] : memref<4x80x128xf32, #tpu.memory_space<vmem>> -> memref<1x80x128xf32, #tpu.memory_space<vmem>>
      %dma_start3A_1063 = tpu.memref_squeeze %dma_start3A_1062 : memref<1x80x128xf32, #tpu.memory_space<vmem>> -> memref<80x128xf32, #tpu.memory_space<vmem>>
      %dma_start3A_1064 = arith.constant 0 : i32
      %dma_start3A_1065 = tpu.memref_slice %arg7[%dma_start3A_1058, %dma_start3A_1064] : memref<8x80xi32, #tpu.memory_space<vmem>> -> memref<1x80xi32, #tpu.memory_space<vmem>>
      %dma_start3A_1066 = tpu.memref_squeeze %dma_start3A_1065 : memref<1x80xi32, #tpu.memory_space<vmem>> -> memref<80xi32, #tpu.memory_space<vmem>>
      %dma_start3A_1067 = arith.constant 0 : i32
      %dma_start3A_1068 = arith.constant 0 : i32
      %dma_start3A_1069 = tpu.memref_slice %arg15[%dma_start3A_1067, %dma_start3A_1068] : memref<10240x128xf32, #tpu.memory_space<vmem_shared>> -> memref<10240x128xf32, #tpu.memory_space<vmem_shared>>
      %dma_start3A_1070 = tpu.memref_slice %arg14[%dma_start3A_1059] : memref<4x!tpu.dma_semaphore, #tpu.memory_space<semaphore_mem>> -> memref<1x!tpu.dma_semaphore, #tpu.memory_space<semaphore_mem>>
      %dma_start3A_1071 = tpu.memref_squeeze %dma_start3A_1070 : memref<1x!tpu.dma_semaphore, #tpu.memory_space<semaphore_mem>> -> memref<!tpu.dma_semaphore, #tpu.memory_space<semaphore_mem>>
      tpu.enqueue_indirect_dma source(%dma_start3A_1063 : memref<80x128xf32, #tpu.memory_space<vmem>>) target(%dma_start3A_1069 : memref<10240x128xf32, #tpu.memory_space<vmem_shared>>) offsets(%dma_start3A_1066 : memref<80xi32, #tpu.memory_space<vmem>>) semaphore(%dma_start3A_1071 : memref<!tpu.dma_semaphore, #tpu.memory_space<semaphore_mem>>) {add = true}
      %dma_start3A_1072 = arith.constant 3 : i32
      %dma_start3A_1073 = arith.constant 3 : i32
      %dma_start3A_1074 = arith.constant 0 : i32
      %dma_start3A_1075 = tpu.memref_slice %arg7[%dma_start3A_1072, %dma_start3A_1074] : memref<8x80xi32, #tpu.memory_space<vmem>> -> memref<1x80xi32, #tpu.memory_space<vmem>>
      %dma_start3A_1076 = tpu.memref_squeeze %dma_start3A_1075 : memref<1x80xi32, #tpu.memory_space<vmem>> -> memref<80xi32, #tpu.memory_space<vmem>>
      %dma_start3A_1077 = arith.constant 0 : i32
      %dma_start3A_1078 = tpu.memref_slice %arg16[%dma_start3A_1077] : memref<10240xf32, #tpu.memory_space<vmem_shared>> -> memref<10240xf32, #tpu.memory_space<vmem_shared>>
      %dma_start3A_1079 = tpu.memref_slice %arg14[%dma_start3A_1073] : memref<4x!tpu.dma_semaphore, #tpu.memory_space<semaphore_mem>> -> memref<1x!tpu.dma_semaphore, #tpu.memory_space<semaphore_mem>>
      %dma_start3A_1080 = tpu.memref_squeeze %dma_start3A_1079 : memref<1x!tpu.dma_semaphore, #tpu.memory_space<semaphore_mem>> -> memref<!tpu.dma_semaphore, #tpu.memory_space<semaphore_mem>>
      tpu.enqueue_indirect_dma source(%arg9 : memref<80xf32, #tpu.memory_space<vmem>>) target(%dma_start3A_1078 : memref<10240xf32, #tpu.memory_space<vmem_shared>>) offsets(%dma_start3A_1076 : memref<80xi32, #tpu.memory_space<vmem>>) semaphore(%dma_start3A_1080 : memref<!tpu.dma_semaphore, #tpu.memory_space<semaphore_mem>>) {add = true}
      %add3A_1081 = arith.constant 4 : i32
      %add3A_1082 = arith.addi %mul3A_781, %add3A_1081 : i32
      %ge3A_1083 = arith.constant 1 : i32
      %ge3A_1084 = arith.cmpi sge, %add3A_1082, %ge3A_1083 : i32
      %convert_element_type3A_1085 = arith.extui %ge3A_1084 : i1 to i32
      %cond3A_1086 = arith.constant 0 : i32
      %cond3A_1087 = arith.cmpi ne, %convert_element_type3A_1085, %cond3A_1086 : i32
      scf.if %cond3A_1087 {
        %dma_wait3A_1385 = arith.constant 3 : i32
        %dma_wait3A_1386 = arith.constant 0 : i32
        %dma_wait3A_1387 = arith.constant 3 : i32
        %dma_wait3A_1388 = arith.constant 0 : i32
        %dma_wait3A_1389 = arith.constant 0 : i32
        %dma_wait3A_1390 = tpu.memref_slice %arg8[%dma_wait3A_1385, %dma_wait3A_1388, %dma_wait3A_1389] : memref<4x80x128xf32, #tpu.memory_space<vmem>> -> memref<1x80x128xf32, #tpu.memory_space<vmem>>
        %dma_wait3A_1391 = tpu.memref_squeeze %dma_wait3A_1390 : memref<1x80x128xf32, #tpu.memory_space<vmem>> -> memref<80x128xf32, #tpu.memory_space<vmem>>
        %dma_wait3A_1392 = arith.constant 0 : i32
        %dma_wait3A_1393 = tpu.memref_slice %arg7[%dma_wait3A_1386, %dma_wait3A_1392] : memref<8x80xi32, #tpu.memory_space<vmem>> -> memref<1x80xi32, #tpu.memory_space<vmem>>
        %dma_wait3A_1394 = tpu.memref_squeeze %dma_wait3A_1393 : memref<1x80xi32, #tpu.memory_space<vmem>> -> memref<80xi32, #tpu.memory_space<vmem>>
        %dma_wait3A_1395 = arith.constant 0 : i32
        %dma_wait3A_1396 = arith.constant 0 : i32
        %dma_wait3A_1397 = tpu.memref_slice %arg15[%dma_wait3A_1395, %dma_wait3A_1396] : memref<10240x128xf32, #tpu.memory_space<vmem_shared>> -> memref<10240x128xf32, #tpu.memory_space<vmem_shared>>
        %dma_wait3A_1398 = tpu.memref_slice %arg14[%dma_wait3A_1387] : memref<4x!tpu.dma_semaphore, #tpu.memory_space<semaphore_mem>> -> memref<1x!tpu.dma_semaphore, #tpu.memory_space<semaphore_mem>>
        %dma_wait3A_1399 = tpu.memref_squeeze %dma_wait3A_1398 : memref<1x!tpu.dma_semaphore, #tpu.memory_space<semaphore_mem>> -> memref<!tpu.dma_semaphore, #tpu.memory_space<semaphore_mem>>
        tpu.wait_indirect_dma semaphore(%dma_wait3A_1399 : memref<!tpu.dma_semaphore, #tpu.memory_space<semaphore_mem>>) src(%dma_wait3A_1391 : memref<80x128xf32, #tpu.memory_space<vmem>>) dst(%dma_wait3A_1397 : memref<10240x128xf32, #tpu.memory_space<vmem_shared>>)
        %dma_wait3A_1400 = arith.constant 0 : i32
        %dma_wait3A_1401 = arith.constant 3 : i32
        %dma_wait3A_1402 = arith.constant 0 : i32
        %dma_wait3A_1403 = tpu.memref_slice %arg7[%dma_wait3A_1400, %dma_wait3A_1402] : memref<8x80xi32, #tpu.memory_space<vmem>> -> memref<1x80xi32, #tpu.memory_space<vmem>>
        %dma_wait3A_1404 = tpu.memref_squeeze %dma_wait3A_1403 : memref<1x80xi32, #tpu.memory_space<vmem>> -> memref<80xi32, #tpu.memory_space<vmem>>
        %dma_wait3A_1405 = arith.constant 0 : i32
        %dma_wait3A_1406 = tpu.memref_slice %arg16[%dma_wait3A_1405] : memref<10240xf32, #tpu.memory_space<vmem_shared>> -> memref<10240xf32, #tpu.memory_space<vmem_shared>>
        %dma_wait3A_1407 = tpu.memref_slice %arg14[%dma_wait3A_1401] : memref<4x!tpu.dma_semaphore, #tpu.memory_space<semaphore_mem>> -> memref<1x!tpu.dma_semaphore, #tpu.memory_space<semaphore_mem>>
        %dma_wait3A_1408 = tpu.memref_squeeze %dma_wait3A_1407 : memref<1x!tpu.dma_semaphore, #tpu.memory_space<semaphore_mem>> -> memref<!tpu.dma_semaphore, #tpu.memory_space<semaphore_mem>>
        tpu.wait_indirect_dma semaphore(%dma_wait3A_1408 : memref<!tpu.dma_semaphore, #tpu.memory_space<semaphore_mem>>) src(%arg9 : memref<80xf32, #tpu.memory_space<vmem>>) dst(%dma_wait3A_1406 : memref<10240xf32, #tpu.memory_space<vmem_shared>>)
      } else {
      }
      %add3A_1088 = arith.constant 8 : i32
      %add3A_1089 = arith.addi %add3A_1082, %add3A_1088 : i32
      %sub3A_1090 = arith.constant 1 : i32
      %sub3A_1091 = arith.subi %add3A_1089, %sub3A_1090 : i32
      %lt3A_1092 = arith.constant 125 : i32
      %lt3A_1093 = arith.cmpi slt, %sub3A_1091, %lt3A_1092 : i32
      %convert_element_type3A_1094 = arith.extui %lt3A_1093 : i1 to i32
      %cond3A_1095 = arith.constant 0 : i32
      %cond3A_1096 = arith.cmpi ne, %convert_element_type3A_1094, %cond3A_1095 : i32
      scf.if %cond3A_1096 {
        %add3A_1385 = arith.constant 8 : i32
        %add3A_1386 = arith.addi %add3A_1082, %add3A_1385 : i32
        %sub3A_1387 = arith.constant 1 : i32
        %sub3A_1388 = arith.subi %add3A_1386, %sub3A_1387 : i32
        %mul3A_1389 = arith.constant 80 : i32
        %mul3A_1390 = arith.muli %sub3A_1388, %mul3A_1389 : i32
        %add3A_1391 = arith.addi %mul3A_2, %mul3A_1390 : i32
        %dma_start3A_1392 = arith.constant 3 : i32
        %dma_start3A_1393 = arith.constant 3 : i32
        %dma_start3A_1394 = arith.constant 0 : i32
        %dma_start3A_1395 = tpu.memref_slice %arg6[%dma_start3A_1392, %dma_start3A_1394] : memref<8x80xi32, #tpu.memory_space<vmem>> -> memref<1x80xi32, #tpu.memory_space<vmem>>
        %dma_start3A_1396 = tpu.memref_squeeze %dma_start3A_1395 : memref<1x80xi32, #tpu.memory_space<vmem>> -> memref<80xi32, #tpu.memory_space<vmem>>
        %dma_start3A_1397 = tpu.memref_slice %arg3[%add3A_1391] : memref<640000xi32, #tpu.memory_space<hbm>> -> memref<80xi32, #tpu.memory_space<hbm>>
        %dma_start3A_1398 = tpu.memref_slice %arg11[%dma_start3A_1393] : memref<8x!tpu.dma_semaphore, #tpu.memory_space<semaphore_mem>> -> memref<1x!tpu.dma_semaphore, #tpu.memory_space<semaphore_mem>>
        %dma_start3A_1399 = tpu.memref_squeeze %dma_start3A_1398 : memref<1x!tpu.dma_semaphore, #tpu.memory_space<semaphore_mem>> -> memref<!tpu.dma_semaphore, #tpu.memory_space<semaphore_mem>>
        %dma_start3A_1400 = arith.constant 0 : i32
        %dma_start3A_1401 = tpu.memref_slice %arg6[%dma_start3A_1392, %dma_start3A_1400] : memref<8x80xi32, #tpu.memory_space<vmem>> -> memref<1x80xi32, #tpu.memory_space<vmem>>
        %dma_start3A_1402 = tpu.memref_squeeze %dma_start3A_1401 : memref<1x80xi32, #tpu.memory_space<vmem>> -> memref<80xi32, #tpu.memory_space<vmem>>
        %dma_start3A_1403 = tpu.memref_slice %arg3[%add3A_1391] : memref<640000xi32, #tpu.memory_space<hbm>> -> memref<80xi32, #tpu.memory_space<hbm>>
        tpu.enqueue_dma source(%dma_start3A_1403 : memref<80xi32, #tpu.memory_space<hbm>>) target(%dma_start3A_1402 : memref<80xi32, #tpu.memory_space<vmem>>) target_semaphore(%dma_start3A_1399 : memref<!tpu.dma_semaphore, #tpu.memory_space<semaphore_mem>>)
        %add3A_1404 = arith.constant 320000 : i32
        %add3A_1405 = arith.addi %add3A_1404, %add3A_1391 : i32
        %dma_start3A_1406 = arith.constant 3 : i32
        %dma_start3A_1407 = arith.constant 3 : i32
        %dma_start3A_1408 = arith.constant 0 : i32
        %dma_start3A_1409 = tpu.memref_slice %arg7[%dma_start3A_1406, %dma_start3A_1408] : memref<8x80xi32, #tpu.memory_space<vmem>> -> memref<1x80xi32, #tpu.memory_space<vmem>>
        %dma_start3A_1410 = tpu.memref_squeeze %dma_start3A_1409 : memref<1x80xi32, #tpu.memory_space<vmem>> -> memref<80xi32, #tpu.memory_space<vmem>>
        %dma_start3A_1411 = tpu.memref_slice %arg3[%add3A_1405] : memref<640000xi32, #tpu.memory_space<hbm>> -> memref<80xi32, #tpu.memory_space<hbm>>
        %dma_start3A_1412 = tpu.memref_slice %arg12[%dma_start3A_1407] : memref<8x!tpu.dma_semaphore, #tpu.memory_space<semaphore_mem>> -> memref<1x!tpu.dma_semaphore, #tpu.memory_space<semaphore_mem>>
        %dma_start3A_1413 = tpu.memref_squeeze %dma_start3A_1412 : memref<1x!tpu.dma_semaphore, #tpu.memory_space<semaphore_mem>> -> memref<!tpu.dma_semaphore, #tpu.memory_space<semaphore_mem>>
        %dma_start3A_1414 = arith.constant 0 : i32
        %dma_start3A_1415 = tpu.memref_slice %arg7[%dma_start3A_1406, %dma_start3A_1414] : memref<8x80xi32, #tpu.memory_space<vmem>> -> memref<1x80xi32, #tpu.memory_space<vmem>>
        %dma_start3A_1416 = tpu.memref_squeeze %dma_start3A_1415 : memref<1x80xi32, #tpu.memory_space<vmem>> -> memref<80xi32, #tpu.memory_space<vmem>>
        %dma_start3A_1417 = tpu.memref_slice %arg3[%add3A_1405] : memref<640000xi32, #tpu.memory_space<hbm>> -> memref<80xi32, #tpu.memory_space<hbm>>
        tpu.enqueue_dma source(%dma_start3A_1417 : memref<80xi32, #tpu.memory_space<hbm>>) target(%dma_start3A_1416 : memref<80xi32, #tpu.memory_space<vmem>>) target_semaphore(%dma_start3A_1413 : memref<!tpu.dma_semaphore, #tpu.memory_space<semaphore_mem>>)
      } else {
      }
      %add3A_1097 = arith.constant 4 : i32
      %add3A_1098 = arith.addi %add3A_1082, %add3A_1097 : i32
      %sub3A_1099 = arith.constant 1 : i32
      %sub3A_1100 = arith.subi %add3A_1098, %sub3A_1099 : i32
      %lt3A_1101 = arith.constant 125 : i32
      %lt3A_1102 = arith.cmpi slt, %sub3A_1100, %lt3A_1101 : i32
      %convert_element_type3A_1103 = arith.extui %lt3A_1102 : i1 to i32
      %cond3A_1104 = arith.constant 0 : i32
      %cond3A_1105 = arith.cmpi ne, %convert_element_type3A_1103, %cond3A_1104 : i32
      scf.if %cond3A_1105 {
        %dma_wait3A_1385 = arith.constant 7 : i32
        %dma_wait3A_1386 = arith.constant 7 : i32
        %dma_wait3A_1387 = arith.constant 0 : i32
        %dma_wait3A_1388 = tpu.memref_slice %arg6[%dma_wait3A_1385, %dma_wait3A_1387] : memref<8x80xi32, #tpu.memory_space<vmem>> -> memref<1x80xi32, #tpu.memory_space<vmem>>
        %dma_wait3A_1389 = tpu.memref_squeeze %dma_wait3A_1388 : memref<1x80xi32, #tpu.memory_space<vmem>> -> memref<80xi32, #tpu.memory_space<vmem>>
        %dma_wait3A_1390 = tpu.memref_slice %arg3[%mul3A_2] : memref<640000xi32, #tpu.memory_space<hbm>> -> memref<80xi32, #tpu.memory_space<hbm>>
        %dma_wait3A_1391 = tpu.memref_slice %arg11[%dma_wait3A_1386] : memref<8x!tpu.dma_semaphore, #tpu.memory_space<semaphore_mem>> -> memref<1x!tpu.dma_semaphore, #tpu.memory_space<semaphore_mem>>
        %dma_wait3A_1392 = tpu.memref_squeeze %dma_wait3A_1391 : memref<1x!tpu.dma_semaphore, #tpu.memory_space<semaphore_mem>> -> memref<!tpu.dma_semaphore, #tpu.memory_space<semaphore_mem>>
        %dma_wait3A_1393 = arith.constant 0 : i32
        %dma_wait3A_1394 = tpu.memref_slice %arg6[%dma_wait3A_1385, %dma_wait3A_1393] : memref<8x80xi32, #tpu.memory_space<vmem>> -> memref<1x80xi32, #tpu.memory_space<vmem>>
        %dma_wait3A_1395 = tpu.memref_squeeze %dma_wait3A_1394 : memref<1x80xi32, #tpu.memory_space<vmem>> -> memref<80xi32, #tpu.memory_space<vmem>>
        %dma_wait3A_1396 = tpu.memref_slice %arg3[%mul3A_2] : memref<640000xi32, #tpu.memory_space<hbm>> -> memref<80xi32, #tpu.memory_space<hbm>>
        tpu.wait_dma2 semaphore(%dma_wait3A_1392 : memref<!tpu.dma_semaphore, #tpu.memory_space<semaphore_mem>>) src(%dma_wait3A_1396 : memref<80xi32, #tpu.memory_space<hbm>>) dst(%dma_wait3A_1395 : memref<80xi32, #tpu.memory_space<vmem>>)
        %dma_start3A_1397 = arith.constant 7 : i32
        %dma_start3A_1398 = arith.constant 3 : i32
        %dma_start3A_1399 = arith.constant 3 : i32
        %dma_start3A_1400 = arith.constant 0 : i32
        %dma_start3A_1401 = arith.constant 0 : i32
        %dma_start3A_1402 = tpu.memref_slice %arg8[%dma_start3A_1398, %dma_start3A_1400, %dma_start3A_1401] : memref<4x80x128xf32, #tpu.memory_space<vmem>> -> memref<1x80x128xf32, #tpu.memory_space<vmem>>
        %dma_start3A_1403 = tpu.memref_squeeze %dma_start3A_1402 : memref<1x80x128xf32, #tpu.memory_space<vmem>> -> memref<80x128xf32, #tpu.memory_space<vmem>>
        %dma_start3A_1404 = arith.constant 0 : i32
        %dma_start3A_1405 = tpu.memref_slice %arg6[%dma_start3A_1397, %dma_start3A_1404] : memref<8x80xi32, #tpu.memory_space<vmem>> -> memref<1x80xi32, #tpu.memory_space<vmem>>
        %dma_start3A_1406 = tpu.memref_squeeze %dma_start3A_1405 : memref<1x80xi32, #tpu.memory_space<vmem>> -> memref<80xi32, #tpu.memory_space<vmem>>
        %dma_start3A_1407 = arith.constant 0 : i32
        %dma_start3A_1408 = arith.constant 0 : i32
        %dma_start3A_1409 = tpu.memref_slice %arg2[%dma_start3A_1407, %dma_start3A_1408] : memref<10000x128xf32, #tpu.memory_space<hbm>> -> memref<10000x128xf32, #tpu.memory_space<hbm>>
        %dma_start3A_1410 = tpu.memref_slice %arg13[%dma_start3A_1399] : memref<4x!tpu.dma_semaphore, #tpu.memory_space<semaphore_mem>> -> memref<1x!tpu.dma_semaphore, #tpu.memory_space<semaphore_mem>>
        %dma_start3A_1411 = tpu.memref_squeeze %dma_start3A_1410 : memref<1x!tpu.dma_semaphore, #tpu.memory_space<semaphore_mem>> -> memref<!tpu.dma_semaphore, #tpu.memory_space<semaphore_mem>>
        tpu.enqueue_indirect_dma source(%dma_start3A_1409 : memref<10000x128xf32, #tpu.memory_space<hbm>>) target(%dma_start3A_1403 : memref<80x128xf32, #tpu.memory_space<vmem>>) offsets(%dma_start3A_1406 : memref<80xi32, #tpu.memory_space<vmem>>) semaphore(%dma_start3A_1411 : memref<!tpu.dma_semaphore, #tpu.memory_space<semaphore_mem>>)
      } else {
      }
      %dma_wait3A_1106 = arith.constant 0 : i32
      %dma_wait3A_1107 = arith.constant 0 : i32
      %dma_wait3A_1108 = arith.constant 0 : i32
      %dma_wait3A_1109 = arith.constant 0 : i32
      %dma_wait3A_1110 = arith.constant 0 : i32
      %dma_wait3A_1111 = tpu.memref_slice %arg8[%dma_wait3A_1107, %dma_wait3A_1109, %dma_wait3A_1110] : memref<4x80x128xf32, #tpu.memory_space<vmem>> -> memref<1x80x128xf32, #tpu.memory_space<vmem>>
      %dma_wait3A_1112 = tpu.memref_squeeze %dma_wait3A_1111 : memref<1x80x128xf32, #tpu.memory_space<vmem>> -> memref<80x128xf32, #tpu.memory_space<vmem>>
      %dma_wait3A_1113 = arith.constant 0 : i32
      %dma_wait3A_1114 = tpu.memref_slice %arg6[%dma_wait3A_1106, %dma_wait3A_1113] : memref<8x80xi32, #tpu.memory_space<vmem>> -> memref<1x80xi32, #tpu.memory_space<vmem>>
      %dma_wait3A_1115 = tpu.memref_squeeze %dma_wait3A_1114 : memref<1x80xi32, #tpu.memory_space<vmem>> -> memref<80xi32, #tpu.memory_space<vmem>>
      %dma_wait3A_1116 = arith.constant 0 : i32
      %dma_wait3A_1117 = arith.constant 0 : i32
      %dma_wait3A_1118 = tpu.memref_slice %arg2[%dma_wait3A_1116, %dma_wait3A_1117] : memref<10000x128xf32, #tpu.memory_space<hbm>> -> memref<10000x128xf32, #tpu.memory_space<hbm>>
      %dma_wait3A_1119 = tpu.memref_slice %arg13[%dma_wait3A_1108] : memref<4x!tpu.dma_semaphore, #tpu.memory_space<semaphore_mem>> -> memref<1x!tpu.dma_semaphore, #tpu.memory_space<semaphore_mem>>
      %dma_wait3A_1120 = tpu.memref_squeeze %dma_wait3A_1119 : memref<1x!tpu.dma_semaphore, #tpu.memory_space<semaphore_mem>> -> memref<!tpu.dma_semaphore, #tpu.memory_space<semaphore_mem>>
      tpu.wait_indirect_dma semaphore(%dma_wait3A_1120 : memref<!tpu.dma_semaphore, #tpu.memory_space<semaphore_mem>>) src(%dma_wait3A_1118 : memref<10000x128xf32, #tpu.memory_space<hbm>>) dst(%dma_wait3A_1112 : memref<80x128xf32, #tpu.memory_space<vmem>>)
      %dma_wait3A_1121 = arith.constant 4 : i32
      %dma_wait3A_1122 = arith.constant 4 : i32
      %dma_wait3A_1123 = arith.constant 0 : i32
      %dma_wait3A_1124 = tpu.memref_slice %arg7[%dma_wait3A_1121, %dma_wait3A_1123] : memref<8x80xi32, #tpu.memory_space<vmem>> -> memref<1x80xi32, #tpu.memory_space<vmem>>
      %dma_wait3A_1125 = tpu.memref_squeeze %dma_wait3A_1124 : memref<1x80xi32, #tpu.memory_space<vmem>> -> memref<80xi32, #tpu.memory_space<vmem>>
      %dma_wait3A_1126 = tpu.memref_slice %arg3[%mul3A_2] : memref<640000xi32, #tpu.memory_space<hbm>> -> memref<80xi32, #tpu.memory_space<hbm>>
      %dma_wait3A_1127 = tpu.memref_slice %arg12[%dma_wait3A_1122] : memref<8x!tpu.dma_semaphore, #tpu.memory_space<semaphore_mem>> -> memref<1x!tpu.dma_semaphore, #tpu.memory_space<semaphore_mem>>
      %dma_wait3A_1128 = tpu.memref_squeeze %dma_wait3A_1127 : memref<1x!tpu.dma_semaphore, #tpu.memory_space<semaphore_mem>> -> memref<!tpu.dma_semaphore, #tpu.memory_space<semaphore_mem>>
      %dma_wait3A_1129 = arith.constant 0 : i32
      %dma_wait3A_1130 = tpu.memref_slice %arg7[%dma_wait3A_1121, %dma_wait3A_1129] : memref<8x80xi32, #tpu.memory_space<vmem>> -> memref<1x80xi32, #tpu.memory_space<vmem>>
      %dma_wait3A_1131 = tpu.memref_squeeze %dma_wait3A_1130 : memref<1x80xi32, #tpu.memory_space<vmem>> -> memref<80xi32, #tpu.memory_space<vmem>>
      %dma_wait3A_1132 = tpu.memref_slice %arg3[%mul3A_2] : memref<640000xi32, #tpu.memory_space<hbm>> -> memref<80xi32, #tpu.memory_space<hbm>>
      tpu.wait_dma2 semaphore(%dma_wait3A_1128 : memref<!tpu.dma_semaphore, #tpu.memory_space<semaphore_mem>>) src(%dma_wait3A_1132 : memref<80xi32, #tpu.memory_space<hbm>>) dst(%dma_wait3A_1131 : memref<80xi32, #tpu.memory_space<vmem>>)
      %dma_start3A_1133 = arith.constant 0 : i32
      %dma_start3A_1134 = arith.constant 4 : i32
      %dma_start3A_1135 = arith.constant 0 : i32
      %dma_start3A_1136 = arith.constant 0 : i32
      %dma_start3A_1137 = arith.constant 0 : i32
      %dma_start3A_1138 = tpu.memref_slice %arg8[%dma_start3A_1133, %dma_start3A_1136, %dma_start3A_1137] : memref<4x80x128xf32, #tpu.memory_space<vmem>> -> memref<1x80x128xf32, #tpu.memory_space<vmem>>
      %dma_start3A_1139 = tpu.memref_squeeze %dma_start3A_1138 : memref<1x80x128xf32, #tpu.memory_space<vmem>> -> memref<80x128xf32, #tpu.memory_space<vmem>>
      %dma_start3A_1140 = arith.constant 0 : i32
      %dma_start3A_1141 = tpu.memref_slice %arg7[%dma_start3A_1134, %dma_start3A_1140] : memref<8x80xi32, #tpu.memory_space<vmem>> -> memref<1x80xi32, #tpu.memory_space<vmem>>
      %dma_start3A_1142 = tpu.memref_squeeze %dma_start3A_1141 : memref<1x80xi32, #tpu.memory_space<vmem>> -> memref<80xi32, #tpu.memory_space<vmem>>
      %dma_start3A_1143 = arith.constant 0 : i32
      %dma_start3A_1144 = arith.constant 0 : i32
      %dma_start3A_1145 = tpu.memref_slice %arg15[%dma_start3A_1143, %dma_start3A_1144] : memref<10240x128xf32, #tpu.memory_space<vmem_shared>> -> memref<10240x128xf32, #tpu.memory_space<vmem_shared>>
      %dma_start3A_1146 = tpu.memref_slice %arg14[%dma_start3A_1135] : memref<4x!tpu.dma_semaphore, #tpu.memory_space<semaphore_mem>> -> memref<1x!tpu.dma_semaphore, #tpu.memory_space<semaphore_mem>>
      %dma_start3A_1147 = tpu.memref_squeeze %dma_start3A_1146 : memref<1x!tpu.dma_semaphore, #tpu.memory_space<semaphore_mem>> -> memref<!tpu.dma_semaphore, #tpu.memory_space<semaphore_mem>>
      tpu.enqueue_indirect_dma source(%dma_start3A_1139 : memref<80x128xf32, #tpu.memory_space<vmem>>) target(%dma_start3A_1145 : memref<10240x128xf32, #tpu.memory_space<vmem_shared>>) offsets(%dma_start3A_1142 : memref<80xi32, #tpu.memory_space<vmem>>) semaphore(%dma_start3A_1147 : memref<!tpu.dma_semaphore, #tpu.memory_space<semaphore_mem>>) {add = true}
      %dma_start3A_1148 = arith.constant 4 : i32
      %dma_start3A_1149 = arith.constant 0 : i32
      %dma_start3A_1150 = arith.constant 0 : i32
      %dma_start3A_1151 = tpu.memref_slice %arg7[%dma_start3A_1148, %dma_start3A_1150] : memref<8x80xi32, #tpu.memory_space<vmem>> -> memref<1x80xi32, #tpu.memory_space<vmem>>
      %dma_start3A_1152 = tpu.memref_squeeze %dma_start3A_1151 : memref<1x80xi32, #tpu.memory_space<vmem>> -> memref<80xi32, #tpu.memory_space<vmem>>
      %dma_start3A_1153 = arith.constant 0 : i32
      %dma_start3A_1154 = tpu.memref_slice %arg16[%dma_start3A_1153] : memref<10240xf32, #tpu.memory_space<vmem_shared>> -> memref<10240xf32, #tpu.memory_space<vmem_shared>>
      %dma_start3A_1155 = tpu.memref_slice %arg14[%dma_start3A_1149] : memref<4x!tpu.dma_semaphore, #tpu.memory_space<semaphore_mem>> -> memref<1x!tpu.dma_semaphore, #tpu.memory_space<semaphore_mem>>
      %dma_start3A_1156 = tpu.memref_squeeze %dma_start3A_1155 : memref<1x!tpu.dma_semaphore, #tpu.memory_space<semaphore_mem>> -> memref<!tpu.dma_semaphore, #tpu.memory_space<semaphore_mem>>
      tpu.enqueue_indirect_dma source(%arg9 : memref<80xf32, #tpu.memory_space<vmem>>) target(%dma_start3A_1154 : memref<10240xf32, #tpu.memory_space<vmem_shared>>) offsets(%dma_start3A_1152 : memref<80xi32, #tpu.memory_space<vmem>>) semaphore(%dma_start3A_1156 : memref<!tpu.dma_semaphore, #tpu.memory_space<semaphore_mem>>) {add = true}
      %add3A_1157 = arith.constant 5 : i32
      %add3A_1158 = arith.addi %mul3A_781, %add3A_1157 : i32
      %ge3A_1159 = arith.constant 1 : i32
      %ge3A_1160 = arith.cmpi sge, %add3A_1158, %ge3A_1159 : i32
      %convert_element_type3A_1161 = arith.extui %ge3A_1160 : i1 to i32
      %cond3A_1162 = arith.constant 0 : i32
      %cond3A_1163 = arith.cmpi ne, %convert_element_type3A_1161, %cond3A_1162 : i32
      scf.if %cond3A_1163 {
        %dma_wait3A_1385 = arith.constant 0 : i32
        %dma_wait3A_1386 = arith.constant 0 : i32
        %dma_wait3A_1387 = arith.constant 0 : i32
        %dma_wait3A_1388 = arith.constant 0 : i32
        %dma_wait3A_1389 = arith.constant 0 : i32
        %dma_wait3A_1390 = tpu.memref_slice %arg8[%dma_wait3A_1385, %dma_wait3A_1388, %dma_wait3A_1389] : memref<4x80x128xf32, #tpu.memory_space<vmem>> -> memref<1x80x128xf32, #tpu.memory_space<vmem>>
        %dma_wait3A_1391 = tpu.memref_squeeze %dma_wait3A_1390 : memref<1x80x128xf32, #tpu.memory_space<vmem>> -> memref<80x128xf32, #tpu.memory_space<vmem>>
        %dma_wait3A_1392 = arith.constant 0 : i32
        %dma_wait3A_1393 = tpu.memref_slice %arg7[%dma_wait3A_1386, %dma_wait3A_1392] : memref<8x80xi32, #tpu.memory_space<vmem>> -> memref<1x80xi32, #tpu.memory_space<vmem>>
        %dma_wait3A_1394 = tpu.memref_squeeze %dma_wait3A_1393 : memref<1x80xi32, #tpu.memory_space<vmem>> -> memref<80xi32, #tpu.memory_space<vmem>>
        %dma_wait3A_1395 = arith.constant 0 : i32
        %dma_wait3A_1396 = arith.constant 0 : i32
        %dma_wait3A_1397 = tpu.memref_slice %arg15[%dma_wait3A_1395, %dma_wait3A_1396] : memref<10240x128xf32, #tpu.memory_space<vmem_shared>> -> memref<10240x128xf32, #tpu.memory_space<vmem_shared>>
        %dma_wait3A_1398 = tpu.memref_slice %arg14[%dma_wait3A_1387] : memref<4x!tpu.dma_semaphore, #tpu.memory_space<semaphore_mem>> -> memref<1x!tpu.dma_semaphore, #tpu.memory_space<semaphore_mem>>
        %dma_wait3A_1399 = tpu.memref_squeeze %dma_wait3A_1398 : memref<1x!tpu.dma_semaphore, #tpu.memory_space<semaphore_mem>> -> memref<!tpu.dma_semaphore, #tpu.memory_space<semaphore_mem>>
        tpu.wait_indirect_dma semaphore(%dma_wait3A_1399 : memref<!tpu.dma_semaphore, #tpu.memory_space<semaphore_mem>>) src(%dma_wait3A_1391 : memref<80x128xf32, #tpu.memory_space<vmem>>) dst(%dma_wait3A_1397 : memref<10240x128xf32, #tpu.memory_space<vmem_shared>>)
        %dma_wait3A_1400 = arith.constant 0 : i32
        %dma_wait3A_1401 = arith.constant 0 : i32
        %dma_wait3A_1402 = arith.constant 0 : i32
        %dma_wait3A_1403 = tpu.memref_slice %arg7[%dma_wait3A_1400, %dma_wait3A_1402] : memref<8x80xi32, #tpu.memory_space<vmem>> -> memref<1x80xi32, #tpu.memory_space<vmem>>
        %dma_wait3A_1404 = tpu.memref_squeeze %dma_wait3A_1403 : memref<1x80xi32, #tpu.memory_space<vmem>> -> memref<80xi32, #tpu.memory_space<vmem>>
        %dma_wait3A_1405 = arith.constant 0 : i32
        %dma_wait3A_1406 = tpu.memref_slice %arg16[%dma_wait3A_1405] : memref<10240xf32, #tpu.memory_space<vmem_shared>> -> memref<10240xf32, #tpu.memory_space<vmem_shared>>
        %dma_wait3A_1407 = tpu.memref_slice %arg14[%dma_wait3A_1401] : memref<4x!tpu.dma_semaphore, #tpu.memory_space<semaphore_mem>> -> memref<1x!tpu.dma_semaphore, #tpu.memory_space<semaphore_mem>>
        %dma_wait3A_1408 = tpu.memref_squeeze %dma_wait3A_1407 : memref<1x!tpu.dma_semaphore, #tpu.memory_space<semaphore_mem>> -> memref<!tpu.dma_semaphore, #tpu.memory_space<semaphore_mem>>
        tpu.wait_indirect_dma semaphore(%dma_wait3A_1408 : memref<!tpu.dma_semaphore, #tpu.memory_space<semaphore_mem>>) src(%arg9 : memref<80xf32, #tpu.memory_space<vmem>>) dst(%dma_wait3A_1406 : memref<10240xf32, #tpu.memory_space<vmem_shared>>)
      } else {
      }
      %add3A_1164 = arith.constant 8 : i32
      %add3A_1165 = arith.addi %add3A_1158, %add3A_1164 : i32
      %sub3A_1166 = arith.constant 1 : i32
      %sub3A_1167 = arith.subi %add3A_1165, %sub3A_1166 : i32
      %lt3A_1168 = arith.constant 125 : i32
      %lt3A_1169 = arith.cmpi slt, %sub3A_1167, %lt3A_1168 : i32
      %convert_element_type3A_1170 = arith.extui %lt3A_1169 : i1 to i32
      %cond3A_1171 = arith.constant 0 : i32
      %cond3A_1172 = arith.cmpi ne, %convert_element_type3A_1170, %cond3A_1171 : i32
      scf.if %cond3A_1172 {
        %add3A_1385 = arith.constant 8 : i32
        %add3A_1386 = arith.addi %add3A_1158, %add3A_1385 : i32
        %sub3A_1387 = arith.constant 1 : i32
        %sub3A_1388 = arith.subi %add3A_1386, %sub3A_1387 : i32
        %mul3A_1389 = arith.constant 80 : i32
        %mul3A_1390 = arith.muli %sub3A_1388, %mul3A_1389 : i32
        %add3A_1391 = arith.addi %mul3A_2, %mul3A_1390 : i32
        %dma_start3A_1392 = arith.constant 4 : i32
        %dma_start3A_1393 = arith.constant 4 : i32
        %dma_start3A_1394 = arith.constant 0 : i32
        %dma_start3A_1395 = tpu.memref_slice %arg6[%dma_start3A_1392, %dma_start3A_1394] : memref<8x80xi32, #tpu.memory_space<vmem>> -> memref<1x80xi32, #tpu.memory_space<vmem>>
        %dma_start3A_1396 = tpu.memref_squeeze %dma_start3A_1395 : memref<1x80xi32, #tpu.memory_space<vmem>> -> memref<80xi32, #tpu.memory_space<vmem>>
        %dma_start3A_1397 = tpu.memref_slice %arg3[%add3A_1391] : memref<640000xi32, #tpu.memory_space<hbm>> -> memref<80xi32, #tpu.memory_space<hbm>>
        %dma_start3A_1398 = tpu.memref_slice %arg11[%dma_start3A_1393] : memref<8x!tpu.dma_semaphore, #tpu.memory_space<semaphore_mem>> -> memref<1x!tpu.dma_semaphore, #tpu.memory_space<semaphore_mem>>
        %dma_start3A_1399 = tpu.memref_squeeze %dma_start3A_1398 : memref<1x!tpu.dma_semaphore, #tpu.memory_space<semaphore_mem>> -> memref<!tpu.dma_semaphore, #tpu.memory_space<semaphore_mem>>
        %dma_start3A_1400 = arith.constant 0 : i32
        %dma_start3A_1401 = tpu.memref_slice %arg6[%dma_start3A_1392, %dma_start3A_1400] : memref<8x80xi32, #tpu.memory_space<vmem>> -> memref<1x80xi32, #tpu.memory_space<vmem>>
        %dma_start3A_1402 = tpu.memref_squeeze %dma_start3A_1401 : memref<1x80xi32, #tpu.memory_space<vmem>> -> memref<80xi32, #tpu.memory_space<vmem>>
        %dma_start3A_1403 = tpu.memref_slice %arg3[%add3A_1391] : memref<640000xi32, #tpu.memory_space<hbm>> -> memref<80xi32, #tpu.memory_space<hbm>>
        tpu.enqueue_dma source(%dma_start3A_1403 : memref<80xi32, #tpu.memory_space<hbm>>) target(%dma_start3A_1402 : memref<80xi32, #tpu.memory_space<vmem>>) target_semaphore(%dma_start3A_1399 : memref<!tpu.dma_semaphore, #tpu.memory_space<semaphore_mem>>)
        %add3A_1404 = arith.constant 320000 : i32
        %add3A_1405 = arith.addi %add3A_1404, %add3A_1391 : i32
        %dma_start3A_1406 = arith.constant 4 : i32
        %dma_start3A_1407 = arith.constant 4 : i32
        %dma_start3A_1408 = arith.constant 0 : i32
        %dma_start3A_1409 = tpu.memref_slice %arg7[%dma_start3A_1406, %dma_start3A_1408] : memref<8x80xi32, #tpu.memory_space<vmem>> -> memref<1x80xi32, #tpu.memory_space<vmem>>
        %dma_start3A_1410 = tpu.memref_squeeze %dma_start3A_1409 : memref<1x80xi32, #tpu.memory_space<vmem>> -> memref<80xi32, #tpu.memory_space<vmem>>
        %dma_start3A_1411 = tpu.memref_slice %arg3[%add3A_1405] : memref<640000xi32, #tpu.memory_space<hbm>> -> memref<80xi32, #tpu.memory_space<hbm>>
        %dma_start3A_1412 = tpu.memref_slice %arg12[%dma_start3A_1407] : memref<8x!tpu.dma_semaphore, #tpu.memory_space<semaphore_mem>> -> memref<1x!tpu.dma_semaphore, #tpu.memory_space<semaphore_mem>>
        %dma_start3A_1413 = tpu.memref_squeeze %dma_start3A_1412 : memref<1x!tpu.dma_semaphore, #tpu.memory_space<semaphore_mem>> -> memref<!tpu.dma_semaphore, #tpu.memory_space<semaphore_mem>>
        %dma_start3A_1414 = arith.constant 0 : i32
        %dma_start3A_1415 = tpu.memref_slice %arg7[%dma_start3A_1406, %dma_start3A_1414] : memref<8x80xi32, #tpu.memory_space<vmem>> -> memref<1x80xi32, #tpu.memory_space<vmem>>
        %dma_start3A_1416 = tpu.memref_squeeze %dma_start3A_1415 : memref<1x80xi32, #tpu.memory_space<vmem>> -> memref<80xi32, #tpu.memory_space<vmem>>
        %dma_start3A_1417 = tpu.memref_slice %arg3[%add3A_1405] : memref<640000xi32, #tpu.memory_space<hbm>> -> memref<80xi32, #tpu.memory_space<hbm>>
        tpu.enqueue_dma source(%dma_start3A_1417 : memref<80xi32, #tpu.memory_space<hbm>>) target(%dma_start3A_1416 : memref<80xi32, #tpu.memory_space<vmem>>) target_semaphore(%dma_start3A_1413 : memref<!tpu.dma_semaphore, #tpu.memory_space<semaphore_mem>>)
      } else {
      }
      %add3A_1173 = arith.constant 4 : i32
      %add3A_1174 = arith.addi %add3A_1158, %add3A_1173 : i32
      %sub3A_1175 = arith.constant 1 : i32
      %sub3A_1176 = arith.subi %add3A_1174, %sub3A_1175 : i32
      %lt3A_1177 = arith.constant 125 : i32
      %lt3A_1178 = arith.cmpi slt, %sub3A_1176, %lt3A_1177 : i32
      %convert_element_type3A_1179 = arith.extui %lt3A_1178 : i1 to i32
      %cond3A_1180 = arith.constant 0 : i32
      %cond3A_1181 = arith.cmpi ne, %convert_element_type3A_1179, %cond3A_1180 : i32
      scf.if %cond3A_1181 {
        %dma_wait3A_1385 = arith.constant 0 : i32
        %dma_wait3A_1386 = arith.constant 0 : i32
        %dma_wait3A_1387 = arith.constant 0 : i32
        %dma_wait3A_1388 = tpu.memref_slice %arg6[%dma_wait3A_1385, %dma_wait3A_1387] : memref<8x80xi32, #tpu.memory_space<vmem>> -> memref<1x80xi32, #tpu.memory_space<vmem>>
        %dma_wait3A_1389 = tpu.memref_squeeze %dma_wait3A_1388 : memref<1x80xi32, #tpu.memory_space<vmem>> -> memref<80xi32, #tpu.memory_space<vmem>>
        %dma_wait3A_1390 = tpu.memref_slice %arg3[%mul3A_2] : memref<640000xi32, #tpu.memory_space<hbm>> -> memref<80xi32, #tpu.memory_space<hbm>>
        %dma_wait3A_1391 = tpu.memref_slice %arg11[%dma_wait3A_1386] : memref<8x!tpu.dma_semaphore, #tpu.memory_space<semaphore_mem>> -> memref<1x!tpu.dma_semaphore, #tpu.memory_space<semaphore_mem>>
        %dma_wait3A_1392 = tpu.memref_squeeze %dma_wait3A_1391 : memref<1x!tpu.dma_semaphore, #tpu.memory_space<semaphore_mem>> -> memref<!tpu.dma_semaphore, #tpu.memory_space<semaphore_mem>>
        %dma_wait3A_1393 = arith.constant 0 : i32
        %dma_wait3A_1394 = tpu.memref_slice %arg6[%dma_wait3A_1385, %dma_wait3A_1393] : memref<8x80xi32, #tpu.memory_space<vmem>> -> memref<1x80xi32, #tpu.memory_space<vmem>>
        %dma_wait3A_1395 = tpu.memref_squeeze %dma_wait3A_1394 : memref<1x80xi32, #tpu.memory_space<vmem>> -> memref<80xi32, #tpu.memory_space<vmem>>
        %dma_wait3A_1396 = tpu.memref_slice %arg3[%mul3A_2] : memref<640000xi32, #tpu.memory_space<hbm>> -> memref<80xi32, #tpu.memory_space<hbm>>
        tpu.wait_dma2 semaphore(%dma_wait3A_1392 : memref<!tpu.dma_semaphore, #tpu.memory_space<semaphore_mem>>) src(%dma_wait3A_1396 : memref<80xi32, #tpu.memory_space<hbm>>) dst(%dma_wait3A_1395 : memref<80xi32, #tpu.memory_space<vmem>>)
        %dma_start3A_1397 = arith.constant 0 : i32
        %dma_start3A_1398 = arith.constant 0 : i32
        %dma_start3A_1399 = arith.constant 0 : i32
        %dma_start3A_1400 = arith.constant 0 : i32
        %dma_start3A_1401 = arith.constant 0 : i32
        %dma_start3A_1402 = tpu.memref_slice %arg8[%dma_start3A_1398, %dma_start3A_1400, %dma_start3A_1401] : memref<4x80x128xf32, #tpu.memory_space<vmem>> -> memref<1x80x128xf32, #tpu.memory_space<vmem>>
        %dma_start3A_1403 = tpu.memref_squeeze %dma_start3A_1402 : memref<1x80x128xf32, #tpu.memory_space<vmem>> -> memref<80x128xf32, #tpu.memory_space<vmem>>
        %dma_start3A_1404 = arith.constant 0 : i32
        %dma_start3A_1405 = tpu.memref_slice %arg6[%dma_start3A_1397, %dma_start3A_1404] : memref<8x80xi32, #tpu.memory_space<vmem>> -> memref<1x80xi32, #tpu.memory_space<vmem>>
        %dma_start3A_1406 = tpu.memref_squeeze %dma_start3A_1405 : memref<1x80xi32, #tpu.memory_space<vmem>> -> memref<80xi32, #tpu.memory_space<vmem>>
        %dma_start3A_1407 = arith.constant 0 : i32
        %dma_start3A_1408 = arith.constant 0 : i32
        %dma_start3A_1409 = tpu.memref_slice %arg2[%dma_start3A_1407, %dma_start3A_1408] : memref<10000x128xf32, #tpu.memory_space<hbm>> -> memref<10000x128xf32, #tpu.memory_space<hbm>>
        %dma_start3A_1410 = tpu.memref_slice %arg13[%dma_start3A_1399] : memref<4x!tpu.dma_semaphore, #tpu.memory_space<semaphore_mem>> -> memref<1x!tpu.dma_semaphore, #tpu.memory_space<semaphore_mem>>
        %dma_start3A_1411 = tpu.memref_squeeze %dma_start3A_1410 : memref<1x!tpu.dma_semaphore, #tpu.memory_space<semaphore_mem>> -> memref<!tpu.dma_semaphore, #tpu.memory_space<semaphore_mem>>
        tpu.enqueue_indirect_dma source(%dma_start3A_1409 : memref<10000x128xf32, #tpu.memory_space<hbm>>) target(%dma_start3A_1403 : memref<80x128xf32, #tpu.memory_space<vmem>>) offsets(%dma_start3A_1406 : memref<80xi32, #tpu.memory_space<vmem>>) semaphore(%dma_start3A_1411 : memref<!tpu.dma_semaphore, #tpu.memory_space<semaphore_mem>>)
      } else {
      }
      %dma_wait3A_1182 = arith.constant 0 : i32
      %dma_wait3A_1183 = arith.constant 1 : i32
      %dma_wait3A_1184 = arith.constant 1 : i32
      %dma_wait3A_1185 = arith.constant 0 : i32
      %dma_wait3A_1186 = arith.constant 0 : i32
      %dma_wait3A_1187 = tpu.memref_slice %arg8[%dma_wait3A_1183, %dma_wait3A_1185, %dma_wait3A_1186] : memref<4x80x128xf32, #tpu.memory_space<vmem>> -> memref<1x80x128xf32, #tpu.memory_space<vmem>>
      %dma_wait3A_1188 = tpu.memref_squeeze %dma_wait3A_1187 : memref<1x80x128xf32, #tpu.memory_space<vmem>> -> memref<80x128xf32, #tpu.memory_space<vmem>>
      %dma_wait3A_1189 = arith.constant 0 : i32
      %dma_wait3A_1190 = tpu.memref_slice %arg6[%dma_wait3A_1182, %dma_wait3A_1189] : memref<8x80xi32, #tpu.memory_space<vmem>> -> memref<1x80xi32, #tpu.memory_space<vmem>>
      %dma_wait3A_1191 = tpu.memref_squeeze %dma_wait3A_1190 : memref<1x80xi32, #tpu.memory_space<vmem>> -> memref<80xi32, #tpu.memory_space<vmem>>
      %dma_wait3A_1192 = arith.constant 0 : i32
      %dma_wait3A_1193 = arith.constant 0 : i32
      %dma_wait3A_1194 = tpu.memref_slice %arg2[%dma_wait3A_1192, %dma_wait3A_1193] : memref<10000x128xf32, #tpu.memory_space<hbm>> -> memref<10000x128xf32, #tpu.memory_space<hbm>>
      %dma_wait3A_1195 = tpu.memref_slice %arg13[%dma_wait3A_1184] : memref<4x!tpu.dma_semaphore, #tpu.memory_space<semaphore_mem>> -> memref<1x!tpu.dma_semaphore, #tpu.memory_space<semaphore_mem>>
      %dma_wait3A_1196 = tpu.memref_squeeze %dma_wait3A_1195 : memref<1x!tpu.dma_semaphore, #tpu.memory_space<semaphore_mem>> -> memref<!tpu.dma_semaphore, #tpu.memory_space<semaphore_mem>>
      tpu.wait_indirect_dma semaphore(%dma_wait3A_1196 : memref<!tpu.dma_semaphore, #tpu.memory_space<semaphore_mem>>) src(%dma_wait3A_1194 : memref<10000x128xf32, #tpu.memory_space<hbm>>) dst(%dma_wait3A_1188 : memref<80x128xf32, #tpu.memory_space<vmem>>)
      %dma_wait3A_1197 = arith.constant 5 : i32
      %dma_wait3A_1198 = arith.constant 5 : i32
      %dma_wait3A_1199 = arith.constant 0 : i32
      %dma_wait3A_1200 = tpu.memref_slice %arg7[%dma_wait3A_1197, %dma_wait3A_1199] : memref<8x80xi32, #tpu.memory_space<vmem>> -> memref<1x80xi32, #tpu.memory_space<vmem>>
      %dma_wait3A_1201 = tpu.memref_squeeze %dma_wait3A_1200 : memref<1x80xi32, #tpu.memory_space<vmem>> -> memref<80xi32, #tpu.memory_space<vmem>>
      %dma_wait3A_1202 = tpu.memref_slice %arg3[%mul3A_2] : memref<640000xi32, #tpu.memory_space<hbm>> -> memref<80xi32, #tpu.memory_space<hbm>>
      %dma_wait3A_1203 = tpu.memref_slice %arg12[%dma_wait3A_1198] : memref<8x!tpu.dma_semaphore, #tpu.memory_space<semaphore_mem>> -> memref<1x!tpu.dma_semaphore, #tpu.memory_space<semaphore_mem>>
      %dma_wait3A_1204 = tpu.memref_squeeze %dma_wait3A_1203 : memref<1x!tpu.dma_semaphore, #tpu.memory_space<semaphore_mem>> -> memref<!tpu.dma_semaphore, #tpu.memory_space<semaphore_mem>>
      %dma_wait3A_1205 = arith.constant 0 : i32
      %dma_wait3A_1206 = tpu.memref_slice %arg7[%dma_wait3A_1197, %dma_wait3A_1205] : memref<8x80xi32, #tpu.memory_space<vmem>> -> memref<1x80xi32, #tpu.memory_space<vmem>>
      %dma_wait3A_1207 = tpu.memref_squeeze %dma_wait3A_1206 : memref<1x80xi32, #tpu.memory_space<vmem>> -> memref<80xi32, #tpu.memory_space<vmem>>
      %dma_wait3A_1208 = tpu.memref_slice %arg3[%mul3A_2] : memref<640000xi32, #tpu.memory_space<hbm>> -> memref<80xi32, #tpu.memory_space<hbm>>
      tpu.wait_dma2 semaphore(%dma_wait3A_1204 : memref<!tpu.dma_semaphore, #tpu.memory_space<semaphore_mem>>) src(%dma_wait3A_1208 : memref<80xi32, #tpu.memory_space<hbm>>) dst(%dma_wait3A_1207 : memref<80xi32, #tpu.memory_space<vmem>>)
      %dma_start3A_1209 = arith.constant 1 : i32
      %dma_start3A_1210 = arith.constant 5 : i32
      %dma_start3A_1211 = arith.constant 1 : i32
      %dma_start3A_1212 = arith.constant 0 : i32
      %dma_start3A_1213 = arith.constant 0 : i32
      %dma_start3A_1214 = tpu.memref_slice %arg8[%dma_start3A_1209, %dma_start3A_1212, %dma_start3A_1213] : memref<4x80x128xf32, #tpu.memory_space<vmem>> -> memref<1x80x128xf32, #tpu.memory_space<vmem>>
      %dma_start3A_1215 = tpu.memref_squeeze %dma_start3A_1214 : memref<1x80x128xf32, #tpu.memory_space<vmem>> -> memref<80x128xf32, #tpu.memory_space<vmem>>
      %dma_start3A_1216 = arith.constant 0 : i32
      %dma_start3A_1217 = tpu.memref_slice %arg7[%dma_start3A_1210, %dma_start3A_1216] : memref<8x80xi32, #tpu.memory_space<vmem>> -> memref<1x80xi32, #tpu.memory_space<vmem>>
      %dma_start3A_1218 = tpu.memref_squeeze %dma_start3A_1217 : memref<1x80xi32, #tpu.memory_space<vmem>> -> memref<80xi32, #tpu.memory_space<vmem>>
      %dma_start3A_1219 = arith.constant 0 : i32
      %dma_start3A_1220 = arith.constant 0 : i32
      %dma_start3A_1221 = tpu.memref_slice %arg15[%dma_start3A_1219, %dma_start3A_1220] : memref<10240x128xf32, #tpu.memory_space<vmem_shared>> -> memref<10240x128xf32, #tpu.memory_space<vmem_shared>>
      %dma_start3A_1222 = tpu.memref_slice %arg14[%dma_start3A_1211] : memref<4x!tpu.dma_semaphore, #tpu.memory_space<semaphore_mem>> -> memref<1x!tpu.dma_semaphore, #tpu.memory_space<semaphore_mem>>
      %dma_start3A_1223 = tpu.memref_squeeze %dma_start3A_1222 : memref<1x!tpu.dma_semaphore, #tpu.memory_space<semaphore_mem>> -> memref<!tpu.dma_semaphore, #tpu.memory_space<semaphore_mem>>
      tpu.enqueue_indirect_dma source(%dma_start3A_1215 : memref<80x128xf32, #tpu.memory_space<vmem>>) target(%dma_start3A_1221 : memref<10240x128xf32, #tpu.memory_space<vmem_shared>>) offsets(%dma_start3A_1218 : memref<80xi32, #tpu.memory_space<vmem>>) semaphore(%dma_start3A_1223 : memref<!tpu.dma_semaphore, #tpu.memory_space<semaphore_mem>>) {add = true}
      %dma_start3A_1224 = arith.constant 5 : i32
      %dma_start3A_1225 = arith.constant 1 : i32
      %dma_start3A_1226 = arith.constant 0 : i32
      %dma_start3A_1227 = tpu.memref_slice %arg7[%dma_start3A_1224, %dma_start3A_1226] : memref<8x80xi32, #tpu.memory_space<vmem>> -> memref<1x80xi32, #tpu.memory_space<vmem>>
      %dma_start3A_1228 = tpu.memref_squeeze %dma_start3A_1227 : memref<1x80xi32, #tpu.memory_space<vmem>> -> memref<80xi32, #tpu.memory_space<vmem>>
      %dma_start3A_1229 = arith.constant 0 : i32
      %dma_start3A_1230 = tpu.memref_slice %arg16[%dma_start3A_1229] : memref<10240xf32, #tpu.memory_space<vmem_shared>> -> memref<10240xf32, #tpu.memory_space<vmem_shared>>
      %dma_start3A_1231 = tpu.memref_slice %arg14[%dma_start3A_1225] : memref<4x!tpu.dma_semaphore, #tpu.memory_space<semaphore_mem>> -> memref<1x!tpu.dma_semaphore, #tpu.memory_space<semaphore_mem>>
      %dma_start3A_1232 = tpu.memref_squeeze %dma_start3A_1231 : memref<1x!tpu.dma_semaphore, #tpu.memory_space<semaphore_mem>> -> memref<!tpu.dma_semaphore, #tpu.memory_space<semaphore_mem>>
      tpu.enqueue_indirect_dma source(%arg9 : memref<80xf32, #tpu.memory_space<vmem>>) target(%dma_start3A_1230 : memref<10240xf32, #tpu.memory_space<vmem_shared>>) offsets(%dma_start3A_1228 : memref<80xi32, #tpu.memory_space<vmem>>) semaphore(%dma_start3A_1232 : memref<!tpu.dma_semaphore, #tpu.memory_space<semaphore_mem>>) {add = true}
      %add3A_1233 = arith.constant 6 : i32
      %add3A_1234 = arith.addi %mul3A_781, %add3A_1233 : i32
      %ge3A_1235 = arith.constant 1 : i32
      %ge3A_1236 = arith.cmpi sge, %add3A_1234, %ge3A_1235 : i32
      %convert_element_type3A_1237 = arith.extui %ge3A_1236 : i1 to i32
      %cond3A_1238 = arith.constant 0 : i32
      %cond3A_1239 = arith.cmpi ne, %convert_element_type3A_1237, %cond3A_1238 : i32
      scf.if %cond3A_1239 {
        %dma_wait3A_1385 = arith.constant 1 : i32
        %dma_wait3A_1386 = arith.constant 0 : i32
        %dma_wait3A_1387 = arith.constant 1 : i32
        %dma_wait3A_1388 = arith.constant 0 : i32
        %dma_wait3A_1389 = arith.constant 0 : i32
        %dma_wait3A_1390 = tpu.memref_slice %arg8[%dma_wait3A_1385, %dma_wait3A_1388, %dma_wait3A_1389] : memref<4x80x128xf32, #tpu.memory_space<vmem>> -> memref<1x80x128xf32, #tpu.memory_space<vmem>>
        %dma_wait3A_1391 = tpu.memref_squeeze %dma_wait3A_1390 : memref<1x80x128xf32, #tpu.memory_space<vmem>> -> memref<80x128xf32, #tpu.memory_space<vmem>>
        %dma_wait3A_1392 = arith.constant 0 : i32
        %dma_wait3A_1393 = tpu.memref_slice %arg7[%dma_wait3A_1386, %dma_wait3A_1392] : memref<8x80xi32, #tpu.memory_space<vmem>> -> memref<1x80xi32, #tpu.memory_space<vmem>>
        %dma_wait3A_1394 = tpu.memref_squeeze %dma_wait3A_1393 : memref<1x80xi32, #tpu.memory_space<vmem>> -> memref<80xi32, #tpu.memory_space<vmem>>
        %dma_wait3A_1395 = arith.constant 0 : i32
        %dma_wait3A_1396 = arith.constant 0 : i32
        %dma_wait3A_1397 = tpu.memref_slice %arg15[%dma_wait3A_1395, %dma_wait3A_1396] : memref<10240x128xf32, #tpu.memory_space<vmem_shared>> -> memref<10240x128xf32, #tpu.memory_space<vmem_shared>>
        %dma_wait3A_1398 = tpu.memref_slice %arg14[%dma_wait3A_1387] : memref<4x!tpu.dma_semaphore, #tpu.memory_space<semaphore_mem>> -> memref<1x!tpu.dma_semaphore, #tpu.memory_space<semaphore_mem>>
        %dma_wait3A_1399 = tpu.memref_squeeze %dma_wait3A_1398 : memref<1x!tpu.dma_semaphore, #tpu.memory_space<semaphore_mem>> -> memref<!tpu.dma_semaphore, #tpu.memory_space<semaphore_mem>>
        tpu.wait_indirect_dma semaphore(%dma_wait3A_1399 : memref<!tpu.dma_semaphore, #tpu.memory_space<semaphore_mem>>) src(%dma_wait3A_1391 : memref<80x128xf32, #tpu.memory_space<vmem>>) dst(%dma_wait3A_1397 : memref<10240x128xf32, #tpu.memory_space<vmem_shared>>)
        %dma_wait3A_1400 = arith.constant 0 : i32
        %dma_wait3A_1401 = arith.constant 1 : i32
        %dma_wait3A_1402 = arith.constant 0 : i32
        %dma_wait3A_1403 = tpu.memref_slice %arg7[%dma_wait3A_1400, %dma_wait3A_1402] : memref<8x80xi32, #tpu.memory_space<vmem>> -> memref<1x80xi32, #tpu.memory_space<vmem>>
        %dma_wait3A_1404 = tpu.memref_squeeze %dma_wait3A_1403 : memref<1x80xi32, #tpu.memory_space<vmem>> -> memref<80xi32, #tpu.memory_space<vmem>>
        %dma_wait3A_1405 = arith.constant 0 : i32
        %dma_wait3A_1406 = tpu.memref_slice %arg16[%dma_wait3A_1405] : memref<10240xf32, #tpu.memory_space<vmem_shared>> -> memref<10240xf32, #tpu.memory_space<vmem_shared>>
        %dma_wait3A_1407 = tpu.memref_slice %arg14[%dma_wait3A_1401] : memref<4x!tpu.dma_semaphore, #tpu.memory_space<semaphore_mem>> -> memref<1x!tpu.dma_semaphore, #tpu.memory_space<semaphore_mem>>
        %dma_wait3A_1408 = tpu.memref_squeeze %dma_wait3A_1407 : memref<1x!tpu.dma_semaphore, #tpu.memory_space<semaphore_mem>> -> memref<!tpu.dma_semaphore, #tpu.memory_space<semaphore_mem>>
        tpu.wait_indirect_dma semaphore(%dma_wait3A_1408 : memref<!tpu.dma_semaphore, #tpu.memory_space<semaphore_mem>>) src(%arg9 : memref<80xf32, #tpu.memory_space<vmem>>) dst(%dma_wait3A_1406 : memref<10240xf32, #tpu.memory_space<vmem_shared>>)
      } else {
      }
      %add3A_1240 = arith.constant 8 : i32
      %add3A_1241 = arith.addi %add3A_1234, %add3A_1240 : i32
      %sub3A_1242 = arith.constant 1 : i32
      %sub3A_1243 = arith.subi %add3A_1241, %sub3A_1242 : i32
      %lt3A_1244 = arith.constant 125 : i32
      %lt3A_1245 = arith.cmpi slt, %sub3A_1243, %lt3A_1244 : i32
      %convert_element_type3A_1246 = arith.extui %lt3A_1245 : i1 to i32
      %cond3A_1247 = arith.constant 0 : i32
      %cond3A_1248 = arith.cmpi ne, %convert_element_type3A_1246, %cond3A_1247 : i32
      scf.if %cond3A_1248 {
        %add3A_1385 = arith.constant 8 : i32
        %add3A_1386 = arith.addi %add3A_1234, %add3A_1385 : i32
        %sub3A_1387 = arith.constant 1 : i32
        %sub3A_1388 = arith.subi %add3A_1386, %sub3A_1387 : i32
        %mul3A_1389 = arith.constant 80 : i32
        %mul3A_1390 = arith.muli %sub3A_1388, %mul3A_1389 : i32
        %add3A_1391 = arith.addi %mul3A_2, %mul3A_1390 : i32
        %dma_start3A_1392 = arith.constant 5 : i32
        %dma_start3A_1393 = arith.constant 5 : i32
        %dma_start3A_1394 = arith.constant 0 : i32
        %dma_start3A_1395 = tpu.memref_slice %arg6[%dma_start3A_1392, %dma_start3A_1394] : memref<8x80xi32, #tpu.memory_space<vmem>> -> memref<1x80xi32, #tpu.memory_space<vmem>>
        %dma_start3A_1396 = tpu.memref_squeeze %dma_start3A_1395 : memref<1x80xi32, #tpu.memory_space<vmem>> -> memref<80xi32, #tpu.memory_space<vmem>>
        %dma_start3A_1397 = tpu.memref_slice %arg3[%add3A_1391] : memref<640000xi32, #tpu.memory_space<hbm>> -> memref<80xi32, #tpu.memory_space<hbm>>
        %dma_start3A_1398 = tpu.memref_slice %arg11[%dma_start3A_1393] : memref<8x!tpu.dma_semaphore, #tpu.memory_space<semaphore_mem>> -> memref<1x!tpu.dma_semaphore, #tpu.memory_space<semaphore_mem>>
        %dma_start3A_1399 = tpu.memref_squeeze %dma_start3A_1398 : memref<1x!tpu.dma_semaphore, #tpu.memory_space<semaphore_mem>> -> memref<!tpu.dma_semaphore, #tpu.memory_space<semaphore_mem>>
        %dma_start3A_1400 = arith.constant 0 : i32
        %dma_start3A_1401 = tpu.memref_slice %arg6[%dma_start3A_1392, %dma_start3A_1400] : memref<8x80xi32, #tpu.memory_space<vmem>> -> memref<1x80xi32, #tpu.memory_space<vmem>>
        %dma_start3A_1402 = tpu.memref_squeeze %dma_start3A_1401 : memref<1x80xi32, #tpu.memory_space<vmem>> -> memref<80xi32, #tpu.memory_space<vmem>>
        %dma_start3A_1403 = tpu.memref_slice %arg3[%add3A_1391] : memref<640000xi32, #tpu.memory_space<hbm>> -> memref<80xi32, #tpu.memory_space<hbm>>
        tpu.enqueue_dma source(%dma_start3A_1403 : memref<80xi32, #tpu.memory_space<hbm>>) target(%dma_start3A_1402 : memref<80xi32, #tpu.memory_space<vmem>>) target_semaphore(%dma_start3A_1399 : memref<!tpu.dma_semaphore, #tpu.memory_space<semaphore_mem>>)
        %add3A_1404 = arith.constant 320000 : i32
        %add3A_1405 = arith.addi %add3A_1404, %add3A_1391 : i32
        %dma_start3A_1406 = arith.constant 5 : i32
        %dma_start3A_1407 = arith.constant 5 : i32
        %dma_start3A_1408 = arith.constant 0 : i32
        %dma_start3A_1409 = tpu.memref_slice %arg7[%dma_start3A_1406, %dma_start3A_1408] : memref<8x80xi32, #tpu.memory_space<vmem>> -> memref<1x80xi32, #tpu.memory_space<vmem>>
        %dma_start3A_1410 = tpu.memref_squeeze %dma_start3A_1409 : memref<1x80xi32, #tpu.memory_space<vmem>> -> memref<80xi32, #tpu.memory_space<vmem>>
        %dma_start3A_1411 = tpu.memref_slice %arg3[%add3A_1405] : memref<640000xi32, #tpu.memory_space<hbm>> -> memref<80xi32, #tpu.memory_space<hbm>>
        %dma_start3A_1412 = tpu.memref_slice %arg12[%dma_start3A_1407] : memref<8x!tpu.dma_semaphore, #tpu.memory_space<semaphore_mem>> -> memref<1x!tpu.dma_semaphore, #tpu.memory_space<semaphore_mem>>
        %dma_start3A_1413 = tpu.memref_squeeze %dma_start3A_1412 : memref<1x!tpu.dma_semaphore, #tpu.memory_space<semaphore_mem>> -> memref<!tpu.dma_semaphore, #tpu.memory_space<semaphore_mem>>
        %dma_start3A_1414 = arith.constant 0 : i32
        %dma_start3A_1415 = tpu.memref_slice %arg7[%dma_start3A_1406, %dma_start3A_1414] : memref<8x80xi32, #tpu.memory_space<vmem>> -> memref<1x80xi32, #tpu.memory_space<vmem>>
        %dma_start3A_1416 = tpu.memref_squeeze %dma_start3A_1415 : memref<1x80xi32, #tpu.memory_space<vmem>> -> memref<80xi32, #tpu.memory_space<vmem>>
        %dma_start3A_1417 = tpu.memref_slice %arg3[%add3A_1405] : memref<640000xi32, #tpu.memory_space<hbm>> -> memref<80xi32, #tpu.memory_space<hbm>>
        tpu.enqueue_dma source(%dma_start3A_1417 : memref<80xi32, #tpu.memory_space<hbm>>) target(%dma_start3A_1416 : memref<80xi32, #tpu.memory_space<vmem>>) target_semaphore(%dma_start3A_1413 : memref<!tpu.dma_semaphore, #tpu.memory_space<semaphore_mem>>)
      } else {
      }
      %add3A_1249 = arith.constant 4 : i32
      %add3A_1250 = arith.addi %add3A_1234, %add3A_1249 : i32
      %sub3A_1251 = arith.constant 1 : i32
      %sub3A_1252 = arith.subi %add3A_1250, %sub3A_1251 : i32
      %lt3A_1253 = arith.constant 125 : i32
      %lt3A_1254 = arith.cmpi slt, %sub3A_1252, %lt3A_1253 : i32
      %convert_element_type3A_1255 = arith.extui %lt3A_1254 : i1 to i32
      %cond3A_1256 = arith.constant 0 : i32
      %cond3A_1257 = arith.cmpi ne, %convert_element_type3A_1255, %cond3A_1256 : i32
      scf.if %cond3A_1257 {
        %dma_wait3A_1385 = arith.constant 1 : i32
        %dma_wait3A_1386 = arith.constant 1 : i32
        %dma_wait3A_1387 = arith.constant 0 : i32
        %dma_wait3A_1388 = tpu.memref_slice %arg6[%dma_wait3A_1385, %dma_wait3A_1387] : memref<8x80xi32, #tpu.memory_space<vmem>> -> memref<1x80xi32, #tpu.memory_space<vmem>>
        %dma_wait3A_1389 = tpu.memref_squeeze %dma_wait3A_1388 : memref<1x80xi32, #tpu.memory_space<vmem>> -> memref<80xi32, #tpu.memory_space<vmem>>
        %dma_wait3A_1390 = tpu.memref_slice %arg3[%mul3A_2] : memref<640000xi32, #tpu.memory_space<hbm>> -> memref<80xi32, #tpu.memory_space<hbm>>
        %dma_wait3A_1391 = tpu.memref_slice %arg11[%dma_wait3A_1386] : memref<8x!tpu.dma_semaphore, #tpu.memory_space<semaphore_mem>> -> memref<1x!tpu.dma_semaphore, #tpu.memory_space<semaphore_mem>>
        %dma_wait3A_1392 = tpu.memref_squeeze %dma_wait3A_1391 : memref<1x!tpu.dma_semaphore, #tpu.memory_space<semaphore_mem>> -> memref<!tpu.dma_semaphore, #tpu.memory_space<semaphore_mem>>
        %dma_wait3A_1393 = arith.constant 0 : i32
        %dma_wait3A_1394 = tpu.memref_slice %arg6[%dma_wait3A_1385, %dma_wait3A_1393] : memref<8x80xi32, #tpu.memory_space<vmem>> -> memref<1x80xi32, #tpu.memory_space<vmem>>
        %dma_wait3A_1395 = tpu.memref_squeeze %dma_wait3A_1394 : memref<1x80xi32, #tpu.memory_space<vmem>> -> memref<80xi32, #tpu.memory_space<vmem>>
        %dma_wait3A_1396 = tpu.memref_slice %arg3[%mul3A_2] : memref<640000xi32, #tpu.memory_space<hbm>> -> memref<80xi32, #tpu.memory_space<hbm>>
        tpu.wait_dma2 semaphore(%dma_wait3A_1392 : memref<!tpu.dma_semaphore, #tpu.memory_space<semaphore_mem>>) src(%dma_wait3A_1396 : memref<80xi32, #tpu.memory_space<hbm>>) dst(%dma_wait3A_1395 : memref<80xi32, #tpu.memory_space<vmem>>)
        %dma_start3A_1397 = arith.constant 1 : i32
        %dma_start3A_1398 = arith.constant 1 : i32
        %dma_start3A_1399 = arith.constant 1 : i32
        %dma_start3A_1400 = arith.constant 0 : i32
        %dma_start3A_1401 = arith.constant 0 : i32
        %dma_start3A_1402 = tpu.memref_slice %arg8[%dma_start3A_1398, %dma_start3A_1400, %dma_start3A_1401] : memref<4x80x128xf32, #tpu.memory_space<vmem>> -> memref<1x80x128xf32, #tpu.memory_space<vmem>>
        %dma_start3A_1403 = tpu.memref_squeeze %dma_start3A_1402 : memref<1x80x128xf32, #tpu.memory_space<vmem>> -> memref<80x128xf32, #tpu.memory_space<vmem>>
        %dma_start3A_1404 = arith.constant 0 : i32
        %dma_start3A_1405 = tpu.memref_slice %arg6[%dma_start3A_1397, %dma_start3A_1404] : memref<8x80xi32, #tpu.memory_space<vmem>> -> memref<1x80xi32, #tpu.memory_space<vmem>>
        %dma_start3A_1406 = tpu.memref_squeeze %dma_start3A_1405 : memref<1x80xi32, #tpu.memory_space<vmem>> -> memref<80xi32, #tpu.memory_space<vmem>>
        %dma_start3A_1407 = arith.constant 0 : i32
        %dma_start3A_1408 = arith.constant 0 : i32
        %dma_start3A_1409 = tpu.memref_slice %arg2[%dma_start3A_1407, %dma_start3A_1408] : memref<10000x128xf32, #tpu.memory_space<hbm>> -> memref<10000x128xf32, #tpu.memory_space<hbm>>
        %dma_start3A_1410 = tpu.memref_slice %arg13[%dma_start3A_1399] : memref<4x!tpu.dma_semaphore, #tpu.memory_space<semaphore_mem>> -> memref<1x!tpu.dma_semaphore, #tpu.memory_space<semaphore_mem>>
        %dma_start3A_1411 = tpu.memref_squeeze %dma_start3A_1410 : memref<1x!tpu.dma_semaphore, #tpu.memory_space<semaphore_mem>> -> memref<!tpu.dma_semaphore, #tpu.memory_space<semaphore_mem>>
        tpu.enqueue_indirect_dma source(%dma_start3A_1409 : memref<10000x128xf32, #tpu.memory_space<hbm>>) target(%dma_start3A_1403 : memref<80x128xf32, #tpu.memory_space<vmem>>) offsets(%dma_start3A_1406 : memref<80xi32, #tpu.memory_space<vmem>>) semaphore(%dma_start3A_1411 : memref<!tpu.dma_semaphore, #tpu.memory_space<semaphore_mem>>)
      } else {
      }
      %dma_wait3A_1258 = arith.constant 0 : i32
      %dma_wait3A_1259 = arith.constant 2 : i32
      %dma_wait3A_1260 = arith.constant 2 : i32
      %dma_wait3A_1261 = arith.constant 0 : i32
      %dma_wait3A_1262 = arith.constant 0 : i32
      %dma_wait3A_1263 = tpu.memref_slice %arg8[%dma_wait3A_1259, %dma_wait3A_1261, %dma_wait3A_1262] : memref<4x80x128xf32, #tpu.memory_space<vmem>> -> memref<1x80x128xf32, #tpu.memory_space<vmem>>
      %dma_wait3A_1264 = tpu.memref_squeeze %dma_wait3A_1263 : memref<1x80x128xf32, #tpu.memory_space<vmem>> -> memref<80x128xf32, #tpu.memory_space<vmem>>
      %dma_wait3A_1265 = arith.constant 0 : i32
      %dma_wait3A_1266 = tpu.memref_slice %arg6[%dma_wait3A_1258, %dma_wait3A_1265] : memref<8x80xi32, #tpu.memory_space<vmem>> -> memref<1x80xi32, #tpu.memory_space<vmem>>
      %dma_wait3A_1267 = tpu.memref_squeeze %dma_wait3A_1266 : memref<1x80xi32, #tpu.memory_space<vmem>> -> memref<80xi32, #tpu.memory_space<vmem>>
      %dma_wait3A_1268 = arith.constant 0 : i32
      %dma_wait3A_1269 = arith.constant 0 : i32
      %dma_wait3A_1270 = tpu.memref_slice %arg2[%dma_wait3A_1268, %dma_wait3A_1269] : memref<10000x128xf32, #tpu.memory_space<hbm>> -> memref<10000x128xf32, #tpu.memory_space<hbm>>
      %dma_wait3A_1271 = tpu.memref_slice %arg13[%dma_wait3A_1260] : memref<4x!tpu.dma_semaphore, #tpu.memory_space<semaphore_mem>> -> memref<1x!tpu.dma_semaphore, #tpu.memory_space<semaphore_mem>>
      %dma_wait3A_1272 = tpu.memref_squeeze %dma_wait3A_1271 : memref<1x!tpu.dma_semaphore, #tpu.memory_space<semaphore_mem>> -> memref<!tpu.dma_semaphore, #tpu.memory_space<semaphore_mem>>
      tpu.wait_indirect_dma semaphore(%dma_wait3A_1272 : memref<!tpu.dma_semaphore, #tpu.memory_space<semaphore_mem>>) src(%dma_wait3A_1270 : memref<10000x128xf32, #tpu.memory_space<hbm>>) dst(%dma_wait3A_1264 : memref<80x128xf32, #tpu.memory_space<vmem>>)
      %dma_wait3A_1273 = arith.constant 6 : i32
      %dma_wait3A_1274 = arith.constant 6 : i32
      %dma_wait3A_1275 = arith.constant 0 : i32
      %dma_wait3A_1276 = tpu.memref_slice %arg7[%dma_wait3A_1273, %dma_wait3A_1275] : memref<8x80xi32, #tpu.memory_space<vmem>> -> memref<1x80xi32, #tpu.memory_space<vmem>>
      %dma_wait3A_1277 = tpu.memref_squeeze %dma_wait3A_1276 : memref<1x80xi32, #tpu.memory_space<vmem>> -> memref<80xi32, #tpu.memory_space<vmem>>
      %dma_wait3A_1278 = tpu.memref_slice %arg3[%mul3A_2] : memref<640000xi32, #tpu.memory_space<hbm>> -> memref<80xi32, #tpu.memory_space<hbm>>
      %dma_wait3A_1279 = tpu.memref_slice %arg12[%dma_wait3A_1274] : memref<8x!tpu.dma_semaphore, #tpu.memory_space<semaphore_mem>> -> memref<1x!tpu.dma_semaphore, #tpu.memory_space<semaphore_mem>>
      %dma_wait3A_1280 = tpu.memref_squeeze %dma_wait3A_1279 : memref<1x!tpu.dma_semaphore, #tpu.memory_space<semaphore_mem>> -> memref<!tpu.dma_semaphore, #tpu.memory_space<semaphore_mem>>
      %dma_wait3A_1281 = arith.constant 0 : i32
      %dma_wait3A_1282 = tpu.memref_slice %arg7[%dma_wait3A_1273, %dma_wait3A_1281] : memref<8x80xi32, #tpu.memory_space<vmem>> -> memref<1x80xi32, #tpu.memory_space<vmem>>
      %dma_wait3A_1283 = tpu.memref_squeeze %dma_wait3A_1282 : memref<1x80xi32, #tpu.memory_space<vmem>> -> memref<80xi32, #tpu.memory_space<vmem>>
      %dma_wait3A_1284 = tpu.memref_slice %arg3[%mul3A_2] : memref<640000xi32, #tpu.memory_space<hbm>> -> memref<80xi32, #tpu.memory_space<hbm>>
      tpu.wait_dma2 semaphore(%dma_wait3A_1280 : memref<!tpu.dma_semaphore, #tpu.memory_space<semaphore_mem>>) src(%dma_wait3A_1284 : memref<80xi32, #tpu.memory_space<hbm>>) dst(%dma_wait3A_1283 : memref<80xi32, #tpu.memory_space<vmem>>)
      %dma_start3A_1285 = arith.constant 2 : i32
      %dma_start3A_1286 = arith.constant 6 : i32
      %dma_start3A_1287 = arith.constant 2 : i32
      %dma_start3A_1288 = arith.constant 0 : i32
      %dma_start3A_1289 = arith.constant 0 : i32
      %dma_start3A_1290 = tpu.memref_slice %arg8[%dma_start3A_1285, %dma_start3A_1288, %dma_start3A_1289] : memref<4x80x128xf32, #tpu.memory_space<vmem>> -> memref<1x80x128xf32, #tpu.memory_space<vmem>>
      %dma_start3A_1291 = tpu.memref_squeeze %dma_start3A_1290 : memref<1x80x128xf32, #tpu.memory_space<vmem>> -> memref<80x128xf32, #tpu.memory_space<vmem>>
      %dma_start3A_1292 = arith.constant 0 : i32
      %dma_start3A_1293 = tpu.memref_slice %arg7[%dma_start3A_1286, %dma_start3A_1292] : memref<8x80xi32, #tpu.memory_space<vmem>> -> memref<1x80xi32, #tpu.memory_space<vmem>>
      %dma_start3A_1294 = tpu.memref_squeeze %dma_start3A_1293 : memref<1x80xi32, #tpu.memory_space<vmem>> -> memref<80xi32, #tpu.memory_space<vmem>>
      %dma_start3A_1295 = arith.constant 0 : i32
      %dma_start3A_1296 = arith.constant 0 : i32
      %dma_start3A_1297 = tpu.memref_slice %arg15[%dma_start3A_1295, %dma_start3A_1296] : memref<10240x128xf32, #tpu.memory_space<vmem_shared>> -> memref<10240x128xf32, #tpu.memory_space<vmem_shared>>
      %dma_start3A_1298 = tpu.memref_slice %arg14[%dma_start3A_1287] : memref<4x!tpu.dma_semaphore, #tpu.memory_space<semaphore_mem>> -> memref<1x!tpu.dma_semaphore, #tpu.memory_space<semaphore_mem>>
      %dma_start3A_1299 = tpu.memref_squeeze %dma_start3A_1298 : memref<1x!tpu.dma_semaphore, #tpu.memory_space<semaphore_mem>> -> memref<!tpu.dma_semaphore, #tpu.memory_space<semaphore_mem>>
      tpu.enqueue_indirect_dma source(%dma_start3A_1291 : memref<80x128xf32, #tpu.memory_space<vmem>>) target(%dma_start3A_1297 : memref<10240x128xf32, #tpu.memory_space<vmem_shared>>) offsets(%dma_start3A_1294 : memref<80xi32, #tpu.memory_space<vmem>>) semaphore(%dma_start3A_1299 : memref<!tpu.dma_semaphore, #tpu.memory_space<semaphore_mem>>) {add = true}
      %dma_start3A_1300 = arith.constant 6 : i32
      %dma_start3A_1301 = arith.constant 2 : i32
      %dma_start3A_1302 = arith.constant 0 : i32
      %dma_start3A_1303 = tpu.memref_slice %arg7[%dma_start3A_1300, %dma_start3A_1302] : memref<8x80xi32, #tpu.memory_space<vmem>> -> memref<1x80xi32, #tpu.memory_space<vmem>>
      %dma_start3A_1304 = tpu.memref_squeeze %dma_start3A_1303 : memref<1x80xi32, #tpu.memory_space<vmem>> -> memref<80xi32, #tpu.memory_space<vmem>>
      %dma_start3A_1305 = arith.constant 0 : i32
      %dma_start3A_1306 = tpu.memref_slice %arg16[%dma_start3A_1305] : memref<10240xf32, #tpu.memory_space<vmem_shared>> -> memref<10240xf32, #tpu.memory_space<vmem_shared>>
      %dma_start3A_1307 = tpu.memref_slice %arg14[%dma_start3A_1301] : memref<4x!tpu.dma_semaphore, #tpu.memory_space<semaphore_mem>> -> memref<1x!tpu.dma_semaphore, #tpu.memory_space<semaphore_mem>>
      %dma_start3A_1308 = tpu.memref_squeeze %dma_start3A_1307 : memref<1x!tpu.dma_semaphore, #tpu.memory_space<semaphore_mem>> -> memref<!tpu.dma_semaphore, #tpu.memory_space<semaphore_mem>>
      tpu.enqueue_indirect_dma source(%arg9 : memref<80xf32, #tpu.memory_space<vmem>>) target(%dma_start3A_1306 : memref<10240xf32, #tpu.memory_space<vmem_shared>>) offsets(%dma_start3A_1304 : memref<80xi32, #tpu.memory_space<vmem>>) semaphore(%dma_start3A_1308 : memref<!tpu.dma_semaphore, #tpu.memory_space<semaphore_mem>>) {add = true}
      %add3A_1309 = arith.constant 7 : i32
      %add3A_1310 = arith.addi %mul3A_781, %add3A_1309 : i32
      %ge3A_1311 = arith.constant 1 : i32
      %ge3A_1312 = arith.cmpi sge, %add3A_1310, %ge3A_1311 : i32
      %convert_element_type3A_1313 = arith.extui %ge3A_1312 : i1 to i32
      %cond3A_1314 = arith.constant 0 : i32
      %cond3A_1315 = arith.cmpi ne, %convert_element_type3A_1313, %cond3A_1314 : i32
      scf.if %cond3A_1315 {
        %dma_wait3A_1385 = arith.constant 2 : i32
        %dma_wait3A_1386 = arith.constant 0 : i32
        %dma_wait3A_1387 = arith.constant 2 : i32
        %dma_wait3A_1388 = arith.constant 0 : i32
        %dma_wait3A_1389 = arith.constant 0 : i32
        %dma_wait3A_1390 = tpu.memref_slice %arg8[%dma_wait3A_1385, %dma_wait3A_1388, %dma_wait3A_1389] : memref<4x80x128xf32, #tpu.memory_space<vmem>> -> memref<1x80x128xf32, #tpu.memory_space<vmem>>
        %dma_wait3A_1391 = tpu.memref_squeeze %dma_wait3A_1390 : memref<1x80x128xf32, #tpu.memory_space<vmem>> -> memref<80x128xf32, #tpu.memory_space<vmem>>
        %dma_wait3A_1392 = arith.constant 0 : i32
        %dma_wait3A_1393 = tpu.memref_slice %arg7[%dma_wait3A_1386, %dma_wait3A_1392] : memref<8x80xi32, #tpu.memory_space<vmem>> -> memref<1x80xi32, #tpu.memory_space<vmem>>
        %dma_wait3A_1394 = tpu.memref_squeeze %dma_wait3A_1393 : memref<1x80xi32, #tpu.memory_space<vmem>> -> memref<80xi32, #tpu.memory_space<vmem>>
        %dma_wait3A_1395 = arith.constant 0 : i32
        %dma_wait3A_1396 = arith.constant 0 : i32
        %dma_wait3A_1397 = tpu.memref_slice %arg15[%dma_wait3A_1395, %dma_wait3A_1396] : memref<10240x128xf32, #tpu.memory_space<vmem_shared>> -> memref<10240x128xf32, #tpu.memory_space<vmem_shared>>
        %dma_wait3A_1398 = tpu.memref_slice %arg14[%dma_wait3A_1387] : memref<4x!tpu.dma_semaphore, #tpu.memory_space<semaphore_mem>> -> memref<1x!tpu.dma_semaphore, #tpu.memory_space<semaphore_mem>>
        %dma_wait3A_1399 = tpu.memref_squeeze %dma_wait3A_1398 : memref<1x!tpu.dma_semaphore, #tpu.memory_space<semaphore_mem>> -> memref<!tpu.dma_semaphore, #tpu.memory_space<semaphore_mem>>
        tpu.wait_indirect_dma semaphore(%dma_wait3A_1399 : memref<!tpu.dma_semaphore, #tpu.memory_space<semaphore_mem>>) src(%dma_wait3A_1391 : memref<80x128xf32, #tpu.memory_space<vmem>>) dst(%dma_wait3A_1397 : memref<10240x128xf32, #tpu.memory_space<vmem_shared>>)
        %dma_wait3A_1400 = arith.constant 0 : i32
        %dma_wait3A_1401 = arith.constant 2 : i32
        %dma_wait3A_1402 = arith.constant 0 : i32
        %dma_wait3A_1403 = tpu.memref_slice %arg7[%dma_wait3A_1400, %dma_wait3A_1402] : memref<8x80xi32, #tpu.memory_space<vmem>> -> memref<1x80xi32, #tpu.memory_space<vmem>>
        %dma_wait3A_1404 = tpu.memref_squeeze %dma_wait3A_1403 : memref<1x80xi32, #tpu.memory_space<vmem>> -> memref<80xi32, #tpu.memory_space<vmem>>
        %dma_wait3A_1405 = arith.constant 0 : i32
        %dma_wait3A_1406 = tpu.memref_slice %arg16[%dma_wait3A_1405] : memref<10240xf32, #tpu.memory_space<vmem_shared>> -> memref<10240xf32, #tpu.memory_space<vmem_shared>>
        %dma_wait3A_1407 = tpu.memref_slice %arg14[%dma_wait3A_1401] : memref<4x!tpu.dma_semaphore, #tpu.memory_space<semaphore_mem>> -> memref<1x!tpu.dma_semaphore, #tpu.memory_space<semaphore_mem>>
        %dma_wait3A_1408 = tpu.memref_squeeze %dma_wait3A_1407 : memref<1x!tpu.dma_semaphore, #tpu.memory_space<semaphore_mem>> -> memref<!tpu.dma_semaphore, #tpu.memory_space<semaphore_mem>>
        tpu.wait_indirect_dma semaphore(%dma_wait3A_1408 : memref<!tpu.dma_semaphore, #tpu.memory_space<semaphore_mem>>) src(%arg9 : memref<80xf32, #tpu.memory_space<vmem>>) dst(%dma_wait3A_1406 : memref<10240xf32, #tpu.memory_space<vmem_shared>>)
      } else {
      }
      %add3A_1316 = arith.constant 8 : i32
      %add3A_1317 = arith.addi %add3A_1310, %add3A_1316 : i32
      %sub3A_1318 = arith.constant 1 : i32
      %sub3A_1319 = arith.subi %add3A_1317, %sub3A_1318 : i32
      %lt3A_1320 = arith.constant 125 : i32
      %lt3A_1321 = arith.cmpi slt, %sub3A_1319, %lt3A_1320 : i32
      %convert_element_type3A_1322 = arith.extui %lt3A_1321 : i1 to i32
      %cond3A_1323 = arith.constant 0 : i32
      %cond3A_1324 = arith.cmpi ne, %convert_element_type3A_1322, %cond3A_1323 : i32
      scf.if %cond3A_1324 {
        %add3A_1385 = arith.constant 8 : i32
        %add3A_1386 = arith.addi %add3A_1310, %add3A_1385 : i32
        %sub3A_1387 = arith.constant 1 : i32
        %sub3A_1388 = arith.subi %add3A_1386, %sub3A_1387 : i32
        %mul3A_1389 = arith.constant 80 : i32
        %mul3A_1390 = arith.muli %sub3A_1388, %mul3A_1389 : i32
        %add3A_1391 = arith.addi %mul3A_2, %mul3A_1390 : i32
        %dma_start3A_1392 = arith.constant 6 : i32
        %dma_start3A_1393 = arith.constant 6 : i32
        %dma_start3A_1394 = arith.constant 0 : i32
        %dma_start3A_1395 = tpu.memref_slice %arg6[%dma_start3A_1392, %dma_start3A_1394] : memref<8x80xi32, #tpu.memory_space<vmem>> -> memref<1x80xi32, #tpu.memory_space<vmem>>
        %dma_start3A_1396 = tpu.memref_squeeze %dma_start3A_1395 : memref<1x80xi32, #tpu.memory_space<vmem>> -> memref<80xi32, #tpu.memory_space<vmem>>
        %dma_start3A_1397 = tpu.memref_slice %arg3[%add3A_1391] : memref<640000xi32, #tpu.memory_space<hbm>> -> memref<80xi32, #tpu.memory_space<hbm>>
        %dma_start3A_1398 = tpu.memref_slice %arg11[%dma_start3A_1393] : memref<8x!tpu.dma_semaphore, #tpu.memory_space<semaphore_mem>> -> memref<1x!tpu.dma_semaphore, #tpu.memory_space<semaphore_mem>>
        %dma_start3A_1399 = tpu.memref_squeeze %dma_start3A_1398 : memref<1x!tpu.dma_semaphore, #tpu.memory_space<semaphore_mem>> -> memref<!tpu.dma_semaphore, #tpu.memory_space<semaphore_mem>>
        %dma_start3A_1400 = arith.constant 0 : i32
        %dma_start3A_1401 = tpu.memref_slice %arg6[%dma_start3A_1392, %dma_start3A_1400] : memref<8x80xi32, #tpu.memory_space<vmem>> -> memref<1x80xi32, #tpu.memory_space<vmem>>
        %dma_start3A_1402 = tpu.memref_squeeze %dma_start3A_1401 : memref<1x80xi32, #tpu.memory_space<vmem>> -> memref<80xi32, #tpu.memory_space<vmem>>
        %dma_start3A_1403 = tpu.memref_slice %arg3[%add3A_1391] : memref<640000xi32, #tpu.memory_space<hbm>> -> memref<80xi32, #tpu.memory_space<hbm>>
        tpu.enqueue_dma source(%dma_start3A_1403 : memref<80xi32, #tpu.memory_space<hbm>>) target(%dma_start3A_1402 : memref<80xi32, #tpu.memory_space<vmem>>) target_semaphore(%dma_start3A_1399 : memref<!tpu.dma_semaphore, #tpu.memory_space<semaphore_mem>>)
        %add3A_1404 = arith.constant 320000 : i32
        %add3A_1405 = arith.addi %add3A_1404, %add3A_1391 : i32
        %dma_start3A_1406 = arith.constant 6 : i32
        %dma_start3A_1407 = arith.constant 6 : i32
        %dma_start3A_1408 = arith.constant 0 : i32
        %dma_start3A_1409 = tpu.memref_slice %arg7[%dma_start3A_1406, %dma_start3A_1408] : memref<8x80xi32, #tpu.memory_space<vmem>> -> memref<1x80xi32, #tpu.memory_space<vmem>>
        %dma_start3A_1410 = tpu.memref_squeeze %dma_start3A_1409 : memref<1x80xi32, #tpu.memory_space<vmem>> -> memref<80xi32, #tpu.memory_space<vmem>>
        %dma_start3A_1411 = tpu.memref_slice %arg3[%add3A_1405] : memref<640000xi32, #tpu.memory_space<hbm>> -> memref<80xi32, #tpu.memory_space<hbm>>
        %dma_start3A_1412 = tpu.memref_slice %arg12[%dma_start3A_1407] : memref<8x!tpu.dma_semaphore, #tpu.memory_space<semaphore_mem>> -> memref<1x!tpu.dma_semaphore, #tpu.memory_space<semaphore_mem>>
        %dma_start3A_1413 = tpu.memref_squeeze %dma_start3A_1412 : memref<1x!tpu.dma_semaphore, #tpu.memory_space<semaphore_mem>> -> memref<!tpu.dma_semaphore, #tpu.memory_space<semaphore_mem>>
        %dma_start3A_1414 = arith.constant 0 : i32
        %dma_start3A_1415 = tpu.memref_slice %arg7[%dma_start3A_1406, %dma_start3A_1414] : memref<8x80xi32, #tpu.memory_space<vmem>> -> memref<1x80xi32, #tpu.memory_space<vmem>>
        %dma_start3A_1416 = tpu.memref_squeeze %dma_start3A_1415 : memref<1x80xi32, #tpu.memory_space<vmem>> -> memref<80xi32, #tpu.memory_space<vmem>>
        %dma_start3A_1417 = tpu.memref_slice %arg3[%add3A_1405] : memref<640000xi32, #tpu.memory_space<hbm>> -> memref<80xi32, #tpu.memory_space<hbm>>
        tpu.enqueue_dma source(%dma_start3A_1417 : memref<80xi32, #tpu.memory_space<hbm>>) target(%dma_start3A_1416 : memref<80xi32, #tpu.memory_space<vmem>>) target_semaphore(%dma_start3A_1413 : memref<!tpu.dma_semaphore, #tpu.memory_space<semaphore_mem>>)
      } else {
      }
      %add3A_1325 = arith.constant 4 : i32
      %add3A_1326 = arith.addi %add3A_1310, %add3A_1325 : i32
      %sub3A_1327 = arith.constant 1 : i32
      %sub3A_1328 = arith.subi %add3A_1326, %sub3A_1327 : i32
      %lt3A_1329 = arith.constant 125 : i32
      %lt3A_1330 = arith.cmpi slt, %sub3A_1328, %lt3A_1329 : i32
      %convert_element_type3A_1331 = arith.extui %lt3A_1330 : i1 to i32
      %cond3A_1332 = arith.constant 0 : i32
      %cond3A_1333 = arith.cmpi ne, %convert_element_type3A_1331, %cond3A_1332 : i32
      scf.if %cond3A_1333 {
        %dma_wait3A_1385 = arith.constant 2 : i32
        %dma_wait3A_1386 = arith.constant 2 : i32
        %dma_wait3A_1387 = arith.constant 0 : i32
        %dma_wait3A_1388 = tpu.memref_slice %arg6[%dma_wait3A_1385, %dma_wait3A_1387] : memref<8x80xi32, #tpu.memory_space<vmem>> -> memref<1x80xi32, #tpu.memory_space<vmem>>
        %dma_wait3A_1389 = tpu.memref_squeeze %dma_wait3A_1388 : memref<1x80xi32, #tpu.memory_space<vmem>> -> memref<80xi32, #tpu.memory_space<vmem>>
        %dma_wait3A_1390 = tpu.memref_slice %arg3[%mul3A_2] : memref<640000xi32, #tpu.memory_space<hbm>> -> memref<80xi32, #tpu.memory_space<hbm>>
        %dma_wait3A_1391 = tpu.memref_slice %arg11[%dma_wait3A_1386] : memref<8x!tpu.dma_semaphore, #tpu.memory_space<semaphore_mem>> -> memref<1x!tpu.dma_semaphore, #tpu.memory_space<semaphore_mem>>
        %dma_wait3A_1392 = tpu.memref_squeeze %dma_wait3A_1391 : memref<1x!tpu.dma_semaphore, #tpu.memory_space<semaphore_mem>> -> memref<!tpu.dma_semaphore, #tpu.memory_space<semaphore_mem>>
        %dma_wait3A_1393 = arith.constant 0 : i32
        %dma_wait3A_1394 = tpu.memref_slice %arg6[%dma_wait3A_1385, %dma_wait3A_1393] : memref<8x80xi32, #tpu.memory_space<vmem>> -> memref<1x80xi32, #tpu.memory_space<vmem>>
        %dma_wait3A_1395 = tpu.memref_squeeze %dma_wait3A_1394 : memref<1x80xi32, #tpu.memory_space<vmem>> -> memref<80xi32, #tpu.memory_space<vmem>>
        %dma_wait3A_1396 = tpu.memref_slice %arg3[%mul3A_2] : memref<640000xi32, #tpu.memory_space<hbm>> -> memref<80xi32, #tpu.memory_space<hbm>>
        tpu.wait_dma2 semaphore(%dma_wait3A_1392 : memref<!tpu.dma_semaphore, #tpu.memory_space<semaphore_mem>>) src(%dma_wait3A_1396 : memref<80xi32, #tpu.memory_space<hbm>>) dst(%dma_wait3A_1395 : memref<80xi32, #tpu.memory_space<vmem>>)
        %dma_start3A_1397 = arith.constant 2 : i32
        %dma_start3A_1398 = arith.constant 2 : i32
        %dma_start3A_1399 = arith.constant 2 : i32
        %dma_start3A_1400 = arith.constant 0 : i32
        %dma_start3A_1401 = arith.constant 0 : i32
        %dma_start3A_1402 = tpu.memref_slice %arg8[%dma_start3A_1398, %dma_start3A_1400, %dma_start3A_1401] : memref<4x80x128xf32, #tpu.memory_space<vmem>> -> memref<1x80x128xf32, #tpu.memory_space<vmem>>
        %dma_start3A_1403 = tpu.memref_squeeze %dma_start3A_1402 : memref<1x80x128xf32, #tpu.memory_space<vmem>> -> memref<80x128xf32, #tpu.memory_space<vmem>>
        %dma_start3A_1404 = arith.constant 0 : i32
        %dma_start3A_1405 = tpu.memref_slice %arg6[%dma_start3A_1397, %dma_start3A_1404] : memref<8x80xi32, #tpu.memory_space<vmem>> -> memref<1x80xi32, #tpu.memory_space<vmem>>
        %dma_start3A_1406 = tpu.memref_squeeze %dma_start3A_1405 : memref<1x80xi32, #tpu.memory_space<vmem>> -> memref<80xi32, #tpu.memory_space<vmem>>
        %dma_start3A_1407 = arith.constant 0 : i32
        %dma_start3A_1408 = arith.constant 0 : i32
        %dma_start3A_1409 = tpu.memref_slice %arg2[%dma_start3A_1407, %dma_start3A_1408] : memref<10000x128xf32, #tpu.memory_space<hbm>> -> memref<10000x128xf32, #tpu.memory_space<hbm>>
        %dma_start3A_1410 = tpu.memref_slice %arg13[%dma_start3A_1399] : memref<4x!tpu.dma_semaphore, #tpu.memory_space<semaphore_mem>> -> memref<1x!tpu.dma_semaphore, #tpu.memory_space<semaphore_mem>>
        %dma_start3A_1411 = tpu.memref_squeeze %dma_start3A_1410 : memref<1x!tpu.dma_semaphore, #tpu.memory_space<semaphore_mem>> -> memref<!tpu.dma_semaphore, #tpu.memory_space<semaphore_mem>>
        tpu.enqueue_indirect_dma source(%dma_start3A_1409 : memref<10000x128xf32, #tpu.memory_space<hbm>>) target(%dma_start3A_1403 : memref<80x128xf32, #tpu.memory_space<vmem>>) offsets(%dma_start3A_1406 : memref<80xi32, #tpu.memory_space<vmem>>) semaphore(%dma_start3A_1411 : memref<!tpu.dma_semaphore, #tpu.memory_space<semaphore_mem>>)
      } else {
      }
      %dma_wait3A_1334 = arith.constant 0 : i32
      %dma_wait3A_1335 = arith.constant 3 : i32
      %dma_wait3A_1336 = arith.constant 3 : i32
      %dma_wait3A_1337 = arith.constant 0 : i32
      %dma_wait3A_1338 = arith.constant 0 : i32
      %dma_wait3A_1339 = tpu.memref_slice %arg8[%dma_wait3A_1335, %dma_wait3A_1337, %dma_wait3A_1338] : memref<4x80x128xf32, #tpu.memory_space<vmem>> -> memref<1x80x128xf32, #tpu.memory_space<vmem>>
      %dma_wait3A_1340 = tpu.memref_squeeze %dma_wait3A_1339 : memref<1x80x128xf32, #tpu.memory_space<vmem>> -> memref<80x128xf32, #tpu.memory_space<vmem>>
      %dma_wait3A_1341 = arith.constant 0 : i32
      %dma_wait3A_1342 = tpu.memref_slice %arg6[%dma_wait3A_1334, %dma_wait3A_1341] : memref<8x80xi32, #tpu.memory_space<vmem>> -> memref<1x80xi32, #tpu.memory_space<vmem>>
      %dma_wait3A_1343 = tpu.memref_squeeze %dma_wait3A_1342 : memref<1x80xi32, #tpu.memory_space<vmem>> -> memref<80xi32, #tpu.memory_space<vmem>>
      %dma_wait3A_1344 = arith.constant 0 : i32
      %dma_wait3A_1345 = arith.constant 0 : i32
      %dma_wait3A_1346 = tpu.memref_slice %arg2[%dma_wait3A_1344, %dma_wait3A_1345] : memref<10000x128xf32, #tpu.memory_space<hbm>> -> memref<10000x128xf32, #tpu.memory_space<hbm>>
      %dma_wait3A_1347 = tpu.memref_slice %arg13[%dma_wait3A_1336] : memref<4x!tpu.dma_semaphore, #tpu.memory_space<semaphore_mem>> -> memref<1x!tpu.dma_semaphore, #tpu.memory_space<semaphore_mem>>
      %dma_wait3A_1348 = tpu.memref_squeeze %dma_wait3A_1347 : memref<1x!tpu.dma_semaphore, #tpu.memory_space<semaphore_mem>> -> memref<!tpu.dma_semaphore, #tpu.memory_space<semaphore_mem>>
      tpu.wait_indirect_dma semaphore(%dma_wait3A_1348 : memref<!tpu.dma_semaphore, #tpu.memory_space<semaphore_mem>>) src(%dma_wait3A_1346 : memref<10000x128xf32, #tpu.memory_space<hbm>>) dst(%dma_wait3A_1340 : memref<80x128xf32, #tpu.memory_space<vmem>>)
      %dma_wait3A_1349 = arith.constant 7 : i32
      %dma_wait3A_1350 = arith.constant 7 : i32
      %dma_wait3A_1351 = arith.constant 0 : i32
      %dma_wait3A_1352 = tpu.memref_slice %arg7[%dma_wait3A_1349, %dma_wait3A_1351] : memref<8x80xi32, #tpu.memory_space<vmem>> -> memref<1x80xi32, #tpu.memory_space<vmem>>
      %dma_wait3A_1353 = tpu.memref_squeeze %dma_wait3A_1352 : memref<1x80xi32, #tpu.memory_space<vmem>> -> memref<80xi32, #tpu.memory_space<vmem>>
      %dma_wait3A_1354 = tpu.memref_slice %arg3[%mul3A_2] : memref<640000xi32, #tpu.memory_space<hbm>> -> memref<80xi32, #tpu.memory_space<hbm>>
      %dma_wait3A_1355 = tpu.memref_slice %arg12[%dma_wait3A_1350] : memref<8x!tpu.dma_semaphore, #tpu.memory_space<semaphore_mem>> -> memref<1x!tpu.dma_semaphore, #tpu.memory_space<semaphore_mem>>
      %dma_wait3A_1356 = tpu.memref_squeeze %dma_wait3A_1355 : memref<1x!tpu.dma_semaphore, #tpu.memory_space<semaphore_mem>> -> memref<!tpu.dma_semaphore, #tpu.memory_space<semaphore_mem>>
      %dma_wait3A_1357 = arith.constant 0 : i32
      %dma_wait3A_1358 = tpu.memref_slice %arg7[%dma_wait3A_1349, %dma_wait3A_1357] : memref<8x80xi32, #tpu.memory_space<vmem>> -> memref<1x80xi32, #tpu.memory_space<vmem>>
      %dma_wait3A_1359 = tpu.memref_squeeze %dma_wait3A_1358 : memref<1x80xi32, #tpu.memory_space<vmem>> -> memref<80xi32, #tpu.memory_space<vmem>>
      %dma_wait3A_1360 = tpu.memref_slice %arg3[%mul3A_2] : memref<640000xi32, #tpu.memory_space<hbm>> -> memref<80xi32, #tpu.memory_space<hbm>>
      tpu.wait_dma2 semaphore(%dma_wait3A_1356 : memref<!tpu.dma_semaphore, #tpu.memory_space<semaphore_mem>>) src(%dma_wait3A_1360 : memref<80xi32, #tpu.memory_space<hbm>>) dst(%dma_wait3A_1359 : memref<80xi32, #tpu.memory_space<vmem>>)
      %dma_start3A_1361 = arith.constant 3 : i32
      %dma_start3A_1362 = arith.constant 7 : i32
      %dma_start3A_1363 = arith.constant 3 : i32
      %dma_start3A_1364 = arith.constant 0 : i32
      %dma_start3A_1365 = arith.constant 0 : i32
      %dma_start3A_1366 = tpu.memref_slice %arg8[%dma_start3A_1361, %dma_start3A_1364, %dma_start3A_1365] : memref<4x80x128xf32, #tpu.memory_space<vmem>> -> memref<1x80x128xf32, #tpu.memory_space<vmem>>
      %dma_start3A_1367 = tpu.memref_squeeze %dma_start3A_1366 : memref<1x80x128xf32, #tpu.memory_space<vmem>> -> memref<80x128xf32, #tpu.memory_space<vmem>>
      %dma_start3A_1368 = arith.constant 0 : i32
      %dma_start3A_1369 = tpu.memref_slice %arg7[%dma_start3A_1362, %dma_start3A_1368] : memref<8x80xi32, #tpu.memory_space<vmem>> -> memref<1x80xi32, #tpu.memory_space<vmem>>
      %dma_start3A_1370 = tpu.memref_squeeze %dma_start3A_1369 : memref<1x80xi32, #tpu.memory_space<vmem>> -> memref<80xi32, #tpu.memory_space<vmem>>
      %dma_start3A_1371 = arith.constant 0 : i32
      %dma_start3A_1372 = arith.constant 0 : i32
      %dma_start3A_1373 = tpu.memref_slice %arg15[%dma_start3A_1371, %dma_start3A_1372] : memref<10240x128xf32, #tpu.memory_space<vmem_shared>> -> memref<10240x128xf32, #tpu.memory_space<vmem_shared>>
      %dma_start3A_1374 = tpu.memref_slice %arg14[%dma_start3A_1363] : memref<4x!tpu.dma_semaphore, #tpu.memory_space<semaphore_mem>> -> memref<1x!tpu.dma_semaphore, #tpu.memory_space<semaphore_mem>>
      %dma_start3A_1375 = tpu.memref_squeeze %dma_start3A_1374 : memref<1x!tpu.dma_semaphore, #tpu.memory_space<semaphore_mem>> -> memref<!tpu.dma_semaphore, #tpu.memory_space<semaphore_mem>>
      tpu.enqueue_indirect_dma source(%dma_start3A_1367 : memref<80x128xf32, #tpu.memory_space<vmem>>) target(%dma_start3A_1373 : memref<10240x128xf32, #tpu.memory_space<vmem_shared>>) offsets(%dma_start3A_1370 : memref<80xi32, #tpu.memory_space<vmem>>) semaphore(%dma_start3A_1375 : memref<!tpu.dma_semaphore, #tpu.memory_space<semaphore_mem>>) {add = true}
      %dma_start3A_1376 = arith.constant 7 : i32
      %dma_start3A_1377 = arith.constant 3 : i32
      %dma_start3A_1378 = arith.constant 0 : i32
      %dma_start3A_1379 = tpu.memref_slice %arg7[%dma_start3A_1376, %dma_start3A_1378] : memref<8x80xi32, #tpu.memory_space<vmem>> -> memref<1x80xi32, #tpu.memory_space<vmem>>
      %dma_start3A_1380 = tpu.memref_squeeze %dma_start3A_1379 : memref<1x80xi32, #tpu.memory_space<vmem>> -> memref<80xi32, #tpu.memory_space<vmem>>
      %dma_start3A_1381 = arith.constant 0 : i32
      %dma_start3A_1382 = tpu.memref_slice %arg16[%dma_start3A_1381] : memref<10240xf32, #tpu.memory_space<vmem_shared>> -> memref<10240xf32, #tpu.memory_space<vmem_shared>>
      %dma_start3A_1383 = tpu.memref_slice %arg14[%dma_start3A_1377] : memref<4x!tpu.dma_semaphore, #tpu.memory_space<semaphore_mem>> -> memref<1x!tpu.dma_semaphore, #tpu.memory_space<semaphore_mem>>
      %dma_start3A_1384 = tpu.memref_squeeze %dma_start3A_1383 : memref<1x!tpu.dma_semaphore, #tpu.memory_space<semaphore_mem>> -> memref<!tpu.dma_semaphore, #tpu.memory_space<semaphore_mem>>
      tpu.enqueue_indirect_dma source(%arg9 : memref<80xf32, #tpu.memory_space<vmem>>) target(%dma_start3A_1382 : memref<10240xf32, #tpu.memory_space<vmem_shared>>) offsets(%dma_start3A_1380 : memref<80xi32, #tpu.memory_space<vmem>>) semaphore(%dma_start3A_1384 : memref<!tpu.dma_semaphore, #tpu.memory_space<semaphore_mem>>) {add = true}
    }
    %scan3A_324 = arith.constant 15 : i32
    %dma_wait3A_325 = arith.constant 3 : i32
    %dma_wait3A_326 = arith.constant 0 : i32
    %dma_wait3A_327 = arith.constant 3 : i32
    %dma_wait3A_328 = arith.constant 0 : i32
    %dma_wait3A_329 = arith.constant 0 : i32
    %dma_wait3A_330 = tpu.memref_slice %arg8[%dma_wait3A_325, %dma_wait3A_328, %dma_wait3A_329] : memref<4x80x128xf32, #tpu.memory_space<vmem>> -> memref<1x80x128xf32, #tpu.memory_space<vmem>>
    %dma_wait3A_331 = tpu.memref_squeeze %dma_wait3A_330 : memref<1x80x128xf32, #tpu.memory_space<vmem>> -> memref<80x128xf32, #tpu.memory_space<vmem>>
    %dma_wait3A_332 = arith.constant 0 : i32
    %dma_wait3A_333 = tpu.memref_slice %arg7[%dma_wait3A_326, %dma_wait3A_332] : memref<8x80xi32, #tpu.memory_space<vmem>> -> memref<1x80xi32, #tpu.memory_space<vmem>>
    %dma_wait3A_334 = tpu.memref_squeeze %dma_wait3A_333 : memref<1x80xi32, #tpu.memory_space<vmem>> -> memref<80xi32, #tpu.memory_space<vmem>>
    %dma_wait3A_335 = arith.constant 0 : i32
    %dma_wait3A_336 = arith.constant 0 : i32
    %dma_wait3A_337 = tpu.memref_slice %arg15[%dma_wait3A_335, %dma_wait3A_336] : memref<10240x128xf32, #tpu.memory_space<vmem_shared>> -> memref<10240x128xf32, #tpu.memory_space<vmem_shared>>
    %dma_wait3A_338 = tpu.memref_slice %arg14[%dma_wait3A_327] : memref<4x!tpu.dma_semaphore, #tpu.memory_space<semaphore_mem>> -> memref<1x!tpu.dma_semaphore, #tpu.memory_space<semaphore_mem>>
    %dma_wait3A_339 = tpu.memref_squeeze %dma_wait3A_338 : memref<1x!tpu.dma_semaphore, #tpu.memory_space<semaphore_mem>> -> memref<!tpu.dma_semaphore, #tpu.memory_space<semaphore_mem>>
    tpu.wait_indirect_dma semaphore(%dma_wait3A_339 : memref<!tpu.dma_semaphore, #tpu.memory_space<semaphore_mem>>) src(%dma_wait3A_331 : memref<80x128xf32, #tpu.memory_space<vmem>>) dst(%dma_wait3A_337 : memref<10240x128xf32, #tpu.memory_space<vmem_shared>>)
    %dma_wait3A_340 = arith.constant 0 : i32
    %dma_wait3A_341 = arith.constant 3 : i32
    %dma_wait3A_342 = arith.constant 0 : i32
    %dma_wait3A_343 = tpu.memref_slice %arg7[%dma_wait3A_340, %dma_wait3A_342] : memref<8x80xi32, #tpu.memory_space<vmem>> -> memref<1x80xi32, #tpu.memory_space<vmem>>
    %dma_wait3A_344 = tpu.memref_squeeze %dma_wait3A_343 : memref<1x80xi32, #tpu.memory_space<vmem>> -> memref<80xi32, #tpu.memory_space<vmem>>
    %dma_wait3A_345 = arith.constant 0 : i32
    %dma_wait3A_346 = tpu.memref_slice %arg16[%dma_wait3A_345] : memref<10240xf32, #tpu.memory_space<vmem_shared>> -> memref<10240xf32, #tpu.memory_space<vmem_shared>>
    %dma_wait3A_347 = tpu.memref_slice %arg14[%dma_wait3A_341] : memref<4x!tpu.dma_semaphore, #tpu.memory_space<semaphore_mem>> -> memref<1x!tpu.dma_semaphore, #tpu.memory_space<semaphore_mem>>
    %dma_wait3A_348 = tpu.memref_squeeze %dma_wait3A_347 : memref<1x!tpu.dma_semaphore, #tpu.memory_space<semaphore_mem>> -> memref<!tpu.dma_semaphore, #tpu.memory_space<semaphore_mem>>
    tpu.wait_indirect_dma semaphore(%dma_wait3A_348 : memref<!tpu.dma_semaphore, #tpu.memory_space<semaphore_mem>>) src(%arg9 : memref<80xf32, #tpu.memory_space<vmem>>) dst(%dma_wait3A_346 : memref<10240xf32, #tpu.memory_space<vmem_shared>>)
    %dma_wait3A_349 = arith.constant 3 : i32
    %dma_wait3A_350 = arith.constant 3 : i32
    %dma_wait3A_351 = arith.constant 0 : i32
    %dma_wait3A_352 = tpu.memref_slice %arg6[%dma_wait3A_349, %dma_wait3A_351] : memref<8x80xi32, #tpu.memory_space<vmem>> -> memref<1x80xi32, #tpu.memory_space<vmem>>
    %dma_wait3A_353 = tpu.memref_squeeze %dma_wait3A_352 : memref<1x80xi32, #tpu.memory_space<vmem>> -> memref<80xi32, #tpu.memory_space<vmem>>
    %dma_wait3A_354 = tpu.memref_slice %arg3[%mul3A_2] : memref<640000xi32, #tpu.memory_space<hbm>> -> memref<80xi32, #tpu.memory_space<hbm>>
    %dma_wait3A_355 = tpu.memref_slice %arg11[%dma_wait3A_350] : memref<8x!tpu.dma_semaphore, #tpu.memory_space<semaphore_mem>> -> memref<1x!tpu.dma_semaphore, #tpu.memory_space<semaphore_mem>>
    %dma_wait3A_356 = tpu.memref_squeeze %dma_wait3A_355 : memref<1x!tpu.dma_semaphore, #tpu.memory_space<semaphore_mem>> -> memref<!tpu.dma_semaphore, #tpu.memory_space<semaphore_mem>>
    %dma_wait3A_357 = arith.constant 0 : i32
    %dma_wait3A_358 = tpu.memref_slice %arg6[%dma_wait3A_349, %dma_wait3A_357] : memref<8x80xi32, #tpu.memory_space<vmem>> -> memref<1x80xi32, #tpu.memory_space<vmem>>
    %dma_wait3A_359 = tpu.memref_squeeze %dma_wait3A_358 : memref<1x80xi32, #tpu.memory_space<vmem>> -> memref<80xi32, #tpu.memory_space<vmem>>
    %dma_wait3A_360 = tpu.memref_slice %arg3[%mul3A_2] : memref<640000xi32, #tpu.memory_space<hbm>> -> memref<80xi32, #tpu.memory_space<hbm>>
    tpu.wait_dma2 semaphore(%dma_wait3A_356 : memref<!tpu.dma_semaphore, #tpu.memory_space<semaphore_mem>>) src(%dma_wait3A_360 : memref<80xi32, #tpu.memory_space<hbm>>) dst(%dma_wait3A_359 : memref<80xi32, #tpu.memory_space<vmem>>)
    %dma_start3A_361 = arith.constant 3 : i32
    %dma_start3A_362 = arith.constant 3 : i32
    %dma_start3A_363 = arith.constant 3 : i32
    %dma_start3A_364 = arith.constant 0 : i32
    %dma_start3A_365 = arith.constant 0 : i32
    %dma_start3A_366 = tpu.memref_slice %arg8[%dma_start3A_362, %dma_start3A_364, %dma_start3A_365] : memref<4x80x128xf32, #tpu.memory_space<vmem>> -> memref<1x80x128xf32, #tpu.memory_space<vmem>>
    %dma_start3A_367 = tpu.memref_squeeze %dma_start3A_366 : memref<1x80x128xf32, #tpu.memory_space<vmem>> -> memref<80x128xf32, #tpu.memory_space<vmem>>
    %dma_start3A_368 = arith.constant 0 : i32
    %dma_start3A_369 = tpu.memref_slice %arg6[%dma_start3A_361, %dma_start3A_368] : memref<8x80xi32, #tpu.memory_space<vmem>> -> memref<1x80xi32, #tpu.memory_space<vmem>>
    %dma_start3A_370 = tpu.memref_squeeze %dma_start3A_369 : memref<1x80xi32, #tpu.memory_space<vmem>> -> memref<80xi32, #tpu.memory_space<vmem>>
    %dma_start3A_371 = arith.constant 0 : i32
    %dma_start3A_372 = arith.constant 0 : i32
    %dma_start3A_373 = tpu.memref_slice %arg2[%dma_start3A_371, %dma_start3A_372] : memref<10000x128xf32, #tpu.memory_space<hbm>> -> memref<10000x128xf32, #tpu.memory_space<hbm>>
    %dma_start3A_374 = tpu.memref_slice %arg13[%dma_start3A_363] : memref<4x!tpu.dma_semaphore, #tpu.memory_space<semaphore_mem>> -> memref<1x!tpu.dma_semaphore, #tpu.memory_space<semaphore_mem>>
    %dma_start3A_375 = tpu.memref_squeeze %dma_start3A_374 : memref<1x!tpu.dma_semaphore, #tpu.memory_space<semaphore_mem>> -> memref<!tpu.dma_semaphore, #tpu.memory_space<semaphore_mem>>
    tpu.enqueue_indirect_dma source(%dma_start3A_373 : memref<10000x128xf32, #tpu.memory_space<hbm>>) target(%dma_start3A_367 : memref<80x128xf32, #tpu.memory_space<vmem>>) offsets(%dma_start3A_370 : memref<80xi32, #tpu.memory_space<vmem>>) semaphore(%dma_start3A_375 : memref<!tpu.dma_semaphore, #tpu.memory_space<semaphore_mem>>)
    %dma_wait3A_376 = arith.constant 0 : i32
    %dma_wait3A_377 = arith.constant 0 : i32
    %dma_wait3A_378 = arith.constant 0 : i32
    %dma_wait3A_379 = arith.constant 0 : i32
    %dma_wait3A_380 = arith.constant 0 : i32
    %dma_wait3A_381 = tpu.memref_slice %arg8[%dma_wait3A_377, %dma_wait3A_379, %dma_wait3A_380] : memref<4x80x128xf32, #tpu.memory_space<vmem>> -> memref<1x80x128xf32, #tpu.memory_space<vmem>>
    %dma_wait3A_382 = tpu.memref_squeeze %dma_wait3A_381 : memref<1x80x128xf32, #tpu.memory_space<vmem>> -> memref<80x128xf32, #tpu.memory_space<vmem>>
    %dma_wait3A_383 = arith.constant 0 : i32
    %dma_wait3A_384 = tpu.memref_slice %arg6[%dma_wait3A_376, %dma_wait3A_383] : memref<8x80xi32, #tpu.memory_space<vmem>> -> memref<1x80xi32, #tpu.memory_space<vmem>>
    %dma_wait3A_385 = tpu.memref_squeeze %dma_wait3A_384 : memref<1x80xi32, #tpu.memory_space<vmem>> -> memref<80xi32, #tpu.memory_space<vmem>>
    %dma_wait3A_386 = arith.constant 0 : i32
    %dma_wait3A_387 = arith.constant 0 : i32
    %dma_wait3A_388 = tpu.memref_slice %arg2[%dma_wait3A_386, %dma_wait3A_387] : memref<10000x128xf32, #tpu.memory_space<hbm>> -> memref<10000x128xf32, #tpu.memory_space<hbm>>
    %dma_wait3A_389 = tpu.memref_slice %arg13[%dma_wait3A_378] : memref<4x!tpu.dma_semaphore, #tpu.memory_space<semaphore_mem>> -> memref<1x!tpu.dma_semaphore, #tpu.memory_space<semaphore_mem>>
    %dma_wait3A_390 = tpu.memref_squeeze %dma_wait3A_389 : memref<1x!tpu.dma_semaphore, #tpu.memory_space<semaphore_mem>> -> memref<!tpu.dma_semaphore, #tpu.memory_space<semaphore_mem>>
    tpu.wait_indirect_dma semaphore(%dma_wait3A_390 : memref<!tpu.dma_semaphore, #tpu.memory_space<semaphore_mem>>) src(%dma_wait3A_388 : memref<10000x128xf32, #tpu.memory_space<hbm>>) dst(%dma_wait3A_382 : memref<80x128xf32, #tpu.memory_space<vmem>>)
    %dma_wait3A_391 = arith.constant 0 : i32
    %dma_wait3A_392 = arith.constant 0 : i32
    %dma_wait3A_393 = arith.constant 0 : i32
    %dma_wait3A_394 = tpu.memref_slice %arg7[%dma_wait3A_391, %dma_wait3A_393] : memref<8x80xi32, #tpu.memory_space<vmem>> -> memref<1x80xi32, #tpu.memory_space<vmem>>
    %dma_wait3A_395 = tpu.memref_squeeze %dma_wait3A_394 : memref<1x80xi32, #tpu.memory_space<vmem>> -> memref<80xi32, #tpu.memory_space<vmem>>
    %dma_wait3A_396 = tpu.memref_slice %arg3[%mul3A_2] : memref<640000xi32, #tpu.memory_space<hbm>> -> memref<80xi32, #tpu.memory_space<hbm>>
    %dma_wait3A_397 = tpu.memref_slice %arg12[%dma_wait3A_392] : memref<8x!tpu.dma_semaphore, #tpu.memory_space<semaphore_mem>> -> memref<1x!tpu.dma_semaphore, #tpu.memory_space<semaphore_mem>>
    %dma_wait3A_398 = tpu.memref_squeeze %dma_wait3A_397 : memref<1x!tpu.dma_semaphore, #tpu.memory_space<semaphore_mem>> -> memref<!tpu.dma_semaphore, #tpu.memory_space<semaphore_mem>>
    %dma_wait3A_399 = arith.constant 0 : i32
    %dma_wait3A_400 = tpu.memref_slice %arg7[%dma_wait3A_391, %dma_wait3A_399] : memref<8x80xi32, #tpu.memory_space<vmem>> -> memref<1x80xi32, #tpu.memory_space<vmem>>
    %dma_wait3A_401 = tpu.memref_squeeze %dma_wait3A_400 : memref<1x80xi32, #tpu.memory_space<vmem>> -> memref<80xi32, #tpu.memory_space<vmem>>
    %dma_wait3A_402 = tpu.memref_slice %arg3[%mul3A_2] : memref<640000xi32, #tpu.memory_space<hbm>> -> memref<80xi32, #tpu.memory_space<hbm>>
    tpu.wait_dma2 semaphore(%dma_wait3A_398 : memref<!tpu.dma_semaphore, #tpu.memory_space<semaphore_mem>>) src(%dma_wait3A_402 : memref<80xi32, #tpu.memory_space<hbm>>) dst(%dma_wait3A_401 : memref<80xi32, #tpu.memory_space<vmem>>)
    %dma_start3A_403 = arith.constant 0 : i32
    %dma_start3A_404 = arith.constant 0 : i32
    %dma_start3A_405 = arith.constant 0 : i32
    %dma_start3A_406 = arith.constant 0 : i32
    %dma_start3A_407 = arith.constant 0 : i32
    %dma_start3A_408 = tpu.memref_slice %arg8[%dma_start3A_403, %dma_start3A_406, %dma_start3A_407] : memref<4x80x128xf32, #tpu.memory_space<vmem>> -> memref<1x80x128xf32, #tpu.memory_space<vmem>>
    %dma_start3A_409 = tpu.memref_squeeze %dma_start3A_408 : memref<1x80x128xf32, #tpu.memory_space<vmem>> -> memref<80x128xf32, #tpu.memory_space<vmem>>
    %dma_start3A_410 = arith.constant 0 : i32
    %dma_start3A_411 = tpu.memref_slice %arg7[%dma_start3A_404, %dma_start3A_410] : memref<8x80xi32, #tpu.memory_space<vmem>> -> memref<1x80xi32, #tpu.memory_space<vmem>>
    %dma_start3A_412 = tpu.memref_squeeze %dma_start3A_411 : memref<1x80xi32, #tpu.memory_space<vmem>> -> memref<80xi32, #tpu.memory_space<vmem>>
    %dma_start3A_413 = arith.constant 0 : i32
    %dma_start3A_414 = arith.constant 0 : i32
    %dma_start3A_415 = tpu.memref_slice %arg15[%dma_start3A_413, %dma_start3A_414] : memref<10240x128xf32, #tpu.memory_space<vmem_shared>> -> memref<10240x128xf32, #tpu.memory_space<vmem_shared>>
    %dma_start3A_416 = tpu.memref_slice %arg14[%dma_start3A_405] : memref<4x!tpu.dma_semaphore, #tpu.memory_space<semaphore_mem>> -> memref<1x!tpu.dma_semaphore, #tpu.memory_space<semaphore_mem>>
    %dma_start3A_417 = tpu.memref_squeeze %dma_start3A_416 : memref<1x!tpu.dma_semaphore, #tpu.memory_space<semaphore_mem>> -> memref<!tpu.dma_semaphore, #tpu.memory_space<semaphore_mem>>
    tpu.enqueue_indirect_dma source(%dma_start3A_409 : memref<80x128xf32, #tpu.memory_space<vmem>>) target(%dma_start3A_415 : memref<10240x128xf32, #tpu.memory_space<vmem_shared>>) offsets(%dma_start3A_412 : memref<80xi32, #tpu.memory_space<vmem>>) semaphore(%dma_start3A_417 : memref<!tpu.dma_semaphore, #tpu.memory_space<semaphore_mem>>) {add = true}
    %dma_start3A_418 = arith.constant 0 : i32
    %dma_start3A_419 = arith.constant 0 : i32
    %dma_start3A_420 = arith.constant 0 : i32
    %dma_start3A_421 = tpu.memref_slice %arg7[%dma_start3A_418, %dma_start3A_420] : memref<8x80xi32, #tpu.memory_space<vmem>> -> memref<1x80xi32, #tpu.memory_space<vmem>>
    %dma_start3A_422 = tpu.memref_squeeze %dma_start3A_421 : memref<1x80xi32, #tpu.memory_space<vmem>> -> memref<80xi32, #tpu.memory_space<vmem>>
    %dma_start3A_423 = arith.constant 0 : i32
    %dma_start3A_424 = tpu.memref_slice %arg16[%dma_start3A_423] : memref<10240xf32, #tpu.memory_space<vmem_shared>> -> memref<10240xf32, #tpu.memory_space<vmem_shared>>
    %dma_start3A_425 = tpu.memref_slice %arg14[%dma_start3A_419] : memref<4x!tpu.dma_semaphore, #tpu.memory_space<semaphore_mem>> -> memref<1x!tpu.dma_semaphore, #tpu.memory_space<semaphore_mem>>
    %dma_start3A_426 = tpu.memref_squeeze %dma_start3A_425 : memref<1x!tpu.dma_semaphore, #tpu.memory_space<semaphore_mem>> -> memref<!tpu.dma_semaphore, #tpu.memory_space<semaphore_mem>>
    tpu.enqueue_indirect_dma source(%arg9 : memref<80xf32, #tpu.memory_space<vmem>>) target(%dma_start3A_424 : memref<10240xf32, #tpu.memory_space<vmem_shared>>) offsets(%dma_start3A_422 : memref<80xi32, #tpu.memory_space<vmem>>) semaphore(%dma_start3A_426 : memref<!tpu.dma_semaphore, #tpu.memory_space<semaphore_mem>>) {add = true}
    %dma_wait3A_427 = arith.constant 0 : i32
    %dma_wait3A_428 = arith.constant 0 : i32
    %dma_wait3A_429 = arith.constant 0 : i32
    %dma_wait3A_430 = arith.constant 0 : i32
    %dma_wait3A_431 = arith.constant 0 : i32
    %dma_wait3A_432 = tpu.memref_slice %arg8[%dma_wait3A_427, %dma_wait3A_430, %dma_wait3A_431] : memref<4x80x128xf32, #tpu.memory_space<vmem>> -> memref<1x80x128xf32, #tpu.memory_space<vmem>>
    %dma_wait3A_433 = tpu.memref_squeeze %dma_wait3A_432 : memref<1x80x128xf32, #tpu.memory_space<vmem>> -> memref<80x128xf32, #tpu.memory_space<vmem>>
    %dma_wait3A_434 = arith.constant 0 : i32
    %dma_wait3A_435 = tpu.memref_slice %arg7[%dma_wait3A_428, %dma_wait3A_434] : memref<8x80xi32, #tpu.memory_space<vmem>> -> memref<1x80xi32, #tpu.memory_space<vmem>>
    %dma_wait3A_436 = tpu.memref_squeeze %dma_wait3A_435 : memref<1x80xi32, #tpu.memory_space<vmem>> -> memref<80xi32, #tpu.memory_space<vmem>>
    %dma_wait3A_437 = arith.constant 0 : i32
    %dma_wait3A_438 = arith.constant 0 : i32
    %dma_wait3A_439 = tpu.memref_slice %arg15[%dma_wait3A_437, %dma_wait3A_438] : memref<10240x128xf32, #tpu.memory_space<vmem_shared>> -> memref<10240x128xf32, #tpu.memory_space<vmem_shared>>
    %dma_wait3A_440 = tpu.memref_slice %arg14[%dma_wait3A_429] : memref<4x!tpu.dma_semaphore, #tpu.memory_space<semaphore_mem>> -> memref<1x!tpu.dma_semaphore, #tpu.memory_space<semaphore_mem>>
    %dma_wait3A_441 = tpu.memref_squeeze %dma_wait3A_440 : memref<1x!tpu.dma_semaphore, #tpu.memory_space<semaphore_mem>> -> memref<!tpu.dma_semaphore, #tpu.memory_space<semaphore_mem>>
    tpu.wait_indirect_dma semaphore(%dma_wait3A_441 : memref<!tpu.dma_semaphore, #tpu.memory_space<semaphore_mem>>) src(%dma_wait3A_433 : memref<80x128xf32, #tpu.memory_space<vmem>>) dst(%dma_wait3A_439 : memref<10240x128xf32, #tpu.memory_space<vmem_shared>>)
    %dma_wait3A_442 = arith.constant 0 : i32
    %dma_wait3A_443 = arith.constant 0 : i32
    %dma_wait3A_444 = arith.constant 0 : i32
    %dma_wait3A_445 = tpu.memref_slice %arg7[%dma_wait3A_442, %dma_wait3A_444] : memref<8x80xi32, #tpu.memory_space<vmem>> -> memref<1x80xi32, #tpu.memory_space<vmem>>
    %dma_wait3A_446 = tpu.memref_squeeze %dma_wait3A_445 : memref<1x80xi32, #tpu.memory_space<vmem>> -> memref<80xi32, #tpu.memory_space<vmem>>
    %dma_wait3A_447 = arith.constant 0 : i32
    %dma_wait3A_448 = tpu.memref_slice %arg16[%dma_wait3A_447] : memref<10240xf32, #tpu.memory_space<vmem_shared>> -> memref<10240xf32, #tpu.memory_space<vmem_shared>>
    %dma_wait3A_449 = tpu.memref_slice %arg14[%dma_wait3A_443] : memref<4x!tpu.dma_semaphore, #tpu.memory_space<semaphore_mem>> -> memref<1x!tpu.dma_semaphore, #tpu.memory_space<semaphore_mem>>
    %dma_wait3A_450 = tpu.memref_squeeze %dma_wait3A_449 : memref<1x!tpu.dma_semaphore, #tpu.memory_space<semaphore_mem>> -> memref<!tpu.dma_semaphore, #tpu.memory_space<semaphore_mem>>
    tpu.wait_indirect_dma semaphore(%dma_wait3A_450 : memref<!tpu.dma_semaphore, #tpu.memory_space<semaphore_mem>>) src(%arg9 : memref<80xf32, #tpu.memory_space<vmem>>) dst(%dma_wait3A_448 : memref<10240xf32, #tpu.memory_space<vmem_shared>>)
    %dma_wait3A_451 = arith.constant 4 : i32
    %dma_wait3A_452 = arith.constant 4 : i32
    %dma_wait3A_453 = arith.constant 0 : i32
    %dma_wait3A_454 = tpu.memref_slice %arg6[%dma_wait3A_451, %dma_wait3A_453] : memref<8x80xi32, #tpu.memory_space<vmem>> -> memref<1x80xi32, #tpu.memory_space<vmem>>
    %dma_wait3A_455 = tpu.memref_squeeze %dma_wait3A_454 : memref<1x80xi32, #tpu.memory_space<vmem>> -> memref<80xi32, #tpu.memory_space<vmem>>
    %dma_wait3A_456 = tpu.memref_slice %arg3[%mul3A_2] : memref<640000xi32, #tpu.memory_space<hbm>> -> memref<80xi32, #tpu.memory_space<hbm>>
    %dma_wait3A_457 = tpu.memref_slice %arg11[%dma_wait3A_452] : memref<8x!tpu.dma_semaphore, #tpu.memory_space<semaphore_mem>> -> memref<1x!tpu.dma_semaphore, #tpu.memory_space<semaphore_mem>>
    %dma_wait3A_458 = tpu.memref_squeeze %dma_wait3A_457 : memref<1x!tpu.dma_semaphore, #tpu.memory_space<semaphore_mem>> -> memref<!tpu.dma_semaphore, #tpu.memory_space<semaphore_mem>>
    %dma_wait3A_459 = arith.constant 0 : i32
    %dma_wait3A_460 = tpu.memref_slice %arg6[%dma_wait3A_451, %dma_wait3A_459] : memref<8x80xi32, #tpu.memory_space<vmem>> -> memref<1x80xi32, #tpu.memory_space<vmem>>
    %dma_wait3A_461 = tpu.memref_squeeze %dma_wait3A_460 : memref<1x80xi32, #tpu.memory_space<vmem>> -> memref<80xi32, #tpu.memory_space<vmem>>
    %dma_wait3A_462 = tpu.memref_slice %arg3[%mul3A_2] : memref<640000xi32, #tpu.memory_space<hbm>> -> memref<80xi32, #tpu.memory_space<hbm>>
    tpu.wait_dma2 semaphore(%dma_wait3A_458 : memref<!tpu.dma_semaphore, #tpu.memory_space<semaphore_mem>>) src(%dma_wait3A_462 : memref<80xi32, #tpu.memory_space<hbm>>) dst(%dma_wait3A_461 : memref<80xi32, #tpu.memory_space<vmem>>)
    %dma_start3A_463 = arith.constant 4 : i32
    %dma_start3A_464 = arith.constant 0 : i32
    %dma_start3A_465 = arith.constant 0 : i32
    %dma_start3A_466 = arith.constant 0 : i32
    %dma_start3A_467 = arith.constant 0 : i32
    %dma_start3A_468 = tpu.memref_slice %arg8[%dma_start3A_464, %dma_start3A_466, %dma_start3A_467] : memref<4x80x128xf32, #tpu.memory_space<vmem>> -> memref<1x80x128xf32, #tpu.memory_space<vmem>>
    %dma_start3A_469 = tpu.memref_squeeze %dma_start3A_468 : memref<1x80x128xf32, #tpu.memory_space<vmem>> -> memref<80x128xf32, #tpu.memory_space<vmem>>
    %dma_start3A_470 = arith.constant 0 : i32
    %dma_start3A_471 = tpu.memref_slice %arg6[%dma_start3A_463, %dma_start3A_470] : memref<8x80xi32, #tpu.memory_space<vmem>> -> memref<1x80xi32, #tpu.memory_space<vmem>>
    %dma_start3A_472 = tpu.memref_squeeze %dma_start3A_471 : memref<1x80xi32, #tpu.memory_space<vmem>> -> memref<80xi32, #tpu.memory_space<vmem>>
    %dma_start3A_473 = arith.constant 0 : i32
    %dma_start3A_474 = arith.constant 0 : i32
    %dma_start3A_475 = tpu.memref_slice %arg2[%dma_start3A_473, %dma_start3A_474] : memref<10000x128xf32, #tpu.memory_space<hbm>> -> memref<10000x128xf32, #tpu.memory_space<hbm>>
    %dma_start3A_476 = tpu.memref_slice %arg13[%dma_start3A_465] : memref<4x!tpu.dma_semaphore, #tpu.memory_space<semaphore_mem>> -> memref<1x!tpu.dma_semaphore, #tpu.memory_space<semaphore_mem>>
    %dma_start3A_477 = tpu.memref_squeeze %dma_start3A_476 : memref<1x!tpu.dma_semaphore, #tpu.memory_space<semaphore_mem>> -> memref<!tpu.dma_semaphore, #tpu.memory_space<semaphore_mem>>
    tpu.enqueue_indirect_dma source(%dma_start3A_475 : memref<10000x128xf32, #tpu.memory_space<hbm>>) target(%dma_start3A_469 : memref<80x128xf32, #tpu.memory_space<vmem>>) offsets(%dma_start3A_472 : memref<80xi32, #tpu.memory_space<vmem>>) semaphore(%dma_start3A_477 : memref<!tpu.dma_semaphore, #tpu.memory_space<semaphore_mem>>)
    %dma_wait3A_478 = arith.constant 0 : i32
    %dma_wait3A_479 = arith.constant 1 : i32
    %dma_wait3A_480 = arith.constant 1 : i32
    %dma_wait3A_481 = arith.constant 0 : i32
    %dma_wait3A_482 = arith.constant 0 : i32
    %dma_wait3A_483 = tpu.memref_slice %arg8[%dma_wait3A_479, %dma_wait3A_481, %dma_wait3A_482] : memref<4x80x128xf32, #tpu.memory_space<vmem>> -> memref<1x80x128xf32, #tpu.memory_space<vmem>>
    %dma_wait3A_484 = tpu.memref_squeeze %dma_wait3A_483 : memref<1x80x128xf32, #tpu.memory_space<vmem>> -> memref<80x128xf32, #tpu.memory_space<vmem>>
    %dma_wait3A_485 = arith.constant 0 : i32
    %dma_wait3A_486 = tpu.memref_slice %arg6[%dma_wait3A_478, %dma_wait3A_485] : memref<8x80xi32, #tpu.memory_space<vmem>> -> memref<1x80xi32, #tpu.memory_space<vmem>>
    %dma_wait3A_487 = tpu.memref_squeeze %dma_wait3A_486 : memref<1x80xi32, #tpu.memory_space<vmem>> -> memref<80xi32, #tpu.memory_space<vmem>>
    %dma_wait3A_488 = arith.constant 0 : i32
    %dma_wait3A_489 = arith.constant 0 : i32
    %dma_wait3A_490 = tpu.memref_slice %arg2[%dma_wait3A_488, %dma_wait3A_489] : memref<10000x128xf32, #tpu.memory_space<hbm>> -> memref<10000x128xf32, #tpu.memory_space<hbm>>
    %dma_wait3A_491 = tpu.memref_slice %arg13[%dma_wait3A_480] : memref<4x!tpu.dma_semaphore, #tpu.memory_space<semaphore_mem>> -> memref<1x!tpu.dma_semaphore, #tpu.memory_space<semaphore_mem>>
    %dma_wait3A_492 = tpu.memref_squeeze %dma_wait3A_491 : memref<1x!tpu.dma_semaphore, #tpu.memory_space<semaphore_mem>> -> memref<!tpu.dma_semaphore, #tpu.memory_space<semaphore_mem>>
    tpu.wait_indirect_dma semaphore(%dma_wait3A_492 : memref<!tpu.dma_semaphore, #tpu.memory_space<semaphore_mem>>) src(%dma_wait3A_490 : memref<10000x128xf32, #tpu.memory_space<hbm>>) dst(%dma_wait3A_484 : memref<80x128xf32, #tpu.memory_space<vmem>>)
    %dma_wait3A_493 = arith.constant 1 : i32
    %dma_wait3A_494 = arith.constant 1 : i32
    %dma_wait3A_495 = arith.constant 0 : i32
    %dma_wait3A_496 = tpu.memref_slice %arg7[%dma_wait3A_493, %dma_wait3A_495] : memref<8x80xi32, #tpu.memory_space<vmem>> -> memref<1x80xi32, #tpu.memory_space<vmem>>
    %dma_wait3A_497 = tpu.memref_squeeze %dma_wait3A_496 : memref<1x80xi32, #tpu.memory_space<vmem>> -> memref<80xi32, #tpu.memory_space<vmem>>
    %dma_wait3A_498 = tpu.memref_slice %arg3[%mul3A_2] : memref<640000xi32, #tpu.memory_space<hbm>> -> memref<80xi32, #tpu.memory_space<hbm>>
    %dma_wait3A_499 = tpu.memref_slice %arg12[%dma_wait3A_494] : memref<8x!tpu.dma_semaphore, #tpu.memory_space<semaphore_mem>> -> memref<1x!tpu.dma_semaphore, #tpu.memory_space<semaphore_mem>>
    %dma_wait3A_500 = tpu.memref_squeeze %dma_wait3A_499 : memref<1x!tpu.dma_semaphore, #tpu.memory_space<semaphore_mem>> -> memref<!tpu.dma_semaphore, #tpu.memory_space<semaphore_mem>>
    %dma_wait3A_501 = arith.constant 0 : i32
    %dma_wait3A_502 = tpu.memref_slice %arg7[%dma_wait3A_493, %dma_wait3A_501] : memref<8x80xi32, #tpu.memory_space<vmem>> -> memref<1x80xi32, #tpu.memory_space<vmem>>
    %dma_wait3A_503 = tpu.memref_squeeze %dma_wait3A_502 : memref<1x80xi32, #tpu.memory_space<vmem>> -> memref<80xi32, #tpu.memory_space<vmem>>
    %dma_wait3A_504 = tpu.memref_slice %arg3[%mul3A_2] : memref<640000xi32, #tpu.memory_space<hbm>> -> memref<80xi32, #tpu.memory_space<hbm>>
    tpu.wait_dma2 semaphore(%dma_wait3A_500 : memref<!tpu.dma_semaphore, #tpu.memory_space<semaphore_mem>>) src(%dma_wait3A_504 : memref<80xi32, #tpu.memory_space<hbm>>) dst(%dma_wait3A_503 : memref<80xi32, #tpu.memory_space<vmem>>)
    %dma_start3A_505 = arith.constant 1 : i32
    %dma_start3A_506 = arith.constant 1 : i32
    %dma_start3A_507 = arith.constant 1 : i32
    %dma_start3A_508 = arith.constant 0 : i32
    %dma_start3A_509 = arith.constant 0 : i32
    %dma_start3A_510 = tpu.memref_slice %arg8[%dma_start3A_505, %dma_start3A_508, %dma_start3A_509] : memref<4x80x128xf32, #tpu.memory_space<vmem>> -> memref<1x80x128xf32, #tpu.memory_space<vmem>>
    %dma_start3A_511 = tpu.memref_squeeze %dma_start3A_510 : memref<1x80x128xf32, #tpu.memory_space<vmem>> -> memref<80x128xf32, #tpu.memory_space<vmem>>
    %dma_start3A_512 = arith.constant 0 : i32
    %dma_start3A_513 = tpu.memref_slice %arg7[%dma_start3A_506, %dma_start3A_512] : memref<8x80xi32, #tpu.memory_space<vmem>> -> memref<1x80xi32, #tpu.memory_space<vmem>>
    %dma_start3A_514 = tpu.memref_squeeze %dma_start3A_513 : memref<1x80xi32, #tpu.memory_space<vmem>> -> memref<80xi32, #tpu.memory_space<vmem>>
    %dma_start3A_515 = arith.constant 0 : i32
    %dma_start3A_516 = arith.constant 0 : i32
    %dma_start3A_517 = tpu.memref_slice %arg15[%dma_start3A_515, %dma_start3A_516] : memref<10240x128xf32, #tpu.memory_space<vmem_shared>> -> memref<10240x128xf32, #tpu.memory_space<vmem_shared>>
    %dma_start3A_518 = tpu.memref_slice %arg14[%dma_start3A_507] : memref<4x!tpu.dma_semaphore, #tpu.memory_space<semaphore_mem>> -> memref<1x!tpu.dma_semaphore, #tpu.memory_space<semaphore_mem>>
    %dma_start3A_519 = tpu.memref_squeeze %dma_start3A_518 : memref<1x!tpu.dma_semaphore, #tpu.memory_space<semaphore_mem>> -> memref<!tpu.dma_semaphore, #tpu.memory_space<semaphore_mem>>
    tpu.enqueue_indirect_dma source(%dma_start3A_511 : memref<80x128xf32, #tpu.memory_space<vmem>>) target(%dma_start3A_517 : memref<10240x128xf32, #tpu.memory_space<vmem_shared>>) offsets(%dma_start3A_514 : memref<80xi32, #tpu.memory_space<vmem>>) semaphore(%dma_start3A_519 : memref<!tpu.dma_semaphore, #tpu.memory_space<semaphore_mem>>) {add = true}
    %dma_start3A_520 = arith.constant 1 : i32
    %dma_start3A_521 = arith.constant 1 : i32
    %dma_start3A_522 = arith.constant 0 : i32
    %dma_start3A_523 = tpu.memref_slice %arg7[%dma_start3A_520, %dma_start3A_522] : memref<8x80xi32, #tpu.memory_space<vmem>> -> memref<1x80xi32, #tpu.memory_space<vmem>>
    %dma_start3A_524 = tpu.memref_squeeze %dma_start3A_523 : memref<1x80xi32, #tpu.memory_space<vmem>> -> memref<80xi32, #tpu.memory_space<vmem>>
    %dma_start3A_525 = arith.constant 0 : i32
    %dma_start3A_526 = tpu.memref_slice %arg16[%dma_start3A_525] : memref<10240xf32, #tpu.memory_space<vmem_shared>> -> memref<10240xf32, #tpu.memory_space<vmem_shared>>
    %dma_start3A_527 = tpu.memref_slice %arg14[%dma_start3A_521] : memref<4x!tpu.dma_semaphore, #tpu.memory_space<semaphore_mem>> -> memref<1x!tpu.dma_semaphore, #tpu.memory_space<semaphore_mem>>
    %dma_start3A_528 = tpu.memref_squeeze %dma_start3A_527 : memref<1x!tpu.dma_semaphore, #tpu.memory_space<semaphore_mem>> -> memref<!tpu.dma_semaphore, #tpu.memory_space<semaphore_mem>>
    tpu.enqueue_indirect_dma source(%arg9 : memref<80xf32, #tpu.memory_space<vmem>>) target(%dma_start3A_526 : memref<10240xf32, #tpu.memory_space<vmem_shared>>) offsets(%dma_start3A_524 : memref<80xi32, #tpu.memory_space<vmem>>) semaphore(%dma_start3A_528 : memref<!tpu.dma_semaphore, #tpu.memory_space<semaphore_mem>>) {add = true}
    %dma_wait3A_529 = arith.constant 1 : i32
    %dma_wait3A_530 = arith.constant 0 : i32
    %dma_wait3A_531 = arith.constant 1 : i32
    %dma_wait3A_532 = arith.constant 0 : i32
    %dma_wait3A_533 = arith.constant 0 : i32
    %dma_wait3A_534 = tpu.memref_slice %arg8[%dma_wait3A_529, %dma_wait3A_532, %dma_wait3A_533] : memref<4x80x128xf32, #tpu.memory_space<vmem>> -> memref<1x80x128xf32, #tpu.memory_space<vmem>>
    %dma_wait3A_535 = tpu.memref_squeeze %dma_wait3A_534 : memref<1x80x128xf32, #tpu.memory_space<vmem>> -> memref<80x128xf32, #tpu.memory_space<vmem>>
    %dma_wait3A_536 = arith.constant 0 : i32
    %dma_wait3A_537 = tpu.memref_slice %arg7[%dma_wait3A_530, %dma_wait3A_536] : memref<8x80xi32, #tpu.memory_space<vmem>> -> memref<1x80xi32, #tpu.memory_space<vmem>>
    %dma_wait3A_538 = tpu.memref_squeeze %dma_wait3A_537 : memref<1x80xi32, #tpu.memory_space<vmem>> -> memref<80xi32, #tpu.memory_space<vmem>>
    %dma_wait3A_539 = arith.constant 0 : i32
    %dma_wait3A_540 = arith.constant 0 : i32
    %dma_wait3A_541 = tpu.memref_slice %arg15[%dma_wait3A_539, %dma_wait3A_540] : memref<10240x128xf32, #tpu.memory_space<vmem_shared>> -> memref<10240x128xf32, #tpu.memory_space<vmem_shared>>
    %dma_wait3A_542 = tpu.memref_slice %arg14[%dma_wait3A_531] : memref<4x!tpu.dma_semaphore, #tpu.memory_space<semaphore_mem>> -> memref<1x!tpu.dma_semaphore, #tpu.memory_space<semaphore_mem>>
    %dma_wait3A_543 = tpu.memref_squeeze %dma_wait3A_542 : memref<1x!tpu.dma_semaphore, #tpu.memory_space<semaphore_mem>> -> memref<!tpu.dma_semaphore, #tpu.memory_space<semaphore_mem>>
    tpu.wait_indirect_dma semaphore(%dma_wait3A_543 : memref<!tpu.dma_semaphore, #tpu.memory_space<semaphore_mem>>) src(%dma_wait3A_535 : memref<80x128xf32, #tpu.memory_space<vmem>>) dst(%dma_wait3A_541 : memref<10240x128xf32, #tpu.memory_space<vmem_shared>>)
    %dma_wait3A_544 = arith.constant 0 : i32
    %dma_wait3A_545 = arith.constant 1 : i32
    %dma_wait3A_546 = arith.constant 0 : i32
    %dma_wait3A_547 = tpu.memref_slice %arg7[%dma_wait3A_544, %dma_wait3A_546] : memref<8x80xi32, #tpu.memory_space<vmem>> -> memref<1x80xi32, #tpu.memory_space<vmem>>
    %dma_wait3A_548 = tpu.memref_squeeze %dma_wait3A_547 : memref<1x80xi32, #tpu.memory_space<vmem>> -> memref<80xi32, #tpu.memory_space<vmem>>
    %dma_wait3A_549 = arith.constant 0 : i32
    %dma_wait3A_550 = tpu.memref_slice %arg16[%dma_wait3A_549] : memref<10240xf32, #tpu.memory_space<vmem_shared>> -> memref<10240xf32, #tpu.memory_space<vmem_shared>>
    %dma_wait3A_551 = tpu.memref_slice %arg14[%dma_wait3A_545] : memref<4x!tpu.dma_semaphore, #tpu.memory_space<semaphore_mem>> -> memref<1x!tpu.dma_semaphore, #tpu.memory_space<semaphore_mem>>
    %dma_wait3A_552 = tpu.memref_squeeze %dma_wait3A_551 : memref<1x!tpu.dma_semaphore, #tpu.memory_space<semaphore_mem>> -> memref<!tpu.dma_semaphore, #tpu.memory_space<semaphore_mem>>
    tpu.wait_indirect_dma semaphore(%dma_wait3A_552 : memref<!tpu.dma_semaphore, #tpu.memory_space<semaphore_mem>>) src(%arg9 : memref<80xf32, #tpu.memory_space<vmem>>) dst(%dma_wait3A_550 : memref<10240xf32, #tpu.memory_space<vmem_shared>>)
    %dma_wait3A_553 = arith.constant 0 : i32
    %dma_wait3A_554 = arith.constant 2 : i32
    %dma_wait3A_555 = arith.constant 2 : i32
    %dma_wait3A_556 = arith.constant 0 : i32
    %dma_wait3A_557 = arith.constant 0 : i32
    %dma_wait3A_558 = tpu.memref_slice %arg8[%dma_wait3A_554, %dma_wait3A_556, %dma_wait3A_557] : memref<4x80x128xf32, #tpu.memory_space<vmem>> -> memref<1x80x128xf32, #tpu.memory_space<vmem>>
    %dma_wait3A_559 = tpu.memref_squeeze %dma_wait3A_558 : memref<1x80x128xf32, #tpu.memory_space<vmem>> -> memref<80x128xf32, #tpu.memory_space<vmem>>
    %dma_wait3A_560 = arith.constant 0 : i32
    %dma_wait3A_561 = tpu.memref_slice %arg6[%dma_wait3A_553, %dma_wait3A_560] : memref<8x80xi32, #tpu.memory_space<vmem>> -> memref<1x80xi32, #tpu.memory_space<vmem>>
    %dma_wait3A_562 = tpu.memref_squeeze %dma_wait3A_561 : memref<1x80xi32, #tpu.memory_space<vmem>> -> memref<80xi32, #tpu.memory_space<vmem>>
    %dma_wait3A_563 = arith.constant 0 : i32
    %dma_wait3A_564 = arith.constant 0 : i32
    %dma_wait3A_565 = tpu.memref_slice %arg2[%dma_wait3A_563, %dma_wait3A_564] : memref<10000x128xf32, #tpu.memory_space<hbm>> -> memref<10000x128xf32, #tpu.memory_space<hbm>>
    %dma_wait3A_566 = tpu.memref_slice %arg13[%dma_wait3A_555] : memref<4x!tpu.dma_semaphore, #tpu.memory_space<semaphore_mem>> -> memref<1x!tpu.dma_semaphore, #tpu.memory_space<semaphore_mem>>
    %dma_wait3A_567 = tpu.memref_squeeze %dma_wait3A_566 : memref<1x!tpu.dma_semaphore, #tpu.memory_space<semaphore_mem>> -> memref<!tpu.dma_semaphore, #tpu.memory_space<semaphore_mem>>
    tpu.wait_indirect_dma semaphore(%dma_wait3A_567 : memref<!tpu.dma_semaphore, #tpu.memory_space<semaphore_mem>>) src(%dma_wait3A_565 : memref<10000x128xf32, #tpu.memory_space<hbm>>) dst(%dma_wait3A_559 : memref<80x128xf32, #tpu.memory_space<vmem>>)
    %dma_wait3A_568 = arith.constant 2 : i32
    %dma_wait3A_569 = arith.constant 2 : i32
    %dma_wait3A_570 = arith.constant 0 : i32
    %dma_wait3A_571 = tpu.memref_slice %arg7[%dma_wait3A_568, %dma_wait3A_570] : memref<8x80xi32, #tpu.memory_space<vmem>> -> memref<1x80xi32, #tpu.memory_space<vmem>>
    %dma_wait3A_572 = tpu.memref_squeeze %dma_wait3A_571 : memref<1x80xi32, #tpu.memory_space<vmem>> -> memref<80xi32, #tpu.memory_space<vmem>>
    %dma_wait3A_573 = tpu.memref_slice %arg3[%mul3A_2] : memref<640000xi32, #tpu.memory_space<hbm>> -> memref<80xi32, #tpu.memory_space<hbm>>
    %dma_wait3A_574 = tpu.memref_slice %arg12[%dma_wait3A_569] : memref<8x!tpu.dma_semaphore, #tpu.memory_space<semaphore_mem>> -> memref<1x!tpu.dma_semaphore, #tpu.memory_space<semaphore_mem>>
    %dma_wait3A_575 = tpu.memref_squeeze %dma_wait3A_574 : memref<1x!tpu.dma_semaphore, #tpu.memory_space<semaphore_mem>> -> memref<!tpu.dma_semaphore, #tpu.memory_space<semaphore_mem>>
    %dma_wait3A_576 = arith.constant 0 : i32
    %dma_wait3A_577 = tpu.memref_slice %arg7[%dma_wait3A_568, %dma_wait3A_576] : memref<8x80xi32, #tpu.memory_space<vmem>> -> memref<1x80xi32, #tpu.memory_space<vmem>>
    %dma_wait3A_578 = tpu.memref_squeeze %dma_wait3A_577 : memref<1x80xi32, #tpu.memory_space<vmem>> -> memref<80xi32, #tpu.memory_space<vmem>>
    %dma_wait3A_579 = tpu.memref_slice %arg3[%mul3A_2] : memref<640000xi32, #tpu.memory_space<hbm>> -> memref<80xi32, #tpu.memory_space<hbm>>
    tpu.wait_dma2 semaphore(%dma_wait3A_575 : memref<!tpu.dma_semaphore, #tpu.memory_space<semaphore_mem>>) src(%dma_wait3A_579 : memref<80xi32, #tpu.memory_space<hbm>>) dst(%dma_wait3A_578 : memref<80xi32, #tpu.memory_space<vmem>>)
    %dma_start3A_580 = arith.constant 2 : i32
    %dma_start3A_581 = arith.constant 2 : i32
    %dma_start3A_582 = arith.constant 2 : i32
    %dma_start3A_583 = arith.constant 0 : i32
    %dma_start3A_584 = arith.constant 0 : i32
    %dma_start3A_585 = tpu.memref_slice %arg8[%dma_start3A_580, %dma_start3A_583, %dma_start3A_584] : memref<4x80x128xf32, #tpu.memory_space<vmem>> -> memref<1x80x128xf32, #tpu.memory_space<vmem>>
    %dma_start3A_586 = tpu.memref_squeeze %dma_start3A_585 : memref<1x80x128xf32, #tpu.memory_space<vmem>> -> memref<80x128xf32, #tpu.memory_space<vmem>>
    %dma_start3A_587 = arith.constant 0 : i32
    %dma_start3A_588 = tpu.memref_slice %arg7[%dma_start3A_581, %dma_start3A_587] : memref<8x80xi32, #tpu.memory_space<vmem>> -> memref<1x80xi32, #tpu.memory_space<vmem>>
    %dma_start3A_589 = tpu.memref_squeeze %dma_start3A_588 : memref<1x80xi32, #tpu.memory_space<vmem>> -> memref<80xi32, #tpu.memory_space<vmem>>
    %dma_start3A_590 = arith.constant 0 : i32
    %dma_start3A_591 = arith.constant 0 : i32
    %dma_start3A_592 = tpu.memref_slice %arg15[%dma_start3A_590, %dma_start3A_591] : memref<10240x128xf32, #tpu.memory_space<vmem_shared>> -> memref<10240x128xf32, #tpu.memory_space<vmem_shared>>
    %dma_start3A_593 = tpu.memref_slice %arg14[%dma_start3A_582] : memref<4x!tpu.dma_semaphore, #tpu.memory_space<semaphore_mem>> -> memref<1x!tpu.dma_semaphore, #tpu.memory_space<semaphore_mem>>
    %dma_start3A_594 = tpu.memref_squeeze %dma_start3A_593 : memref<1x!tpu.dma_semaphore, #tpu.memory_space<semaphore_mem>> -> memref<!tpu.dma_semaphore, #tpu.memory_space<semaphore_mem>>
    tpu.enqueue_indirect_dma source(%dma_start3A_586 : memref<80x128xf32, #tpu.memory_space<vmem>>) target(%dma_start3A_592 : memref<10240x128xf32, #tpu.memory_space<vmem_shared>>) offsets(%dma_start3A_589 : memref<80xi32, #tpu.memory_space<vmem>>) semaphore(%dma_start3A_594 : memref<!tpu.dma_semaphore, #tpu.memory_space<semaphore_mem>>) {add = true}
    %dma_start3A_595 = arith.constant 2 : i32
    %dma_start3A_596 = arith.constant 2 : i32
    %dma_start3A_597 = arith.constant 0 : i32
    %dma_start3A_598 = tpu.memref_slice %arg7[%dma_start3A_595, %dma_start3A_597] : memref<8x80xi32, #tpu.memory_space<vmem>> -> memref<1x80xi32, #tpu.memory_space<vmem>>
    %dma_start3A_599 = tpu.memref_squeeze %dma_start3A_598 : memref<1x80xi32, #tpu.memory_space<vmem>> -> memref<80xi32, #tpu.memory_space<vmem>>
    %dma_start3A_600 = arith.constant 0 : i32
    %dma_start3A_601 = tpu.memref_slice %arg16[%dma_start3A_600] : memref<10240xf32, #tpu.memory_space<vmem_shared>> -> memref<10240xf32, #tpu.memory_space<vmem_shared>>
    %dma_start3A_602 = tpu.memref_slice %arg14[%dma_start3A_596] : memref<4x!tpu.dma_semaphore, #tpu.memory_space<semaphore_mem>> -> memref<1x!tpu.dma_semaphore, #tpu.memory_space<semaphore_mem>>
    %dma_start3A_603 = tpu.memref_squeeze %dma_start3A_602 : memref<1x!tpu.dma_semaphore, #tpu.memory_space<semaphore_mem>> -> memref<!tpu.dma_semaphore, #tpu.memory_space<semaphore_mem>>
    tpu.enqueue_indirect_dma source(%arg9 : memref<80xf32, #tpu.memory_space<vmem>>) target(%dma_start3A_601 : memref<10240xf32, #tpu.memory_space<vmem_shared>>) offsets(%dma_start3A_599 : memref<80xi32, #tpu.memory_space<vmem>>) semaphore(%dma_start3A_603 : memref<!tpu.dma_semaphore, #tpu.memory_space<semaphore_mem>>) {add = true}
    %dma_wait3A_604 = arith.constant 2 : i32
    %dma_wait3A_605 = arith.constant 0 : i32
    %dma_wait3A_606 = arith.constant 2 : i32
    %dma_wait3A_607 = arith.constant 0 : i32
    %dma_wait3A_608 = arith.constant 0 : i32
    %dma_wait3A_609 = tpu.memref_slice %arg8[%dma_wait3A_604, %dma_wait3A_607, %dma_wait3A_608] : memref<4x80x128xf32, #tpu.memory_space<vmem>> -> memref<1x80x128xf32, #tpu.memory_space<vmem>>
    %dma_wait3A_610 = tpu.memref_squeeze %dma_wait3A_609 : memref<1x80x128xf32, #tpu.memory_space<vmem>> -> memref<80x128xf32, #tpu.memory_space<vmem>>
    %dma_wait3A_611 = arith.constant 0 : i32
    %dma_wait3A_612 = tpu.memref_slice %arg7[%dma_wait3A_605, %dma_wait3A_611] : memref<8x80xi32, #tpu.memory_space<vmem>> -> memref<1x80xi32, #tpu.memory_space<vmem>>
    %dma_wait3A_613 = tpu.memref_squeeze %dma_wait3A_612 : memref<1x80xi32, #tpu.memory_space<vmem>> -> memref<80xi32, #tpu.memory_space<vmem>>
    %dma_wait3A_614 = arith.constant 0 : i32
    %dma_wait3A_615 = arith.constant 0 : i32
    %dma_wait3A_616 = tpu.memref_slice %arg15[%dma_wait3A_614, %dma_wait3A_615] : memref<10240x128xf32, #tpu.memory_space<vmem_shared>> -> memref<10240x128xf32, #tpu.memory_space<vmem_shared>>
    %dma_wait3A_617 = tpu.memref_slice %arg14[%dma_wait3A_606] : memref<4x!tpu.dma_semaphore, #tpu.memory_space<semaphore_mem>> -> memref<1x!tpu.dma_semaphore, #tpu.memory_space<semaphore_mem>>
    %dma_wait3A_618 = tpu.memref_squeeze %dma_wait3A_617 : memref<1x!tpu.dma_semaphore, #tpu.memory_space<semaphore_mem>> -> memref<!tpu.dma_semaphore, #tpu.memory_space<semaphore_mem>>
    tpu.wait_indirect_dma semaphore(%dma_wait3A_618 : memref<!tpu.dma_semaphore, #tpu.memory_space<semaphore_mem>>) src(%dma_wait3A_610 : memref<80x128xf32, #tpu.memory_space<vmem>>) dst(%dma_wait3A_616 : memref<10240x128xf32, #tpu.memory_space<vmem_shared>>)
    %dma_wait3A_619 = arith.constant 0 : i32
    %dma_wait3A_620 = arith.constant 2 : i32
    %dma_wait3A_621 = arith.constant 0 : i32
    %dma_wait3A_622 = tpu.memref_slice %arg7[%dma_wait3A_619, %dma_wait3A_621] : memref<8x80xi32, #tpu.memory_space<vmem>> -> memref<1x80xi32, #tpu.memory_space<vmem>>
    %dma_wait3A_623 = tpu.memref_squeeze %dma_wait3A_622 : memref<1x80xi32, #tpu.memory_space<vmem>> -> memref<80xi32, #tpu.memory_space<vmem>>
    %dma_wait3A_624 = arith.constant 0 : i32
    %dma_wait3A_625 = tpu.memref_slice %arg16[%dma_wait3A_624] : memref<10240xf32, #tpu.memory_space<vmem_shared>> -> memref<10240xf32, #tpu.memory_space<vmem_shared>>
    %dma_wait3A_626 = tpu.memref_slice %arg14[%dma_wait3A_620] : memref<4x!tpu.dma_semaphore, #tpu.memory_space<semaphore_mem>> -> memref<1x!tpu.dma_semaphore, #tpu.memory_space<semaphore_mem>>
    %dma_wait3A_627 = tpu.memref_squeeze %dma_wait3A_626 : memref<1x!tpu.dma_semaphore, #tpu.memory_space<semaphore_mem>> -> memref<!tpu.dma_semaphore, #tpu.memory_space<semaphore_mem>>
    tpu.wait_indirect_dma semaphore(%dma_wait3A_627 : memref<!tpu.dma_semaphore, #tpu.memory_space<semaphore_mem>>) src(%arg9 : memref<80xf32, #tpu.memory_space<vmem>>) dst(%dma_wait3A_625 : memref<10240xf32, #tpu.memory_space<vmem_shared>>)
    %dma_wait3A_628 = arith.constant 0 : i32
    %dma_wait3A_629 = arith.constant 3 : i32
    %dma_wait3A_630 = arith.constant 3 : i32
    %dma_wait3A_631 = arith.constant 0 : i32
    %dma_wait3A_632 = arith.constant 0 : i32
    %dma_wait3A_633 = tpu.memref_slice %arg8[%dma_wait3A_629, %dma_wait3A_631, %dma_wait3A_632] : memref<4x80x128xf32, #tpu.memory_space<vmem>> -> memref<1x80x128xf32, #tpu.memory_space<vmem>>
    %dma_wait3A_634 = tpu.memref_squeeze %dma_wait3A_633 : memref<1x80x128xf32, #tpu.memory_space<vmem>> -> memref<80x128xf32, #tpu.memory_space<vmem>>
    %dma_wait3A_635 = arith.constant 0 : i32
    %dma_wait3A_636 = tpu.memref_slice %arg6[%dma_wait3A_628, %dma_wait3A_635] : memref<8x80xi32, #tpu.memory_space<vmem>> -> memref<1x80xi32, #tpu.memory_space<vmem>>
    %dma_wait3A_637 = tpu.memref_squeeze %dma_wait3A_636 : memref<1x80xi32, #tpu.memory_space<vmem>> -> memref<80xi32, #tpu.memory_space<vmem>>
    %dma_wait3A_638 = arith.constant 0 : i32
    %dma_wait3A_639 = arith.constant 0 : i32
    %dma_wait3A_640 = tpu.memref_slice %arg2[%dma_wait3A_638, %dma_wait3A_639] : memref<10000x128xf32, #tpu.memory_space<hbm>> -> memref<10000x128xf32, #tpu.memory_space<hbm>>
    %dma_wait3A_641 = tpu.memref_slice %arg13[%dma_wait3A_630] : memref<4x!tpu.dma_semaphore, #tpu.memory_space<semaphore_mem>> -> memref<1x!tpu.dma_semaphore, #tpu.memory_space<semaphore_mem>>
    %dma_wait3A_642 = tpu.memref_squeeze %dma_wait3A_641 : memref<1x!tpu.dma_semaphore, #tpu.memory_space<semaphore_mem>> -> memref<!tpu.dma_semaphore, #tpu.memory_space<semaphore_mem>>
    tpu.wait_indirect_dma semaphore(%dma_wait3A_642 : memref<!tpu.dma_semaphore, #tpu.memory_space<semaphore_mem>>) src(%dma_wait3A_640 : memref<10000x128xf32, #tpu.memory_space<hbm>>) dst(%dma_wait3A_634 : memref<80x128xf32, #tpu.memory_space<vmem>>)
    %dma_wait3A_643 = arith.constant 3 : i32
    %dma_wait3A_644 = arith.constant 3 : i32
    %dma_wait3A_645 = arith.constant 0 : i32
    %dma_wait3A_646 = tpu.memref_slice %arg7[%dma_wait3A_643, %dma_wait3A_645] : memref<8x80xi32, #tpu.memory_space<vmem>> -> memref<1x80xi32, #tpu.memory_space<vmem>>
    %dma_wait3A_647 = tpu.memref_squeeze %dma_wait3A_646 : memref<1x80xi32, #tpu.memory_space<vmem>> -> memref<80xi32, #tpu.memory_space<vmem>>
    %dma_wait3A_648 = tpu.memref_slice %arg3[%mul3A_2] : memref<640000xi32, #tpu.memory_space<hbm>> -> memref<80xi32, #tpu.memory_space<hbm>>
    %dma_wait3A_649 = tpu.memref_slice %arg12[%dma_wait3A_644] : memref<8x!tpu.dma_semaphore, #tpu.memory_space<semaphore_mem>> -> memref<1x!tpu.dma_semaphore, #tpu.memory_space<semaphore_mem>>
    %dma_wait3A_650 = tpu.memref_squeeze %dma_wait3A_649 : memref<1x!tpu.dma_semaphore, #tpu.memory_space<semaphore_mem>> -> memref<!tpu.dma_semaphore, #tpu.memory_space<semaphore_mem>>
    %dma_wait3A_651 = arith.constant 0 : i32
    %dma_wait3A_652 = tpu.memref_slice %arg7[%dma_wait3A_643, %dma_wait3A_651] : memref<8x80xi32, #tpu.memory_space<vmem>> -> memref<1x80xi32, #tpu.memory_space<vmem>>
    %dma_wait3A_653 = tpu.memref_squeeze %dma_wait3A_652 : memref<1x80xi32, #tpu.memory_space<vmem>> -> memref<80xi32, #tpu.memory_space<vmem>>
    %dma_wait3A_654 = tpu.memref_slice %arg3[%mul3A_2] : memref<640000xi32, #tpu.memory_space<hbm>> -> memref<80xi32, #tpu.memory_space<hbm>>
    tpu.wait_dma2 semaphore(%dma_wait3A_650 : memref<!tpu.dma_semaphore, #tpu.memory_space<semaphore_mem>>) src(%dma_wait3A_654 : memref<80xi32, #tpu.memory_space<hbm>>) dst(%dma_wait3A_653 : memref<80xi32, #tpu.memory_space<vmem>>)
    %dma_start3A_655 = arith.constant 3 : i32
    %dma_start3A_656 = arith.constant 3 : i32
    %dma_start3A_657 = arith.constant 3 : i32
    %dma_start3A_658 = arith.constant 0 : i32
    %dma_start3A_659 = arith.constant 0 : i32
    %dma_start3A_660 = tpu.memref_slice %arg8[%dma_start3A_655, %dma_start3A_658, %dma_start3A_659] : memref<4x80x128xf32, #tpu.memory_space<vmem>> -> memref<1x80x128xf32, #tpu.memory_space<vmem>>
    %dma_start3A_661 = tpu.memref_squeeze %dma_start3A_660 : memref<1x80x128xf32, #tpu.memory_space<vmem>> -> memref<80x128xf32, #tpu.memory_space<vmem>>
    %dma_start3A_662 = arith.constant 0 : i32
    %dma_start3A_663 = tpu.memref_slice %arg7[%dma_start3A_656, %dma_start3A_662] : memref<8x80xi32, #tpu.memory_space<vmem>> -> memref<1x80xi32, #tpu.memory_space<vmem>>
    %dma_start3A_664 = tpu.memref_squeeze %dma_start3A_663 : memref<1x80xi32, #tpu.memory_space<vmem>> -> memref<80xi32, #tpu.memory_space<vmem>>
    %dma_start3A_665 = arith.constant 0 : i32
    %dma_start3A_666 = arith.constant 0 : i32
    %dma_start3A_667 = tpu.memref_slice %arg15[%dma_start3A_665, %dma_start3A_666] : memref<10240x128xf32, #tpu.memory_space<vmem_shared>> -> memref<10240x128xf32, #tpu.memory_space<vmem_shared>>
    %dma_start3A_668 = tpu.memref_slice %arg14[%dma_start3A_657] : memref<4x!tpu.dma_semaphore, #tpu.memory_space<semaphore_mem>> -> memref<1x!tpu.dma_semaphore, #tpu.memory_space<semaphore_mem>>
    %dma_start3A_669 = tpu.memref_squeeze %dma_start3A_668 : memref<1x!tpu.dma_semaphore, #tpu.memory_space<semaphore_mem>> -> memref<!tpu.dma_semaphore, #tpu.memory_space<semaphore_mem>>
    tpu.enqueue_indirect_dma source(%dma_start3A_661 : memref<80x128xf32, #tpu.memory_space<vmem>>) target(%dma_start3A_667 : memref<10240x128xf32, #tpu.memory_space<vmem_shared>>) offsets(%dma_start3A_664 : memref<80xi32, #tpu.memory_space<vmem>>) semaphore(%dma_start3A_669 : memref<!tpu.dma_semaphore, #tpu.memory_space<semaphore_mem>>) {add = true}
    %dma_start3A_670 = arith.constant 3 : i32
    %dma_start3A_671 = arith.constant 3 : i32
    %dma_start3A_672 = arith.constant 0 : i32
    %dma_start3A_673 = tpu.memref_slice %arg7[%dma_start3A_670, %dma_start3A_672] : memref<8x80xi32, #tpu.memory_space<vmem>> -> memref<1x80xi32, #tpu.memory_space<vmem>>
    %dma_start3A_674 = tpu.memref_squeeze %dma_start3A_673 : memref<1x80xi32, #tpu.memory_space<vmem>> -> memref<80xi32, #tpu.memory_space<vmem>>
    %dma_start3A_675 = arith.constant 0 : i32
    %dma_start3A_676 = tpu.memref_slice %arg16[%dma_start3A_675] : memref<10240xf32, #tpu.memory_space<vmem_shared>> -> memref<10240xf32, #tpu.memory_space<vmem_shared>>
    %dma_start3A_677 = tpu.memref_slice %arg14[%dma_start3A_671] : memref<4x!tpu.dma_semaphore, #tpu.memory_space<semaphore_mem>> -> memref<1x!tpu.dma_semaphore, #tpu.memory_space<semaphore_mem>>
    %dma_start3A_678 = tpu.memref_squeeze %dma_start3A_677 : memref<1x!tpu.dma_semaphore, #tpu.memory_space<semaphore_mem>> -> memref<!tpu.dma_semaphore, #tpu.memory_space<semaphore_mem>>
    tpu.enqueue_indirect_dma source(%arg9 : memref<80xf32, #tpu.memory_space<vmem>>) target(%dma_start3A_676 : memref<10240xf32, #tpu.memory_space<vmem_shared>>) offsets(%dma_start3A_674 : memref<80xi32, #tpu.memory_space<vmem>>) semaphore(%dma_start3A_678 : memref<!tpu.dma_semaphore, #tpu.memory_space<semaphore_mem>>) {add = true}
    %dma_wait3A_679 = arith.constant 3 : i32
    %dma_wait3A_680 = arith.constant 0 : i32
    %dma_wait3A_681 = arith.constant 3 : i32
    %dma_wait3A_682 = arith.constant 0 : i32
    %dma_wait3A_683 = arith.constant 0 : i32
    %dma_wait3A_684 = tpu.memref_slice %arg8[%dma_wait3A_679, %dma_wait3A_682, %dma_wait3A_683] : memref<4x80x128xf32, #tpu.memory_space<vmem>> -> memref<1x80x128xf32, #tpu.memory_space<vmem>>
    %dma_wait3A_685 = tpu.memref_squeeze %dma_wait3A_684 : memref<1x80x128xf32, #tpu.memory_space<vmem>> -> memref<80x128xf32, #tpu.memory_space<vmem>>
    %dma_wait3A_686 = arith.constant 0 : i32
    %dma_wait3A_687 = tpu.memref_slice %arg7[%dma_wait3A_680, %dma_wait3A_686] : memref<8x80xi32, #tpu.memory_space<vmem>> -> memref<1x80xi32, #tpu.memory_space<vmem>>
    %dma_wait3A_688 = tpu.memref_squeeze %dma_wait3A_687 : memref<1x80xi32, #tpu.memory_space<vmem>> -> memref<80xi32, #tpu.memory_space<vmem>>
    %dma_wait3A_689 = arith.constant 0 : i32
    %dma_wait3A_690 = arith.constant 0 : i32
    %dma_wait3A_691 = tpu.memref_slice %arg15[%dma_wait3A_689, %dma_wait3A_690] : memref<10240x128xf32, #tpu.memory_space<vmem_shared>> -> memref<10240x128xf32, #tpu.memory_space<vmem_shared>>
    %dma_wait3A_692 = tpu.memref_slice %arg14[%dma_wait3A_681] : memref<4x!tpu.dma_semaphore, #tpu.memory_space<semaphore_mem>> -> memref<1x!tpu.dma_semaphore, #tpu.memory_space<semaphore_mem>>
    %dma_wait3A_693 = tpu.memref_squeeze %dma_wait3A_692 : memref<1x!tpu.dma_semaphore, #tpu.memory_space<semaphore_mem>> -> memref<!tpu.dma_semaphore, #tpu.memory_space<semaphore_mem>>
    tpu.wait_indirect_dma semaphore(%dma_wait3A_693 : memref<!tpu.dma_semaphore, #tpu.memory_space<semaphore_mem>>) src(%dma_wait3A_685 : memref<80x128xf32, #tpu.memory_space<vmem>>) dst(%dma_wait3A_691 : memref<10240x128xf32, #tpu.memory_space<vmem_shared>>)
    %dma_wait3A_694 = arith.constant 0 : i32
    %dma_wait3A_695 = arith.constant 3 : i32
    %dma_wait3A_696 = arith.constant 0 : i32
    %dma_wait3A_697 = tpu.memref_slice %arg7[%dma_wait3A_694, %dma_wait3A_696] : memref<8x80xi32, #tpu.memory_space<vmem>> -> memref<1x80xi32, #tpu.memory_space<vmem>>
    %dma_wait3A_698 = tpu.memref_squeeze %dma_wait3A_697 : memref<1x80xi32, #tpu.memory_space<vmem>> -> memref<80xi32, #tpu.memory_space<vmem>>
    %dma_wait3A_699 = arith.constant 0 : i32
    %dma_wait3A_700 = tpu.memref_slice %arg16[%dma_wait3A_699] : memref<10240xf32, #tpu.memory_space<vmem_shared>> -> memref<10240xf32, #tpu.memory_space<vmem_shared>>
    %dma_wait3A_701 = tpu.memref_slice %arg14[%dma_wait3A_695] : memref<4x!tpu.dma_semaphore, #tpu.memory_space<semaphore_mem>> -> memref<1x!tpu.dma_semaphore, #tpu.memory_space<semaphore_mem>>
    %dma_wait3A_702 = tpu.memref_squeeze %dma_wait3A_701 : memref<1x!tpu.dma_semaphore, #tpu.memory_space<semaphore_mem>> -> memref<!tpu.dma_semaphore, #tpu.memory_space<semaphore_mem>>
    tpu.wait_indirect_dma semaphore(%dma_wait3A_702 : memref<!tpu.dma_semaphore, #tpu.memory_space<semaphore_mem>>) src(%arg9 : memref<80xf32, #tpu.memory_space<vmem>>) dst(%dma_wait3A_700 : memref<10240xf32, #tpu.memory_space<vmem_shared>>)
    %dma_wait3A_703 = arith.constant 0 : i32
    %dma_wait3A_704 = arith.constant 0 : i32
    %dma_wait3A_705 = arith.constant 0 : i32
    %dma_wait3A_706 = arith.constant 0 : i32
    %dma_wait3A_707 = arith.constant 0 : i32
    %dma_wait3A_708 = tpu.memref_slice %arg8[%dma_wait3A_704, %dma_wait3A_706, %dma_wait3A_707] : memref<4x80x128xf32, #tpu.memory_space<vmem>> -> memref<1x80x128xf32, #tpu.memory_space<vmem>>
    %dma_wait3A_709 = tpu.memref_squeeze %dma_wait3A_708 : memref<1x80x128xf32, #tpu.memory_space<vmem>> -> memref<80x128xf32, #tpu.memory_space<vmem>>
    %dma_wait3A_710 = arith.constant 0 : i32
    %dma_wait3A_711 = tpu.memref_slice %arg6[%dma_wait3A_703, %dma_wait3A_710] : memref<8x80xi32, #tpu.memory_space<vmem>> -> memref<1x80xi32, #tpu.memory_space<vmem>>
    %dma_wait3A_712 = tpu.memref_squeeze %dma_wait3A_711 : memref<1x80xi32, #tpu.memory_space<vmem>> -> memref<80xi32, #tpu.memory_space<vmem>>
    %dma_wait3A_713 = arith.constant 0 : i32
    %dma_wait3A_714 = arith.constant 0 : i32
    %dma_wait3A_715 = tpu.memref_slice %arg2[%dma_wait3A_713, %dma_wait3A_714] : memref<10000x128xf32, #tpu.memory_space<hbm>> -> memref<10000x128xf32, #tpu.memory_space<hbm>>
    %dma_wait3A_716 = tpu.memref_slice %arg13[%dma_wait3A_705] : memref<4x!tpu.dma_semaphore, #tpu.memory_space<semaphore_mem>> -> memref<1x!tpu.dma_semaphore, #tpu.memory_space<semaphore_mem>>
    %dma_wait3A_717 = tpu.memref_squeeze %dma_wait3A_716 : memref<1x!tpu.dma_semaphore, #tpu.memory_space<semaphore_mem>> -> memref<!tpu.dma_semaphore, #tpu.memory_space<semaphore_mem>>
    tpu.wait_indirect_dma semaphore(%dma_wait3A_717 : memref<!tpu.dma_semaphore, #tpu.memory_space<semaphore_mem>>) src(%dma_wait3A_715 : memref<10000x128xf32, #tpu.memory_space<hbm>>) dst(%dma_wait3A_709 : memref<80x128xf32, #tpu.memory_space<vmem>>)
    %dma_wait3A_718 = arith.constant 4 : i32
    %dma_wait3A_719 = arith.constant 4 : i32
    %dma_wait3A_720 = arith.constant 0 : i32
    %dma_wait3A_721 = tpu.memref_slice %arg7[%dma_wait3A_718, %dma_wait3A_720] : memref<8x80xi32, #tpu.memory_space<vmem>> -> memref<1x80xi32, #tpu.memory_space<vmem>>
    %dma_wait3A_722 = tpu.memref_squeeze %dma_wait3A_721 : memref<1x80xi32, #tpu.memory_space<vmem>> -> memref<80xi32, #tpu.memory_space<vmem>>
    %dma_wait3A_723 = tpu.memref_slice %arg3[%mul3A_2] : memref<640000xi32, #tpu.memory_space<hbm>> -> memref<80xi32, #tpu.memory_space<hbm>>
    %dma_wait3A_724 = tpu.memref_slice %arg12[%dma_wait3A_719] : memref<8x!tpu.dma_semaphore, #tpu.memory_space<semaphore_mem>> -> memref<1x!tpu.dma_semaphore, #tpu.memory_space<semaphore_mem>>
    %dma_wait3A_725 = tpu.memref_squeeze %dma_wait3A_724 : memref<1x!tpu.dma_semaphore, #tpu.memory_space<semaphore_mem>> -> memref<!tpu.dma_semaphore, #tpu.memory_space<semaphore_mem>>
    %dma_wait3A_726 = arith.constant 0 : i32
    %dma_wait3A_727 = tpu.memref_slice %arg7[%dma_wait3A_718, %dma_wait3A_726] : memref<8x80xi32, #tpu.memory_space<vmem>> -> memref<1x80xi32, #tpu.memory_space<vmem>>
    %dma_wait3A_728 = tpu.memref_squeeze %dma_wait3A_727 : memref<1x80xi32, #tpu.memory_space<vmem>> -> memref<80xi32, #tpu.memory_space<vmem>>
    %dma_wait3A_729 = tpu.memref_slice %arg3[%mul3A_2] : memref<640000xi32, #tpu.memory_space<hbm>> -> memref<80xi32, #tpu.memory_space<hbm>>
    tpu.wait_dma2 semaphore(%dma_wait3A_725 : memref<!tpu.dma_semaphore, #tpu.memory_space<semaphore_mem>>) src(%dma_wait3A_729 : memref<80xi32, #tpu.memory_space<hbm>>) dst(%dma_wait3A_728 : memref<80xi32, #tpu.memory_space<vmem>>)
    %dma_start3A_730 = arith.constant 0 : i32
    %dma_start3A_731 = arith.constant 4 : i32
    %dma_start3A_732 = arith.constant 0 : i32
    %dma_start3A_733 = arith.constant 0 : i32
    %dma_start3A_734 = arith.constant 0 : i32
    %dma_start3A_735 = tpu.memref_slice %arg8[%dma_start3A_730, %dma_start3A_733, %dma_start3A_734] : memref<4x80x128xf32, #tpu.memory_space<vmem>> -> memref<1x80x128xf32, #tpu.memory_space<vmem>>
    %dma_start3A_736 = tpu.memref_squeeze %dma_start3A_735 : memref<1x80x128xf32, #tpu.memory_space<vmem>> -> memref<80x128xf32, #tpu.memory_space<vmem>>
    %dma_start3A_737 = arith.constant 0 : i32
    %dma_start3A_738 = tpu.memref_slice %arg7[%dma_start3A_731, %dma_start3A_737] : memref<8x80xi32, #tpu.memory_space<vmem>> -> memref<1x80xi32, #tpu.memory_space<vmem>>
    %dma_start3A_739 = tpu.memref_squeeze %dma_start3A_738 : memref<1x80xi32, #tpu.memory_space<vmem>> -> memref<80xi32, #tpu.memory_space<vmem>>
    %dma_start3A_740 = arith.constant 0 : i32
    %dma_start3A_741 = arith.constant 0 : i32
    %dma_start3A_742 = tpu.memref_slice %arg15[%dma_start3A_740, %dma_start3A_741] : memref<10240x128xf32, #tpu.memory_space<vmem_shared>> -> memref<10240x128xf32, #tpu.memory_space<vmem_shared>>
    %dma_start3A_743 = tpu.memref_slice %arg14[%dma_start3A_732] : memref<4x!tpu.dma_semaphore, #tpu.memory_space<semaphore_mem>> -> memref<1x!tpu.dma_semaphore, #tpu.memory_space<semaphore_mem>>
    %dma_start3A_744 = tpu.memref_squeeze %dma_start3A_743 : memref<1x!tpu.dma_semaphore, #tpu.memory_space<semaphore_mem>> -> memref<!tpu.dma_semaphore, #tpu.memory_space<semaphore_mem>>
    tpu.enqueue_indirect_dma source(%dma_start3A_736 : memref<80x128xf32, #tpu.memory_space<vmem>>) target(%dma_start3A_742 : memref<10240x128xf32, #tpu.memory_space<vmem_shared>>) offsets(%dma_start3A_739 : memref<80xi32, #tpu.memory_space<vmem>>) semaphore(%dma_start3A_744 : memref<!tpu.dma_semaphore, #tpu.memory_space<semaphore_mem>>) {add = true}
    %dma_start3A_745 = arith.constant 4 : i32
    %dma_start3A_746 = arith.constant 0 : i32
    %dma_start3A_747 = arith.constant 0 : i32
    %dma_start3A_748 = tpu.memref_slice %arg7[%dma_start3A_745, %dma_start3A_747] : memref<8x80xi32, #tpu.memory_space<vmem>> -> memref<1x80xi32, #tpu.memory_space<vmem>>
    %dma_start3A_749 = tpu.memref_squeeze %dma_start3A_748 : memref<1x80xi32, #tpu.memory_space<vmem>> -> memref<80xi32, #tpu.memory_space<vmem>>
    %dma_start3A_750 = arith.constant 0 : i32
    %dma_start3A_751 = tpu.memref_slice %arg16[%dma_start3A_750] : memref<10240xf32, #tpu.memory_space<vmem_shared>> -> memref<10240xf32, #tpu.memory_space<vmem_shared>>
    %dma_start3A_752 = tpu.memref_slice %arg14[%dma_start3A_746] : memref<4x!tpu.dma_semaphore, #tpu.memory_space<semaphore_mem>> -> memref<1x!tpu.dma_semaphore, #tpu.memory_space<semaphore_mem>>
    %dma_start3A_753 = tpu.memref_squeeze %dma_start3A_752 : memref<1x!tpu.dma_semaphore, #tpu.memory_space<semaphore_mem>> -> memref<!tpu.dma_semaphore, #tpu.memory_space<semaphore_mem>>
    tpu.enqueue_indirect_dma source(%arg9 : memref<80xf32, #tpu.memory_space<vmem>>) target(%dma_start3A_751 : memref<10240xf32, #tpu.memory_space<vmem_shared>>) offsets(%dma_start3A_749 : memref<80xi32, #tpu.memory_space<vmem>>) semaphore(%dma_start3A_753 : memref<!tpu.dma_semaphore, #tpu.memory_space<semaphore_mem>>) {add = true}
    %dma_wait3A_754 = arith.constant 0 : i32
    %dma_wait3A_755 = arith.constant 0 : i32
    %dma_wait3A_756 = arith.constant 0 : i32
    %dma_wait3A_757 = arith.constant 0 : i32
    %dma_wait3A_758 = arith.constant 0 : i32
    %dma_wait3A_759 = tpu.memref_slice %arg8[%dma_wait3A_754, %dma_wait3A_757, %dma_wait3A_758] : memref<4x80x128xf32, #tpu.memory_space<vmem>> -> memref<1x80x128xf32, #tpu.memory_space<vmem>>
    %dma_wait3A_760 = tpu.memref_squeeze %dma_wait3A_759 : memref<1x80x128xf32, #tpu.memory_space<vmem>> -> memref<80x128xf32, #tpu.memory_space<vmem>>
    %dma_wait3A_761 = arith.constant 0 : i32
    %dma_wait3A_762 = tpu.memref_slice %arg7[%dma_wait3A_755, %dma_wait3A_761] : memref<8x80xi32, #tpu.memory_space<vmem>> -> memref<1x80xi32, #tpu.memory_space<vmem>>
    %dma_wait3A_763 = tpu.memref_squeeze %dma_wait3A_762 : memref<1x80xi32, #tpu.memory_space<vmem>> -> memref<80xi32, #tpu.memory_space<vmem>>
    %dma_wait3A_764 = arith.constant 0 : i32
    %dma_wait3A_765 = arith.constant 0 : i32
    %dma_wait3A_766 = tpu.memref_slice %arg15[%dma_wait3A_764, %dma_wait3A_765] : memref<10240x128xf32, #tpu.memory_space<vmem_shared>> -> memref<10240x128xf32, #tpu.memory_space<vmem_shared>>
    %dma_wait3A_767 = tpu.memref_slice %arg14[%dma_wait3A_756] : memref<4x!tpu.dma_semaphore, #tpu.memory_space<semaphore_mem>> -> memref<1x!tpu.dma_semaphore, #tpu.memory_space<semaphore_mem>>
    %dma_wait3A_768 = tpu.memref_squeeze %dma_wait3A_767 : memref<1x!tpu.dma_semaphore, #tpu.memory_space<semaphore_mem>> -> memref<!tpu.dma_semaphore, #tpu.memory_space<semaphore_mem>>
    tpu.wait_indirect_dma semaphore(%dma_wait3A_768 : memref<!tpu.dma_semaphore, #tpu.memory_space<semaphore_mem>>) src(%dma_wait3A_760 : memref<80x128xf32, #tpu.memory_space<vmem>>) dst(%dma_wait3A_766 : memref<10240x128xf32, #tpu.memory_space<vmem_shared>>)
    %dma_wait3A_769 = arith.constant 0 : i32
    %dma_wait3A_770 = arith.constant 0 : i32
    %dma_wait3A_771 = arith.constant 0 : i32
    %dma_wait3A_772 = tpu.memref_slice %arg7[%dma_wait3A_769, %dma_wait3A_771] : memref<8x80xi32, #tpu.memory_space<vmem>> -> memref<1x80xi32, #tpu.memory_space<vmem>>
    %dma_wait3A_773 = tpu.memref_squeeze %dma_wait3A_772 : memref<1x80xi32, #tpu.memory_space<vmem>> -> memref<80xi32, #tpu.memory_space<vmem>>
    %dma_wait3A_774 = arith.constant 0 : i32
    %dma_wait3A_775 = tpu.memref_slice %arg16[%dma_wait3A_774] : memref<10240xf32, #tpu.memory_space<vmem_shared>> -> memref<10240xf32, #tpu.memory_space<vmem_shared>>
    %dma_wait3A_776 = tpu.memref_slice %arg14[%dma_wait3A_770] : memref<4x!tpu.dma_semaphore, #tpu.memory_space<semaphore_mem>> -> memref<1x!tpu.dma_semaphore, #tpu.memory_space<semaphore_mem>>
    %dma_wait3A_777 = tpu.memref_squeeze %dma_wait3A_776 : memref<1x!tpu.dma_semaphore, #tpu.memory_space<semaphore_mem>> -> memref<!tpu.dma_semaphore, #tpu.memory_space<semaphore_mem>>
    tpu.wait_indirect_dma semaphore(%dma_wait3A_777 : memref<!tpu.dma_semaphore, #tpu.memory_space<semaphore_mem>>) src(%arg9 : memref<80xf32, #tpu.memory_space<vmem>>) dst(%dma_wait3A_775 : memref<10240xf32, #tpu.memory_space<vmem_shared>>)
    %barrier3A_778 = arith.constant 0 : index
    tpu.barrier barrier_id(%barrier3A_778)
    "tpu.region"() ({
      %run_scoped3A_779 = tpu.sem_alloc : memref<!tpu.dma_semaphore, #tpu.memory_space<semaphore_mem>>
      %dma_start3A_780 = arith.constant 0 : i32
      %dma_start3A_781 = tpu.memref_slice %arg4[%arg0, %mul3A_216, %dma_start3A_780] : memref<2x10240x128xf32, #tpu.memory_space<hbm>> -> memref<1x640x128xf32, #tpu.memory_space<hbm>>
      %dma_start3A_782 = tpu.memref_squeeze %dma_start3A_781 : memref<1x640x128xf32, #tpu.memory_space<hbm>> -> memref<640x128xf32, #tpu.memory_space<hbm>>
      %dma_start3A_783 = arith.constant 0 : i32
      %dma_start3A_784 = tpu.memref_slice %arg15[%mul3A_216, %dma_start3A_783] : memref<10240x128xf32, #tpu.memory_space<vmem_shared>> -> memref<640x128xf32, #tpu.memory_space<vmem_shared>>
      tpu.enqueue_dma source(%dma_start3A_784 : memref<640x128xf32, #tpu.memory_space<vmem_shared>>) target(%dma_start3A_782 : memref<640x128xf32, #tpu.memory_space<hbm>>) target_semaphore(%run_scoped3A_779 : memref<!tpu.dma_semaphore, #tpu.memory_space<semaphore_mem>>)
      %dma_wait3A_785 = arith.constant 0 : i32
      %dma_wait3A_786 = tpu.memref_slice %arg4[%arg0, %mul3A_216, %dma_wait3A_785] : memref<2x10240x128xf32, #tpu.memory_space<hbm>> -> memref<1x640x128xf32, #tpu.memory_space<hbm>>
      %dma_wait3A_787 = tpu.memref_squeeze %dma_wait3A_786 : memref<1x640x128xf32, #tpu.memory_space<hbm>> -> memref<640x128xf32, #tpu.memory_space<hbm>>
      %dma_wait3A_788 = arith.constant 0 : i32
      %dma_wait3A_789 = tpu.memref_slice %arg15[%mul3A_216, %dma_wait3A_788] : memref<10240x128xf32, #tpu.memory_space<vmem_shared>> -> memref<640x128xf32, #tpu.memory_space<vmem_shared>>
      tpu.wait_dma2 semaphore(%run_scoped3A_779 : memref<!tpu.dma_semaphore, #tpu.memory_space<semaphore_mem>>) src(%dma_wait3A_789 : memref<640x128xf32, #tpu.memory_space<vmem_shared>>) dst(%dma_wait3A_787 : memref<640x128xf32, #tpu.memory_space<hbm>>)
      tpu.yield
    }) : () -> ()
    "tpu.region"() ({
      %run_scoped3A_779 = tpu.sem_alloc : memref<!tpu.dma_semaphore, #tpu.memory_space<semaphore_mem>>
      %dma_start3A_780 = tpu.memref_slice %arg5[%arg0, %mul3A_216] : memref<2x10240xf32, #tpu.memory_space<hbm>> -> memref<1x640xf32, #tpu.memory_space<hbm>>
      %dma_start3A_781 = tpu.memref_squeeze %dma_start3A_780 : memref<1x640xf32, #tpu.memory_space<hbm>> -> memref<640xf32, #tpu.memory_space<hbm>>
      %dma_start3A_782 = tpu.memref_slice %arg16[%mul3A_216] : memref<10240xf32, #tpu.memory_space<vmem_shared>> -> memref<640xf32, #tpu.memory_space<vmem_shared>>
      tpu.enqueue_dma source(%dma_start3A_782 : memref<640xf32, #tpu.memory_space<vmem_shared>>) target(%dma_start3A_781 : memref<640xf32, #tpu.memory_space<hbm>>) target_semaphore(%run_scoped3A_779 : memref<!tpu.dma_semaphore, #tpu.memory_space<semaphore_mem>>)
      %dma_wait3A_783 = tpu.memref_slice %arg5[%arg0, %mul3A_216] : memref<2x10240xf32, #tpu.memory_space<hbm>> -> memref<1x640xf32, #tpu.memory_space<hbm>>
      %dma_wait3A_784 = tpu.memref_squeeze %dma_wait3A_783 : memref<1x640xf32, #tpu.memory_space<hbm>> -> memref<640xf32, #tpu.memory_space<hbm>>
      %dma_wait3A_785 = tpu.memref_slice %arg16[%mul3A_216] : memref<10240xf32, #tpu.memory_space<vmem_shared>> -> memref<640xf32, #tpu.memory_space<vmem_shared>>
      tpu.wait_dma2 semaphore(%run_scoped3A_779 : memref<!tpu.dma_semaphore, #tpu.memory_space<semaphore_mem>>) src(%dma_wait3A_785 : memref<640xf32, #tpu.memory_space<vmem_shared>>) dst(%dma_wait3A_784 : memref<640xf32, #tpu.memory_space<hbm>>)
      tpu.yield
    }) : () -> ()
    return
  }
}

module attributes {stable_mosaic.version = 14 : i64} {
  func.func @_tc_head_body(%arg0: i32, %arg1: memref<5000x128xf32, #tpu.memory_space<vmem>>, %arg2: memref<128x128xf32, #tpu.memory_space<vmem>>, %arg3: memref<5000x128xf32, #tpu.memory_space<vmem>>) attributes {dimension_semantics = [#tpu.dimension_semantics<arbitrary>], iteration_bounds = array<i64: 2>, scalar_prefetch = 0 : i64, scratch_operands = 0 : i64, tpu.core_type = #tpu.core_type<tc>, window_params = [{transform_indices = @transform_0, window_bounds = array<i64: 5000, 128>}, {pipeline_mode = #tpu.pipeline_mode<synchronous>, transform_indices = @transform_1, window_bounds = array<i64: 128, 128>}, {transform_indices = @transform_2, window_bounds = array<i64: 5000, 128>}]} {
    %get3A = arith.constant 0 : index
    %get3A_0 = arith.constant 0 : index
    %get3A_1 = vector.load %arg1[%get3A, %get3A_0] : memref<5000x128xf32, #tpu.memory_space<vmem>>, vector<5000x128xf32>
    %get3A_2 = arith.constant 0 : index
    %get3A_3 = arith.constant 0 : index
    %get3A_4 = vector.load %arg2[%get3A_2, %get3A_3] : memref<128x128xf32, #tpu.memory_space<vmem>>, vector<128x128xf32>
    %dot_general3A = arith.constant dense<0.000000e+00> : vector<5000x128xf32>
    %dot_general3A_5 = tpu.matmul %get3A_1, %get3A_4, %dot_general3A {dimension_numbers = #tpu.dot_dimension_numbers<[1], [1], [0], [0], [0, 0, 1, 0], [], []>, transpose_lhs_hint = false} : vector<5000x128xf32>, vector<128x128xf32>, vector<5000x128xf32> -> vector<5000x128xf32>
    %swap3A = arith.constant 0 : index
    %swap3A_6 = arith.constant 0 : index
    %swap3A_7 = vector.load %arg3[%swap3A, %swap3A_6] : memref<5000x128xf32, #tpu.memory_space<vmem>>, vector<5000x128xf32>
    tpu.vector_store %arg3[%swap3A, %swap3A_6], %dot_general3A_5 {strides = array<i32>} : memref<5000x128xf32, #tpu.memory_space<vmem>>, vector<5000x128xf32>,
    return
  }
  func.func @transform_0(%arg0: i32) -> (i32, i32) {
    %c0_i32 = arith.constant 0 : i32
    %c0_i32_0 = arith.constant 0 : i32
    return %arg0, %c0_i32 : i32, i32
  }
  func.func @transform_1(%arg0: i32) -> (i32, i32) {
    %c0_i32 = arith.constant 0 : i32
    %c0_i32_0 = arith.constant 0 : i32
    %c0_i32_1 = arith.constant 0 : i32
    return %c0_i32, %c0_i32_0 : i32, i32
  }
  func.func @transform_2(%arg0: i32) -> (i32, i32) {
    %c0_i32 = arith.constant 0 : i32
    %c0_i32_0 = arith.constant 0 : i32
    return %arg0, %c0_i32 : i32, i32
  }
}

module attributes {stable_mosaic.version = 14 : i64} {
  func.func @_tc_body(%arg0: i32, %arg1: memref<5000x128xf32, #tpu.memory_space<vmem>>, %arg2: memref<2x5000x128xf32, #tpu.memory_space<vmem>>, %arg3: memref<5000x2xf32, #tpu.memory_space<vmem>>, %arg4: memref<128x128xf32, #tpu.memory_space<vmem>>, %arg5: memref<1x128xf32, #tpu.memory_space<vmem>>, %arg6: memref<1x128xf32, #tpu.memory_space<vmem>>, %arg7: memref<5000x128xf32, #tpu.memory_space<vmem>>) attributes {dimension_semantics = [#tpu.dimension_semantics<arbitrary>], iteration_bounds = array<i64: 2>, scalar_prefetch = 0 : i64, scratch_operands = 0 : i64, tpu.core_type = #tpu.core_type<tc>, window_params = [{transform_indices = @transform_0, window_bounds = array<i64: 5000, 128>}, {transform_indices = @transform_1, window_bounds = array<i64: 2, 5000, 128>}, {transform_indices = @transform_2, window_bounds = array<i64: 5000, 2>}, {pipeline_mode = #tpu.pipeline_mode<synchronous>, transform_indices = @transform_3, window_bounds = array<i64: 128, 128>}, {pipeline_mode = #tpu.pipeline_mode<synchronous>, transform_indices = @transform_4, window_bounds = array<i64: 1, 128>}, {pipeline_mode = #tpu.pipeline_mode<synchronous>, transform_indices = @transform_5, window_bounds = array<i64: 1, 128>}, {transform_indices = @transform_6, window_bounds = array<i64: 5000, 128>}]} {
    %get3A = arith.constant 0 : index
    %get3A_0 = arith.constant 0 : index
    %get3A_1 = arith.constant 0 : index
    %get3A_2 = vector.load %arg2[%get3A, %get3A_0, %get3A_1] : memref<2x5000x128xf32, #tpu.memory_space<vmem>>, vector<1x5000x128xf32>
    %get3A_3 = vector.shape_cast %get3A_2 : vector<1x5000x128xf32> to vector<5000x128xf32>
    %get3A_4 = arith.constant 1 : index
    %get3A_5 = arith.constant 0 : index
    %get3A_6 = arith.constant 0 : index
    %get3A_7 = vector.load %arg2[%get3A_4, %get3A_5, %get3A_6] : memref<2x5000x128xf32, #tpu.memory_space<vmem>>, vector<1x5000x128xf32>
    %get3A_8 = vector.shape_cast %get3A_7 : vector<1x5000x128xf32> to vector<5000x128xf32>
    %add3A = arith.addf %get3A_3, %get3A_8 : vector<5000x128xf32>
    %get3A_9 = arith.constant 0 : index
    %get3A_10 = arith.constant 0 : index
    %get3A_11 = vector.load %arg3[%get3A_9, %get3A_10] : memref<5000x2xf32, #tpu.memory_space<vmem>>, vector<5000x1xf32>
    %get3A_12 = arith.constant 0 : index
    %get3A_13 = arith.constant 1 : index
    %get3A_14 = vector.load %arg3[%get3A_12, %get3A_13] : memref<5000x2xf32, #tpu.memory_space<vmem>>, vector<5000x1xf32>
    %add3A_15 = arith.addf %get3A_11, %get3A_14 : vector<5000x1xf32>
    %max3A = arith.constant 1.000000e+00 : f32
    %max3A_16 = vector.broadcast %max3A : f32 to vector<5000x1xf32>
    %max3A_17 = arith.maximumf %add3A_15, %max3A_16 : vector<5000x1xf32>
    %div3A = arith.constant 1.000000e+00 : f32
    %div3A_18 = vector.broadcast %div3A : f32 to vector<5000x1xf32>
    %div3A_19 = arith.divf %div3A_18, %max3A_17 : vector<5000x1xf32>
    %mul3A = vector.broadcast %div3A_19 : vector<5000x1xf32> to vector<5000x128xf32>
    %mul3A_20 = arith.mulf %add3A, %mul3A : vector<5000x128xf32>
    %get3A_21 = arith.constant 0 : index
    %get3A_22 = arith.constant 0 : index
    %get3A_23 = vector.load %arg1[%get3A_21, %get3A_22] : memref<5000x128xf32, #tpu.memory_space<vmem>>, vector<5000x128xf32>
    %get3A_24 = arith.constant 0 : index
    %get3A_25 = arith.constant 0 : index
    %get3A_26 = vector.load %arg4[%get3A_24, %get3A_25] : memref<128x128xf32, #tpu.memory_space<vmem>>, vector<128x128xf32>
    %dot_general3A = arith.constant dense<0.000000e+00> : vector<5000x128xf32>
    %dot_general3A_27 = tpu.matmul %mul3A_20, %get3A_26, %dot_general3A {dimension_numbers = #tpu.dot_dimension_numbers<[1], [1], [0], [0], [0, 0, 1, 0], [], []>, transpose_lhs_hint = false} : vector<5000x128xf32>, vector<128x128xf32>, vector<5000x128xf32> -> vector<5000x128xf32>
    %add3A_28 = arith.addf %get3A_23, %dot_general3A_27 : vector<5000x128xf32>
    %reduce_sum3A = arith.constant dense<0.000000e+00> : vector<5000xf32>
    %reduce_sum3A_29 = vector.multi_reduction <add>, %add3A_28, %reduce_sum3A [1] : vector<5000x128xf32> to vector<5000xf32>
    %broadcast_in_dim3A = vector.shape_cast %reduce_sum3A_29 : vector<5000xf32> to vector<5000x1xf32>
    %div3A_30 = arith.constant 1.280000e+02 : f32
    %div3A_31 = vector.broadcast %div3A_30 : f32 to vector<5000x1xf32>
    %div3A_32 = arith.divf %broadcast_in_dim3A, %div3A_31 : vector<5000x1xf32>
    %sub3A = vector.broadcast %div3A_32 : vector<5000x1xf32> to vector<5000x128xf32>
    %sub3A_33 = arith.subf %add3A_28, %sub3A : vector<5000x128xf32>
    %mul3A_34 = arith.mulf %sub3A_33, %sub3A_33 : vector<5000x128xf32>
    %reduce_sum3A_35 = arith.constant dense<0.000000e+00> : vector<5000xf32>
    %reduce_sum3A_36 = vector.multi_reduction <add>, %mul3A_34, %reduce_sum3A_35 [1] : vector<5000x128xf32> to vector<5000xf32>
    %broadcast_in_dim3A_37 = vector.shape_cast %reduce_sum3A_36 : vector<5000xf32> to vector<5000x1xf32>
    %div3A_38 = arith.constant 1.280000e+02 : f32
    %div3A_39 = vector.broadcast %div3A_38 : f32 to vector<5000x1xf32>
    %div3A_40 = arith.divf %broadcast_in_dim3A_37, %div3A_39 : vector<5000x1xf32>
    %add3A_41 = arith.constant 9.99999974E-6 : f32
    %add3A_42 = vector.broadcast %add3A_41 : f32 to vector<5000x1xf32>
    %add3A_43 = arith.addf %div3A_40, %add3A_42 : vector<5000x1xf32>
    %rsqrt3A = math.rsqrt %add3A_43 : vector<5000x1xf32>
    %mul3A_44 = vector.broadcast %rsqrt3A : vector<5000x1xf32> to vector<5000x128xf32>
    %mul3A_45 = arith.mulf %sub3A_33, %mul3A_44 : vector<5000x128xf32>
    %get3A_46 = arith.constant 0 : index
    %get3A_47 = arith.constant 0 : index
    %get3A_48 = vector.load %arg5[%get3A_46, %get3A_47] : memref<1x128xf32, #tpu.memory_space<vmem>>, vector<1x128xf32>
    %mul3A_49 = vector.broadcast %get3A_48 : vector<1x128xf32> to vector<5000x128xf32>
    %mul3A_50 = arith.mulf %mul3A_45, %mul3A_49 : vector<5000x128xf32>
    %get3A_51 = arith.constant 0 : index
    %get3A_52 = arith.constant 0 : index
    %get3A_53 = vector.load %arg6[%get3A_51, %get3A_52] : memref<1x128xf32, #tpu.memory_space<vmem>>, vector<1x128xf32>
    %add3A_54 = vector.broadcast %get3A_53 : vector<1x128xf32> to vector<5000x128xf32>
    %add3A_55 = arith.addf %mul3A_50, %add3A_54 : vector<5000x128xf32>
    %swap3A = arith.constant 0 : index
    %swap3A_56 = arith.constant 0 : index
    %swap3A_57 = vector.load %arg7[%swap3A, %swap3A_56] : memref<5000x128xf32, #tpu.memory_space<vmem>>, vector<5000x128xf32>
    tpu.vector_store %arg7[%swap3A, %swap3A_56], %add3A_55 {strides = array<i32>} : memref<5000x128xf32, #tpu.memory_space<vmem>>, vector<5000x128xf32>,
    return
  }
  func.func @transform_0(%arg0: i32) -> (i32, i32) {
    %c0_i32 = arith.constant 0 : i32
    %c0_i32_0 = arith.constant 0 : i32
    return %arg0, %c0_i32 : i32, i32
  }
  func.func @transform_1(%arg0: i32) -> (i32, i32, i32) {
    %c0_i32 = arith.constant 0 : i32
    %c0_i32_0 = arith.constant 0 : i32
    %c0_i32_1 = arith.constant 0 : i32
    return %c0_i32, %arg0, %c0_i32_0 : i32, i32, i32
  }
  func.func @transform_2(%arg0: i32) -> (i32, i32) {
    %c0_i32 = arith.constant 0 : i32
    %c0_i32_0 = arith.constant 0 : i32
    return %arg0, %c0_i32 : i32, i32
  }
  func.func @transform_3(%arg0: i32) -> (i32, i32) {
    %c0_i32 = arith.constant 0 : i32
    %c0_i32_0 = arith.constant 0 : i32
    %c0_i32_1 = arith.constant 0 : i32
    return %c0_i32, %c0_i32_0 : i32, i32
  }
  func.func @transform_4(%arg0: i32) -> (i32, i32) {
    %c0_i32 = arith.constant 0 : i32
    %c0_i32_0 = arith.constant 0 : i32
    %c0_i32_1 = arith.constant 0 : i32
    return %c0_i32, %c0_i32_0 : i32, i32
  }
  func.func @transform_5(%arg0: i32) -> (i32, i32) {
    %c0_i32 = arith.constant 0 : i32
    %c0_i32_0 = arith.constant 0 : i32
    %c0_i32_1 = arith.constant 0 : i32
    return %c0_i32, %c0_i32_0 : i32, i32
  }
  func.func @transform_6(%arg0: i32) -> (i32, i32) {
    %c0_i32 = arith.constant 0 : i32
    %c0_i32_0 = arith.constant 0 : i32
    return %arg0, %c0_i32 : i32, i32
  }
}

</mosaic_0001>

<sc_bundles>
// kernel: kernel.5.cloned.1.call-start
scs
__scs_entry_jumppad:
0x0: {  	(pc) =	sbr.rel $0x88, $3  }
0x1: {  	(tag) =	ssettag $0x0;
	lr =	simm.s32 $0x1  }
0x2: {  	[smem:$0x3F9B] =	sst lr;
	_ =	strace $0xD0000000  }
0x3: {  	_ = 	snop  }
0x4: {  	_ = 	snop  }
0x5: {  	_ = 	snop  }
0x6: {  	_ = 	snop  }
0x7: {  	_ = 	snop  }
__scs_overlays_trampoline_lowered:
0x8: {  	[smem:$0x3FAA] =	sst s0  }
0x9: {  	[smem:$0x3FAB] =	sst s1  }
0xa: {  	[smem:$0x3FAC] =	sst s2  }
0xb: {  	[smem:$0x3FAD] =	sst s3  }
0xc: {  	[smem:$0x3FAE] =	sst s4  }
0xd: {  	[smem:$0x3FAF] =	sst s5  }
0xe: {  	[smem:$0x3FB0] =	sst s6  }
0xf: {  	[smem:$0x3FB1] =	sst s7  }
0x10: {  	[smem:$0x3FB2] =	sst s8  }
0x11: {  	[smem:$0x3FB3] =	sst s9;
	s0 =	simm.s32 @!p0 $0x0  }
0x12: {  	s1 =	sld [smem:$0x3F99];
	s0 =	simm.s32 @p0 $0x1  }
0x13: {  	[smem:$0x3FB4] =	sst s0;
	s0 =	simm.s32 @!p1 $0x0  }
0x14: {  	s2 =	sld [smem:$0x3F98];
	s0 =	simm.s32 @p1 $0x1  }
0x15: {  	[smem:$0x3FB5] =	sst s0;
	s0 =	simm.s32 @!p2 $0x0  }
0x16: {  	s3 =	sld [smem:$0x3FDB];
	s0 =	simm.s32 @p2 $0x1  }
0x17: {  	s4 =	simm.s32 $0x1BF5;
	[smem:$0x3FB7] =	sst s0  }
0x18: {  	s0 =	sld [smem:$0x3F9A];
	_ =	swait.ge [sflag:s4], $0x0  }
0x19: {  	s7 =	sld [smem:$0x3F9B]  }
0x1a: {  	s8 =	sadd.s32 $0xFFFFE003, lr  }
0x1b: {  	s9 =	sadd.s32 $0xFFFFFEF7, lr;
	s5 =	simm.s32 $0xFFFFFFFF;
	p2 =	slt.u32 s8, $0xFFFFF086  }
0x1c: {  	p1 =	slt.u32 s9, $0xF7A;
	s5 =	simm.s32 @!p2 $0x0  }
0x1d: {  	s5 =	simm.s32 @p1 $0x1;
	p0 =	seq.s32 s7, s2  }
0x1e: {  	s7 =	smul.u32 @!p0 $0xF7A, s2;
	p2 =	seq.s32 @!p0 s5, $0x0  }
0x1f: {  	s9 =	smul.u32 $0xF7A, s1;
	s8 =	simm.s32 @!p0 $0x1BF5;
	p2 =	por !p2, p0  }
0x20: {  	[sflag:s8] =	ssyncset.s32 @!p0 $0xFFFFF086;
	s6 =	sadd.s32 @!p0 s3, s7;
	s7 =	simm.s32 @!p0 $0x108  }
0x21: {  	s3 =	sadd.s32 s3, s9;
	s6 =	sadd.s32 @!p0 $0x88, s6;
	s7 =	simm.s32 @p2 $0x1082  }
0x22: {  	[simem:s7], [sflag:s8] =	dma.local @!p0 [hbm:s6], $0xF7A  }
0x23: {  	s9 =	sor.u32 $0xD0000000, s2;
	s6 =	simm.s32 $0x108;
	_ =	swait.ge @!p0 [sflag:s8], $0x0  }
0x24: {  	s3 =	sadd.s32 $0x88, s3;
	s6 =	simm.s32 @!p1 $0x1082;
	[sflag:s4] =	ssyncset.s32 $0xFFFFF086  }
0x25: {  	[simem:s6], [sflag:s4] =	dma.local [hbm:s3], $0xF7A  }
0x26: {  	[smem:$0x3F9B] =	sst s1;
	(tag) =	ssettag s2;
	_ =	strace s9  }
0x27: {  	s1 =	sld [smem:$0x3FAB]  }
0x28: {  	s2 =	sld [smem:$0x3FAC]  }
0x29: {  	s4 =	sld [smem:$0x3FAE]  }
0x2a: {  	p0 =	seq.s32 s5, $0x0;
	s5 =	sld [smem:$0x3FAF]  }
0x2b: {  	s6 =	sld [smem:$0x3FB0]  }
0x2c: {  	s7 =	sld [smem:$0x3FB1]  }
0x2d: {  	s3 =	simm.s32 $0x108;
	s8 =	sld [smem:$0x3FB2]  }
0x2e: {  	s3 =	simm.s32 @!p0 $0x1082;
	s9 =	sld [smem:$0x3FB3]  }
0x2f: {  	lr =	sadd.s32 s0, s3;
	s0 =	sld [smem:$0x3FAA]  }
0x30: {  	s3 =	sld [smem:$0x3FAD]  }
0x31: {  	[smem:$0x3FB6] =	sst s10  }
0x32: {  	s10 =	sld [smem:$0x3FB4];
	_ =	sdelay $0x3  }
0x33: {  	p0 =	seq.s32 s10, $0x1;
	s10 =	sld [smem:$0x3FB6];
	_ =	sdelay $0x3  }
0x34: {  	[smem:$0x3FB6] =	sst s10  }
0x35: {  	s10 =	sld [smem:$0x3FB5];
	_ =	sdelay $0x3  }
0x36: {  	p1 =	seq.s32 s10, $0x1;
	s10 =	sld [smem:$0x3FB6];
	_ =	sdelay $0x3  }
0x37: {  	[smem:$0x3FB6] =	sst s10  }
0x38: {  	s10 =	sld [smem:$0x3FB7]  }
0x39: {  	_ = 	snop;
	(pc) =	sbr.ind lr, $3  }
0x3a: {  	_ = 	snop  }
0x3b: {  	_ = 	snop  }
0x3c: {  	p2 =	seq.s32 s10, $0x1;
	s10 =	sld [smem:$0x3FB6]  }
0x3d: {  	_ =	shalt  }
0x3e: {  	_ =	shalt  }
0x3f: {  	_ =	shalt  }
0x40: {  	_ =	shalt  }
0x41: {  	_ =	shalt  }
0x42: {  	_ =	shalt  }
0x43: {  	_ =	shalt  }
0x44: {  	_ =	shalt  }
0x45: {  	_ =	shalt  }
0x46: {  	_ =	shalt  }
0x47: {  	_ =	shalt  }
0x48: {  	_ =	shalt  }
0x49: {  	_ =	shalt  }
0x4a: {  	_ =	shalt  }
0x4b: {  	_ =	shalt  }
0x4c: {  	_ =	shalt  }
0x4d: {  	_ =	shalt  }
0x4e: {  	_ =	shalt  }
0x4f: {  	_ =	shalt  }
0x50: {  	_ =	shalt  }
0x51: {  	_ =	shalt  }
0x52: {  	_ =	shalt  }
0x53: {  	_ =	shalt  }
0x54: {  	_ =	shalt  }
0x55: {  	_ =	shalt  }
0x56: {  	_ =	shalt  }
0x57: {  	_ =	shalt  }
0x58: {  	_ =	shalt  }
0x59: {  	_ =	shalt  }
0x5a: {  	_ =	shalt  }
0x5b: {  	_ =	shalt  }
0x5c: {  	_ =	shalt  }
0x5d: {  	_ =	shalt  }
0x5e: {  	_ =	shalt  }
0x5f: {  	_ =	shalt  }
0x60: {  	_ =	shalt  }
0x61: {  	_ =	shalt  }
0x62: {  	_ =	shalt  }
0x63: {  	_ =	shalt  }
0x64: {  	_ =	shalt  }
0x65: {  	_ =	shalt  }
0x66: {  	_ =	shalt  }
0x67: {  	_ =	shalt  }
0x68: {  	_ =	shalt  }
0x69: {  	_ =	shalt  }
0x6a: {  	_ =	shalt  }
0x6b: {  	_ =	shalt  }
0x6c: {  	_ =	shalt  }
0x6d: {  	_ =	shalt  }
0x6e: {  	_ =	shalt  }
0x6f: {  	_ =	shalt  }
0x70: {  	_ =	shalt  }
0x71: {  	_ =	shalt  }
0x72: {  	_ =	shalt  }
0x73: {  	_ =	shalt  }
0x74: {  	_ =	shalt  }
0x75: {  	_ =	shalt  }
0x76: {  	_ =	shalt  }
0x77: {  	_ =	shalt  }
0x78: {  	_ =	shalt  }
0x79: {  	_ =	shalt  }
0x7a: {  	_ =	shalt  }
0x7b: {  	_ =	shalt  }
0x7c: {  	_ =	shalt  }
0x7d: {  	_ =	shalt  }
0x7e: {  	_ =	shalt  }
0x7f: {  	_ =	shalt  }
0x80: {  	_ =	shalt  }
0x81: {  	_ =	shalt  }
0x82: {  	_ =	shalt  }
0x83: {  	_ =	shalt  }
0x84: {  	_ =	shalt  }
0x85: {  	_ =	shalt  }
0x86: {  	_ =	shalt  }
0x87: {  	_ =	shalt  }
.Lfunc_end0:
.L_simem_size_0:
called_computation_lowered:
.L_overlay_start_0:
0x88: {  	s2 =	sld [smem:$0x3FD9]  }
0x89: {  	s3 =	sld [smem:$0x3FFE];
	_ =	sdelay $0x1  }
0x8a: {  	s1 =	srdreg.scid  }
0x8b: {  	s0 =	sand.u32 $0x1, s1  }
0x8c: {  	s17 =	sshll.u32 s0, $0xA;
	s2 =	sadd.s32 s3, s2  }
0x8d: {  	s2 =	sadd.s32 s2, s17  }
0x8e: {  	[smem:$0x3FC2] =	sst s2  }
0x8f: {  	_ = 	snop  }
0x90: {  	s2 =	sld [smem:$0x3FC9]  }
0x91: {  	s18 =	sld [smem:$0x3FD0];
	(tm) =	ssettm $0x1  }
0x92: {  	s4 =	sld [smem:$0x3FFB];
	_ =	sdelay $0x3  }
0x93: {  	_ =	strace s4  }
0x94: {  	s4 =	sld [smem:$0x3FFC];
	_ =	sdelay $0x3  }
0x95: {  	_ =	strace s4  }
0x96: {  	s4 =	sld [smem:$0x3FFD];
	_ =	sdelay $0x3  }
0x97: {  	_ =	strace s4  }
0x98: {  	_ =	strace $0x8FFFFFFF  }
0x99: {  	s19 =	sld [smem:$0x3FDB];
	_ =	sdelay $0x1  }
0x9a: {  	s5 =	simm.s32 $_scs_section_size  }
0x9b: {  	s6 =	simm.s32 $_size__tile_overlayer_lowered;
	s7 =	simm.s32 $_tile_overlayer_lowered  }
0x9c: {  	s22 =	simm.s32 $0x1BFF;
	s21 =	sshll.u32 s7, $0x1;
	s4 =	sadd.s32 s5, s19  }
0x9d: {  	s8 =	simm.s32 $0x0;
	s20 =	sshll.u32 s6, $0x1;
	s6 =	sadd.s32 s21, s4  }
0x9e: {  	[timem:s8], [sflag:s22] =	dma.local [hbm:s6], s20  }
0x9f: {  	_ =	swait.ge [sflag:s22], s20  }
0xa0: {  	s5 =	ssub.s32 $0x0, s20;
	[sflag:s22] =	ssyncset.done $0x0  }
0xa1: {  	[sflag:s22] =	ssyncadd.s32 s5;
	_ =	sdelay $0x1  }
0xa2: {  	s23 =	simm.s32 $0x1B8B  }
0xa3: {  	_ =	swait.ge [sflag:s23], $0x1  }
0xa4: {  	[sflag:s23] =	ssyncset.done $0x0  }
0xa5: {  	s25 =	simm.s32 $0x1B8E;
	s24 =	sld [smem:$0x3FFE];
	[sflag:s23] =	ssyncadd.s32 $0xFFFFFFFF  }
0xa6: {  	s26 =	simm.s32 $execute0_lowered;
	[smem:$0x3FD2] =	sst s25  }
0xa7: {  	s6 =	sshll.u32 s26, $0x1;
	_ =	strace $0x80000046;
	[dreg:$0x1] =	wrdreg $0xFFFFFFFF  }
0xa8: {  	s28 =	simm.s32 $_size_execute0_lowered;
	s4 =	sadd.s32 s4, s6;
	[dreg:$0x0] =	wrdreg $0x0  }
0xa9: {  	s6 =	sshll.u32 s28, $0x1;
	[dreg:$0x2] =	wrdreg s4  }
0xaa: {  	[dreg:$0x3] =	wrdreg s6  }
0xab: {  	[dreg:$0x4] =	wrdreg $0xC0  }
0xac: {  	_ =	task [dreg:s8], $0x5FFFF  }
0xad: {  	[dreg:$0x1] =	wrdreg $0xFFFFFFFF  }
0xae: {  	[dreg:$0x0] =	wrdreg $0x60  }
0xaf: {  	[dreg:$0x2] =	wrdreg s2  }
0xb0: {  	[dreg:$0x3] =	wrdreg s18  }
0xb1: {  	[dreg:$0x4] =	wrdreg s24  }
0xb2: {  	[dreg:$0x5] =	wrdreg $0xAB000  }
0xb3: {  	[dreg:$0x6] =	wrdreg $0x1EB000  }
0xb4: {  	[dreg:$0x7] =	wrdreg $0x9  }
0xb5: {  	_ =	task.clear_ibuf [dreg:s8], $0x8FFFF;
	_ =	strace $0x90000046  }
0xb6: {  	s29 =	simm.s32 $0x9;
	_ =	strace $0x80000048  }
0xb7: {  	_ =	swait.ge [sflag:s29], $0x1  }
0xb8: {  	[sflag:s29] =	ssyncadd.s32 $0xFFFFFFFF  }
0xb9: {  	_ =	strace $0x90000048  }
0xba: {  	_ =	sfence  }
0xbb: {  	s30 =	sld [smem:$0x0];
	_ =	sdelay $0x2  }
0xbc: {  	s31 =	sshll.u32 s1, $0xD;
	s1 =	sshrl.u32 s1, $0x2  }
0xbd: {  	s3 =	sand.u32 $0x4000, s31;
	s1 =	sadd.s32 s1, s30  }
0xbe: {  	s0 =	sor.u32 s3, s0;
	s1 =	sshll.u32 s1, $0x11  }
0xbf: {  	s0 =	sor.u32 s1, s0  }
0xc0: {  	s0 =	sadd.s32 $0x8F2B, s0  }
0xc1: {  	[sflag:s0] =	ssyncadd.remote.s32 $0x1  }
0xc2: {  	_ =	sfence.sel $0xFFFF  }
0xc3: {  	[dreg:$0x0] =	wrdreg $0xFFFFFFFF;
	(pc) =	sbr.abs _section_cstart, $3  }
0xc4: {  	[dreg:$0x1] =	wrdreg $0xFFFFFFFF  }
0xc5: {  	_ =	task.clear_ibuf [dreg:s8], $0x2FFFF;
	_ =	strace $0x9FFFFFFF  }
0xc6: {  	(tm) =	ssettm $0x7FFFFFFF  }
0xc7: {  	_ =	shalt  }
tec
execute0_lowered:
.L_overlay_start_1:
0x0: {  	(tag) =	ssettag $0x1  }
0x1: {  	s0 =	rddreg [dreg:$0x0]  }
0x2: {  	s1 =	rddreg [dreg:$0x1]  }
0x3: {  	s3 =	srdreg.scid;
	s11 =	stileid.u32  }
0x4: {  	s2 =	rddreg [dreg:$0x2];
	s3 =	sand.u32 $0x1, s3;
	s9 =	sshll.u32 s11, $0x1  }
0x5: {  	s4 =	rddreg [dreg:$0x3];
	s9 =	sor.u32 s3, s9  }
0x6: {  	s5 =	rddreg [dreg:$0x4];
	s6 =	simm.s32 $0x0;
	s12 =	smul.u32 $0x2710, s9  }
0x7: {  	[smem:$0x7FF] =	sst s6;
	s7 =	smul.u32 $0x140000, s3  }
0x8: {  	_ =	strace $0x80000047;
	s17 =	sadd.s32 $0x280, s12;
	[dreg:$0xd] =	wrdreg s12  }
0x9: {  	s10 =	sshll.u32 s3, $0x7;
	s18 =	sadd.s32 $0x2D0, s12;
	[dreg:$0x6] =	wrdreg s17  }
0xa: {  	s3 =	ssub.s32 $0x2, s3;
	s20 =	sadd.s32 $0x320, s12;
	[dreg:$0x7] =	wrdreg s18  }
0xb: {  	s24 =	sshrl.u32 s3, $0x1;
	s22 =	sadd.s32 $0x370, s12;
	[dreg:$0x8] =	wrdreg s20  }
0xc: {  	s3 =	ssub.s32 s3, s24;
	s24 =	sadd.s32 $0x3C0, s12;
	[dreg:$0x9] =	wrdreg s22  }
0xd: {  	s9 =	sshrl.u32 s12, $0x3;
	[dreg:$0xa] =	wrdreg s24;
	s18 =	smax.u32 s3, $0x1  }
0xe: {  	s30 =	simm.s32 $0x80;
	s13 =	sadd.s32 s1, s9;
	[dreg:$0x1f] =	wrdreg s18  }
0xf: {  	s8 =	smul.u32 $0x14000, s11;
	s25 =	sadd.s32 $0x9C40, s13;
	[dreg:$0xe] =	wrdreg s13  }
0x10: {  	s23 =	smul.u32 $0x500, s11;
	s26 =	sadd.s32 $0xA, s13;
	[dreg:$0xf] =	wrdreg s25  }
0x11: {  	s7 =	sadd.s32 s8, s7;
	s9 =	sadd.s32 $0x9C4A, s13;
	[dreg:$0x10] =	wrdreg s26  }
0x12: {  	s8 =	sor.u32 s10, s23;
	s10 =	sadd.s32 $0x14, s13;
	[dreg:$0x11] =	wrdreg s9  }
0x13: {  	s31 =	simm.s32 $0x100;
	s14 =	sadd.s32 $0x9C54, s13;
	[dreg:$0x12] =	wrdreg s10  }
0x14: {  	s28 =	simm.s32 $0x200;
	s15 =	sadd.s32 $0x1E, s13;
	[dreg:$0x13] =	wrdreg s14  }
0x15: {  	s7 =	sshrl.u32 s7, $0x3;
	s16 =	sadd.s32 $0x9C5E, s13;
	[dreg:$0x14] =	wrdreg s15  }
0x16: {  	s8 =	sshrl.u32 s8, $0x3;
	s19 =	sadd.s32 $0x9C68, s13;
	[dreg:$0x15] =	wrdreg s16  }
0x17: {  	s7 =	sadd.s32 s7, s2;
	s21 =	sadd.s32 $0x32, s13;
	[dreg:$0x17] =	wrdreg s19  }
0x18: {  	s2 =	sadd.s32 s8, s2;
	s7 =	sadd.s32 $0x2400, s7;
	[dreg:$0x18] =	wrdreg s21  }
0x19: {  	s29 =	simm.s32 $0x50;
	s2 =	sadd.s32 $0x1A00, s2;
	[dreg:$0x1d] =	wrdreg s7  }
0x1a: {  	s23 =	smul.u32 $0x50000, s11;
	s9 =	sadd.s32 $0x28, s13;
	[dreg:$0x1e] =	wrdreg s2  }
0x1b: {  	s8 =	simm.s32 $0x600;
	s14 =	sadd.s32 $0x9C72, s13;
	[dreg:$0x16] =	wrdreg s9  }
0x1c: {  	s3 =	simm.s32 $0x5800;
	s26 =	sadd.s32 $0x410, s12;
	[dreg:$0x19] =	wrdreg s14  }
0x1d: {  	s18 =	simm.s32 $0x18;
	s15 =	sadd.s32 $0x460, s12;
	[dreg:$0xb] =	wrdreg s26  }
0x1e: {  	s25 =	smul.u32 $0xA00, s11;
	s16 =	sadd.s32 $0x3C, s13;
	[dreg:$0xc] =	wrdreg s15  }
0x1f: {  	s19 =	sadd.s32 $0x9C7C, s13;
	s9 =	sshrl.u32 s23, $0x2;
	[dreg:$0x1a] =	wrdreg s16  }
0x20: {  	[smem:$0x7F6] =	sst s19;
	s10 =	sshrl.u32 s25, $0x2;
	s12 =	sadd.s32 s9, s4  }
0x21: {  	s11 =	simm.s32 $0x400;
	s17 =	sadd.s32 s10, s5;
	[dreg:$0x1b] =	wrdreg s12  }
0x22: {  	s2 =	simm.s32 $0x500;
	s20 =	sadd.s32 $0x2800, s12;
	[dreg:$0x1c] =	wrdreg s17  }
0x23: {  	s7 =	simm.s32 $0x15;
	s21 =	sadd.s32 $0x5000, s12;
	[smem:$0x7F7] =	sst s20  }
0x24: {  	s13 =	simm.s32 $0x12;
	s22 =	sadd.s32 $0x7800, s12;
	[smem:$0x7F8] =	sst s21  }
0x25: {  	s15 =	simm.s32 $0x480;
	s23 =	sadd.s32 $0xA000, s12;
	[smem:$0x7F9] =	sst s22  }
0x26: {  	s19 =	simm.s32 $0x180;
	s24 =	sadd.s32 $0xC800, s12;
	[smem:$0x7FA] =	sst s23  }
0x27: {  	s16 =	simm.s32 $0x700;
	s25 =	sadd.s32 $0xF000, s12;
	[smem:$0x7FB] =	sst s24  }
0x28: {  	s14 =	simm.s32 $0x14;
	s26 =	sadd.s32 $0x11800, s12;
	[smem:$0x7FC] =	sst s25  }
0x29: {  	s10 =	simm.s32 $0x17;
	[smem:$0x7FD] =	sst s26;
	s20 =	simm.s32 $0x580  }
0x2a: {  	s25 =	simm.s32 $0x800;
	s26 =	simm.s32 $0x11;
	s23 =	simm.s32 $0xA800  }
0x2b: {  	v0 =	vimm.f32 $0.0e+00;
	v1 =	vimm.f32 $1.000000000e+00;
	s17 =	simm.s32 $0x16;
	s24 =	simm.s32 $0x13;
	s21 =	simm.s32 $0x0  }
.LBB2_1:
0x2c: {  	[smem:$0x7F5] =	sst s21  }
0x2d: {  	s9 =	rddreg [dreg:$0xe]  }
0x2e: {  	s21 =	rddreg [dreg:$0xf]  }
0x2f: {  	[tilespmem:s6], [sflag:$0x1] =	stream.linear.gather [hbm4b:s9+s6], $0x50, $0x38;
	[tilespmem:$0x1ED80] =	vst v63  }
0x30: {  	s22 =	rddreg [dreg:$0x10]  }
0x31: {  	[tilespmem:s11], [sflag:$0x9] =	stream.linear.gather [hbm4b:s21+s6], $0x50, $0x38;
	[tilespmem:$0x1ED80] =	vst v63  }
0x32: {  	s11 =	rddreg [dreg:$0x11]  }
0x33: {  	[tilespmem:s30], [sflag:$0x2] =	stream.linear.gather [hbm4b:s22+s6], $0x50, $0x38;
	[tilespmem:$0x1ED80] =	vst v63  }
0x34: {  	s21 =	rddreg [dreg:$0x12]  }
0x35: {  	[tilespmem:s15], [sflag:$0xA] =	stream.linear.gather [hbm4b:s11+s6], $0x50, $0x38;
	[tilespmem:$0x1ED80] =	vst v63  }
0x36: {  	s22 =	rddreg [dreg:$0x13]  }
0x37: {  	[tilespmem:s31], [sflag:$0x3] =	stream.linear.gather [hbm4b:s21+s6], $0x50, $0x38;
	[tilespmem:$0x1ED80] =	vst v63  }
0x38: {  	s11 =	rddreg [dreg:$0x14]  }
0x39: {  	[tilespmem:s2], [sflag:$0xB] =	stream.linear.gather [hbm4b:s22+s6], $0x50, $0x38;
	[tilespmem:$0x1ED80] =	vst v63  }
0x3a: {  	s15 =	rddreg [dreg:$0x15]  }
0x3b: {  	[tilespmem:s19], [sflag:$0x4] =	stream.linear.gather [hbm4b:s11+s6], $0x50, $0x38;
	[tilespmem:$0x1ED80] =	vst v63  }
0x3c: {  	s21 =	rddreg [dreg:$0x18]  }
0x3d: {  	[tilespmem:s20], [sflag:$0xC] =	stream.linear.gather [hbm4b:s15+s6], $0x50, $0x38;
	[tilespmem:$0x1ED80] =	vst v63  }
0x3e: {  	s19 =	rddreg [dreg:$0x16]  }
0x3f: {  	[tilespmem:s28], [sflag:$0x5] =	stream.linear.gather [hbm4b:s19+s6], $0x50, $0x38;
	[tilespmem:$0x1ED80] =	vst v63  }
0x40: {  	s20 =	rddreg [dreg:$0x17]  }
0x41: {  	[tilespmem:s8], [sflag:$0xD] =	stream.linear.gather [hbm4b:s20+s6], $0x50, $0x38;
	[tilespmem:$0x1ED80] =	vst v63  }
0x42: {  	s22 =	simm.s32 $0x280;
	s2 =	rddreg [dreg:$0x19]  }
0x43: {  	[tilespmem:s22], [sflag:$0x6] =	stream.linear.gather [hbm4b:s21+s6], $0x50, $0x38;
	[tilespmem:$0x1ED80] =	vst v63  }
0x44: {  	s11 =	rddreg [dreg:$0x1a];
	s15 =	simm.s32 $0x300;
	s8 =	simm.s32 $0x680  }
0x45: {  	[tilespmem:s8], [sflag:$0xE] =	stream.linear.gather [hbm4b:s2+s6], $0x50, $0x38;
	[tilespmem:$0x1ED80] =	vst v63  }
0x46: {  	s19 =	sld [smem:$0x7F6];
	s20 =	sand.u32 $0xFE00, s6;
	s21 =	sand.u32 $0x70, s6  }
0x47: {  	[tilespmem:s15], [sflag:$0x7] =	stream.linear.gather [hbm4b:s11+s6], $0x50, $0x38;
	[tilespmem:$0x1ED80] =	vst v63  }
0x48: {  	s22 =	sshrl.u32 s20, $0x2;
	s8 =	simm.s32 $0x300;
	s11 =	simm.s32 $0x40  }
0x49: {  	[tilespmem:s16], [sflag:$0xF] =	stream.linear.gather [hbm4b:s19+s6], $0x50, $0x38;
	[tilespmem:$0x1ED80] =	vst v63  }
0x4a: {  	s15 =	simm.s32 $0x0;
	s19 =	sor.u32 s21, s22;
	s16 =	simm.s32 $0x280  }
.LBB2_2:
0x4b: {  	p0 =	sne.s32 s11, $0x9FC0  }
0x4c: {  	[tilespmem:s19+$0x800] =	vst v0;
	s15 =	sadd.s32 $0x10, s15;
	s19 =	smov.u32 s11;
	s11 =	sadd.s32 $0x40, s11  }
.Ltmp0:
0x4d: {  	(pc) =	sbr.rel @p0 .LBB2_2-.Ltmp0, $4  }
0x4e: {  	_ = 	snop  }
0x4f: {  	s19 =	sand.u32 $0xFE00, s19  }
0x50: {  	s20 =	sand.u32 $0x70, s15;
	s19 =	sshrl.u32 s19, $0x2  }
0x51: {  	s19 =	sor.u32 s20, s19  }
0x52: {  	[tilespmem:s19+$0x800] =	vst v0  }
0x53: {  	[tilespmem:$0xA880] =	vst v0  }
0x54: {  	[tilespmem:$0xA890] =	vst v0  }
0x55: {  	[tilespmem:$0xA8A0] =	vst v0  }
0x56: {  	[tilespmem:$0xA8B0] =	vst v0  }
0x57: {  	[tilespmem:$0xA8C0] =	vst v0  }
0x58: {  	[tilespmem:$0xA8D0] =	vst v0  }
0x59: {  	[tilespmem:$0xA8E0] =	vst v0  }
0x5a: {  	[tilespmem:$0xA8F0] =	vst v0  }
0x5b: {  	[tilespmem:$0xA900] =	vst v0  }
0x5c: {  	[tilespmem:$0xA910] =	vst v0  }
0x5d: {  	[tilespmem:$0xA920] =	vst v0  }
0x5e: {  	[tilespmem:$0xA930] =	vst v0  }
0x5f: {  	[tilespmem:$0xA940] =	vst v0  }
0x60: {  	[tilespmem:$0xA950] =	vst v0  }
0x61: {  	[tilespmem:$0xA960] =	vst v0  }
0x62: {  	[tilespmem:$0xA970] =	vst v0  }
0x63: {  	[tilespmem:$0xA980] =	vst v0  }
0x64: {  	[tilespmem:$0xA990] =	vst v0  }
0x65: {  	[tilespmem:$0xA9A0] =	vst v0  }
0x66: {  	[tilespmem:$0xA9B0] =	vst v0  }
0x67: {  	[tilespmem:$0xA9C0] =	vst v0  }
0x68: {  	[tilespmem:$0xA9D0] =	vst v0  }
0x69: {  	[tilespmem:$0xA9E0] =	vst v0  }
0x6a: {  	[tilespmem:$0xA9F0] =	vst v0  }
0x6b: {  	[tilespmem:$0xAA00] =	vst v0  }
0x6c: {  	[tilespmem:$0xAA10] =	vst v0  }
0x6d: {  	[tilespmem:$0xAA20] =	vst v0  }
0x6e: {  	[tilespmem:$0xAA30] =	vst v0  }
0x6f: {  	[tilespmem:$0xAA40] =	vst v0  }
0x70: {  	[tilespmem:$0xAA50] =	vst v0  }
0x71: {  	[tilespmem:$0xAA60] =	vst v0  }
0x72: {  	[tilespmem:$0xAA70] =	vst v0  }
0x73: {  	[tilespmem:$0xAA80] =	vst v0  }
0x74: {  	[tilespmem:$0xAA90] =	vst v0  }
0x75: {  	[tilespmem:$0xAAA0] =	vst v0  }
0x76: {  	[tilespmem:$0xAAB0] =	vst v0  }
0x77: {  	[tilespmem:$0xAAC0] =	vst v0  }
0x78: {  	[tilespmem:$0xAAD0] =	vst v0  }
0x79: {  	[tilespmem:$0xAAE0] =	vst v0  }
0x7a: {  	[tilespmem:$0xAAF0] =	vst v0  }
0x7b: {  	[tilespmem:$0xA800] =	vst v1  }
0x7c: {  	[tilespmem:$0xA810] =	vst v1  }
0x7d: {  	[tilespmem:$0xA820] =	vst v1  }
0x7e: {  	[tilespmem:$0xA830] =	vst v1  }
0x7f: {  	s11 =	simm.s32 $0x19;
	[tilespmem:$0xA840] =	vst v1  }
0x80: {  	[spmem:s12] =	stream.linear.scatter [tilespmem:s25], [sflag:$0x19], $0x2800, $0x38;
	[tilespmem:$0x1ED80] =	vst v63  }
0x81: {  	_ =	swait.ge [sflag:s11], $0x2800  }
0x82: {  	s9 =	sld [smem:$0x7F7]  }
0x83: {  	[sflag:s11] =	ssyncset.done $0x0  }
0x84: {  	[sflag:s11] =	ssyncadd.s32 $0xFFFFD800  }
0x85: {  	[spmem:s9] =	stream.linear.scatter [tilespmem:s25], [sflag:$0x19], $0x2800, $0x38;
	[tilespmem:$0x1ED80] =	vst v63  }
0x86: {  	_ =	swait.ge [sflag:s11], $0x2800  }
0x87: {  	s22 =	sld [smem:$0x7F8]  }
0x88: {  	[sflag:s11] =	ssyncset.done $0x0  }
0x89: {  	[sflag:s11] =	ssyncadd.s32 $0xFFFFD800  }
0x8a: {  	[spmem:s22] =	stream.linear.scatter [tilespmem:s25], [sflag:$0x19], $0x2800, $0x38;
	[tilespmem:$0x1ED80] =	vst v63  }
0x8b: {  	_ =	swait.ge [sflag:s11], $0x2800  }
0x8c: {  	s2 =	sld [smem:$0x7F9]  }
0x8d: {  	[sflag:s11] =	ssyncset.done $0x0  }
0x8e: {  	[sflag:s11] =	ssyncadd.s32 $0xFFFFD800  }
0x8f: {  	[spmem:s2] =	stream.linear.scatter [tilespmem:s25], [sflag:$0x19], $0x2800, $0x38;
	[tilespmem:$0x1ED80] =	vst v63  }
0x90: {  	_ =	swait.ge [sflag:s11], $0x2800  }
0x91: {  	s12 =	sld [smem:$0x7FA]  }
0x92: {  	[sflag:s11] =	ssyncset.done $0x0  }
0x93: {  	[sflag:s11] =	ssyncadd.s32 $0xFFFFD800  }
0x94: {  	[spmem:s12] =	stream.linear.scatter [tilespmem:s25], [sflag:$0x19], $0x2800, $0x38;
	[tilespmem:$0x1ED80] =	vst v63  }
0x95: {  	_ =	swait.ge [sflag:s11], $0x2800  }
0x96: {  	s15 =	sld [smem:$0x7FB]  }
0x97: {  	[sflag:s11] =	ssyncset.done $0x0  }
0x98: {  	[sflag:s11] =	ssyncadd.s32 $0xFFFFD800  }
0x99: {  	[spmem:s15] =	stream.linear.scatter [tilespmem:s25], [sflag:$0x19], $0x2800, $0x38;
	[tilespmem:$0x1ED80] =	vst v63  }
0x9a: {  	_ =	swait.ge [sflag:s11], $0x2800  }
0x9b: {  	s19 =	sld [smem:$0x7FC]  }
0x9c: {  	[sflag:s11] =	ssyncset.done $0x0  }
0x9d: {  	[sflag:s11] =	ssyncadd.s32 $0xFFFFD800  }
0x9e: {  	[spmem:s19] =	stream.linear.scatter [tilespmem:s25], [sflag:$0x19], $0x2800, $0x38;
	[tilespmem:$0x1ED80] =	vst v63  }
0x9f: {  	_ =	swait.ge [sflag:s11], $0x2800  }
0xa0: {  	s20 =	sld [smem:$0x7FD]  }
0xa1: {  	[sflag:s11] =	ssyncset.done $0x0  }
0xa2: {  	[sflag:s11] =	ssyncadd.s32 $0xFFFFD800  }
0xa3: {  	[spmem:s20] =	stream.linear.scatter [tilespmem:s25], [sflag:$0x19], $0x2800, $0x38;
	[tilespmem:$0x1ED80] =	vst v63  }
0xa4: {  	_ =	swait.ge [sflag:s11], $0x2800  }
0xa5: {  	[sflag:s11] =	ssyncset.done $0x0  }
0xa6: {  	s22 =	simm.s32 $0xA880;
	s21 =	rddreg [dreg:$0x1c];
	[sflag:s11] =	ssyncadd.s32 $0xFFFFD800  }
0xa7: {  	[spmem:s21] =	stream.linear.scatter [tilespmem:s22], [sflag:$0x19], $0x280, $0x38;
	[tilespmem:$0x1ED80] =	vst v63  }
0xa8: {  	_ =	swait.ge [sflag:s11], $0x280  }
0xa9: {  	[sflag:s11] =	ssyncset.done $0x0  }
0xaa: {  	[sflag:s11] =	ssyncadd.s32 $0xFFFFFD80  }
0xab: {  	s20 =	simm.s32 $0x1;
	[bflag:$0x0] =	sbarrier.arrive $0xFFFF  }
0xac: {  	_ =	swait.ge [sflag:s20], $0x50  }
0xad: {  	[sflag:s20] =	ssyncset.done $0x0  }
0xae: {  	s11 =	simm.s32 $0x0;
	[sflag:s20] =	ssyncadd.s32 $0xFFFFFFB0  }
0xaf: {  	[tilespmem:s25], [sflag:$0x11] =	stream.indirect.gather [hbm4b:s0+s29], $0x80, s11, s29, $0xb8;
	[tilespmem:$0x1ED80] =	vst v63  }
0xb0: {  	s25 =	simm.s32 $0x2  }
0xb1: {  	_ =	swait.ge [sflag:s25], $0x50  }
0xb2: {  	[sflag:s25] =	ssyncset.done $0x0  }
0xb3: {  	s2 =	simm.s32 $0x3;
	s21 =	simm.s32 $0x3000;
	[sflag:s25] =	ssyncadd.s32 $0xFFFFFFB0  }
0xb4: {  	[tilespmem:s21], [sflag:$0x12] =	stream.indirect.gather [hbm4b:s0+s29], $0x80, s30, s29, $0xb8;
	[tilespmem:$0x1ED80] =	vst v63  }
0xb5: {  	_ =	swait.ge [sflag:s2], $0x50  }
0xb6: {  	p0 =	por $0x1, $0x1;
	[sflag:s2] =	ssyncset.done $0x0  }
0xb7: {  	s15 =	simm.s32 @!p0 $0x18;
	[sflag:s2] =	ssyncadd.s32 $0xFFFFFFB0  }
0xb8: {  	[tilespmem:s3], [sflag:$0x13] =	stream.indirect.gather [hbm4b:s0+s29], $0x80, s31, s29, $0xb8;
	[tilespmem:$0x1ED80] =	vst v63  }
0xb9: {  	_ =	swait.ge @!p0 [sflag:s15], $0x2800  }
0xba: {  	s19 =	simm.s32 @!p0 $0x230;
	[sflag:s15] =	ssyncset.done @!p0 $0x0  }
0xbb: {  	s19 =	simm.s32 @p0 $0x230;
	s12 =	rddreg [dreg:$0xd];
	[sflag:s15] =	ssyncadd.s32 @!p0 $0xFFFFD800  }
0xbc: {  	s19 =	sadd.s32 s12, s19;
	_ =	swait.ge @!p0 [sflag:s15], $0x50  }
0xbd: {  	s19 =	sshrl.u32 s19, $0x3;
	[sflag:s15] =	ssyncset.done @!p0 $0x0  }
0xbe: {  	s3 =	sadd.s32 s1, s19;
	s19 =	simm.s32 $0x380;
	[sflag:s15] =	ssyncadd.s32 @!p0 $0xFFFFFFB0  }
0xbf: {  	[tilespmem:s19], [sflag:$0x8] =	stream.linear.gather [hbm4b:s3+s6], $0x50, $0x38;
	[tilespmem:$0x1ED80] =	vst v63  }
0xc0: {  	s9 =	simm.s32 $0x780;
	s15 =	sadd.s32 $0x9C40, s3  }
0xc1: {  	[tilespmem:s9], [sflag:$0x10] =	stream.linear.gather [hbm4b:s15+s6], $0x50, $0x38;
	[tilespmem:$0x1ED80] =	vst v63  }
0xc2: {  	s15 =	simm.s32 $0x4  }
0xc3: {  	_ =	swait.ge [sflag:s15], $0x50  }
0xc4: {  	[sflag:s15] =	ssyncset.done $0x0  }
0xc5: {  	s31 =	simm.s32 $0x8000;
	s9 =	simm.s32 $0x180;
	[sflag:s15] =	ssyncadd.s32 $0xFFFFFFB0  }
0xc6: {  	[tilespmem:s31], [sflag:$0x14] =	stream.indirect.gather [hbm4b:s0+s29], $0x80, s9, s29, $0xb8;
	[tilespmem:$0x1ED80] =	vst v63  }
0xc7: {  	_ =	swait.ge [sflag:s26], $0x2800  }
0xc8: {  	[sflag:s26] =	ssyncset.done $0x0  }
0xc9: {  	s30 =	simm.s32 $0x9;
	[sflag:s26] =	ssyncadd.s32 $0xFFFFD800  }
0xca: {  	_ =	swait.ge [sflag:s30], $0x50  }
0xcb: {  	[sflag:s30] =	ssyncset.done $0x0  }
0xcc: {  	s22 =	simm.s32 $0x800;
	s3 =	simm.s32 $0x400;
	[sflag:s30] =	ssyncadd.s32 $0xFFFFFFB0  }
0xcd: {  	[spmem:s4] =	stream.indirect.scatter.add.f32 [tilespmem:s22], [sflag:$0x15], $0x80, s3, s29, $0xb8;
	[tilespmem:$0x1ED80] =	vst v63  }
0xce: {  	_ = 	snop  }
0xcf: {  	[spmem:s5] =	stream.indirect.scatter.add.f32 [tilespmem:s23], [sflag:$0x15], $0x1, s3, s29, $0xb8;
	[tilespmem:$0x1ED80] =	vst v63  }
0xd0: {  	_ =	swait.ge [sflag:s7], $0x2800  }
0xd1: {  	[sflag:s7] =	ssyncset.done $0x0  }
0xd2: {  	[sflag:s7] =	ssyncadd.s32 $0xFFFFD800  }
0xd3: {  	_ =	swait.ge [sflag:s7], $0x50  }
0xd4: {  	s11 =	simm.s32 @p0 $0x0;
	s15 =	rddreg [dreg:$0x6]  }
0xd5: {  	s15 =	sadd.s32 s11, s15  }
0xd6: {  	[sflag:s7] =	ssyncset.done $0x0;
	s15 =	sshrl.u32 s15, $0x3  }
0xd7: {  	[sflag:s7] =	ssyncadd.s32 $0xFFFFFFB0;
	s15 =	sadd.s32 s1, s15  }
0xd8: {  	[tilespmem:s6], [sflag:$0x1] =	stream.linear.gather [hbm4b:s15+s6], $0x50, $0x38;
	[tilespmem:$0x1ED80] =	vst v63  }
0xd9: {  	s15 =	sadd.s32 $0x9C40, s15  }
0xda: {  	[tilespmem:s3], [sflag:$0x9] =	stream.linear.gather [hbm4b:s15+s6], $0x50, $0x38;
	[tilespmem:$0x1ED80] =	vst v63  }
0xdb: {  	s15 =	simm.s32 $0x5  }
0xdc: {  	_ =	swait.ge [sflag:s15], $0x50  }
0xdd: {  	[sflag:s15] =	ssyncset.done $0x0  }
0xde: {  	[sflag:s15] =	ssyncadd.s32 $0xFFFFFFB0  }
0xdf: {  	[tilespmem:s22], [sflag:$0x11] =	stream.indirect.gather [hbm4b:s0+s29], $0x80, s28, s29, $0xb8;
	[tilespmem:$0x1ED80] =	vst v63  }
0xe0: {  	_ =	swait.ge [sflag:s13], $0x2800  }
0xe1: {  	[sflag:s13] =	ssyncset.done $0x0  }
0xe2: {  	s28 =	simm.s32 $0xA;
	[sflag:s13] =	ssyncadd.s32 $0xFFFFD800  }
0xe3: {  	_ =	swait.ge [sflag:s28], $0x50  }
0xe4: {  	[sflag:s28] =	ssyncset.done $0x0  }
0xe5: {  	s3 =	simm.s32 $0x480;
	[sflag:s28] =	ssyncadd.s32 $0xFFFFFFB0  }
0xe6: {  	[spmem:s4] =	stream.indirect.scatter.add.f32 [tilespmem:s21], [sflag:$0x16], $0x80, s3, s29, $0xb8;
	[tilespmem:$0x1ED80] =	vst v63  }
0xe7: {  	_ = 	snop  }
0xe8: {  	[spmem:s5] =	stream.indirect.scatter.add.f32 [tilespmem:s23], [sflag:$0x16], $0x1, s3, s29, $0xb8;
	[tilespmem:$0x1ED80] =	vst v63  }
0xe9: {  	_ =	swait.ge [sflag:s17], $0x2800  }
0xea: {  	[sflag:s17] =	ssyncset.done $0x0  }
0xeb: {  	[sflag:s17] =	ssyncadd.s32 $0xFFFFD800  }
0xec: {  	_ =	swait.ge [sflag:s17], $0x50  }
0xed: {  	s15 =	rddreg [dreg:$0x7]  }
0xee: {  	s15 =	sadd.s32 s11, s15  }
0xef: {  	[sflag:s17] =	ssyncset.done $0x0;
	s15 =	sshrl.u32 s15, $0x3  }
0xf0: {  	s30 =	simm.s32 $0x80;
	[sflag:s17] =	ssyncadd.s32 $0xFFFFFFB0;
	s15 =	sadd.s32 s1, s15  }
0xf1: {  	[tilespmem:s30], [sflag:$0x2] =	stream.linear.gather [hbm4b:s15+s6], $0x50, $0x38;
	[tilespmem:$0x1ED80] =	vst v63  }
0xf2: {  	s15 =	sadd.s32 $0x9C40, s15  }
0xf3: {  	[tilespmem:s3], [sflag:$0xA] =	stream.linear.gather [hbm4b:s15+s6], $0x50, $0x38;
	[tilespmem:$0x1ED80] =	vst v63  }
0xf4: {  	s15 =	simm.s32 $0x6  }
0xf5: {  	_ =	swait.ge [sflag:s15], $0x50  }
0xf6: {  	[sflag:s15] =	ssyncset.done $0x0  }
0xf7: {  	[sflag:s15] =	ssyncadd.s32 $0xFFFFFFB0  }
0xf8: {  	[tilespmem:s21], [sflag:$0x12] =	stream.indirect.gather [hbm4b:s0+s29], $0x80, s16, s29, $0xb8;
	[tilespmem:$0x1ED80] =	vst v63  }
0xf9: {  	_ =	swait.ge [sflag:s24], $0x2800  }
0xfa: {  	[sflag:s24] =	ssyncset.done $0x0  }
0xfb: {  	s15 =	simm.s32 $0xB;
	[sflag:s24] =	ssyncadd.s32 $0xFFFFD800  }
0xfc: {  	_ =	swait.ge [sflag:s15], $0x50  }
0xfd: {  	[sflag:s15] =	ssyncset.done $0x0  }
0xfe: {  	s2 =	simm.s32 $0x5800;
	s3 =	simm.s32 $0x500;
	[sflag:s15] =	ssyncadd.s32 $0xFFFFFFB0  }
0xff: {  	[spmem:s4] =	stream.indirect.scatter.add.f32 [tilespmem:s2], [sflag:$0x17], $0x80, s3, s29, $0xb8;
	[tilespmem:$0x1ED80] =	vst v63  }
0x100: {  	_ = 	snop  }
0x101: {  	[spmem:s5] =	stream.indirect.scatter.add.f32 [tilespmem:s23], [sflag:$0x17], $0x1, s3, s29, $0xb8;
	[tilespmem:$0x1ED80] =	vst v63  }
0x102: {  	_ =	swait.ge [sflag:s10], $0x2800  }
0x103: {  	[sflag:s10] =	ssyncset.done $0x0  }
0x104: {  	[sflag:s10] =	ssyncadd.s32 $0xFFFFD800  }
0x105: {  	_ =	swait.ge [sflag:s10], $0x50  }
0x106: {  	s16 =	rddreg [dreg:$0x8]  }
0x107: {  	s15 =	sadd.s32 s11, s16  }
0x108: {  	[sflag:s10] =	ssyncset.done $0x0;
	s15 =	sshrl.u32 s15, $0x3  }
0x109: {  	s28 =	simm.s32 $0x100;
	[sflag:s10] =	ssyncadd.s32 $0xFFFFFFB0;
	s15 =	sadd.s32 s1, s15  }
0x10a: {  	[tilespmem:s28], [sflag:$0x3] =	stream.linear.gather [hbm4b:s15+s6], $0x50, $0x38;
	[tilespmem:$0x1ED80] =	vst v63  }
0x10b: {  	s15 =	sadd.s32 $0x9C40, s15  }
0x10c: {  	[tilespmem:s3], [sflag:$0xB] =	stream.linear.gather [hbm4b:s15+s6], $0x50, $0x38;
	[tilespmem:$0x1ED80] =	vst v63  }
0x10d: {  	s15 =	simm.s32 $0x7  }
0x10e: {  	_ =	swait.ge [sflag:s15], $0x50  }
0x10f: {  	[sflag:s15] =	ssyncset.done $0x0  }
0x110: {  	[sflag:s15] =	ssyncadd.s32 $0xFFFFFFB0  }
0x111: {  	[tilespmem:s2], [sflag:$0x13] =	stream.indirect.gather [hbm4b:s0+s29], $0x80, s8, s29, $0xb8;
	[tilespmem:$0x1ED80] =	vst v63  }
0x112: {  	_ =	swait.ge [sflag:s14], $0x2800  }
0x113: {  	[sflag:s14] =	ssyncset.done $0x0  }
0x114: {  	s16 =	simm.s32 $0xC;
	[sflag:s14] =	ssyncadd.s32 $0xFFFFD800  }
0x115: {  	_ =	swait.ge [sflag:s16], $0x50  }
0x116: {  	[sflag:s16] =	ssyncset.done $0x0  }
0x117: {  	s3 =	simm.s32 $0x580;
	[sflag:s16] =	ssyncadd.s32 $0xFFFFFFB0  }
0x118: {  	[spmem:s4] =	stream.indirect.scatter.add.f32 [tilespmem:s31], [sflag:$0x18], $0x80, s3, s29, $0xb8;
	[tilespmem:$0x1ED80] =	vst v63  }
0x119: {  	_ = 	snop  }
0x11a: {  	[spmem:s5] =	stream.indirect.scatter.add.f32 [tilespmem:s23], [sflag:$0x18], $0x1, s3, s29, $0xb8;
	[tilespmem:$0x1ED80] =	vst v63  }
0x11b: {  	_ =	swait.ge [sflag:s18], $0x2800  }
0x11c: {  	[sflag:s18] =	ssyncset.done $0x0  }
0x11d: {  	[sflag:s18] =	ssyncadd.s32 $0xFFFFD800  }
0x11e: {  	_ =	swait.ge [sflag:s18], $0x50  }
0x11f: {  	s8 =	rddreg [dreg:$0x9]  }
0x120: {  	s15 =	sadd.s32 s11, s8  }
0x121: {  	[sflag:s18] =	ssyncset.done $0x0;
	s15 =	sshrl.u32 s15, $0x3  }
0x122: {  	[sflag:s18] =	ssyncadd.s32 $0xFFFFFFB0;
	s15 =	sadd.s32 s1, s15  }
0x123: {  	[tilespmem:s9], [sflag:$0x4] =	stream.linear.gather [hbm4b:s15+s6], $0x50, $0x38;
	[tilespmem:$0x1ED80] =	vst v63  }
0x124: {  	s15 =	sadd.s32 $0x9C40, s15  }
0x125: {  	[tilespmem:s3], [sflag:$0xC] =	stream.linear.gather [hbm4b:s15+s6], $0x50, $0x38;
	[tilespmem:$0x1ED80] =	vst v63  }
0x126: {  	s15 =	simm.s32 $0x8  }
0x127: {  	_ =	swait.ge [sflag:s15], $0x50  }
0x128: {  	[sflag:s15] =	ssyncset.done $0x0  }
0x129: {  	[sflag:s15] =	ssyncadd.s32 $0xFFFFFFB0  }
0x12a: {  	[tilespmem:s31], [sflag:$0x14] =	stream.indirect.gather [hbm4b:s0+s29], $0x80, s19, s29, $0xb8;
	[tilespmem:$0x1ED80] =	vst v63  }
0x12b: {  	_ =	swait.ge [sflag:s26], $0x2800  }
0x12c: {  	[sflag:s26] =	ssyncset.done $0x0  }
0x12d: {  	s8 =	simm.s32 $0xD;
	[sflag:s26] =	ssyncadd.s32 $0xFFFFD800  }
0x12e: {  	_ =	swait.ge [sflag:s8], $0x50  }
0x12f: {  	[sflag:s8] =	ssyncset.done $0x0  }
0x130: {  	[sflag:s8] =	ssyncadd.s32 $0xFFFFFFB0;
	s8 =	simm.s32 $0x600  }
0x131: {  	[spmem:s4] =	stream.indirect.scatter.add.f32 [tilespmem:s22], [sflag:$0x15], $0x80, s8, s29, $0xb8;
	[tilespmem:$0x1ED80] =	vst v63  }
0x132: {  	_ = 	snop  }
0x133: {  	[spmem:s5] =	stream.indirect.scatter.add.f32 [tilespmem:s23], [sflag:$0x15], $0x1, s8, s29, $0xb8;
	[tilespmem:$0x1ED80] =	vst v63  }
0x134: {  	_ =	swait.ge [sflag:s7], $0x2800  }
0x135: {  	[sflag:s7] =	ssyncset.done $0x0  }
0x136: {  	[sflag:s7] =	ssyncadd.s32 $0xFFFFD800  }
0x137: {  	_ =	swait.ge [sflag:s7], $0x50  }
0x138: {  	s9 =	rddreg [dreg:$0xa]  }
0x139: {  	s15 =	sadd.s32 s11, s9  }
0x13a: {  	[sflag:s7] =	ssyncset.done $0x0;
	s15 =	sshrl.u32 s15, $0x3  }
0x13b: {  	s16 =	simm.s32 $0x200;
	[sflag:s7] =	ssyncadd.s32 $0xFFFFFFB0;
	s15 =	sadd.s32 s1, s15  }
0x13c: {  	[tilespmem:s16], [sflag:$0x5] =	stream.linear.gather [hbm4b:s15+s6], $0x50, $0x38;
	[tilespmem:$0x1ED80] =	vst v63  }
0x13d: {  	s15 =	sadd.s32 $0x9C40, s15  }
0x13e: {  	[tilespmem:s8], [sflag:$0xD] =	stream.linear.gather [hbm4b:s15+s6], $0x50, $0x38;
	[tilespmem:$0x1ED80] =	vst v63  }
0x13f: {  	_ =	swait.ge [sflag:s20], $0x50  }
0x140: {  	[sflag:s20] =	ssyncset.done $0x0  }
0x141: {  	[sflag:s20] =	ssyncadd.s32 $0xFFFFFFB0  }
0x142: {  	[tilespmem:s22], [sflag:$0x11] =	stream.indirect.gather [hbm4b:s0+s29], $0x80, s6, s29, $0xb8;
	[tilespmem:$0x1ED80] =	vst v63  }
0x143: {  	_ =	swait.ge [sflag:s13], $0x2800  }
0x144: {  	[sflag:s13] =	ssyncset.done $0x0  }
0x145: {  	s15 =	simm.s32 $0xE;
	[sflag:s13] =	ssyncadd.s32 $0xFFFFD800  }
0x146: {  	_ =	swait.ge [sflag:s15], $0x50  }
0x147: {  	[sflag:s15] =	ssyncset.done $0x0  }
0x148: {  	s16 =	simm.s32 $0x680;
	[sflag:s15] =	ssyncadd.s32 $0xFFFFFFB0  }
0x149: {  	[spmem:s4] =	stream.indirect.scatter.add.f32 [tilespmem:s21], [sflag:$0x16], $0x80, s16, s29, $0xb8;
	[tilespmem:$0x1ED80] =	vst v63  }
0x14a: {  	_ = 	snop  }
0x14b: {  	[spmem:s5] =	stream.indirect.scatter.add.f32 [tilespmem:s23], [sflag:$0x16], $0x1, s16, s29, $0xb8;
	[tilespmem:$0x1ED80] =	vst v63  }
0x14c: {  	_ =	swait.ge [sflag:s17], $0x2800  }
0x14d: {  	[sflag:s17] =	ssyncset.done $0x0  }
0x14e: {  	[sflag:s17] =	ssyncadd.s32 $0xFFFFD800  }
0x14f: {  	_ =	swait.ge [sflag:s17], $0x50  }
0x150: {  	p0 =	por $0x0, $0x0;
	s15 =	rddreg [dreg:$0xb]  }
0x151: {  	s15 =	sadd.s32 @!p0 s11, s15  }
0x152: {  	s19 =	simm.s32 @!p0 $0x280;
	[sflag:s17] =	ssyncset.done $0x0;
	s15 =	sshrl.u32 @!p0 s15, $0x3  }
0x153: {  	s20 =	simm.s32 @!p0 $0x0;
	[sflag:s17] =	ssyncadd.s32 $0xFFFFFFB0;
	s15 =	sadd.s32 @!p0 s1, s15  }
0x154: {  	[tilespmem:s19], [sflag:$0x6] =	stream.linear.gather @!p0 [hbm4b:s15+s20], $0x50, $0x38;
	[tilespmem:$0x1ED80] =	vst v63  }
0x155: {  	s15 =	sadd.s32 @!p0 $0x9C40, s15;
	s19 =	simm.s32 @!p0 $0x680  }
0x156: {  	[tilespmem:s19], [sflag:$0xE] =	stream.linear.gather @!p0 [hbm4b:s15+s20], $0x50, $0x38;
	[tilespmem:$0x1ED80] =	vst v63  }
0x157: {  	_ =	swait.ge [sflag:s25], $0x50  }
0x158: {  	[sflag:s25] =	ssyncset.done $0x0  }
0x159: {  	[sflag:s25] =	ssyncadd.s32 $0xFFFFFFB0  }
0x15a: {  	[tilespmem:s21], [sflag:$0x12] =	stream.indirect.gather [hbm4b:s0+s29], $0x80, s30, s29, $0xb8;
	[tilespmem:$0x1ED80] =	vst v63  }
0x15b: {  	_ =	swait.ge [sflag:s24], $0x2800  }
0x15c: {  	[sflag:s24] =	ssyncset.done $0x0  }
0x15d: {  	s21 =	simm.s32 $0xF;
	[sflag:s24] =	ssyncadd.s32 $0xFFFFD800  }
0x15e: {  	_ =	swait.ge [sflag:s21], $0x50  }
0x15f: {  	[sflag:s21] =	ssyncset.done $0x0  }
0x160: {  	s22 =	simm.s32 $0x700;
	[sflag:s21] =	ssyncadd.s32 $0xFFFFFFB0  }
0x161: {  	[spmem:s4] =	stream.indirect.scatter.add.f32 [tilespmem:s2], [sflag:$0x17], $0x80, s22, s29, $0xb8;
	[tilespmem:$0x1ED80] =	vst v63  }
0x162: {  	_ = 	snop  }
0x163: {  	[spmem:s5] =	stream.indirect.scatter.add.f32 [tilespmem:s23], [sflag:$0x17], $0x1, s22, s29, $0xb8;
	[tilespmem:$0x1ED80] =	vst v63  }
0x164: {  	_ =	swait.ge [sflag:s10], $0x2800  }
0x165: {  	[sflag:s10] =	ssyncset.done $0x0  }
0x166: {  	[sflag:s10] =	ssyncadd.s32 $0xFFFFD800  }
0x167: {  	_ =	swait.ge [sflag:s10], $0x50  }
0x168: {  	s15 =	rddreg [dreg:$0xc]  }
0x169: {  	s11 =	sadd.s32 @!p0 s11, s15  }
0x16a: {  	[sflag:s10] =	ssyncset.done $0x0;
	s11 =	sshrl.u32 @!p0 s11, $0x3  }
0x16b: {  	[sflag:s10] =	ssyncadd.s32 $0xFFFFFFB0;
	s15 =	simm.s32 @!p0 $0x300;
	s11 =	sadd.s32 @!p0 s1, s11  }
0x16c: {  	[tilespmem:s15], [sflag:$0x7] =	stream.linear.gather @!p0 [hbm4b:s11+s20], $0x50, $0x38;
	[tilespmem:$0x1ED80] =	vst v63  }
0x16d: {  	s19 =	simm.s32 $0x3;
	s11 =	sadd.s32 @!p0 $0x9C40, s11;
	s15 =	simm.s32 @!p0 $0x700  }
0x16e: {  	[tilespmem:s15], [sflag:$0xF] =	stream.linear.gather @!p0 [hbm4b:s11+s20], $0x50, $0x38;
	[tilespmem:$0x1ED80] =	vst v63  }
0x16f: {  	_ =	swait.ge [sflag:s19], $0x50  }
0x170: {  	[sflag:s19] =	ssyncset.done $0x0  }
0x171: {  	[sflag:s19] =	ssyncadd.s32 $0xFFFFFFB0  }
0x172: {  	[tilespmem:s2], [sflag:$0x13] =	stream.indirect.gather [hbm4b:s0+s29], $0x80, s28, s29, $0xb8;
	[tilespmem:$0x1ED80] =	vst v63  }
0x173: {  	_ =	swait.ge [sflag:s14], $0x2800  }
0x174: {  	[sflag:s14] =	ssyncset.done $0x0  }
0x175: {  	s30 =	simm.s32 $0x10;
	[sflag:s14] =	ssyncadd.s32 $0xFFFFD800  }
0x176: {  	_ =	swait.ge [sflag:s30], $0x50  }
0x177: {  	p1 =	por $0x0, $0x0;
	s25 =	simm.s32 $0x780;
	[sflag:s30] =	ssyncset.done $0x0  }
0x178: {  	s20 =	simm.s32 $0x280;
	s11 =	simm.s32 $0x500;
	[sflag:s30] =	ssyncadd.s32 $0xFFFFFFB0  }
0x179: {  	[spmem:s4] =	stream.indirect.scatter.add.f32 [tilespmem:s31], [sflag:$0x18], $0x80, s25, s29, $0xb8;
	[tilespmem:$0x1ED80] =	vst v63  }
.LBB2_4:
0x17a: {  	s19 =	simm.s32 @!p1 $0x18;
	s3 =	simm.s32 $0x780  }
0x17b: {  	[spmem:s5] =	stream.indirect.scatter.add.f32 [tilespmem:s23], [sflag:$0x18], $0x1, s3, s29, $0xb8;
	[tilespmem:$0x1ED80] =	vst v63  }
0x17c: {  	_ =	swait.ge @!p1 [sflag:s19], $0x2800  }
0x17d: {  	s9 =	sadd.s32 @!p1 $0x230, s20;
	[sflag:s19] =	ssyncset.done @!p1 $0x0  }
0x17e: {  	s9 =	simm.s32 @p1 $0x230;
	[sflag:s19] =	ssyncadd.s32 @!p1 $0xFFFFD800  }
0x17f: {  	s9 =	sadd.s32 s12, s9;
	_ =	swait.ge @!p1 [sflag:s19], $0x50  }
0x180: {  	s9 =	sshrl.u32 s9, $0x3;
	[sflag:s19] =	ssyncset.done @!p1 $0x0  }
0x181: {  	s16 =	simm.s32 $0x380;
	s9 =	sadd.s32 s1, s9;
	[sflag:s19] =	ssyncadd.s32 @!p1 $0xFFFFFFB0  }
0x182: {  	[tilespmem:s16], [sflag:$0x8] =	stream.linear.gather [hbm4b:s9+s6], $0x50, $0x38;
	[tilespmem:$0x1ED80] =	vst v63  }
0x183: {  	s2 =	simm.s32 $0x4;
	s9 =	sadd.s32 $0x9C40, s9  }
0x184: {  	[tilespmem:s3], [sflag:$0x10] =	stream.linear.gather [hbm4b:s9+s6], $0x50, $0x38;
	[tilespmem:$0x1ED80] =	vst v63  }
0x185: {  	_ =	swait.ge [sflag:s2], $0x50  }
0x186: {  	[sflag:s2] =	ssyncset.done $0x0  }
0x187: {  	s25 =	simm.s32 $0x180;
	s3 =	simm.s32 $0x8000;
	[sflag:s2] =	ssyncadd.s32 $0xFFFFFFB0  }
0x188: {  	[tilespmem:s3], [sflag:$0x14] =	stream.indirect.gather [hbm4b:s0+s29], $0x80, s25, s29, $0xb8;
	[tilespmem:$0x1ED80] =	vst v63  }
0x189: {  	_ =	swait.ge [sflag:s26], $0x2800  }
0x18a: {  	[sflag:s26] =	ssyncset.done $0x0  }
0x18b: {  	s30 =	simm.s32 $0x9;
	[sflag:s26] =	ssyncadd.s32 $0xFFFFD800  }
0x18c: {  	_ =	swait.ge [sflag:s30], $0x50  }
0x18d: {  	[sflag:s30] =	ssyncset.done $0x0  }
0x18e: {  	s31 =	simm.s32 $0x400;
	s12 =	simm.s32 $0x800;
	[sflag:s30] =	ssyncadd.s32 $0xFFFFFFB0  }
0x18f: {  	[spmem:s4] =	stream.indirect.scatter.add.f32 [tilespmem:s12], [sflag:$0x15], $0x80, s31, s29, $0xb8;
	[tilespmem:$0x1ED80] =	vst v63  }
0x190: {  	_ = 	snop  }
0x191: {  	[spmem:s5] =	stream.indirect.scatter.add.f32 [tilespmem:s23], [sflag:$0x15], $0x1, s31, s29, $0xb8;
	[tilespmem:$0x1ED80] =	vst v63  }
0x192: {  	_ =	swait.ge [sflag:s7], $0x2800  }
0x193: {  	[sflag:s7] =	ssyncset.done $0x0  }
0x194: {  	[sflag:s7] =	ssyncadd.s32 $0xFFFFD800  }
0x195: {  	s19 =	smov.u32 s20;
	_ =	swait.ge [sflag:s7], $0x50  }
0x196: {  	s19 =	simm.s32 @p1 $0x0;
	s21 =	rddreg [dreg:$0x6]  }
0x197: {  	s9 =	sadd.s32 s19, s21  }
0x198: {  	[sflag:s7] =	ssyncset.done $0x0;
	s9 =	sshrl.u32 s9, $0x3  }
0x199: {  	[sflag:s7] =	ssyncadd.s32 $0xFFFFFFB0;
	s9 =	sadd.s32 s1, s9  }
0x19a: {  	[tilespmem:s6], [sflag:$0x1] =	stream.linear.gather [hbm4b:s9+s6], $0x50, $0x38;
	[tilespmem:$0x1ED80] =	vst v63  }
0x19b: {  	s22 =	simm.s32 $0x5;
	s9 =	sadd.s32 $0x9C40, s9  }
0x19c: {  	[tilespmem:s31], [sflag:$0x9] =	stream.linear.gather [hbm4b:s9+s6], $0x50, $0x38;
	[tilespmem:$0x1ED80] =	vst v63  }
0x19d: {  	_ =	swait.ge [sflag:s22], $0x50  }
0x19e: {  	[sflag:s22] =	ssyncset.done $0x0  }
0x19f: {  	[sflag:s22] =	ssyncadd.s32 $0xFFFFFFB0;
	s22 =	simm.s32 $0x200  }
0x1a0: {  	[tilespmem:s12], [sflag:$0x11] =	stream.indirect.gather [hbm4b:s0+s29], $0x80, s22, s29, $0xb8;
	[tilespmem:$0x1ED80] =	vst v63  }
0x1a1: {  	_ =	swait.ge [sflag:s13], $0x2800  }
0x1a2: {  	[sflag:s13] =	ssyncset.done $0x0  }
0x1a3: {  	s28 =	simm.s32 $0xA;
	[sflag:s13] =	ssyncadd.s32 $0xFFFFD800  }
0x1a4: {  	_ =	swait.ge [sflag:s28], $0x50  }
0x1a5: {  	[sflag:s28] =	ssyncset.done $0x0  }
0x1a6: {  	s30 =	simm.s32 $0x480;
	s21 =	simm.s32 $0x3000;
	[sflag:s28] =	ssyncadd.s32 $0xFFFFFFB0  }
0x1a7: {  	[spmem:s4] =	stream.indirect.scatter.add.f32 [tilespmem:s21], [sflag:$0x16], $0x80, s30, s29, $0xb8;
	[tilespmem:$0x1ED80] =	vst v63  }
0x1a8: {  	_ = 	snop  }
0x1a9: {  	[spmem:s5] =	stream.indirect.scatter.add.f32 [tilespmem:s23], [sflag:$0x16], $0x1, s30, s29, $0xb8;
	[tilespmem:$0x1ED80] =	vst v63  }
0x1aa: {  	_ =	swait.ge [sflag:s17], $0x2800  }
0x1ab: {  	[sflag:s17] =	ssyncset.done $0x0  }
0x1ac: {  	[sflag:s17] =	ssyncadd.s32 $0xFFFFD800  }
0x1ad: {  	_ =	swait.ge [sflag:s17], $0x50  }
0x1ae: {  	s28 =	rddreg [dreg:$0x7]  }
0x1af: {  	s9 =	sadd.s32 s19, s28  }
0x1b0: {  	[sflag:s17] =	ssyncset.done $0x0;
	s9 =	sshrl.u32 s9, $0x3  }
0x1b1: {  	s31 =	simm.s32 $0x80;
	[sflag:s17] =	ssyncadd.s32 $0xFFFFFFB0;
	s9 =	sadd.s32 s1, s9  }
0x1b2: {  	[tilespmem:s31], [sflag:$0x2] =	stream.linear.gather [hbm4b:s9+s6], $0x50, $0x38;
	[tilespmem:$0x1ED80] =	vst v63  }
0x1b3: {  	s9 =	sadd.s32 $0x9C40, s9  }
0x1b4: {  	[tilespmem:s30], [sflag:$0xA] =	stream.linear.gather [hbm4b:s9+s6], $0x50, $0x38;
	[tilespmem:$0x1ED80] =	vst v63  }
0x1b5: {  	s30 =	simm.s32 $0x6  }
0x1b6: {  	_ =	swait.ge [sflag:s30], $0x50  }
0x1b7: {  	[sflag:s30] =	ssyncset.done $0x0  }
0x1b8: {  	s2 =	simm.s32 $0x280;
	[sflag:s30] =	ssyncadd.s32 $0xFFFFFFB0  }
0x1b9: {  	[tilespmem:s21], [sflag:$0x12] =	stream.indirect.gather [hbm4b:s0+s29], $0x80, s2, s29, $0xb8;
	[tilespmem:$0x1ED80] =	vst v63  }
0x1ba: {  	_ =	swait.ge [sflag:s24], $0x2800  }
0x1bb: {  	[sflag:s24] =	ssyncset.done $0x0  }
0x1bc: {  	s28 =	simm.s32 $0xB;
	[sflag:s24] =	ssyncadd.s32 $0xFFFFD800  }
0x1bd: {  	_ =	swait.ge [sflag:s28], $0x50  }
0x1be: {  	[sflag:s28] =	ssyncset.done $0x0  }
0x1bf: {  	s2 =	simm.s32 $0x5800;
	[sflag:s28] =	ssyncadd.s32 $0xFFFFFFB0;
	s28 =	simm.s32 $0x500  }
0x1c0: {  	[spmem:s4] =	stream.indirect.scatter.add.f32 [tilespmem:s2], [sflag:$0x17], $0x80, s28, s29, $0xb8;
	[tilespmem:$0x1ED80] =	vst v63  }
0x1c1: {  	_ = 	snop  }
0x1c2: {  	[spmem:s5] =	stream.indirect.scatter.add.f32 [tilespmem:s23], [sflag:$0x17], $0x1, s28, s29, $0xb8;
	[tilespmem:$0x1ED80] =	vst v63  }
0x1c3: {  	_ =	swait.ge [sflag:s10], $0x2800  }
0x1c4: {  	[sflag:s10] =	ssyncset.done $0x0  }
0x1c5: {  	[sflag:s10] =	ssyncadd.s32 $0xFFFFD800  }
0x1c6: {  	_ =	swait.ge [sflag:s10], $0x50  }
0x1c7: {  	s30 =	rddreg [dreg:$0x8]  }
0x1c8: {  	s9 =	sadd.s32 s19, s30  }
0x1c9: {  	[sflag:s10] =	ssyncset.done $0x0;
	s9 =	sshrl.u32 s9, $0x3  }
0x1ca: {  	[sflag:s10] =	ssyncadd.s32 $0xFFFFFFB0;
	s30 =	simm.s32 $0x100;
	s9 =	sadd.s32 s1, s9  }
0x1cb: {  	[tilespmem:s30], [sflag:$0x3] =	stream.linear.gather [hbm4b:s9+s6], $0x50, $0x38;
	[tilespmem:$0x1ED80] =	vst v63  }
0x1cc: {  	s9 =	sadd.s32 $0x9C40, s9  }
0x1cd: {  	[tilespmem:s28], [sflag:$0xB] =	stream.linear.gather [hbm4b:s9+s6], $0x50, $0x38;
	[tilespmem:$0x1ED80] =	vst v63  }
0x1ce: {  	s28 =	simm.s32 $0x7  }
0x1cf: {  	_ =	swait.ge [sflag:s28], $0x50  }
0x1d0: {  	[sflag:s28] =	ssyncset.done $0x0  }
0x1d1: {  	[sflag:s28] =	ssyncadd.s32 $0xFFFFFFB0;
	s28 =	simm.s32 $0x300  }
0x1d2: {  	[tilespmem:s2], [sflag:$0x13] =	stream.indirect.gather [hbm4b:s0+s29], $0x80, s28, s29, $0xb8;
	[tilespmem:$0x1ED80] =	vst v63  }
0x1d3: {  	_ =	swait.ge [sflag:s14], $0x2800  }
0x1d4: {  	[sflag:s14] =	ssyncset.done $0x0  }
0x1d5: {  	s28 =	simm.s32 $0xC;
	[sflag:s14] =	ssyncadd.s32 $0xFFFFD800  }
0x1d6: {  	_ =	swait.ge [sflag:s28], $0x50  }
0x1d7: {  	[sflag:s28] =	ssyncset.done $0x0  }
0x1d8: {  	[sflag:s28] =	ssyncadd.s32 $0xFFFFFFB0;
	s28 =	simm.s32 $0x580  }
0x1d9: {  	[spmem:s4] =	stream.indirect.scatter.add.f32 [tilespmem:s3], [sflag:$0x18], $0x80, s28, s29, $0xb8;
	[tilespmem:$0x1ED80] =	vst v63  }
0x1da: {  	_ = 	snop  }
0x1db: {  	[spmem:s5] =	stream.indirect.scatter.add.f32 [tilespmem:s23], [sflag:$0x18], $0x1, s28, s29, $0xb8;
	[tilespmem:$0x1ED80] =	vst v63  }
0x1dc: {  	_ =	swait.ge [sflag:s18], $0x2800  }
0x1dd: {  	[sflag:s18] =	ssyncset.done $0x0  }
0x1de: {  	[sflag:s18] =	ssyncadd.s32 $0xFFFFD800  }
0x1df: {  	_ =	swait.ge [sflag:s18], $0x50  }
0x1e0: {  	s9 =	rddreg [dreg:$0x9]  }
0x1e1: {  	s9 =	sadd.s32 s19, s9  }
0x1e2: {  	[sflag:s18] =	ssyncset.done $0x0;
	s9 =	sshrl.u32 s9, $0x3  }
0x1e3: {  	[sflag:s18] =	ssyncadd.s32 $0xFFFFFFB0;
	s9 =	sadd.s32 s1, s9  }
0x1e4: {  	[tilespmem:s25], [sflag:$0x4] =	stream.linear.gather [hbm4b:s9+s6], $0x50, $0x38;
	[tilespmem:$0x1ED80] =	vst v63  }
0x1e5: {  	s9 =	sadd.s32 $0x9C40, s9  }
0x1e6: {  	[tilespmem:s28], [sflag:$0xC] =	stream.linear.gather [hbm4b:s9+s6], $0x50, $0x38;
	[tilespmem:$0x1ED80] =	vst v63  }
0x1e7: {  	s28 =	simm.s32 $0x8  }
0x1e8: {  	_ =	swait.ge [sflag:s28], $0x50  }
0x1e9: {  	[sflag:s28] =	ssyncset.done $0x0  }
0x1ea: {  	[sflag:s28] =	ssyncadd.s32 $0xFFFFFFB0  }
0x1eb: {  	[tilespmem:s3], [sflag:$0x14] =	stream.indirect.gather [hbm4b:s0+s29], $0x80, s16, s29, $0xb8;
	[tilespmem:$0x1ED80] =	vst v63  }
0x1ec: {  	_ =	swait.ge [sflag:s26], $0x2800  }
0x1ed: {  	[sflag:s26] =	ssyncset.done $0x0  }
0x1ee: {  	s16 =	simm.s32 $0xD;
	[sflag:s26] =	ssyncadd.s32 $0xFFFFD800  }
0x1ef: {  	_ =	swait.ge [sflag:s16], $0x50  }
0x1f0: {  	[sflag:s16] =	ssyncset.done $0x0  }
0x1f1: {  	[sflag:s16] =	ssyncadd.s32 $0xFFFFFFB0  }
0x1f2: {  	[spmem:s4] =	stream.indirect.scatter.add.f32 [tilespmem:s12], [sflag:$0x15], $0x80, s8, s29, $0xb8;
	[tilespmem:$0x1ED80] =	vst v63  }
0x1f3: {  	_ = 	snop  }
0x1f4: {  	[spmem:s5] =	stream.indirect.scatter.add.f32 [tilespmem:s23], [sflag:$0x15], $0x1, s8, s29, $0xb8;
	[tilespmem:$0x1ED80] =	vst v63  }
0x1f5: {  	_ =	swait.ge [sflag:s7], $0x2800  }
0x1f6: {  	[sflag:s7] =	ssyncset.done $0x0  }
0x1f7: {  	[sflag:s7] =	ssyncadd.s32 $0xFFFFD800  }
0x1f8: {  	_ =	swait.ge [sflag:s7], $0x50  }
0x1f9: {  	s25 =	rddreg [dreg:$0xa]  }
0x1fa: {  	s9 =	sadd.s32 s19, s25  }
0x1fb: {  	[sflag:s7] =	ssyncset.done $0x0;
	s9 =	sshrl.u32 s9, $0x3  }
0x1fc: {  	[sflag:s7] =	ssyncadd.s32 $0xFFFFFFB0;
	s9 =	sadd.s32 s1, s9  }
0x1fd: {  	[tilespmem:s22], [sflag:$0x5] =	stream.linear.gather [hbm4b:s9+s6], $0x50, $0x38;
	[tilespmem:$0x1ED80] =	vst v63  }
0x1fe: {  	s28 =	simm.s32 $0x1;
	s9 =	sadd.s32 $0x9C40, s9  }
0x1ff: {  	[tilespmem:s8], [sflag:$0xD] =	stream.linear.gather [hbm4b:s9+s6], $0x50, $0x38;
	[tilespmem:$0x1ED80] =	vst v63  }
0x200: {  	_ =	swait.ge [sflag:s28], $0x50  }
0x201: {  	[sflag:s28] =	ssyncset.done $0x0  }
0x202: {  	[sflag:s28] =	ssyncadd.s32 $0xFFFFFFB0  }
0x203: {  	[tilespmem:s12], [sflag:$0x11] =	stream.indirect.gather [hbm4b:s0+s29], $0x80, s6, s29, $0xb8;
	[tilespmem:$0x1ED80] =	vst v63  }
0x204: {  	_ =	swait.ge [sflag:s13], $0x2800  }
0x205: {  	[sflag:s13] =	ssyncset.done $0x0  }
0x206: {  	s12 =	simm.s32 $0xE;
	[sflag:s13] =	ssyncadd.s32 $0xFFFFD800  }
0x207: {  	_ =	swait.ge [sflag:s12], $0x50  }
0x208: {  	[sflag:s12] =	ssyncset.done $0x0  }
0x209: {  	s16 =	simm.s32 $0x680;
	[sflag:s12] =	ssyncadd.s32 $0xFFFFFFB0  }
0x20a: {  	[spmem:s4] =	stream.indirect.scatter.add.f32 [tilespmem:s21], [sflag:$0x16], $0x80, s16, s29, $0xb8;
	[tilespmem:$0x1ED80] =	vst v63  }
0x20b: {  	_ = 	snop  }
0x20c: {  	[spmem:s5] =	stream.indirect.scatter.add.f32 [tilespmem:s23], [sflag:$0x16], $0x1, s16, s29, $0xb8;
	[tilespmem:$0x1ED80] =	vst v63  }
0x20d: {  	_ =	swait.ge [sflag:s17], $0x2800  }
0x20e: {  	[sflag:s17] =	ssyncset.done $0x0  }
0x20f: {  	[sflag:s17] =	ssyncadd.s32 $0xFFFFD800  }
0x210: {  	_ =	swait.ge [sflag:s17], $0x50  }
0x211: {  	s15 =	smov.u32 s11;
	p1 =	seq.s32 s20, $0x2300;
	s9 =	rddreg [dreg:$0xb]  }
0x212: {  	s20 =	smov.u32 s15;
	s9 =	sadd.s32 @!p1 s19, s9  }
0x213: {  	s15 =	simm.s32 @!p1 $0x280;
	[sflag:s17] =	ssyncset.done $0x0;
	s9 =	sshrl.u32 @!p1 s9, $0x3  }
0x214: {  	s12 =	simm.s32 @!p1 $0x0;
	[sflag:s17] =	ssyncadd.s32 $0xFFFFFFB0;
	s9 =	sadd.s32 @!p1 s1, s9  }
0x215: {  	[tilespmem:s15], [sflag:$0x6] =	stream.linear.gather @!p1 [hbm4b:s9+s12], $0x50, $0x38;
	[tilespmem:$0x1ED80] =	vst v63  }
0x216: {  	s22 =	simm.s32 $0x2;
	s9 =	sadd.s32 @!p1 $0x9C40, s9;
	s15 =	simm.s32 @!p1 $0x680  }
0x217: {  	[tilespmem:s15], [sflag:$0xE] =	stream.linear.gather @!p1 [hbm4b:s9+s12], $0x50, $0x38;
	[tilespmem:$0x1ED80] =	vst v63  }
0x218: {  	_ =	swait.ge [sflag:s22], $0x50  }
0x219: {  	[sflag:s22] =	ssyncset.done $0x0  }
0x21a: {  	[sflag:s22] =	ssyncadd.s32 $0xFFFFFFB0  }
0x21b: {  	[tilespmem:s21], [sflag:$0x12] =	stream.indirect.gather [hbm4b:s0+s29], $0x80, s31, s29, $0xb8;
	[tilespmem:$0x1ED80] =	vst v63  }
0x21c: {  	_ =	swait.ge [sflag:s24], $0x2800  }
0x21d: {  	[sflag:s24] =	ssyncset.done $0x0  }
0x21e: {  	s25 =	simm.s32 $0xF;
	[sflag:s24] =	ssyncadd.s32 $0xFFFFD800  }
0x21f: {  	_ =	swait.ge [sflag:s25], $0x50  }
0x220: {  	[sflag:s25] =	ssyncset.done $0x0  }
0x221: {  	s28 =	simm.s32 $0x700;
	[sflag:s25] =	ssyncadd.s32 $0xFFFFFFB0  }
0x222: {  	[spmem:s4] =	stream.indirect.scatter.add.f32 [tilespmem:s2], [sflag:$0x17], $0x80, s28, s29, $0xb8;
	[tilespmem:$0x1ED80] =	vst v63  }
0x223: {  	_ = 	snop  }
0x224: {  	[spmem:s5] =	stream.indirect.scatter.add.f32 [tilespmem:s23], [sflag:$0x17], $0x1, s28, s29, $0xb8;
	[tilespmem:$0x1ED80] =	vst v63  }
0x225: {  	_ =	swait.ge [sflag:s10], $0x2800  }
0x226: {  	[sflag:s10] =	ssyncset.done $0x0  }
0x227: {  	[sflag:s10] =	ssyncadd.s32 $0xFFFFD800  }
0x228: {  	_ =	swait.ge [sflag:s10], $0x50  }
0x229: {  	s9 =	rddreg [dreg:$0xc]  }
0x22a: {  	s9 =	sadd.s32 @!p1 s19, s9  }
0x22b: {  	[sflag:s10] =	ssyncset.done $0x0;
	s9 =	sshrl.u32 @!p1 s9, $0x3  }
0x22c: {  	s15 =	simm.s32 @!p1 $0x300;
	[sflag:s10] =	ssyncadd.s32 $0xFFFFFFB0;
	s9 =	sadd.s32 @!p1 s1, s9  }
0x22d: {  	[tilespmem:s15], [sflag:$0x7] =	stream.linear.gather @!p1 [hbm4b:s9+s12], $0x50, $0x38;
	[tilespmem:$0x1ED80] =	vst v63  }
0x22e: {  	s19 =	simm.s32 $0x3;
	s9 =	sadd.s32 @!p1 $0x9C40, s9;
	s15 =	simm.s32 @!p1 $0x700  }
0x22f: {  	[tilespmem:s15], [sflag:$0xF] =	stream.linear.gather @!p1 [hbm4b:s9+s12], $0x50, $0x38;
	[tilespmem:$0x1ED80] =	vst v63  }
0x230: {  	s12 =	rddreg [dreg:$0xd];
	_ =	swait.ge [sflag:s19], $0x50  }
0x231: {  	[sflag:s19] =	ssyncset.done $0x0  }
0x232: {  	[sflag:s19] =	ssyncadd.s32 $0xFFFFFFB0  }
0x233: {  	[tilespmem:s2], [sflag:$0x13] =	stream.indirect.gather [hbm4b:s0+s29], $0x80, s30, s29, $0xb8;
	[tilespmem:$0x1ED80] =	vst v63  }
0x234: {  	s11 =	sadd.s32 $0x280, s11;
	_ =	swait.ge [sflag:s14], $0x2800  }
0x235: {  	p0 =	sne.s32 s11, $0x2580;
	[sflag:s14] =	ssyncset.done $0x0  }
.Ltmp1:
0x236: {  	s31 =	simm.s32 $0x10;
	[sflag:s14] =	ssyncadd.s32 $0xFFFFD800;
	(pc) =	sbr.rel @p0 .LBB2_4-.Ltmp1, $4  }
0x237: {  	_ =	swait.ge [sflag:s31], $0x50  }
0x238: {  	[sflag:s31] =	ssyncset.done $0x0  }
0x239: {  	s15 =	simm.s32 $0x780;
	p1 =	seq.s32 s20, $0x0;
	[sflag:s31] =	ssyncadd.s32 $0xFFFFFFB0  }
0x23a: {  	[spmem:s4] =	stream.indirect.scatter.add.f32 [tilespmem:s3], [sflag:$0x18], $0x80, s15, s29, $0xb8;
	[tilespmem:$0x1ED80] =	vst v63  }
0x23b: {  	s9 =	simm.s32 @!p1 $0x18  }
0x23c: {  	[spmem:s5] =	stream.indirect.scatter.add.f32 [tilespmem:s23], [sflag:$0x18], $0x1, s15, s29, $0xb8;
	[tilespmem:$0x1ED80] =	vst v63  }
0x23d: {  	_ =	swait.ge @!p1 [sflag:s9], $0x2800  }
0x23e: {  	s11 =	sadd.s32 @!p1 $0x230, s20;
	[sflag:s9] =	ssyncset.done @!p1 $0x0  }
0x23f: {  	s11 =	simm.s32 @p1 $0x230;
	[sflag:s9] =	ssyncadd.s32 @!p1 $0xFFFFD800  }
0x240: {  	s11 =	sadd.s32 s12, s11;
	_ =	swait.ge @!p1 [sflag:s9], $0x50  }
0x241: {  	s11 =	sshrl.u32 s11, $0x3;
	[sflag:s9] =	ssyncset.done @!p1 $0x0  }
0x242: {  	s12 =	simm.s32 $0x380;
	s2 =	sadd.s32 s1, s11;
	[sflag:s9] =	ssyncadd.s32 @!p1 $0xFFFFFFB0  }
0x243: {  	[tilespmem:s12], [sflag:$0x8] =	stream.linear.gather [hbm4b:s2+s6], $0x50, $0x38;
	[tilespmem:$0x1ED80] =	vst v63  }
0x244: {  	s9 =	sadd.s32 $0x9C40, s2;
	s2 =	simm.s32 $0x4  }
0x245: {  	[tilespmem:s15], [sflag:$0x10] =	stream.linear.gather [hbm4b:s9+s6], $0x50, $0x38;
	[tilespmem:$0x1ED80] =	vst v63  }
0x246: {  	_ =	swait.ge [sflag:s2], $0x50  }
0x247: {  	[sflag:s2] =	ssyncset.done $0x0  }
0x248: {  	s9 =	simm.s32 $0x180;
	[sflag:s2] =	ssyncadd.s32 $0xFFFFFFB0  }
0x249: {  	[tilespmem:s3], [sflag:$0x14] =	stream.indirect.gather [hbm4b:s0+s29], $0x80, s9, s29, $0xb8;
	[tilespmem:$0x1ED80] =	vst v63  }
0x24a: {  	_ =	swait.ge [sflag:s26], $0x2800  }
0x24b: {  	[sflag:s26] =	ssyncset.done $0x0  }
0x24c: {  	s11 =	simm.s32 $0x9;
	[sflag:s26] =	ssyncadd.s32 $0xFFFFD800  }
0x24d: {  	_ =	swait.ge [sflag:s11], $0x50  }
0x24e: {  	[sflag:s11] =	ssyncset.done $0x0  }
0x24f: {  	s16 =	simm.s32 $0x800;
	s21 =	simm.s32 $0x400;
	[sflag:s11] =	ssyncadd.s32 $0xFFFFFFB0  }
0x250: {  	[spmem:s4] =	stream.indirect.scatter.add.f32 [tilespmem:s16], [sflag:$0x15], $0x80, s21, s29, $0xb8;
	[tilespmem:$0x1ED80] =	vst v63  }
0x251: {  	_ = 	snop  }
0x252: {  	[spmem:s5] =	stream.indirect.scatter.add.f32 [tilespmem:s23], [sflag:$0x15], $0x1, s21, s29, $0xb8;
	[tilespmem:$0x1ED80] =	vst v63  }
0x253: {  	_ =	swait.ge [sflag:s7], $0x2800  }
0x254: {  	[sflag:s7] =	ssyncset.done $0x0  }
0x255: {  	[sflag:s7] =	ssyncadd.s32 $0xFFFFD800  }
0x256: {  	s11 =	smov.u32 s20;
	_ =	swait.ge [sflag:s7], $0x50  }
0x257: {  	s11 =	simm.s32 @p1 $0x0;
	s25 =	rddreg [dreg:$0x6]  }
0x258: {  	s9 =	sadd.s32 s11, s25  }
0x259: {  	[sflag:s7] =	ssyncset.done $0x0;
	s9 =	sshrl.u32 s9, $0x3  }
0x25a: {  	[sflag:s7] =	ssyncadd.s32 $0xFFFFFFB0;
	s9 =	sadd.s32 s1, s9  }
0x25b: {  	[tilespmem:s6], [sflag:$0x1] =	stream.linear.gather [hbm4b:s9+s6], $0x50, $0x38;
	[tilespmem:$0x1ED80] =	vst v63  }
0x25c: {  	s22 =	simm.s32 $0x400;
	s25 =	simm.s32 $0x5;
	s9 =	sadd.s32 $0x9C40, s9  }
0x25d: {  	[tilespmem:s22], [sflag:$0x9] =	stream.linear.gather [hbm4b:s9+s6], $0x50, $0x38;
	[tilespmem:$0x1ED80] =	vst v63  }
0x25e: {  	_ =	swait.ge [sflag:s25], $0x50  }
0x25f: {  	[sflag:s25] =	ssyncset.done $0x0  }
0x260: {  	s31 =	simm.s32 $0x800;
	s16 =	simm.s32 $0x200;
	[sflag:s25] =	ssyncadd.s32 $0xFFFFFFB0  }
0x261: {  	[tilespmem:s31], [sflag:$0x11] =	stream.indirect.gather [hbm4b:s0+s29], $0x80, s16, s29, $0xb8;
	[tilespmem:$0x1ED80] =	vst v63  }
0x262: {  	_ =	swait.ge [sflag:s13], $0x2800  }
0x263: {  	[sflag:s13] =	ssyncset.done $0x0  }
0x264: {  	s21 =	simm.s32 $0xA;
	[sflag:s13] =	ssyncadd.s32 $0xFFFFD800  }
0x265: {  	_ =	swait.ge [sflag:s21], $0x50  }
0x266: {  	[sflag:s21] =	ssyncset.done $0x0  }
0x267: {  	s2 =	simm.s32 $0x3000;
	s16 =	simm.s32 $0x480;
	[sflag:s21] =	ssyncadd.s32 $0xFFFFFFB0  }
0x268: {  	[spmem:s4] =	stream.indirect.scatter.add.f32 [tilespmem:s2], [sflag:$0x16], $0x80, s16, s29, $0xb8;
	[tilespmem:$0x1ED80] =	vst v63  }
0x269: {  	_ = 	snop  }
0x26a: {  	[spmem:s5] =	stream.indirect.scatter.add.f32 [tilespmem:s23], [sflag:$0x16], $0x1, s16, s29, $0xb8;
	[tilespmem:$0x1ED80] =	vst v63  }
0x26b: {  	_ =	swait.ge [sflag:s17], $0x2800  }
0x26c: {  	[sflag:s17] =	ssyncset.done $0x0  }
0x26d: {  	[sflag:s17] =	ssyncadd.s32 $0xFFFFD800  }
0x26e: {  	_ =	swait.ge [sflag:s17], $0x50  }
0x26f: {  	s16 =	rddreg [dreg:$0x7]  }
0x270: {  	s9 =	sadd.s32 s11, s16  }
0x271: {  	[sflag:s17] =	ssyncset.done $0x0;
	s9 =	sshrl.u32 s9, $0x3  }
0x272: {  	[sflag:s17] =	ssyncadd.s32 $0xFFFFFFB0;
	s16 =	simm.s32 $0x80;
	s9 =	sadd.s32 s1, s9  }
0x273: {  	[tilespmem:s16], [sflag:$0x2] =	stream.linear.gather [hbm4b:s9+s6], $0x50, $0x38;
	[tilespmem:$0x1ED80] =	vst v63  }
0x274: {  	s2 =	simm.s32 $0x480;
	s9 =	sadd.s32 $0x9C40, s9  }
0x275: {  	[tilespmem:s2], [sflag:$0xA] =	stream.linear.gather [hbm4b:s9+s6], $0x50, $0x38;
	[tilespmem:$0x1ED80] =	vst v63  }
0x276: {  	s9 =	simm.s32 $0x6  }
0x277: {  	_ =	swait.ge [sflag:s9], $0x50  }
0x278: {  	[sflag:s9] =	ssyncset.done $0x0  }
0x279: {  	s21 =	simm.s32 $0x3000;
	[sflag:s9] =	ssyncadd.s32 $0xFFFFFFB0;
	s9 =	simm.s32 $0x280  }
0x27a: {  	[tilespmem:s21], [sflag:$0x12] =	stream.indirect.gather [hbm4b:s0+s29], $0x80, s9, s29, $0xb8;
	[tilespmem:$0x1ED80] =	vst v63  }
0x27b: {  	_ =	swait.ge [sflag:s24], $0x2800  }
0x27c: {  	[sflag:s24] =	ssyncset.done $0x0  }
0x27d: {  	s21 =	simm.s32 $0xB;
	[sflag:s24] =	ssyncadd.s32 $0xFFFFD800  }
0x27e: {  	_ =	swait.ge [sflag:s21], $0x50  }
0x27f: {  	[sflag:s21] =	ssyncset.done $0x0  }
0x280: {  	s2 =	simm.s32 $0x500;
	s9 =	simm.s32 $0x5800;
	[sflag:s21] =	ssyncadd.s32 $0xFFFFFFB0  }
0x281: {  	[spmem:s4] =	stream.indirect.scatter.add.f32 [tilespmem:s9], [sflag:$0x17], $0x80, s2, s29, $0xb8;
	[tilespmem:$0x1ED80] =	vst v63  }
0x282: {  	_ = 	snop  }
0x283: {  	[spmem:s5] =	stream.indirect.scatter.add.f32 [tilespmem:s23], [sflag:$0x17], $0x1, s2, s29, $0xb8;
	[tilespmem:$0x1ED80] =	vst v63  }
0x284: {  	_ =	swait.ge [sflag:s10], $0x2800  }
0x285: {  	[sflag:s10] =	ssyncset.done $0x0  }
0x286: {  	[sflag:s10] =	ssyncadd.s32 $0xFFFFD800  }
0x287: {  	_ =	swait.ge [sflag:s10], $0x50  }
0x288: {  	s9 =	rddreg [dreg:$0x8]  }
0x289: {  	s9 =	sadd.s32 s11, s9  }
0x28a: {  	[sflag:s10] =	ssyncset.done $0x0;
	s9 =	sshrl.u32 s9, $0x3  }
0x28b: {  	s30 =	simm.s32 $0x100;
	[sflag:s10] =	ssyncadd.s32 $0xFFFFFFB0;
	s9 =	sadd.s32 s1, s9  }
0x28c: {  	[tilespmem:s30], [sflag:$0x3] =	stream.linear.gather [hbm4b:s9+s6], $0x50, $0x38;
	[tilespmem:$0x1ED80] =	vst v63  }
0x28d: {  	s2 =	simm.s32 $0x500;
	s9 =	sadd.s32 $0x9C40, s9  }
0x28e: {  	[tilespmem:s2], [sflag:$0xB] =	stream.linear.gather [hbm4b:s9+s6], $0x50, $0x38;
	[tilespmem:$0x1ED80] =	vst v63  }
0x28f: {  	s9 =	simm.s32 $0x7  }
0x290: {  	_ =	swait.ge [sflag:s9], $0x50  }
0x291: {  	[sflag:s9] =	ssyncset.done $0x0  }
0x292: {  	s28 =	simm.s32 $0x5800;
	s2 =	simm.s32 $0x300;
	[sflag:s9] =	ssyncadd.s32 $0xFFFFFFB0  }
0x293: {  	[tilespmem:s28], [sflag:$0x13] =	stream.indirect.gather [hbm4b:s0+s29], $0x80, s2, s29, $0xb8;
	[tilespmem:$0x1ED80] =	vst v63  }
0x294: {  	_ =	swait.ge [sflag:s14], $0x2800  }
0x295: {  	[sflag:s14] =	ssyncset.done $0x0  }
0x296: {  	s28 =	simm.s32 $0xC;
	[sflag:s14] =	ssyncadd.s32 $0xFFFFD800  }
0x297: {  	_ =	swait.ge [sflag:s28], $0x50  }
0x298: {  	[sflag:s28] =	ssyncset.done $0x0  }
0x299: {  	s9 =	simm.s32 $0x580;
	[sflag:s28] =	ssyncadd.s32 $0xFFFFFFB0  }
0x29a: {  	[spmem:s4] =	stream.indirect.scatter.add.f32 [tilespmem:s3], [sflag:$0x18], $0x80, s9, s29, $0xb8;
	[tilespmem:$0x1ED80] =	vst v63  }
0x29b: {  	_ = 	snop  }
0x29c: {  	[spmem:s5] =	stream.indirect.scatter.add.f32 [tilespmem:s23], [sflag:$0x18], $0x1, s9, s29, $0xb8;
	[tilespmem:$0x1ED80] =	vst v63  }
0x29d: {  	_ =	swait.ge [sflag:s18], $0x2800  }
0x29e: {  	[sflag:s18] =	ssyncset.done $0x0  }
0x29f: {  	[sflag:s18] =	ssyncadd.s32 $0xFFFFD800  }
0x2a0: {  	_ =	swait.ge [sflag:s18], $0x50  }
0x2a1: {  	s9 =	rddreg [dreg:$0x9]  }
0x2a2: {  	s9 =	sadd.s32 s11, s9  }
0x2a3: {  	[sflag:s18] =	ssyncset.done $0x0;
	s9 =	sshrl.u32 s9, $0x3  }
0x2a4: {  	s15 =	simm.s32 $0x180;
	[sflag:s18] =	ssyncadd.s32 $0xFFFFFFB0;
	s9 =	sadd.s32 s1, s9  }
0x2a5: {  	[tilespmem:s15], [sflag:$0x4] =	stream.linear.gather [hbm4b:s9+s6], $0x50, $0x38;
	[tilespmem:$0x1ED80] =	vst v63  }
0x2a6: {  	s2 =	simm.s32 $0x580;
	s9 =	sadd.s32 $0x9C40, s9  }
0x2a7: {  	[tilespmem:s2], [sflag:$0xC] =	stream.linear.gather [hbm4b:s9+s6], $0x50, $0x38;
	[tilespmem:$0x1ED80] =	vst v63  }
0x2a8: {  	s9 =	simm.s32 $0x8  }
0x2a9: {  	_ =	swait.ge [sflag:s9], $0x50  }
0x2aa: {  	[sflag:s9] =	ssyncset.done $0x0  }
0x2ab: {  	[sflag:s9] =	ssyncadd.s32 $0xFFFFFFB0  }
0x2ac: {  	[tilespmem:s3], [sflag:$0x14] =	stream.indirect.gather [hbm4b:s0+s29], $0x80, s12, s29, $0xb8;
	[tilespmem:$0x1ED80] =	vst v63  }
0x2ad: {  	_ =	swait.ge [sflag:s26], $0x2800  }
0x2ae: {  	[sflag:s26] =	ssyncset.done $0x0  }
0x2af: {  	s2 =	simm.s32 $0xD;
	[sflag:s26] =	ssyncadd.s32 $0xFFFFD800  }
0x2b0: {  	_ =	swait.ge [sflag:s2], $0x50  }
0x2b1: {  	[sflag:s2] =	ssyncset.done $0x0  }
0x2b2: {  	[sflag:s2] =	ssyncadd.s32 $0xFFFFFFB0  }
0x2b3: {  	[spmem:s4] =	stream.indirect.scatter.add.f32 [tilespmem:s31], [sflag:$0x15], $0x80, s8, s29, $0xb8;
	[tilespmem:$0x1ED80] =	vst v63  }
0x2b4: {  	_ = 	snop  }
0x2b5: {  	[spmem:s5] =	stream.indirect.scatter.add.f32 [tilespmem:s23], [sflag:$0x15], $0x1, s8, s29, $0xb8;
	[tilespmem:$0x1ED80] =	vst v63  }
0x2b6: {  	_ =	swait.ge [sflag:s7], $0x2800  }
0x2b7: {  	[sflag:s7] =	ssyncset.done $0x0  }
0x2b8: {  	[sflag:s7] =	ssyncadd.s32 $0xFFFFD800  }
0x2b9: {  	_ =	swait.ge [sflag:s7], $0x50  }
0x2ba: {  	s15 =	rddreg [dreg:$0xa]  }
0x2bb: {  	s9 =	sadd.s32 s11, s15  }
0x2bc: {  	[sflag:s7] =	ssyncset.done $0x0;
	s9 =	sshrl.u32 s9, $0x3  }
0x2bd: {  	s22 =	simm.s32 $0x200;
	[sflag:s7] =	ssyncadd.s32 $0xFFFFFFB0;
	s9 =	sadd.s32 s1, s9  }
0x2be: {  	[tilespmem:s22], [sflag:$0x5] =	stream.linear.gather [hbm4b:s9+s6], $0x50, $0x38;
	[tilespmem:$0x1ED80] =	vst v63  }
0x2bf: {  	s30 =	simm.s32 $0x1;
	s9 =	sadd.s32 $0x9C40, s9  }
0x2c0: {  	[tilespmem:s8], [sflag:$0xD] =	stream.linear.gather [hbm4b:s9+s6], $0x50, $0x38;
	[tilespmem:$0x1ED80] =	vst v63  }
0x2c1: {  	_ =	swait.ge [sflag:s30], $0x50  }
0x2c2: {  	[sflag:s30] =	ssyncset.done $0x0  }
0x2c3: {  	[sflag:s30] =	ssyncadd.s32 $0xFFFFFFB0  }
0x2c4: {  	[tilespmem:s31], [sflag:$0x11] =	stream.indirect.gather [hbm4b:s0+s29], $0x80, s6, s29, $0xb8;
	[tilespmem:$0x1ED80] =	vst v63  }
0x2c5: {  	_ =	swait.ge [sflag:s13], $0x2800  }
0x2c6: {  	[sflag:s13] =	ssyncset.done $0x0  }
0x2c7: {  	s22 =	simm.s32 $0xE;
	[sflag:s13] =	ssyncadd.s32 $0xFFFFD800  }
0x2c8: {  	_ =	swait.ge [sflag:s22], $0x50  }
0x2c9: {  	[sflag:s22] =	ssyncset.done $0x0  }
0x2ca: {  	s9 =	simm.s32 $0x680;
	[sflag:s22] =	ssyncadd.s32 $0xFFFFFFB0;
	s22 =	simm.s32 $0x3000  }
0x2cb: {  	[spmem:s4] =	stream.indirect.scatter.add.f32 [tilespmem:s22], [sflag:$0x16], $0x80, s9, s29, $0xb8;
	[tilespmem:$0x1ED80] =	vst v63  }
0x2cc: {  	_ = 	snop  }
0x2cd: {  	[spmem:s5] =	stream.indirect.scatter.add.f32 [tilespmem:s23], [sflag:$0x16], $0x1, s9, s29, $0xb8;
	[tilespmem:$0x1ED80] =	vst v63  }
0x2ce: {  	_ =	swait.ge [sflag:s17], $0x2800  }
0x2cf: {  	[sflag:s17] =	ssyncset.done $0x0  }
0x2d0: {  	[sflag:s17] =	ssyncadd.s32 $0xFFFFD800  }
0x2d1: {  	_ =	swait.ge [sflag:s17], $0x50  }
0x2d2: {  	p0 =	seq.s32 s20, $0x2300;
	s9 =	rddreg [dreg:$0xb]  }
0x2d3: {  	s9 =	sadd.s32 @!p0 s11, s9  }
0x2d4: {  	s12 =	simm.s32 @!p0 $0x280;
	[sflag:s17] =	ssyncset.done $0x0;
	s9 =	sshrl.u32 @!p0 s9, $0x3  }
0x2d5: {  	s15 =	simm.s32 @!p0 $0x0;
	[sflag:s17] =	ssyncadd.s32 $0xFFFFFFB0;
	s9 =	sadd.s32 @!p0 s1, s9  }
0x2d6: {  	[tilespmem:s12], [sflag:$0x6] =	stream.linear.gather @!p0 [hbm4b:s9+s15], $0x50, $0x38;
	[tilespmem:$0x1ED80] =	vst v63  }
0x2d7: {  	s9 =	sadd.s32 @!p0 $0x9C40, s9;
	s12 =	simm.s32 @!p0 $0x680  }
0x2d8: {  	[tilespmem:s12], [sflag:$0xE] =	stream.linear.gather @!p0 [hbm4b:s9+s15], $0x50, $0x38;
	[tilespmem:$0x1ED80] =	vst v63  }
0x2d9: {  	s12 =	simm.s32 $0x2  }
0x2da: {  	_ =	swait.ge [sflag:s12], $0x50  }
0x2db: {  	[sflag:s12] =	ssyncset.done $0x0  }
0x2dc: {  	[sflag:s12] =	ssyncadd.s32 $0xFFFFFFB0  }
0x2dd: {  	[tilespmem:s22], [sflag:$0x12] =	stream.indirect.gather [hbm4b:s0+s29], $0x80, s16, s29, $0xb8;
	[tilespmem:$0x1ED80] =	vst v63  }
0x2de: {  	_ =	swait.ge [sflag:s24], $0x2800  }
0x2df: {  	[sflag:s24] =	ssyncset.done $0x0  }
0x2e0: {  	s16 =	simm.s32 $0xF;
	[sflag:s24] =	ssyncadd.s32 $0xFFFFD800  }
0x2e1: {  	_ =	swait.ge [sflag:s16], $0x50  }
0x2e2: {  	[sflag:s16] =	ssyncset.done $0x0  }
0x2e3: {  	s9 =	simm.s32 $0x700;
	s12 =	simm.s32 $0x5800;
	[sflag:s16] =	ssyncadd.s32 $0xFFFFFFB0  }
0x2e4: {  	[spmem:s4] =	stream.indirect.scatter.add.f32 [tilespmem:s12], [sflag:$0x17], $0x80, s9, s29, $0xb8;
	[tilespmem:$0x1ED80] =	vst v63  }
0x2e5: {  	_ = 	snop  }
0x2e6: {  	[spmem:s5] =	stream.indirect.scatter.add.f32 [tilespmem:s23], [sflag:$0x17], $0x1, s9, s29, $0xb8;
	[tilespmem:$0x1ED80] =	vst v63  }
0x2e7: {  	_ =	swait.ge [sflag:s10], $0x2800  }
0x2e8: {  	[sflag:s10] =	ssyncset.done $0x0  }
0x2e9: {  	[sflag:s10] =	ssyncadd.s32 $0xFFFFD800  }
0x2ea: {  	_ =	swait.ge [sflag:s10], $0x50  }
0x2eb: {  	s9 =	rddreg [dreg:$0xc]  }
0x2ec: {  	s9 =	sadd.s32 @!p0 s11, s9  }
0x2ed: {  	[sflag:s10] =	ssyncset.done $0x0;
	s9 =	sshrl.u32 @!p0 s9, $0x3  }
0x2ee: {  	[sflag:s10] =	ssyncadd.s32 $0xFFFFFFB0;
	s11 =	simm.s32 @!p0 $0x300;
	s9 =	sadd.s32 @!p0 s1, s9  }
0x2ef: {  	[tilespmem:s11], [sflag:$0x7] =	stream.linear.gather @!p0 [hbm4b:s9+s15], $0x50, $0x38;
	[tilespmem:$0x1ED80] =	vst v63  }
0x2f0: {  	s9 =	sadd.s32 @!p0 $0x9C40, s9;
	s11 =	simm.s32 @!p0 $0x700  }
0x2f1: {  	[tilespmem:s11], [sflag:$0xF] =	stream.linear.gather @!p0 [hbm4b:s9+s15], $0x50, $0x38;
	[tilespmem:$0x1ED80] =	vst v63  }
0x2f2: {  	_ =	swait.ge [sflag:s19], $0x50  }
0x2f3: {  	[sflag:s19] =	ssyncset.done $0x0  }
0x2f4: {  	s11 =	simm.s32 $0x100;
	[sflag:s19] =	ssyncadd.s32 $0xFFFFFFB0  }
0x2f5: {  	[tilespmem:s12], [sflag:$0x13] =	stream.indirect.gather [hbm4b:s0+s29], $0x80, s11, s29, $0xb8;
	[tilespmem:$0x1ED80] =	vst v63  }
0x2f6: {  	_ =	swait.ge [sflag:s14], $0x2800  }
0x2f7: {  	[sflag:s14] =	ssyncset.done $0x0  }
0x2f8: {  	s19 =	simm.s32 $0x10;
	[sflag:s14] =	ssyncadd.s32 $0xFFFFD800  }
0x2f9: {  	_ =	swait.ge [sflag:s19], $0x50  }
0x2fa: {  	[sflag:s19] =	ssyncset.done $0x0  }
0x2fb: {  	s20 =	simm.s32 $0x8000;
	s3 =	simm.s32 $0x780;
	[sflag:s19] =	ssyncadd.s32 $0xFFFFFFB0  }
0x2fc: {  	[spmem:s4] =	stream.indirect.scatter.add.f32 [tilespmem:s20], [sflag:$0x18], $0x80, s3, s29, $0xb8;
	[tilespmem:$0x1ED80] =	vst v63  }
0x2fd: {  	_ = 	snop  }
0x2fe: {  	[spmem:s5] =	stream.indirect.scatter.add.f32 [tilespmem:s23], [sflag:$0x18], $0x1, s3, s29, $0xb8;
	[tilespmem:$0x1ED80] =	vst v63  }
0x2ff: {  	_ =	swait.ge [sflag:s18], $0x2800  }
0x300: {  	[sflag:s18] =	ssyncset.done $0x0  }
0x301: {  	[sflag:s18] =	ssyncadd.s32 $0xFFFFD800  }
0x302: {  	_ =	swait.ge [sflag:s18], $0x50  }
0x303: {  	[sflag:s18] =	ssyncset.done $0x0  }
0x304: {  	s15 =	simm.s32 $0x4;
	[sflag:s18] =	ssyncadd.s32 $0xFFFFFFB0  }
0x305: {  	_ =	swait.ge [sflag:s15], $0x50  }
0x306: {  	[sflag:s15] =	ssyncset.done $0x0  }
0x307: {  	s11 =	simm.s32 $0x180;
	[sflag:s15] =	ssyncadd.s32 $0xFFFFFFB0  }
0x308: {  	[tilespmem:s20], [sflag:$0x14] =	stream.indirect.gather [hbm4b:s0+s29], $0x80, s11, s29, $0xb8;
	[tilespmem:$0x1ED80] =	vst v63  }
0x309: {  	_ =	swait.ge [sflag:s26], $0x2800  }
0x30a: {  	[sflag:s26] =	ssyncset.done $0x0  }
0x30b: {  	s12 =	simm.s32 $0x9;
	[sflag:s26] =	ssyncadd.s32 $0xFFFFD800  }
0x30c: {  	_ =	swait.ge [sflag:s12], $0x50  }
0x30d: {  	[sflag:s12] =	ssyncset.done $0x0  }
0x30e: {  	s15 =	simm.s32 $0x400;
	[sflag:s12] =	ssyncadd.s32 $0xFFFFFFB0  }
0x30f: {  	[spmem:s4] =	stream.indirect.scatter.add.f32 [tilespmem:s31], [sflag:$0x15], $0x80, s15, s29, $0xb8;
	[tilespmem:$0x1ED80] =	vst v63  }
0x310: {  	_ = 	snop  }
0x311: {  	[spmem:s5] =	stream.indirect.scatter.add.f32 [tilespmem:s23], [sflag:$0x15], $0x1, s15, s29, $0xb8;
	[tilespmem:$0x1ED80] =	vst v63  }
0x312: {  	_ =	swait.ge [sflag:s7], $0x2800  }
0x313: {  	[sflag:s7] =	ssyncset.done $0x0  }
0x314: {  	[sflag:s7] =	ssyncadd.s32 $0xFFFFD800  }
0x315: {  	_ =	swait.ge [sflag:s7], $0x50  }
0x316: {  	[sflag:s7] =	ssyncset.done $0x0  }
0x317: {  	[sflag:s7] =	ssyncadd.s32 $0xFFFFFFB0  }
0x318: {  	_ =	swait.ge [sflag:s25], $0x50  }
0x319: {  	[sflag:s25] =	ssyncset.done $0x0  }
0x31a: {  	s11 =	simm.s32 $0x200;
	[sflag:s25] =	ssyncadd.s32 $0xFFFFFFB0  }
0x31b: {  	[tilespmem:s31], [sflag:$0x11] =	stream.indirect.gather [hbm4b:s0+s29], $0x80, s11, s29, $0xb8;
	[tilespmem:$0x1ED80] =	vst v63  }
0x31c: {  	_ =	swait.ge [sflag:s13], $0x2800  }
0x31d: {  	[sflag:s13] =	ssyncset.done $0x0  }
0x31e: {  	s12 =	simm.s32 $0xA;
	[sflag:s13] =	ssyncadd.s32 $0xFFFFD800  }
0x31f: {  	_ =	swait.ge [sflag:s12], $0x50  }
0x320: {  	[sflag:s12] =	ssyncset.done $0x0  }
0x321: {  	s22 =	simm.s32 $0x3000;
	s15 =	simm.s32 $0x480;
	[sflag:s12] =	ssyncadd.s32 $0xFFFFFFB0  }
0x322: {  	[spmem:s4] =	stream.indirect.scatter.add.f32 [tilespmem:s22], [sflag:$0x16], $0x80, s15, s29, $0xb8;
	[tilespmem:$0x1ED80] =	vst v63  }
0x323: {  	_ = 	snop  }
0x324: {  	[spmem:s5] =	stream.indirect.scatter.add.f32 [tilespmem:s23], [sflag:$0x16], $0x1, s15, s29, $0xb8;
	[tilespmem:$0x1ED80] =	vst v63  }
0x325: {  	_ =	swait.ge [sflag:s17], $0x2800  }
0x326: {  	[sflag:s17] =	ssyncset.done $0x0  }
0x327: {  	[sflag:s17] =	ssyncadd.s32 $0xFFFFD800  }
0x328: {  	_ =	swait.ge [sflag:s17], $0x50  }
0x329: {  	[sflag:s17] =	ssyncset.done $0x0  }
0x32a: {  	[sflag:s17] =	ssyncadd.s32 $0xFFFFFFB0  }
0x32b: {  	_ =	swait.ge [sflag:s24], $0x2800  }
0x32c: {  	[sflag:s24] =	ssyncset.done $0x0  }
0x32d: {  	[sflag:s24] =	ssyncadd.s32 $0xFFFFD800  }
0x32e: {  	_ =	swait.ge [sflag:s21], $0x50  }
0x32f: {  	[sflag:s21] =	ssyncset.done $0x0  }
0x330: {  	s9 =	simm.s32 $0x5800;
	[sflag:s21] =	ssyncadd.s32 $0xFFFFFFB0;
	s21 =	simm.s32 $0x500  }
0x331: {  	[spmem:s4] =	stream.indirect.scatter.add.f32 [tilespmem:s9], [sflag:$0x17], $0x80, s21, s29, $0xb8;
	[tilespmem:$0x1ED80] =	vst v63  }
0x332: {  	_ = 	snop  }
0x333: {  	[spmem:s5] =	stream.indirect.scatter.add.f32 [tilespmem:s23], [sflag:$0x17], $0x1, s21, s29, $0xb8;
	[tilespmem:$0x1ED80] =	vst v63  }
0x334: {  	_ =	swait.ge [sflag:s10], $0x2800  }
0x335: {  	[sflag:s10] =	ssyncset.done $0x0  }
0x336: {  	[sflag:s10] =	ssyncadd.s32 $0xFFFFD800  }
0x337: {  	_ =	swait.ge [sflag:s10], $0x50  }
0x338: {  	[sflag:s10] =	ssyncset.done $0x0  }
0x339: {  	[sflag:s10] =	ssyncadd.s32 $0xFFFFFFB0  }
0x33a: {  	_ =	swait.ge [sflag:s14], $0x2800  }
0x33b: {  	[sflag:s14] =	ssyncset.done $0x0  }
0x33c: {  	[sflag:s14] =	ssyncadd.s32 $0xFFFFD800  }
0x33d: {  	_ =	swait.ge [sflag:s28], $0x50  }
0x33e: {  	[sflag:s28] =	ssyncset.done $0x0  }
0x33f: {  	s22 =	simm.s32 $0x580;
	[sflag:s28] =	ssyncadd.s32 $0xFFFFFFB0  }
0x340: {  	[spmem:s4] =	stream.indirect.scatter.add.f32 [tilespmem:s20], [sflag:$0x18], $0x80, s22, s29, $0xb8;
	[tilespmem:$0x1ED80] =	vst v63  }
0x341: {  	_ = 	snop  }
0x342: {  	[spmem:s5] =	stream.indirect.scatter.add.f32 [tilespmem:s23], [sflag:$0x18], $0x1, s22, s29, $0xb8;
	[tilespmem:$0x1ED80] =	vst v63  }
0x343: {  	_ =	swait.ge [sflag:s18], $0x2800  }
0x344: {  	[sflag:s18] =	ssyncset.done $0x0  }
0x345: {  	[sflag:s18] =	ssyncadd.s32 $0xFFFFD800  }
0x346: {  	_ =	swait.ge [sflag:s18], $0x50  }
0x347: {  	[sflag:s18] =	ssyncset.done $0x0  }
0x348: {  	[sflag:s18] =	ssyncadd.s32 $0xFFFFFFB0  }
0x349: {  	_ =	swait.ge [sflag:s26], $0x2800  }
0x34a: {  	[sflag:s26] =	ssyncset.done $0x0  }
0x34b: {  	[sflag:s26] =	ssyncadd.s32 $0xFFFFD800  }
0x34c: {  	_ =	swait.ge [sflag:s2], $0x50  }
0x34d: {  	[sflag:s2] =	ssyncset.done $0x0  }
0x34e: {  	[sflag:s2] =	ssyncadd.s32 $0xFFFFFFB0  }
0x34f: {  	[spmem:s4] =	stream.indirect.scatter.add.f32 [tilespmem:s31], [sflag:$0x15], $0x80, s8, s29, $0xb8;
	[tilespmem:$0x1ED80] =	vst v63  }
0x350: {  	_ = 	snop  }
0x351: {  	[spmem:s5] =	stream.indirect.scatter.add.f32 [tilespmem:s23], [sflag:$0x15], $0x1, s8, s29, $0xb8;
	[tilespmem:$0x1ED80] =	vst v63  }
0x352: {  	_ =	swait.ge [sflag:s7], $0x2800  }
0x353: {  	[sflag:s7] =	ssyncset.done $0x0  }
0x354: {  	[sflag:s7] =	ssyncadd.s32 $0xFFFFD800  }
0x355: {  	_ =	swait.ge [sflag:s7], $0x50  }
0x356: {  	[sflag:s7] =	ssyncset.done $0x0  }
0x357: {  	[sflag:s7] =	ssyncadd.s32 $0xFFFFFFB0  }
0x358: {  	s25 =	stileid.u32;
	[bflag:$0x0] =	sbarrier.arrive $0xFFFF  }
0x359: {  	s9 =	sshll.u32 s25, $0x6;
	s12 =	rddreg [dreg:$0x1b]  }
0x35a: {  	s9 =	sor.u32 $0x1C19, s9;
	s3 =	rddreg [dreg:$0x1d];
	s2 =	sshrl.u32 s12, $0x3  }
0x35b: {  	[hbm:s3], [sflag:s9] =	dma.local [spmem:s2], $0x2800  }
0x35c: {  	s2 =	simm.s32 $0x19  }
0x35d: {  	_ =	swait.ge [sflag:s2], $0x2800  }
0x35e: {  	s21 =	simm.s32 $0x20;
	[sflag:s2] =	ssyncset.done $0x0;
	s15 =	rddreg [dreg:$0x1c]  }
0x35f: {  	s20 =	rddreg [dreg:$0x1e];
	[sflag:s2] =	ssyncadd.s32 $0xFFFFD800;
	s11 =	sshrl.u32 s15, $0x3  }
0x360: {  	[hbm:s20@s21], [sflag:s9] =	dma.strided [spmem:s11@s19], $0x50, s30, $0x10   }
0x361: {  	_ =	swait.ge [sflag:s2], $0x50  }
0x362: {  	s22 =	sld [smem:$0x7F5];
	_ =	sdelay $0x2  }
0x363: {  	s25 =	rddreg [dreg:$0x1f];
	s21 =	sadd.s32 $0x1, s22  }
0x364: {  	p0 =	sne.s32 s21, s25  }
.Ltmp2:
0x365: {  	s16 =	simm.s32 $0x700;
	(pc) =	sbr.rel @p0 .LBB2_1-.Ltmp2, $4  }
0x366: {  	s28 =	simm.s32 $0x200;
	s31 =	simm.s32 $0x100;
	s3 =	simm.s32 $0x5800  }
0x367: {  	s15 =	simm.s32 $0x480;
	s11 =	simm.s32 $0x400;
	s30 =	simm.s32 $0x80  }
0x368: {  	s19 =	simm.s32 $0x180;
	s20 =	simm.s32 $0x580;
	[sflag:s2] =	ssyncset.done $0x0  }
0x369: {  	[sflag:s2] =	ssyncadd.s32 $0xFFFFFFB0;
	s2 =	simm.s32 $0x500;
	s25 =	simm.s32 $0x800  }
0x36a: {  	_ =	sfence.sel $0x180000  }
0x36b: {  	[bflag:$0x0] =	sbarrier.arrive $0xFFFF  }
0x36c: {  	_ =	strace $0x90000047  }
0x36d: {  	s0 =	stileid.u32;
	[bflag:$0x2] =	sbarrier.arrive $0xFFFF  }
0x36e: {  	p0 =	sne.s32 s0, $0x0;
	s0 =	rddreg [dreg:$0x5]  }
0x36f: {  	s0 =	sadd.s32 @!p0 $0x100000, s0  }
0x370: {  	[sflag:s0] =	ssyncadd.tile.s32 @!p0 $0x1;
	_ =	shalt  }
.Lfunc_end2:
_tile_overlayer_lowered:
.L_overlay_start_2:
0x371: {  	(tag) =	ssettag $0x2  }
0x372: {  	s0 =	rddreg [dreg:$0x0];
	s2 =	stileid.u32  }
0x373: {  	s1 =	rddreg [dreg:$0x1];
	p0 =	sne.s32 s2, $0x0  }
0x374: {  	s3 =	rddreg [dreg:$0x2];
	[bflag:$0x3] =	sbarrier.arrive $0xFFFF;
	s2 =	simm.s32 @!p0 $0x1C19  }
0x375: {  	[timem:s3], [sflag:s2] =	dma.local @!p0 [hbm:s0], s1  }
0x376: {  	s0 =	simm.s32 @!p0 $0x19  }
0x377: {  	_ =	swait.ge @!p0 [sflag:s0], s1  }
0x378: {  	s1 =	ssub.s32 @!p0 $0x0, s1;
	[sflag:s0] =	ssyncset.done @!p0 $0x0  }
0x379: {  	[sflag:s0] =	ssyncadd.s32 @!p0 s1  }
0x37a: {  	[bflag:$0x3] =	sbarrier.arrive $0xFFFF  }
0x37b: {  	_ =	shalt  }

</sc_bundles>
